<compile_context>
chip_gen: v7x
topology: tpu7x:2x2x1
jax: 0.10.2.dev20260603
libtpu: 0.0.44.dev20260713+nightly
codegen_flags: <defaults>
</compile_context>

<pallas_src>
import functools

import jax
import jax.numpy as jnp
from jax import lax
from jax.experimental import pallas as pl
from jax.experimental.pallas import tpu as pltpu
from jax.experimental.pallas import tpu_sc as plsc

N = 10000
E = 320000
F_IN = 128
H = 64
W128 = 128
EPS = 1e-5

NC = 2
NS = 16
NW = NC * NS
EB = 128
NEBP = 2560
E_PAD = NEBP * EB
NBW = NEBP // NW
NHF = 2
NBW2 = NBW // NHF
PAD_ROWS = 16
NT = N + PAD_ROWS
NPS = 624
RB = 2000
F32 = jnp.float32


def _mesh():
    return plsc.VectorSubcoreMesh(
        core_axis_name="c", subcore_axis_name="s", num_cores=NC, num_subcores=NS
    )


def _writeback(acc_sp, cid, sid, p0_h, p1_h):
    base = pl.multiple_of(sid * NPS, 8)
    tail = NS * NPS

    @pl.when(cid == 0)
    def _():
        pltpu.sync_copy(acc_sp.at[pl.ds(base, NPS)], p0_h.at[pl.ds(base, NPS)])

        @pl.when(sid == NS - 1)
        def _():
            pltpu.sync_copy(acc_sp.at[pl.ds(tail, N - tail)],
                            p0_h.at[pl.ds(tail, N - tail)])

    @pl.when(cid == 1)
    def _():
        pltpu.sync_copy(acc_sp.at[pl.ds(base, NPS)], p1_h.at[pl.ds(base, NPS)])

        @pl.when(sid == NS - 1)
        def _():
            pltpu.sync_copy(acc_sp.at[pl.ds(tail, N - tail)],
                            p1_h.at[pl.ds(tail, N - tail)])


def _zero_acc(z_h, acc_sp, sid, sem):
    base = pl.multiple_of(sid * NPS, 8)
    cp = pltpu.async_copy(z_h.at[pl.ds(base, NPS)], acc_sp.at[pl.ds(base, NPS)], sem)
    tail = NS * NPS

    @pl.when(sid == NS - 1)
    def _():
        pltpu.sync_copy(z_h.at[pl.ds(tail, NT - tail)],
                        acc_sp.at[pl.ds(tail, NT - tail)])

    return cp


def _deg_sc(dst2, ones_blk, zeros128):
    @functools.partial(
        pl.kernel,
        mesh=_mesh(),
        out_type=(
            jax.ShapeDtypeStruct((N, W128), F32),
            jax.ShapeDtypeStruct((N, W128), F32),
        ),
        scratch_types=[
            pltpu.MemorySpace.VMEM_SHARED((NT, W128), F32),
            pltpu.VMEM((NBW2, EB), jnp.int32),
            pltpu.VMEM((EB, W128), F32),
            pltpu.SemaphoreType.DMA,
        ],
    )
    def body(dst_h, ones_h, z_h, d0_h, d1_h, deg_sp, didx, ones_v, sem):
        cid = lax.axis_index("c")
        sid = lax.axis_index("s")
        wid = sid * NC + cid
        start = pl.multiple_of(wid * NBW, 8)
        stage = _zero_acc(z_h, deg_sp, sid, sem)
        pltpu.sync_copy(ones_h, ones_v)
        stage.wait()
        plsc.subcore_barrier()

        for hf in range(NHF):
            hstart = pl.multiple_of(start + hf * NBW2, 8)
            pltpu.sync_copy(dst_h.at[pl.ds(hstart, NBW2)], didx)

            @pl.loop(0, NBW2)
            def _(it):
                pltpu.async_copy(ones_v, deg_sp.at[didx.at[it]], sem, add=True)

            @pl.loop(0, NBW2)
            def _(it):
                pltpu.make_async_copy(ones_v, deg_sp.at[didx.at[it]], sem).wait()

        plsc.subcore_barrier()
        _writeback(deg_sp, cid, sid, d0_h, d1_h)

    return body(dst2, ones_blk, zeros128)


def _conv_sc(y128, src2, dst2, zeros128):

    @functools.partial(
        pl.kernel,
        mesh=_mesh(),
        out_type=(
            jax.ShapeDtypeStruct((N, W128), F32),
            jax.ShapeDtypeStruct((N, W128), F32),
        ),
        scratch_types=[
            pltpu.MemorySpace.VMEM_SHARED((NT, W128), F32),
            pltpu.VMEM((NBW2, EB), jnp.int32),
            pltpu.VMEM((NBW2, EB), jnp.int32),
            pltpu.VMEM((EB, W128), F32),
            pltpu.VMEM((EB, W128), F32),
            pltpu.SemaphoreType.DMA,
            pltpu.SemaphoreType.DMA,
            pltpu.SemaphoreType.DMA,
        ],
    )
    def body(y_h, src_h, dst_h, z_h, p0_h, p1_h, acc_sp, sidx, didx,
             rows0, rows1, sem_z, sem_g, sem_h):
        cid = lax.axis_index("c")
        sid = lax.axis_index("s")
        wid = sid * NC + cid
        start = pl.multiple_of(wid * NBW, 8)
        stage = _zero_acc(z_h, acc_sp, sid, sem_z)
        stage.wait()
        plsc.subcore_barrier()

        for hf in range(NHF):
            hstart = pl.multiple_of(start + hf * NBW2, 8)
            pltpu.sync_copy(src_h.at[pl.ds(hstart, NBW2)], sidx)
            pltpu.sync_copy(dst_h.at[pl.ds(hstart, NBW2)], didx)
            pltpu.async_copy(y_h.at[sidx.at[0]], rows0, sem_g)

            @pl.loop(0, NBW2, step=2)
            def _(it):
                pltpu.make_async_copy(y_h.at[sidx.at[it]], rows0, sem_g).wait()
                pltpu.async_copy(y_h.at[sidx.at[it + 1]], rows1, sem_h)
                pltpu.sync_copy(rows0, acc_sp.at[didx.at[it]], add=True)
                pltpu.make_async_copy(y_h.at[sidx.at[it + 1]], rows1, sem_h).wait()

                @pl.when(it < NBW2 - 2)
                def _():
                    pltpu.async_copy(y_h.at[sidx.at[it + 2]], rows0, sem_g)

                pltpu.sync_copy(rows1, acc_sp.at[didx.at[it + 1]], add=True)

        plsc.subcore_barrier()
        _writeback(acc_sp, cid, sid, p0_h, p1_h)

    return body(y128, src2, dst2, zeros128)


def _head_sc(ab, src2, dst2, w2):

    @functools.partial(
        pl.kernel,
        mesh=_mesh(),
        out_type=jax.ShapeDtypeStruct((E_PAD * 16,), F32),
        scratch_types=[
            pltpu.VMEM((NBW2, EB), jnp.int32),
            pltpu.VMEM((NBW2, EB), jnp.int32),
            pltpu.VMEM((EB, W128), F32),
            pltpu.VMEM((EB, W128), F32),
            pltpu.VMEM((EB, W128), F32),
            pltpu.VMEM((EB, W128), F32),
            pltpu.VMEM((EB * 16,), F32),
            pltpu.VMEM((H,), F32),
            pltpu.SemaphoreType.DMA,
            pltpu.SemaphoreType.DMA,
            pltpu.SemaphoreType.DMA,
            pltpu.SemaphoreType.DMA,
        ],
    )
    def body(ab_h, src_h, dst_h, w_h, out_h, ridx, cidx, a0, b0, a1, b1,
             souts, wv, sem_a0, sem_b0, sem_a1, sem_b1):
        cid = lax.axis_index("c")
        sid = lax.axis_index("s")
        wid = sid * NC + cid
        start = pl.multiple_of(wid * NBW, 8)
        pltpu.sync_copy(w_h, wv)
        wvecs = [wv[pl.ds(16 * j, 16)] for j in range(H // 16)]

        def compute_block(arows, brows, blk):
            @pl.loop(0, EB)
            def _(e):
                s = jnp.zeros((16,), F32)
                for j in range(H // 16):
                    z = (arows[e, pl.ds(16 * j, 16)]
                         + brows[e, pl.ds(H + 16 * j, 16)])
                    s = s + jnp.maximum(z, 0.0) * wvecs[j]
                souts[pl.ds(pl.multiple_of(e * 16, 16), 16)] = s

            pltpu.sync_copy(
                souts,
                out_h.at[pl.ds(pl.multiple_of(blk * EB * 16, 128), EB * 16)],
            )

        for hf in range(NHF):
            hstart = pl.multiple_of(start + hf * NBW2, 8)
            pltpu.sync_copy(src_h.at[pl.ds(hstart, NBW2)], ridx)
            pltpu.sync_copy(dst_h.at[pl.ds(hstart, NBW2)], cidx)
            pltpu.async_copy(ab_h.at[ridx.at[0]], a0, sem_a0)
            pltpu.async_copy(ab_h.at[cidx.at[0]], b0, sem_b0)

            @pl.loop(0, NBW2, step=2)
            def _(it):
                pltpu.make_async_copy(ab_h.at[ridx.at[it]], a0, sem_a0).wait()
                pltpu.make_async_copy(ab_h.at[cidx.at[it]], b0, sem_b0).wait()
                pltpu.async_copy(ab_h.at[ridx.at[it + 1]], a1, sem_a1)
                pltpu.async_copy(ab_h.at[cidx.at[it + 1]], b1, sem_b1)
                compute_block(a0, b0, hstart + it)
                pltpu.make_async_copy(ab_h.at[ridx.at[it + 1]], a1, sem_a1).wait()
                pltpu.make_async_copy(ab_h.at[cidx.at[it + 1]], b1, sem_b1).wait()

                @pl.when(it < NBW2 - 2)
                def _():
                    pltpu.async_copy(ab_h.at[ridx.at[it + 2]], a0, sem_a0)
                    pltpu.async_copy(ab_h.at[cidx.at[it + 2]], b0, sem_b0)

                compute_block(a1, b1, hstart + it + 1)

    return body(ab, src2, dst2, w2)


def _pad128(v):
    return jnp.concatenate([v, jnp.zeros_like(v)], axis=1)


def _tca(x, w1f, b1f, wc1):

    def body(x_r, w1_r, b1_r, wc1_r, u1_r):
        h = jnp.maximum(
            jnp.dot(x_r[...], w1_r[...], preferred_element_type=F32) + b1_r[...],
            0.0,
        )
        u1_r[...] = _pad128(jnp.dot(h, wc1_r[...], preferred_element_type=F32))

    grid = (N // RB,)
    return pl.pallas_call(
        body,
        grid=grid,
        in_specs=[
            pl.BlockSpec((RB, F_IN), lambda i: (i, 0)),
            pl.BlockSpec((F_IN, H), lambda i: (0, 0)),
            pl.BlockSpec((H,), lambda i: (0,)),
            pl.BlockSpec((H, H), lambda i: (0, 0)),
        ],
        out_specs=pl.BlockSpec((RB, W128), lambda i: (i, 0)),
        out_shape=jax.ShapeDtypeStruct((N, W128), F32),
    )(x, w1f, b1f, wc1)


def _tcb(u1, d0, d1):
    def body(u1_r, d0_r, d1_r, y1_r, dinv_r):
        deg = d0_r[...][:, 0:1] + d1_r[...][:, 0:1] + 1.0
        dinv = lax.rsqrt(deg)
        dinv_r[...] = dinv
        y1_r[...] = u1_r[...] * dinv

    grid = (N // RB,)
    return pl.pallas_call(
        body,
        grid=grid,
        in_specs=[
            pl.BlockSpec((RB, W128), lambda i: (i, 0)),
            pl.BlockSpec((RB, W128), lambda i: (i, 0)),
            pl.BlockSpec((RB, W128), lambda i: (i, 0)),
        ],
        out_specs=[
            pl.BlockSpec((RB, W128), lambda i: (i, 0)),
            pl.BlockSpec((RB, 1), lambda i: (i, 0)),
        ],
        out_shape=[
            jax.ShapeDtypeStruct((N, W128), F32),
            jax.ShapeDtypeStruct((N, 1), F32),
        ],
    )(u1, d0, d1)


def _tc2(p0, p1, y, dinv, bc, wnext):
    def body(p0_r, p1_r, y_r, dinv_r, bc_r, w_r, ynext_r):
        dinv = dinv_r[...]
        agg = (p0_r[...] + p1_r[...] + y_r[...])[:, :H]
        h = jnp.maximum(dinv * agg + bc_r[...], 0.0)
        ynext_r[...] = _pad128(
            jnp.dot(h, w_r[...], preferred_element_type=F32) * dinv
        )

    grid = (N // RB,)
    return pl.pallas_call(
        body,
        grid=grid,
        in_specs=[
            pl.BlockSpec((RB, W128), lambda i: (i, 0)),
            pl.BlockSpec((RB, W128), lambda i: (i, 0)),
            pl.BlockSpec((RB, W128), lambda i: (i, 0)),
            pl.BlockSpec((RB, 1), lambda i: (i, 0)),
            pl.BlockSpec((H,), lambda i: (0,)),
            pl.BlockSpec((H, H), lambda i: (0, 0)),
        ],
        out_specs=pl.BlockSpec((RB, W128), lambda i: (i, 0)),
        out_shape=jax.ShapeDtypeStruct((N, W128), F32),
    )(p0, p1, y, dinv, bc, wnext)


def _tc3(q0, q1, y2, dinv, bc2, wa, wb, cvec):
    def body(q0_r, q1_r, y_r, dinv_r, bc_r, wa_r, wb_r, c_r, h3_r, ab_r):
        dinv = dinv_r[...]
        agg = (q0_r[...] + q1_r[...] + y_r[...])[:, :H]
        h3 = jnp.maximum(dinv * agg + bc_r[...], 0.0)
        h3_r[...] = h3
        a2 = jnp.dot(h3, wa_r[...], preferred_element_type=F32) + c_r[...]
        b2 = jnp.dot(h3, wb_r[...], preferred_element_type=F32)
        ab_r[...] = jnp.concatenate([a2, b2], axis=1)

    grid = (N // RB,)
    return pl.pallas_call(
        body,
        grid=grid,
        in_specs=[
            pl.BlockSpec((RB, W128), lambda i: (i, 0)),
            pl.BlockSpec((RB, W128), lambda i: (i, 0)),
            pl.BlockSpec((RB, W128), lambda i: (i, 0)),
            pl.BlockSpec((RB, 1), lambda i: (i, 0)),
            pl.BlockSpec((H,), lambda i: (0,)),
            pl.BlockSpec((H, H), lambda i: (0, 0)),
            pl.BlockSpec((H, H), lambda i: (0, 0)),
            pl.BlockSpec((H,), lambda i: (0,)),
        ],
        out_specs=[
            pl.BlockSpec((RB, H), lambda i: (i, 0)),
            pl.BlockSpec((RB, W128), lambda i: (i, 0)),
        ],
        out_shape=[
            jax.ShapeDtypeStruct((N, H), F32),
            jax.ShapeDtypeStruct((N, W128), F32),
        ],
    )(q0, q1, y2, dinv, bc2, wa, wb, cvec)


def _tc4(s2, be2):
    EBR = 8192

    def body(s_r, b_r, out_r):
        t = jnp.sum(s_r[...], axis=1) + b_r[0]
        out_r[...] = (1.0 / (1.0 + jnp.exp(-t)))[:, None]

    grid = (E_PAD // EBR,)
    return pl.pallas_call(
        body,
        grid=grid,
        in_specs=[
            pl.BlockSpec((EBR, 16), lambda i: (i, 0)),
            pl.BlockSpec((1,), lambda i: (0,)),
        ],
        out_specs=pl.BlockSpec((EBR, 1), lambda i: (i, 0)),
        out_shape=jax.ShapeDtypeStruct((E_PAD, 1), F32),
    )(s2, be2)


def kernel(x, edge_index, W1, b1, bn1_g, bn1_b, Wc1, bc1, Wc2, bc2,
           We1, be1, bne_g, bne_b, We2, be2):
    npad = E_PAD - E
    spread = jnp.arange(npad, dtype=jnp.int32) % PAD_ROWS
    src2 = jnp.concatenate([edge_index[0], spread]).reshape(NEBP, EB)
    dst2 = jnp.concatenate([edge_index[1], N + spread]).reshape(NEBP, EB)

    s1 = bn1_g / jnp.sqrt(1.0 + EPS)
    w1f = W1 * s1[None, :]
    b1f = b1 * s1 + bn1_b
    sg = bne_g / jnp.sqrt(1.0 + EPS)
    wa = We1[:H] * sg[None, :]
    wb = We1[H:] * sg[None, :]
    cvec = be1 * sg + bne_b
    w2 = We2[:, 0]
    zeros128 = jnp.zeros((NT, W128), F32)
    ones_blk = jnp.ones((EB, W128), F32)

    u1 = _tca(x, w1f, b1f, Wc1)
    d0, d1 = _deg_sc(dst2, ones_blk, zeros128)
    y1, dinv = _tcb(u1, d0, d1)
    p0, p1 = _conv_sc(y1, src2, dst2, zeros128)
    y2 = _tc2(p0, p1, y1, dinv, bc1, Wc2)
    q0, q1 = _conv_sc(y2, src2, dst2, zeros128)
    h3, ab = _tc3(q0, q1, y2, dinv, bc2, wa, wb, cvec)
    s_flat = _head_sc(ab, src2, dst2, w2)
    pred = _tc4(s_flat.reshape(E_PAD, 16), be2)
    return (h3, pred[:E])

# --- scband reference (transcript-rebuilt; emitter-appended) ---
"""Pipeline reference for scband-gnnmodel-54193897341485 (READ-ONLY COPY).

The authoritative reference and input builder live on the scoring server;
editing this copy changes nothing except your own understanding.
"""

import jax, jax.numpy as jnp
import numpy as np

N = 10000
E = 320000
F_IN = 128
H = 64
EPS = 1e-5


def _bn_eval(h, gamma, beta):
    # BatchNorm1d in eval mode with running_mean=0, running_var=1
    return gamma * h / jnp.sqrt(1.0 + EPS) + beta


def _gcn_conv(x, edge_index, W, b, num_nodes):
    # PyG GCNConv: add self-loops, symmetric normalization, sum aggregation
    xw = x @ W
    loop = jnp.arange(num_nodes, dtype=edge_index.dtype)
    src = jnp.concatenate([edge_index[0], loop])
    dst = jnp.concatenate([edge_index[1], loop])
    deg = jnp.zeros((num_nodes,), dtype=xw.dtype).at[dst].add(1.0)
    dinv = jnp.where(deg > 0, deg ** -0.5, 0.0)
    norm = dinv[src] * dinv[dst]
    msg = xw[src] * norm[:, None]
    out = jnp.zeros_like(xw).at[dst].add(msg)
    return out + b


def setup_inputs(seed: int = 0):
    key = jax.random.key(seed)
    ks = jax.random.split(key, 12)
    x = jax.random.normal(ks[0], (N, F_IN), dtype=jnp.float32)
    edge_index = jax.random.randint(ks[1], (2, E), 0, N, dtype=jnp.int32)
    s = 0.05
    W1 = jax.random.normal(ks[2], (F_IN, H), dtype=jnp.float32) * s
    b1 = jnp.zeros((H,), dtype=jnp.float32)
    bn1_g = jnp.ones((H,), dtype=jnp.float32)
    bn1_b = jnp.zeros((H,), dtype=jnp.float32)
    Wc1 = jax.random.normal(ks[3], (H, H), dtype=jnp.float32) * s
    bc1 = jnp.zeros((H,), dtype=jnp.float32)
    Wc2 = jax.random.normal(ks[4], (H, H), dtype=jnp.float32) * s
    bc2 = jnp.zeros((H,), dtype=jnp.float32)
    We1 = jax.random.normal(ks[5], (2 * H, H), dtype=jnp.float32) * s
    be1 = jnp.zeros((H,), dtype=jnp.float32)
    bne_g = jnp.ones((H,), dtype=jnp.float32)
    bne_b = jnp.zeros((H,), dtype=jnp.float32)
    We2 = jax.random.normal(ks[6], (H, 1), dtype=jnp.float32) * s
    be2 = jnp.zeros((1,), dtype=jnp.float32)
    return {"x": x, "edge_index": edge_index, "W1": W1, "b1": b1, "bn1_g": bn1_g, "bn1_b": bn1_b,
            "Wc1": Wc1, "bc1": bc1, "Wc2": Wc2, "bc2": bc2,
            "We1": We1, "be1": be1, "bne_g": bne_g, "bne_b": bne_b, "We2": We2, "be2": be2}


def reference(x, edge_index, W1, b1, bn1_g, bn1_b, Wc1, bc1, Wc2, bc2, We1, be1, bne_g, bne_b, We2, be2):
    # node_encoder: Linear -> BN(eval) -> ReLU -> Dropout(eval=identity)
    h = jax.nn.relu(_bn_eval(x @ W1 + b1, bn1_g, bn1_b))
    # conv1 -> ReLU -> Dropout(eval)
    h = jax.nn.relu(_gcn_conv(h, edge_index, Wc1, bc1, N))
    # conv2 -> ReLU
    h = jax.nn.relu(_gcn_conv(h, edge_index, Wc2, bc2, N))
    node_embeddings = h
    row = edge_index[0]
    col = edge_index[1]
    edge_features = jnp.concatenate([h[row], h[col]], axis=1)
    e = jax.nn.relu(_bn_eval(edge_features @ We1 + be1, bne_g, bne_b))
    edge_pred = jax.nn.sigmoid(e @ We2 + be2)
    return (node_embeddings, edge_pred)

if __name__ == "__main__":
    import jax
    _d = setup_inputs()
    print(jax.jit(kernel)(*tuple(_d.values())))

</pallas_src>

<mosaic_0001>
#map = affine_map<(d0, d1) -> (0, 0)>
module attributes {stable_mosaic.version = 14 : i64} {
  func.func @body(%arg0: i32, %arg1: i32, %arg2: memref<2560x128xi32, #tpu.memory_space<hbm>>, %arg3: memref<128x128xf32, #tpu.memory_space<hbm>>, %arg4: memref<10016x128xf32, #tpu.memory_space<hbm>>, %arg5: memref<10000x128xf32, #tpu.memory_space<hbm>>, %arg6: memref<10000x128xf32, #tpu.memory_space<hbm>>, %arg7: memref<10016x128xf32, #tpu.memory_space<vmem_shared>>, %arg8: memref<40x128xi32, #tpu.memory_space<vmem>>, %arg9: memref<128x128xf32, #tpu.memory_space<vmem>>, %arg10: memref<!tpu.dma_semaphore, #tpu.memory_space<semaphore_mem>>) attributes {dimension_semantics = [#tpu.dimension_semantics<core_parallel>, #tpu.dimension_semantics<subcore_parallel>], iteration_bounds = array<i64: 2, 16>, scalar_prefetch = 0 : i64, scratch_operands = 4 : i64, tpu.core_type = #tpu.core_type<sc_vector_subcore>, window_params = [{transform_indices = #map}, {transform_indices = #map}, {transform_indices = #map}, {transform_indices = #map}, {transform_indices = #map}]} {
    %mul3A = arith.constant 2 : i32
    %mul3A_0 = arith.muli %arg1, %mul3A : i32
    %add3A = arith.addi %mul3A_0, %arg0 : i32
    %mul3A_1 = arith.constant 80 : i32
    %mul3A_2 = arith.muli %add3A, %mul3A_1 : i32
    %multiple_of3A = tpu.assume_multiple %mul3A_2, 8 : i32
    %mul3A_3 = arith.constant 624 : i32
    %mul3A_4 = arith.muli %arg1, %mul3A_3 : i32
    %multiple_of3A_5 = tpu.assume_multiple %mul3A_4, 8 : i32
    %dma_start3A = arith.constant 0 : i32
    %dma_start3A_6 = tpu.memref_slice %arg7[%multiple_of3A_5, %dma_start3A] : memref<10016x128xf32, #tpu.memory_space<vmem_shared>> -> memref<624x128xf32, #tpu.memory_space<vmem_shared>>
    %dma_start3A_7 = arith.constant 0 : i32
    %dma_start3A_8 = tpu.memref_slice %arg4[%multiple_of3A_5, %dma_start3A_7] : memref<10016x128xf32, #tpu.memory_space<hbm>> -> memref<624x128xf32, #tpu.memory_space<hbm>>
    tpu.enqueue_dma source(%dma_start3A_8 : memref<624x128xf32, #tpu.memory_space<hbm>>) target(%dma_start3A_6 : memref<624x128xf32, #tpu.memory_space<vmem_shared>>) target_semaphore(%arg10 : memref<!tpu.dma_semaphore, #tpu.memory_space<semaphore_mem>>)
    %eq3A = arith.constant 15 : i32
    %eq3A_9 = arith.cmpi eq, %arg1, %eq3A : i32
    %convert_element_type3A = arith.extui %eq3A_9 : i1 to i32
    %cond3A = arith.constant 0 : i32
    %cond3A_10 = arith.cmpi ne, %convert_element_type3A, %cond3A : i32
    scf.if %cond3A_10 {
      "tpu.region"() ({
        %run_scoped3A = tpu.sem_alloc : memref<!tpu.dma_semaphore, #tpu.memory_space<semaphore_mem>>
        %dma_start3A_53 = arith.constant 9984 : i32
        %dma_start3A_54 = arith.constant 0 : i32
        %dma_start3A_55 = tpu.memref_slice %arg7[%dma_start3A_53, %dma_start3A_54] : memref<10016x128xf32, #tpu.memory_space<vmem_shared>> -> memref<32x128xf32, #tpu.memory_space<vmem_shared>>
        %dma_start3A_56 = arith.constant 9984 : i32
        %dma_start3A_57 = arith.constant 0 : i32
        %dma_start3A_58 = tpu.memref_slice %arg4[%dma_start3A_56, %dma_start3A_57] : memref<10016x128xf32, #tpu.memory_space<hbm>> -> memref<32x128xf32, #tpu.memory_space<hbm>>
        tpu.enqueue_dma source(%dma_start3A_58 : memref<32x128xf32, #tpu.memory_space<hbm>>) target(%dma_start3A_55 : memref<32x128xf32, #tpu.memory_space<vmem_shared>>) target_semaphore(%run_scoped3A : memref<!tpu.dma_semaphore, #tpu.memory_space<semaphore_mem>>)
        %dma_wait3A_59 = arith.constant 9984 : i32
        %dma_wait3A_60 = arith.constant 0 : i32
        %dma_wait3A_61 = tpu.memref_slice %arg7[%dma_wait3A_59, %dma_wait3A_60] : memref<10016x128xf32, #tpu.memory_space<vmem_shared>> -> memref<32x128xf32, #tpu.memory_space<vmem_shared>>
        %dma_wait3A_62 = arith.constant 9984 : i32
        %dma_wait3A_63 = arith.constant 0 : i32
        %dma_wait3A_64 = tpu.memref_slice %arg4[%dma_wait3A_62, %dma_wait3A_63] : memref<10016x128xf32, #tpu.memory_space<hbm>> -> memref<32x128xf32, #tpu.memory_space<hbm>>
        tpu.wait_dma2 semaphore(%run_scoped3A : memref<!tpu.dma_semaphore, #tpu.memory_space<semaphore_mem>>) src(%dma_wait3A_64 : memref<32x128xf32, #tpu.memory_space<hbm>>) dst(%dma_wait3A_61 : memref<32x128xf32, #tpu.memory_space<vmem_shared>>)
        tpu.yield
      }) : () -> ()
    } else {
    }
    "tpu.region"() ({
      %run_scoped3A = tpu.sem_alloc : memref<!tpu.dma_semaphore, #tpu.memory_space<semaphore_mem>>
      tpu.enqueue_dma source(%arg3 : memref<128x128xf32, #tpu.memory_space<hbm>>) target(%arg9 : memref<128x128xf32, #tpu.memory_space<vmem>>) target_semaphore(%run_scoped3A : memref<!tpu.dma_semaphore, #tpu.memory_space<semaphore_mem>>)
      tpu.wait_dma2 semaphore(%run_scoped3A : memref<!tpu.dma_semaphore, #tpu.memory_space<semaphore_mem>>) src(%arg3 : memref<128x128xf32, #tpu.memory_space<hbm>>) dst(%arg9 : memref<128x128xf32, #tpu.memory_space<vmem>>)
      tpu.yield
    }) : () -> ()
    %dma_wait3A = arith.constant 0 : i32
    %dma_wait3A_11 = tpu.memref_slice %arg7[%multiple_of3A_5, %dma_wait3A] : memref<10016x128xf32, #tpu.memory_space<vmem_shared>> -> memref<624x128xf32, #tpu.memory_space<vmem_shared>>
    %dma_wait3A_12 = arith.constant 0 : i32
    %dma_wait3A_13 = tpu.memref_slice %arg4[%multiple_of3A_5, %dma_wait3A_12] : memref<10016x128xf32, #tpu.memory_space<hbm>> -> memref<624x128xf32, #tpu.memory_space<hbm>>
    tpu.wait_dma2 semaphore(%arg10 : memref<!tpu.dma_semaphore, #tpu.memory_space<semaphore_mem>>) src(%dma_wait3A_13 : memref<624x128xf32, #tpu.memory_space<hbm>>) dst(%dma_wait3A_11 : memref<624x128xf32, #tpu.memory_space<vmem_shared>>)
    %barrier3A = arith.constant 0 : index
    tpu.barrier barrier_id(%barrier3A)
    %add3A_14 = arith.constant 0 : i32
    %add3A_15 = arith.addi %multiple_of3A, %add3A_14 : i32
    %multiple_of3A_16 = tpu.assume_multiple %add3A_15, 8 : i32
    "tpu.region"() ({
      %run_scoped3A = tpu.sem_alloc : memref<!tpu.dma_semaphore, #tpu.memory_space<semaphore_mem>>
      %dma_start3A_53 = arith.constant 0 : i32
      %dma_start3A_54 = tpu.memref_slice %arg2[%multiple_of3A_16, %dma_start3A_53] : memref<2560x128xi32, #tpu.memory_space<hbm>> -> memref<40x128xi32, #tpu.memory_space<hbm>>
      %dma_start3A_55 = arith.constant 0 : i32
      %dma_start3A_56 = tpu.memref_slice %arg2[%multiple_of3A_16, %dma_start3A_55] : memref<2560x128xi32, #tpu.memory_space<hbm>> -> memref<40x128xi32, #tpu.memory_space<hbm>>
      tpu.enqueue_dma source(%dma_start3A_56 : memref<40x128xi32, #tpu.memory_space<hbm>>) target(%arg8 : memref<40x128xi32, #tpu.memory_space<vmem>>) target_semaphore(%run_scoped3A : memref<!tpu.dma_semaphore, #tpu.memory_space<semaphore_mem>>)
      %dma_wait3A_57 = arith.constant 0 : i32
      %dma_wait3A_58 = tpu.memref_slice %arg2[%multiple_of3A_16, %dma_wait3A_57] : memref<2560x128xi32, #tpu.memory_space<hbm>> -> memref<40x128xi32, #tpu.memory_space<hbm>>
      %dma_wait3A_59 = arith.constant 0 : i32
      %dma_wait3A_60 = tpu.memref_slice %arg2[%multiple_of3A_16, %dma_wait3A_59] : memref<2560x128xi32, #tpu.memory_space<hbm>> -> memref<40x128xi32, #tpu.memory_space<hbm>>
      tpu.wait_dma2 semaphore(%run_scoped3A : memref<!tpu.dma_semaphore, #tpu.memory_space<semaphore_mem>>) src(%dma_wait3A_60 : memref<40x128xi32, #tpu.memory_space<hbm>>) dst(%arg8 : memref<40x128xi32, #tpu.memory_space<vmem>>)
      tpu.yield
    }) : () -> ()
    %scan3A = arith.constant 0 : i32
    %scan3A_17 = arith.constant 40 : i32
    %scan3A_18 = arith.addi %scan3A, %scan3A_17 : i32
    %scan3A_19 = arith.constant 1 : i32
    scf.for %scan3A_53 = %scan3A to %scan3A_18 step %scan3A_19  : i32 {
      %mul3A_54 = arith.constant 1 : i32
      %mul3A_55 = arith.muli %scan3A_53, %mul3A_54 : i32
      %add3A_56 = arith.constant 0 : i32
      %add3A_57 = arith.addi %add3A_56, %mul3A_55 : i32
      %dma_start3A_58 = arith.constant 0 : i32
      %dma_start3A_59 = tpu.memref_slice %arg8[%add3A_57, %dma_start3A_58] : memref<40x128xi32, #tpu.memory_space<vmem>> -> memref<1x128xi32, #tpu.memory_space<vmem>>
      %dma_start3A_60 = tpu.memref_squeeze %dma_start3A_59 : memref<1x128xi32, #tpu.memory_space<vmem>> -> memref<128xi32, #tpu.memory_space<vmem>>
      %dma_start3A_61 = arith.constant 0 : i32
      %dma_start3A_62 = arith.constant 0 : i32
      %dma_start3A_63 = tpu.memref_slice %arg7[%dma_start3A_61, %dma_start3A_62] : memref<10016x128xf32, #tpu.memory_space<vmem_shared>> -> memref<10016x128xf32, #tpu.memory_space<vmem_shared>>
      tpu.enqueue_indirect_dma source(%arg9 : memref<128x128xf32, #tpu.memory_space<vmem>>) target(%dma_start3A_63 : memref<10016x128xf32, #tpu.memory_space<vmem_shared>>) offsets(%dma_start3A_60 : memref<128xi32, #tpu.memory_space<vmem>>) semaphore(%arg10 : memref<!tpu.dma_semaphore, #tpu.memory_space<semaphore_mem>>) {add = true}
    }
    %scan3A_20 = arith.constant 40 : i32
    %scan3A_21 = arith.constant 0 : i32
    %scan3A_22 = arith.constant 40 : i32
    %scan3A_23 = arith.addi %scan3A_21, %scan3A_22 : i32
    %scan3A_24 = arith.constant 1 : i32
    scf.for %scan3A_53 = %scan3A_21 to %scan3A_23 step %scan3A_24  : i32 {
      %mul3A_54 = arith.constant 1 : i32
      %mul3A_55 = arith.muli %scan3A_53, %mul3A_54 : i32
      %add3A_56 = arith.constant 0 : i32
      %add3A_57 = arith.addi %add3A_56, %mul3A_55 : i32
      %dma_wait3A_58 = arith.constant 0 : i32
      %dma_wait3A_59 = tpu.memref_slice %arg8[%add3A_57, %dma_wait3A_58] : memref<40x128xi32, #tpu.memory_space<vmem>> -> memref<1x128xi32, #tpu.memory_space<vmem>>
      %dma_wait3A_60 = tpu.memref_squeeze %dma_wait3A_59 : memref<1x128xi32, #tpu.memory_space<vmem>> -> memref<128xi32, #tpu.memory_space<vmem>>
      %dma_wait3A_61 = arith.constant 0 : i32
      %dma_wait3A_62 = arith.constant 0 : i32
      %dma_wait3A_63 = tpu.memref_slice %arg7[%dma_wait3A_61, %dma_wait3A_62] : memref<10016x128xf32, #tpu.memory_space<vmem_shared>> -> memref<10016x128xf32, #tpu.memory_space<vmem_shared>>
      tpu.wait_indirect_dma semaphore(%arg10 : memref<!tpu.dma_semaphore, #tpu.memory_space<semaphore_mem>>) src(%arg9 : memref<128x128xf32, #tpu.memory_space<vmem>>) dst(%dma_wait3A_63 : memref<10016x128xf32, #tpu.memory_space<vmem_shared>>)
    }
    %scan3A_25 = arith.constant 40 : i32
    %add3A_26 = arith.constant 40 : i32
    %add3A_27 = arith.addi %multiple_of3A, %add3A_26 : i32
    %multiple_of3A_28 = tpu.assume_multiple %add3A_27, 8 : i32
    "tpu.region"() ({
      %run_scoped3A = tpu.sem_alloc : memref<!tpu.dma_semaphore, #tpu.memory_space<semaphore_mem>>
      %dma_start3A_53 = arith.constant 0 : i32
      %dma_start3A_54 = tpu.memref_slice %arg2[%multiple_of3A_28, %dma_start3A_53] : memref<2560x128xi32, #tpu.memory_space<hbm>> -> memref<40x128xi32, #tpu.memory_space<hbm>>
      %dma_start3A_55 = arith.constant 0 : i32
      %dma_start3A_56 = tpu.memref_slice %arg2[%multiple_of3A_28, %dma_start3A_55] : memref<2560x128xi32, #tpu.memory_space<hbm>> -> memref<40x128xi32, #tpu.memory_space<hbm>>
      tpu.enqueue_dma source(%dma_start3A_56 : memref<40x128xi32, #tpu.memory_space<hbm>>) target(%arg8 : memref<40x128xi32, #tpu.memory_space<vmem>>) target_semaphore(%run_scoped3A : memref<!tpu.dma_semaphore, #tpu.memory_space<semaphore_mem>>)
      %dma_wait3A_57 = arith.constant 0 : i32
      %dma_wait3A_58 = tpu.memref_slice %arg2[%multiple_of3A_28, %dma_wait3A_57] : memref<2560x128xi32, #tpu.memory_space<hbm>> -> memref<40x128xi32, #tpu.memory_space<hbm>>
      %dma_wait3A_59 = arith.constant 0 : i32
      %dma_wait3A_60 = tpu.memref_slice %arg2[%multiple_of3A_28, %dma_wait3A_59] : memref<2560x128xi32, #tpu.memory_space<hbm>> -> memref<40x128xi32, #tpu.memory_space<hbm>>
      tpu.wait_dma2 semaphore(%run_scoped3A : memref<!tpu.dma_semaphore, #tpu.memory_space<semaphore_mem>>) src(%dma_wait3A_60 : memref<40x128xi32, #tpu.memory_space<hbm>>) dst(%arg8 : memref<40x128xi32, #tpu.memory_space<vmem>>)
      tpu.yield
    }) : () -> ()
    %scan3A_29 = arith.constant 0 : i32
    %scan3A_30 = arith.constant 40 : i32
    %scan3A_31 = arith.addi %scan3A_29, %scan3A_30 : i32
    %scan3A_32 = arith.constant 1 : i32
    scf.for %scan3A_53 = %scan3A_29 to %scan3A_31 step %scan3A_32  : i32 {
      %mul3A_54 = arith.constant 1 : i32
      %mul3A_55 = arith.muli %scan3A_53, %mul3A_54 : i32
      %add3A_56 = arith.constant 0 : i32
      %add3A_57 = arith.addi %add3A_56, %mul3A_55 : i32
      %dma_start3A_58 = arith.constant 0 : i32
      %dma_start3A_59 = tpu.memref_slice %arg8[%add3A_57, %dma_start3A_58] : memref<40x128xi32, #tpu.memory_space<vmem>> -> memref<1x128xi32, #tpu.memory_space<vmem>>
      %dma_start3A_60 = tpu.memref_squeeze %dma_start3A_59 : memref<1x128xi32, #tpu.memory_space<vmem>> -> memref<128xi32, #tpu.memory_space<vmem>>
      %dma_start3A_61 = arith.constant 0 : i32
      %dma_start3A_62 = arith.constant 0 : i32
      %dma_start3A_63 = tpu.memref_slice %arg7[%dma_start3A_61, %dma_start3A_62] : memref<10016x128xf32, #tpu.memory_space<vmem_shared>> -> memref<10016x128xf32, #tpu.memory_space<vmem_shared>>
      tpu.enqueue_indirect_dma source(%arg9 : memref<128x128xf32, #tpu.memory_space<vmem>>) target(%dma_start3A_63 : memref<10016x128xf32, #tpu.memory_space<vmem_shared>>) offsets(%dma_start3A_60 : memref<128xi32, #tpu.memory_space<vmem>>) semaphore(%arg10 : memref<!tpu.dma_semaphore, #tpu.memory_space<semaphore_mem>>) {add = true}
    }
    %scan3A_33 = arith.constant 40 : i32
    %scan3A_34 = arith.constant 0 : i32
    %scan3A_35 = arith.constant 40 : i32
    %scan3A_36 = arith.addi %scan3A_34, %scan3A_35 : i32
    %scan3A_37 = arith.constant 1 : i32
    scf.for %scan3A_53 = %scan3A_34 to %scan3A_36 step %scan3A_37  : i32 {
      %mul3A_54 = arith.constant 1 : i32
      %mul3A_55 = arith.muli %scan3A_53, %mul3A_54 : i32
      %add3A_56 = arith.constant 0 : i32
      %add3A_57 = arith.addi %add3A_56, %mul3A_55 : i32
      %dma_wait3A_58 = arith.constant 0 : i32
      %dma_wait3A_59 = tpu.memref_slice %arg8[%add3A_57, %dma_wait3A_58] : memref<40x128xi32, #tpu.memory_space<vmem>> -> memref<1x128xi32, #tpu.memory_space<vmem>>
      %dma_wait3A_60 = tpu.memref_squeeze %dma_wait3A_59 : memref<1x128xi32, #tpu.memory_space<vmem>> -> memref<128xi32, #tpu.memory_space<vmem>>
      %dma_wait3A_61 = arith.constant 0 : i32
      %dma_wait3A_62 = arith.constant 0 : i32
      %dma_wait3A_63 = tpu.memref_slice %arg7[%dma_wait3A_61, %dma_wait3A_62] : memref<10016x128xf32, #tpu.memory_space<vmem_shared>> -> memref<10016x128xf32, #tpu.memory_space<vmem_shared>>
      tpu.wait_indirect_dma semaphore(%arg10 : memref<!tpu.dma_semaphore, #tpu.memory_space<semaphore_mem>>) src(%arg9 : memref<128x128xf32, #tpu.memory_space<vmem>>) dst(%dma_wait3A_63 : memref<10016x128xf32, #tpu.memory_space<vmem_shared>>)
    }
    %scan3A_38 = arith.constant 40 : i32
    %barrier3A_39 = arith.constant 0 : index
    tpu.barrier barrier_id(%barrier3A_39)
    %mul3A_40 = arith.constant 624 : i32
    %mul3A_41 = arith.muli %arg1, %mul3A_40 : i32
    %multiple_of3A_42 = tpu.assume_multiple %mul3A_41, 8 : i32
    %eq3A_43 = arith.constant 0 : i32
    %eq3A_44 = arith.cmpi eq, %arg0, %eq3A_43 : i32
    %convert_element_type3A_45 = arith.extui %eq3A_44 : i1 to i32
    %cond3A_46 = arith.constant 0 : i32
    %cond3A_47 = arith.cmpi ne, %convert_element_type3A_45, %cond3A_46 : i32
    scf.if %cond3A_47 {
      "tpu.region"() ({
        %run_scoped3A = tpu.sem_alloc : memref<!tpu.dma_semaphore, #tpu.memory_space<semaphore_mem>>
        %dma_start3A_58 = arith.constant 0 : i32
        %dma_start3A_59 = tpu.memref_slice %arg5[%multiple_of3A_42, %dma_start3A_58] : memref<10000x128xf32, #tpu.memory_space<hbm>> -> memref<624x128xf32, #tpu.memory_space<hbm>>
        %dma_start3A_60 = arith.constant 0 : i32
        %dma_start3A_61 = tpu.memref_slice %arg7[%multiple_of3A_42, %dma_start3A_60] : memref<10016x128xf32, #tpu.memory_space<vmem_shared>> -> memref<624x128xf32, #tpu.memory_space<vmem_shared>>
        tpu.enqueue_dma source(%dma_start3A_61 : memref<624x128xf32, #tpu.memory_space<vmem_shared>>) target(%dma_start3A_59 : memref<624x128xf32, #tpu.memory_space<hbm>>) target_semaphore(%run_scoped3A : memref<!tpu.dma_semaphore, #tpu.memory_space<semaphore_mem>>)
        %dma_wait3A_62 = arith.constant 0 : i32
        %dma_wait3A_63 = tpu.memref_slice %arg5[%multiple_of3A_42, %dma_wait3A_62] : memref<10000x128xf32, #tpu.memory_space<hbm>> -> memref<624x128xf32, #tpu.memory_space<hbm>>
        %dma_wait3A_64 = arith.constant 0 : i32
        %dma_wait3A_65 = tpu.memref_slice %arg7[%multiple_of3A_42, %dma_wait3A_64] : memref<10016x128xf32, #tpu.memory_space<vmem_shared>> -> memref<624x128xf32, #tpu.memory_space<vmem_shared>>
        tpu.wait_dma2 semaphore(%run_scoped3A : memref<!tpu.dma_semaphore, #tpu.memory_space<semaphore_mem>>) src(%dma_wait3A_65 : memref<624x128xf32, #tpu.memory_space<vmem_shared>>) dst(%dma_wait3A_63 : memref<624x128xf32, #tpu.memory_space<hbm>>)
        tpu.yield
      }) : () -> ()
      %eq3A_53 = arith.constant 15 : i32
      %eq3A_54 = arith.cmpi eq, %arg1, %eq3A_53 : i32
      %convert_element_type3A_55 = arith.extui %eq3A_54 : i1 to i32
      %cond3A_56 = arith.constant 0 : i32
      %cond3A_57 = arith.cmpi ne, %convert_element_type3A_55, %cond3A_56 : i32
      scf.if %cond3A_57 {
        "tpu.region"() ({
          %run_scoped3A = tpu.sem_alloc : memref<!tpu.dma_semaphore, #tpu.memory_space<semaphore_mem>>
          %dma_start3A_58 = arith.constant 9984 : i32
          %dma_start3A_59 = arith.constant 0 : i32
          %dma_start3A_60 = tpu.memref_slice %arg5[%dma_start3A_58, %dma_start3A_59] : memref<10000x128xf32, #tpu.memory_space<hbm>> -> memref<16x128xf32, #tpu.memory_space<hbm>>
          %dma_start3A_61 = arith.constant 9984 : i32
          %dma_start3A_62 = arith.constant 0 : i32
          %dma_start3A_63 = tpu.memref_slice %arg7[%dma_start3A_61, %dma_start3A_62] : memref<10016x128xf32, #tpu.memory_space<vmem_shared>> -> memref<16x128xf32, #tpu.memory_space<vmem_shared>>
          tpu.enqueue_dma source(%dma_start3A_63 : memref<16x128xf32, #tpu.memory_space<vmem_shared>>) target(%dma_start3A_60 : memref<16x128xf32, #tpu.memory_space<hbm>>) target_semaphore(%run_scoped3A : memref<!tpu.dma_semaphore, #tpu.memory_space<semaphore_mem>>)
          %dma_wait3A_64 = arith.constant 9984 : i32
          %dma_wait3A_65 = arith.constant 0 : i32
          %dma_wait3A_66 = tpu.memref_slice %arg5[%dma_wait3A_64, %dma_wait3A_65] : memref<10000x128xf32, #tpu.memory_space<hbm>> -> memref<16x128xf32, #tpu.memory_space<hbm>>
          %dma_wait3A_67 = arith.constant 9984 : i32
          %dma_wait3A_68 = arith.constant 0 : i32
          %dma_wait3A_69 = tpu.memref_slice %arg7[%dma_wait3A_67, %dma_wait3A_68] : memref<10016x128xf32, #tpu.memory_space<vmem_shared>> -> memref<16x128xf32, #tpu.memory_space<vmem_shared>>
          tpu.wait_dma2 semaphore(%run_scoped3A : memref<!tpu.dma_semaphore, #tpu.memory_space<semaphore_mem>>) src(%dma_wait3A_69 : memref<16x128xf32, #tpu.memory_space<vmem_shared>>) dst(%dma_wait3A_66 : memref<16x128xf32, #tpu.memory_space<hbm>>)
          tpu.yield
        }) : () -> ()
      } else {
      }
    } else {
    }
    %eq3A_48 = arith.constant 1 : i32
    %eq3A_49 = arith.cmpi eq, %arg0, %eq3A_48 : i32
    %convert_element_type3A_50 = arith.extui %eq3A_49 : i1 to i32
    %cond3A_51 = arith.constant 0 : i32
    %cond3A_52 = arith.cmpi ne, %convert_element_type3A_50, %cond3A_51 : i32
    scf.if %cond3A_52 {
      "tpu.region"() ({
        %run_scoped3A = tpu.sem_alloc : memref<!tpu.dma_semaphore, #tpu.memory_space<semaphore_mem>>
        %dma_start3A_58 = arith.constant 0 : i32
        %dma_start3A_59 = tpu.memref_slice %arg6[%multiple_of3A_42, %dma_start3A_58] : memref<10000x128xf32, #tpu.memory_space<hbm>> -> memref<624x128xf32, #tpu.memory_space<hbm>>
        %dma_start3A_60 = arith.constant 0 : i32
        %dma_start3A_61 = tpu.memref_slice %arg7[%multiple_of3A_42, %dma_start3A_60] : memref<10016x128xf32, #tpu.memory_space<vmem_shared>> -> memref<624x128xf32, #tpu.memory_space<vmem_shared>>
        tpu.enqueue_dma source(%dma_start3A_61 : memref<624x128xf32, #tpu.memory_space<vmem_shared>>) target(%dma_start3A_59 : memref<624x128xf32, #tpu.memory_space<hbm>>) target_semaphore(%run_scoped3A : memref<!tpu.dma_semaphore, #tpu.memory_space<semaphore_mem>>)
        %dma_wait3A_62 = arith.constant 0 : i32
        %dma_wait3A_63 = tpu.memref_slice %arg6[%multiple_of3A_42, %dma_wait3A_62] : memref<10000x128xf32, #tpu.memory_space<hbm>> -> memref<624x128xf32, #tpu.memory_space<hbm>>
        %dma_wait3A_64 = arith.constant 0 : i32
        %dma_wait3A_65 = tpu.memref_slice %arg7[%multiple_of3A_42, %dma_wait3A_64] : memref<10016x128xf32, #tpu.memory_space<vmem_shared>> -> memref<624x128xf32, #tpu.memory_space<vmem_shared>>
        tpu.wait_dma2 semaphore(%run_scoped3A : memref<!tpu.dma_semaphore, #tpu.memory_space<semaphore_mem>>) src(%dma_wait3A_65 : memref<624x128xf32, #tpu.memory_space<vmem_shared>>) dst(%dma_wait3A_63 : memref<624x128xf32, #tpu.memory_space<hbm>>)
        tpu.yield
      }) : () -> ()
      %eq3A_53 = arith.constant 15 : i32
      %eq3A_54 = arith.cmpi eq, %arg1, %eq3A_53 : i32
      %convert_element_type3A_55 = arith.extui %eq3A_54 : i1 to i32
      %cond3A_56 = arith.constant 0 : i32
      %cond3A_57 = arith.cmpi ne, %convert_element_type3A_55, %cond3A_56 : i32
      scf.if %cond3A_57 {
        "tpu.region"() ({
          %run_scoped3A = tpu.sem_alloc : memref<!tpu.dma_semaphore, #tpu.memory_space<semaphore_mem>>
          %dma_start3A_58 = arith.constant 9984 : i32
          %dma_start3A_59 = arith.constant 0 : i32
          %dma_start3A_60 = tpu.memref_slice %arg6[%dma_start3A_58, %dma_start3A_59] : memref<10000x128xf32, #tpu.memory_space<hbm>> -> memref<16x128xf32, #tpu.memory_space<hbm>>
          %dma_start3A_61 = arith.constant 9984 : i32
          %dma_start3A_62 = arith.constant 0 : i32
          %dma_start3A_63 = tpu.memref_slice %arg7[%dma_start3A_61, %dma_start3A_62] : memref<10016x128xf32, #tpu.memory_space<vmem_shared>> -> memref<16x128xf32, #tpu.memory_space<vmem_shared>>
          tpu.enqueue_dma source(%dma_start3A_63 : memref<16x128xf32, #tpu.memory_space<vmem_shared>>) target(%dma_start3A_60 : memref<16x128xf32, #tpu.memory_space<hbm>>) target_semaphore(%run_scoped3A : memref<!tpu.dma_semaphore, #tpu.memory_space<semaphore_mem>>)
          %dma_wait3A_64 = arith.constant 9984 : i32
          %dma_wait3A_65 = arith.constant 0 : i32
          %dma_wait3A_66 = tpu.memref_slice %arg6[%dma_wait3A_64, %dma_wait3A_65] : memref<10000x128xf32, #tpu.memory_space<hbm>> -> memref<16x128xf32, #tpu.memory_space<hbm>>
          %dma_wait3A_67 = arith.constant 9984 : i32
          %dma_wait3A_68 = arith.constant 0 : i32
          %dma_wait3A_69 = tpu.memref_slice %arg7[%dma_wait3A_67, %dma_wait3A_68] : memref<10016x128xf32, #tpu.memory_space<vmem_shared>> -> memref<16x128xf32, #tpu.memory_space<vmem_shared>>
          tpu.wait_dma2 semaphore(%run_scoped3A : memref<!tpu.dma_semaphore, #tpu.memory_space<semaphore_mem>>) src(%dma_wait3A_69 : memref<16x128xf32, #tpu.memory_space<vmem_shared>>) dst(%dma_wait3A_66 : memref<16x128xf32, #tpu.memory_space<hbm>>)
          tpu.yield
        }) : () -> ()
      } else {
      }
    } else {
    }
    return
  }
}

#map = affine_map<(d0, d1) -> (0, 0)>
#map1 = affine_map<(d0, d1) -> (0)>
module attributes {stable_mosaic.version = 14 : i64} {
  func.func @body(%arg0: i32, %arg1: i32, %arg2: memref<10000x128xf32, #tpu.memory_space<hbm>>, %arg3: memref<2560x128xi32, #tpu.memory_space<hbm>>, %arg4: memref<2560x128xi32, #tpu.memory_space<hbm>>, %arg5: memref<64xf32, #tpu.memory_space<hbm>>, %arg6: memref<5242880xf32, #tpu.memory_space<hbm>>, %arg7: memref<40x128xi32, #tpu.memory_space<vmem>>, %arg8: memref<40x128xi32, #tpu.memory_space<vmem>>, %arg9: memref<128x128xf32, #tpu.memory_space<vmem>>, %arg10: memref<128x128xf32, #tpu.memory_space<vmem>>, %arg11: memref<128x128xf32, #tpu.memory_space<vmem>>, %arg12: memref<128x128xf32, #tpu.memory_space<vmem>>, %arg13: memref<2048xf32, #tpu.memory_space<vmem>>, %arg14: memref<64xf32, #tpu.memory_space<vmem>>, %arg15: memref<!tpu.dma_semaphore, #tpu.memory_space<semaphore_mem>>, %arg16: memref<!tpu.dma_semaphore, #tpu.memory_space<semaphore_mem>>, %arg17: memref<!tpu.dma_semaphore, #tpu.memory_space<semaphore_mem>>, %arg18: memref<!tpu.dma_semaphore, #tpu.memory_space<semaphore_mem>>) attributes {dimension_semantics = [#tpu.dimension_semantics<core_parallel>, #tpu.dimension_semantics<subcore_parallel>], iteration_bounds = array<i64: 2, 16>, scalar_prefetch = 0 : i64, scratch_operands = 12 : i64, tpu.core_type = #tpu.core_type<sc_vector_subcore>, window_params = [{transform_indices = #map}, {transform_indices = #map}, {transform_indices = #map}, {transform_indices = #map1}, {transform_indices = #map1}]} {
    %mul3A = arith.constant 2 : i32
    %mul3A_0 = arith.muli %arg1, %mul3A : i32
    %add3A = arith.addi %mul3A_0, %arg0 : i32
    %mul3A_1 = arith.constant 80 : i32
    %mul3A_2 = arith.muli %add3A, %mul3A_1 : i32
    %multiple_of3A = tpu.assume_multiple %mul3A_2, 8 : i32
    "tpu.region"() ({
      %run_scoped3A = tpu.sem_alloc : memref<!tpu.dma_semaphore, #tpu.memory_space<semaphore_mem>>
      tpu.enqueue_dma source(%arg5 : memref<64xf32, #tpu.memory_space<hbm>>) target(%arg14 : memref<64xf32, #tpu.memory_space<vmem>>) target_semaphore(%run_scoped3A : memref<!tpu.dma_semaphore, #tpu.memory_space<semaphore_mem>>)
      tpu.wait_dma2 semaphore(%run_scoped3A : memref<!tpu.dma_semaphore, #tpu.memory_space<semaphore_mem>>) src(%arg5 : memref<64xf32, #tpu.memory_space<hbm>>) dst(%arg14 : memref<64xf32, #tpu.memory_space<vmem>>)
      tpu.yield
    }) : () -> ()
    %get3A = arith.constant 0 : index
    %get3A_3 = tpu.vector_load %arg14[%get3A] {strides = array<i32>} : memref<64xf32, #tpu.memory_space<vmem>>, vector<16xf32>,
    %get3A_4 = vector.shape_cast %get3A_3 : vector<16xf32> to vector<16xf32>
    %get3A_5 = arith.constant 16 : index
    %get3A_6 = tpu.vector_load %arg14[%get3A_5] {strides = array<i32>} : memref<64xf32, #tpu.memory_space<vmem>>, vector<16xf32>,
    %get3A_7 = vector.shape_cast %get3A_6 : vector<16xf32> to vector<16xf32>
    %get3A_8 = arith.constant 32 : index
    %get3A_9 = tpu.vector_load %arg14[%get3A_8] {strides = array<i32>} : memref<64xf32, #tpu.memory_space<vmem>>, vector<16xf32>,
    %get3A_10 = vector.shape_cast %get3A_9 : vector<16xf32> to vector<16xf32>
    %get3A_11 = arith.constant 48 : index
    %get3A_12 = tpu.vector_load %arg14[%get3A_11] {strides = array<i32>} : memref<64xf32, #tpu.memory_space<vmem>>, vector<16xf32>,
    %get3A_13 = vector.shape_cast %get3A_12 : vector<16xf32> to vector<16xf32>
    %add3A_14 = arith.constant 0 : i32
    %add3A_15 = arith.addi %multiple_of3A, %add3A_14 : i32
    %multiple_of3A_16 = tpu.assume_multiple %add3A_15, 8 : i32
    "tpu.region"() ({
      %run_scoped3A = tpu.sem_alloc : memref<!tpu.dma_semaphore, #tpu.memory_space<semaphore_mem>>
      %dma_start3A_56 = arith.constant 0 : i32
      %dma_start3A_57 = tpu.memref_slice %arg3[%multiple_of3A_16, %dma_start3A_56] : memref<2560x128xi32, #tpu.memory_space<hbm>> -> memref<40x128xi32, #tpu.memory_space<hbm>>
      %dma_start3A_58 = arith.constant 0 : i32
      %dma_start3A_59 = tpu.memref_slice %arg3[%multiple_of3A_16, %dma_start3A_58] : memref<2560x128xi32, #tpu.memory_space<hbm>> -> memref<40x128xi32, #tpu.memory_space<hbm>>
      tpu.enqueue_dma source(%dma_start3A_59 : memref<40x128xi32, #tpu.memory_space<hbm>>) target(%arg7 : memref<40x128xi32, #tpu.memory_space<vmem>>) target_semaphore(%run_scoped3A : memref<!tpu.dma_semaphore, #tpu.memory_space<semaphore_mem>>)
      %dma_wait3A = arith.constant 0 : i32
      %dma_wait3A_60 = tpu.memref_slice %arg3[%multiple_of3A_16, %dma_wait3A] : memref<2560x128xi32, #tpu.memory_space<hbm>> -> memref<40x128xi32, #tpu.memory_space<hbm>>
      %dma_wait3A_61 = arith.constant 0 : i32
      %dma_wait3A_62 = tpu.memref_slice %arg3[%multiple_of3A_16, %dma_wait3A_61] : memref<2560x128xi32, #tpu.memory_space<hbm>> -> memref<40x128xi32, #tpu.memory_space<hbm>>
      tpu.wait_dma2 semaphore(%run_scoped3A : memref<!tpu.dma_semaphore, #tpu.memory_space<semaphore_mem>>) src(%dma_wait3A_62 : memref<40x128xi32, #tpu.memory_space<hbm>>) dst(%arg7 : memref<40x128xi32, #tpu.memory_space<vmem>>)
      tpu.yield
    }) : () -> ()
    "tpu.region"() ({
      %run_scoped3A = tpu.sem_alloc : memref<!tpu.dma_semaphore, #tpu.memory_space<semaphore_mem>>
      %dma_start3A_56 = arith.constant 0 : i32
      %dma_start3A_57 = tpu.memref_slice %arg4[%multiple_of3A_16, %dma_start3A_56] : memref<2560x128xi32, #tpu.memory_space<hbm>> -> memref<40x128xi32, #tpu.memory_space<hbm>>
      %dma_start3A_58 = arith.constant 0 : i32
      %dma_start3A_59 = tpu.memref_slice %arg4[%multiple_of3A_16, %dma_start3A_58] : memref<2560x128xi32, #tpu.memory_space<hbm>> -> memref<40x128xi32, #tpu.memory_space<hbm>>
      tpu.enqueue_dma source(%dma_start3A_59 : memref<40x128xi32, #tpu.memory_space<hbm>>) target(%arg8 : memref<40x128xi32, #tpu.memory_space<vmem>>) target_semaphore(%run_scoped3A : memref<!tpu.dma_semaphore, #tpu.memory_space<semaphore_mem>>)
      %dma_wait3A = arith.constant 0 : i32
      %dma_wait3A_60 = tpu.memref_slice %arg4[%multiple_of3A_16, %dma_wait3A] : memref<2560x128xi32, #tpu.memory_space<hbm>> -> memref<40x128xi32, #tpu.memory_space<hbm>>
      %dma_wait3A_61 = arith.constant 0 : i32
      %dma_wait3A_62 = tpu.memref_slice %arg4[%multiple_of3A_16, %dma_wait3A_61] : memref<2560x128xi32, #tpu.memory_space<hbm>> -> memref<40x128xi32, #tpu.memory_space<hbm>>
      tpu.wait_dma2 semaphore(%run_scoped3A : memref<!tpu.dma_semaphore, #tpu.memory_space<semaphore_mem>>) src(%dma_wait3A_62 : memref<40x128xi32, #tpu.memory_space<hbm>>) dst(%arg8 : memref<40x128xi32, #tpu.memory_space<vmem>>)
      tpu.yield
    }) : () -> ()
    %dma_start3A = arith.constant 0 : i32
    %dma_start3A_17 = arith.constant 0 : i32
    %dma_start3A_18 = tpu.memref_slice %arg7[%dma_start3A, %dma_start3A_17] : memref<40x128xi32, #tpu.memory_space<vmem>> -> memref<1x128xi32, #tpu.memory_space<vmem>>
    %dma_start3A_19 = tpu.memref_squeeze %dma_start3A_18 : memref<1x128xi32, #tpu.memory_space<vmem>> -> memref<128xi32, #tpu.memory_space<vmem>>
    %dma_start3A_20 = arith.constant 0 : i32
    %dma_start3A_21 = arith.constant 0 : i32
    %dma_start3A_22 = tpu.memref_slice %arg2[%dma_start3A_20, %dma_start3A_21] : memref<10000x128xf32, #tpu.memory_space<hbm>> -> memref<10000x128xf32, #tpu.memory_space<hbm>>
    tpu.enqueue_indirect_dma source(%dma_start3A_22 : memref<10000x128xf32, #tpu.memory_space<hbm>>) target(%arg9 : memref<128x128xf32, #tpu.memory_space<vmem>>) offsets(%dma_start3A_19 : memref<128xi32, #tpu.memory_space<vmem>>) semaphore(%arg15 : memref<!tpu.dma_semaphore, #tpu.memory_space<semaphore_mem>>)
    %dma_start3A_23 = arith.constant 0 : i32
    %dma_start3A_24 = arith.constant 0 : i32
    %dma_start3A_25 = tpu.memref_slice %arg8[%dma_start3A_23, %dma_start3A_24] : memref<40x128xi32, #tpu.memory_space<vmem>> -> memref<1x128xi32, #tpu.memory_space<vmem>>
    %dma_start3A_26 = tpu.memref_squeeze %dma_start3A_25 : memref<1x128xi32, #tpu.memory_space<vmem>> -> memref<128xi32, #tpu.memory_space<vmem>>
    %dma_start3A_27 = arith.constant 0 : i32
    %dma_start3A_28 = arith.constant 0 : i32
    %dma_start3A_29 = tpu.memref_slice %arg2[%dma_start3A_27, %dma_start3A_28] : memref<10000x128xf32, #tpu.memory_space<hbm>> -> memref<10000x128xf32, #tpu.memory_space<hbm>>
    tpu.enqueue_indirect_dma source(%dma_start3A_29 : memref<10000x128xf32, #tpu.memory_space<hbm>>) target(%arg10 : memref<128x128xf32, #tpu.memory_space<vmem>>) offsets(%dma_start3A_26 : memref<128xi32, #tpu.memory_space<vmem>>) semaphore(%arg16 : memref<!tpu.dma_semaphore, #tpu.memory_space<semaphore_mem>>)
    %scan3A = arith.constant 0 : i32
    %scan3A_30 = arith.constant 20 : i32
    %scan3A_31 = arith.addi %scan3A, %scan3A_30 : i32
    %scan3A_32 = arith.constant 1 : i32
    scf.for %scan3A_56 = %scan3A to %scan3A_31 step %scan3A_32  : i32 {
      %mul3A_57 = arith.constant 2 : i32
      %mul3A_58 = arith.muli %scan3A_56, %mul3A_57 : i32
      %add3A_59 = arith.constant 0 : i32
      %add3A_60 = arith.addi %add3A_59, %mul3A_58 : i32
      %dma_wait3A = arith.constant 0 : i32
      %dma_wait3A_61 = tpu.memref_slice %arg7[%add3A_60, %dma_wait3A] : memref<40x128xi32, #tpu.memory_space<vmem>> -> memref<1x128xi32, #tpu.memory_space<vmem>>
      %dma_wait3A_62 = tpu.memref_squeeze %dma_wait3A_61 : memref<1x128xi32, #tpu.memory_space<vmem>> -> memref<128xi32, #tpu.memory_space<vmem>>
      %dma_wait3A_63 = arith.constant 0 : i32
      %dma_wait3A_64 = arith.constant 0 : i32
      %dma_wait3A_65 = tpu.memref_slice %arg2[%dma_wait3A_63, %dma_wait3A_64] : memref<10000x128xf32, #tpu.memory_space<hbm>> -> memref<10000x128xf32, #tpu.memory_space<hbm>>
      tpu.wait_indirect_dma semaphore(%arg15 : memref<!tpu.dma_semaphore, #tpu.memory_space<semaphore_mem>>) src(%dma_wait3A_65 : memref<10000x128xf32, #tpu.memory_space<hbm>>) dst(%arg9 : memref<128x128xf32, #tpu.memory_space<vmem>>)
      %dma_wait3A_66 = arith.constant 0 : i32
      %dma_wait3A_67 = tpu.memref_slice %arg8[%add3A_60, %dma_wait3A_66] : memref<40x128xi32, #tpu.memory_space<vmem>> -> memref<1x128xi32, #tpu.memory_space<vmem>>
      %dma_wait3A_68 = tpu.memref_squeeze %dma_wait3A_67 : memref<1x128xi32, #tpu.memory_space<vmem>> -> memref<128xi32, #tpu.memory_space<vmem>>
      %dma_wait3A_69 = arith.constant 0 : i32
      %dma_wait3A_70 = arith.constant 0 : i32
      %dma_wait3A_71 = tpu.memref_slice %arg2[%dma_wait3A_69, %dma_wait3A_70] : memref<10000x128xf32, #tpu.memory_space<hbm>> -> memref<10000x128xf32, #tpu.memory_space<hbm>>
      tpu.wait_indirect_dma semaphore(%arg16 : memref<!tpu.dma_semaphore, #tpu.memory_space<semaphore_mem>>) src(%dma_wait3A_71 : memref<10000x128xf32, #tpu.memory_space<hbm>>) dst(%arg10 : memref<128x128xf32, #tpu.memory_space<vmem>>)
      %add3A_72 = arith.constant 1 : i32
      %add3A_73 = arith.addi %add3A_60, %add3A_72 : i32
      %dma_start3A_74 = arith.constant 0 : i32
      %dma_start3A_75 = tpu.memref_slice %arg7[%add3A_73, %dma_start3A_74] : memref<40x128xi32, #tpu.memory_space<vmem>> -> memref<1x128xi32, #tpu.memory_space<vmem>>
      %dma_start3A_76 = tpu.memref_squeeze %dma_start3A_75 : memref<1x128xi32, #tpu.memory_space<vmem>> -> memref<128xi32, #tpu.memory_space<vmem>>
      %dma_start3A_77 = arith.constant 0 : i32
      %dma_start3A_78 = arith.constant 0 : i32
      %dma_start3A_79 = tpu.memref_slice %arg2[%dma_start3A_77, %dma_start3A_78] : memref<10000x128xf32, #tpu.memory_space<hbm>> -> memref<10000x128xf32, #tpu.memory_space<hbm>>
      tpu.enqueue_indirect_dma source(%dma_start3A_79 : memref<10000x128xf32, #tpu.memory_space<hbm>>) target(%arg11 : memref<128x128xf32, #tpu.memory_space<vmem>>) offsets(%dma_start3A_76 : memref<128xi32, #tpu.memory_space<vmem>>) semaphore(%arg17 : memref<!tpu.dma_semaphore, #tpu.memory_space<semaphore_mem>>)
      %add3A_80 = arith.constant 1 : i32
      %add3A_81 = arith.addi %add3A_60, %add3A_80 : i32
      %dma_start3A_82 = arith.constant 0 : i32
      %dma_start3A_83 = tpu.memref_slice %arg8[%add3A_81, %dma_start3A_82] : memref<40x128xi32, #tpu.memory_space<vmem>> -> memref<1x128xi32, #tpu.memory_space<vmem>>
      %dma_start3A_84 = tpu.memref_squeeze %dma_start3A_83 : memref<1x128xi32, #tpu.memory_space<vmem>> -> memref<128xi32, #tpu.memory_space<vmem>>
      %dma_start3A_85 = arith.constant 0 : i32
      %dma_start3A_86 = arith.constant 0 : i32
      %dma_start3A_87 = tpu.memref_slice %arg2[%dma_start3A_85, %dma_start3A_86] : memref<10000x128xf32, #tpu.memory_space<hbm>> -> memref<10000x128xf32, #tpu.memory_space<hbm>>
      tpu.enqueue_indirect_dma source(%dma_start3A_87 : memref<10000x128xf32, #tpu.memory_space<hbm>>) target(%arg12 : memref<128x128xf32, #tpu.memory_space<vmem>>) offsets(%dma_start3A_84 : memref<128xi32, #tpu.memory_space<vmem>>) semaphore(%arg18 : memref<!tpu.dma_semaphore, #tpu.memory_space<semaphore_mem>>)
      %add3A_88 = arith.addi %multiple_of3A_16, %add3A_60 : i32
      %scan3A_89 = arith.constant 0 : i32
      %scan3A_90 = arith.constant 128 : i32
      %scan3A_91 = arith.addi %scan3A_89, %scan3A_90 : i32
      %scan3A_92 = arith.constant 1 : i32
      scf.for %scan3A_130 = %scan3A_89 to %scan3A_91 step %scan3A_92  : i32 {
        %mul3A_131 = arith.constant 1 : i32
        %mul3A_132 = arith.muli %scan3A_130, %mul3A_131 : i32
        %add3A_133 = arith.constant 0 : i32
        %add3A_134 = arith.addi %add3A_133, %mul3A_132 : i32
        %broadcast_in_dim3A = arith.constant 0.000000e+00 : f32
        %broadcast_in_dim3A_135 = vector.broadcast %broadcast_in_dim3A : f32 to vector<16xf32>
        %get3A_136 = arith.index_cast %add3A_134 : i32 to index
        %get3A_137 = arith.constant 0 : index
        %get3A_138 = tpu.vector_load %arg9[%get3A_136, %get3A_137] {strides = array<i32>} : memref<128x128xf32, #tpu.memory_space<vmem>>, vector<1x16xf32>,
        %get3A_139 = vector.shape_cast %get3A_138 : vector<1x16xf32> to vector<16xf32>
        %get3A_140 = arith.index_cast %add3A_134 : i32 to index
        %get3A_141 = arith.constant 64 : index
        %get3A_142 = tpu.vector_load %arg10[%get3A_140, %get3A_141] {strides = array<i32>} : memref<128x128xf32, #tpu.memory_space<vmem>>, vector<1x16xf32>,
        %get3A_143 = vector.shape_cast %get3A_142 : vector<1x16xf32> to vector<16xf32>
        %add3A_144 = arith.addf %get3A_139, %get3A_143 : vector<16xf32>
        %max3A = arith.constant 0.000000e+00 : f32
        %max3A_145 = vector.broadcast %max3A : f32 to vector<16xf32>
        %max3A_146 = arith.maximumf %add3A_144, %max3A_145 : vector<16xf32>
        %mul3A_147 = arith.mulf %max3A_146, %get3A_4 : vector<16xf32>
        %add3A_148 = arith.addf %broadcast_in_dim3A_135, %mul3A_147 : vector<16xf32>
        %get3A_149 = arith.index_cast %add3A_134 : i32 to index
        %get3A_150 = arith.constant 16 : index
        %get3A_151 = tpu.vector_load %arg9[%get3A_149, %get3A_150] {strides = array<i32>} : memref<128x128xf32, #tpu.memory_space<vmem>>, vector<1x16xf32>,
        %get3A_152 = vector.shape_cast %get3A_151 : vector<1x16xf32> to vector<16xf32>
        %get3A_153 = arith.index_cast %add3A_134 : i32 to index
        %get3A_154 = arith.constant 80 : index
        %get3A_155 = tpu.vector_load %arg10[%get3A_153, %get3A_154] {strides = array<i32>} : memref<128x128xf32, #tpu.memory_space<vmem>>, vector<1x16xf32>,
        %get3A_156 = vector.shape_cast %get3A_155 : vector<1x16xf32> to vector<16xf32>
        %add3A_157 = arith.addf %get3A_152, %get3A_156 : vector<16xf32>
        %max3A_158 = arith.constant 0.000000e+00 : f32
        %max3A_159 = vector.broadcast %max3A_158 : f32 to vector<16xf32>
        %max3A_160 = arith.maximumf %add3A_157, %max3A_159 : vector<16xf32>
        %mul3A_161 = arith.mulf %max3A_160, %get3A_7 : vector<16xf32>
        %add3A_162 = arith.addf %add3A_148, %mul3A_161 : vector<16xf32>
        %get3A_163 = arith.index_cast %add3A_134 : i32 to index
        %get3A_164 = arith.constant 32 : index
        %get3A_165 = tpu.vector_load %arg9[%get3A_163, %get3A_164] {strides = array<i32>} : memref<128x128xf32, #tpu.memory_space<vmem>>, vector<1x16xf32>,
        %get3A_166 = vector.shape_cast %get3A_165 : vector<1x16xf32> to vector<16xf32>
        %get3A_167 = arith.index_cast %add3A_134 : i32 to index
        %get3A_168 = arith.constant 96 : index
        %get3A_169 = tpu.vector_load %arg10[%get3A_167, %get3A_168] {strides = array<i32>} : memref<128x128xf32, #tpu.memory_space<vmem>>, vector<1x16xf32>,
        %get3A_170 = vector.shape_cast %get3A_169 : vector<1x16xf32> to vector<16xf32>
        %add3A_171 = arith.addf %get3A_166, %get3A_170 : vector<16xf32>
        %max3A_172 = arith.constant 0.000000e+00 : f32
        %max3A_173 = vector.broadcast %max3A_172 : f32 to vector<16xf32>
        %max3A_174 = arith.maximumf %add3A_171, %max3A_173 : vector<16xf32>
        %mul3A_175 = arith.mulf %max3A_174, %get3A_10 : vector<16xf32>
        %add3A_176 = arith.addf %add3A_162, %mul3A_175 : vector<16xf32>
        %get3A_177 = arith.index_cast %add3A_134 : i32 to index
        %get3A_178 = arith.constant 48 : index
        %get3A_179 = tpu.vector_load %arg9[%get3A_177, %get3A_178] {strides = array<i32>} : memref<128x128xf32, #tpu.memory_space<vmem>>, vector<1x16xf32>,
        %get3A_180 = vector.shape_cast %get3A_179 : vector<1x16xf32> to vector<16xf32>
        %get3A_181 = arith.index_cast %add3A_134 : i32 to index
        %get3A_182 = arith.constant 112 : index
        %get3A_183 = tpu.vector_load %arg10[%get3A_181, %get3A_182] {strides = array<i32>} : memref<128x128xf32, #tpu.memory_space<vmem>>, vector<1x16xf32>,
        %get3A_184 = vector.shape_cast %get3A_183 : vector<1x16xf32> to vector<16xf32>
        %add3A_185 = arith.addf %get3A_180, %get3A_184 : vector<16xf32>
        %max3A_186 = arith.constant 0.000000e+00 : f32
        %max3A_187 = vector.broadcast %max3A_186 : f32 to vector<16xf32>
        %max3A_188 = arith.maximumf %add3A_185, %max3A_187 : vector<16xf32>
        %mul3A_189 = arith.mulf %max3A_188, %get3A_13 : vector<16xf32>
        %add3A_190 = arith.addf %add3A_176, %mul3A_189 : vector<16xf32>
        %mul3A_191 = arith.constant 16 : i32
        %mul3A_192 = arith.muli %add3A_134, %mul3A_191 : i32
        %multiple_of3A_193 = tpu.assume_multiple %mul3A_192, 16 : i32
        %swap3A = arith.index_cast %multiple_of3A_193 : i32 to index
        %swap3A_194 = tpu.vector_load %arg13[%swap3A] {strides = array<i32>} : memref<2048xf32, #tpu.memory_space<vmem>>, vector<16xf32>,
        %swap3A_195 = vector.shape_cast %swap3A_194 : vector<16xf32> to vector<16xf32>
        %swap3A_196 = vector.shape_cast %add3A_190 : vector<16xf32> to vector<16xf32>
        tpu.vector_store %arg13[%swap3A], %swap3A_196 {strides = array<i32>} : memref<2048xf32, #tpu.memory_space<vmem>>, vector<16xf32>,
      }
      %scan3A_93 = arith.constant 128 : i32
      %mul3A_94 = arith.constant 128 : i32
      %mul3A_95 = arith.muli %add3A_88, %mul3A_94 : i32
      %mul3A_96 = arith.constant 16 : i32
      %mul3A_97 = arith.muli %mul3A_95, %mul3A_96 : i32
      %multiple_of3A_98 = tpu.assume_multiple %mul3A_97, 128 : i32
      "tpu.region"() ({
        %run_scoped3A = tpu.sem_alloc : memref<!tpu.dma_semaphore, #tpu.memory_space<semaphore_mem>>
        %dma_start3A_130 = tpu.memref_slice %arg6[%multiple_of3A_98] : memref<5242880xf32, #tpu.memory_space<hbm>> -> memref<2048xf32, #tpu.memory_space<hbm>>
        %dma_start3A_131 = tpu.memref_slice %arg6[%multiple_of3A_98] : memref<5242880xf32, #tpu.memory_space<hbm>> -> memref<2048xf32, #tpu.memory_space<hbm>>
        tpu.enqueue_dma source(%arg13 : memref<2048xf32, #tpu.memory_space<vmem>>) target(%dma_start3A_131 : memref<2048xf32, #tpu.memory_space<hbm>>) target_semaphore(%run_scoped3A : memref<!tpu.dma_semaphore, #tpu.memory_space<semaphore_mem>>)
        %dma_wait3A_132 = tpu.memref_slice %arg6[%multiple_of3A_98] : memref<5242880xf32, #tpu.memory_space<hbm>> -> memref<2048xf32, #tpu.memory_space<hbm>>
        %dma_wait3A_133 = tpu.memref_slice %arg6[%multiple_of3A_98] : memref<5242880xf32, #tpu.memory_space<hbm>> -> memref<2048xf32, #tpu.memory_space<hbm>>
        tpu.wait_dma2 semaphore(%run_scoped3A : memref<!tpu.dma_semaphore, #tpu.memory_space<semaphore_mem>>) src(%arg13 : memref<2048xf32, #tpu.memory_space<vmem>>) dst(%dma_wait3A_133 : memref<2048xf32, #tpu.memory_space<hbm>>)
        tpu.yield
      }) : () -> ()
      %add3A_99 = arith.constant 1 : i32
      %add3A_100 = arith.addi %add3A_60, %add3A_99 : i32
      %dma_wait3A_101 = arith.constant 0 : i32
      %dma_wait3A_102 = tpu.memref_slice %arg7[%add3A_100, %dma_wait3A_101] : memref<40x128xi32, #tpu.memory_space<vmem>> -> memref<1x128xi32, #tpu.memory_space<vmem>>
      %dma_wait3A_103 = tpu.memref_squeeze %dma_wait3A_102 : memref<1x128xi32, #tpu.memory_space<vmem>> -> memref<128xi32, #tpu.memory_space<vmem>>
      %dma_wait3A_104 = arith.constant 0 : i32
      %dma_wait3A_105 = arith.constant 0 : i32
      %dma_wait3A_106 = tpu.memref_slice %arg2[%dma_wait3A_104, %dma_wait3A_105] : memref<10000x128xf32, #tpu.memory_space<hbm>> -> memref<10000x128xf32, #tpu.memory_space<hbm>>
      tpu.wait_indirect_dma semaphore(%arg17 : memref<!tpu.dma_semaphore, #tpu.memory_space<semaphore_mem>>) src(%dma_wait3A_106 : memref<10000x128xf32, #tpu.memory_space<hbm>>) dst(%arg11 : memref<128x128xf32, #tpu.memory_space<vmem>>)
      %add3A_107 = arith.constant 1 : i32
      %add3A_108 = arith.addi %add3A_60, %add3A_107 : i32
      %dma_wait3A_109 = arith.constant 0 : i32
      %dma_wait3A_110 = tpu.memref_slice %arg8[%add3A_108, %dma_wait3A_109] : memref<40x128xi32, #tpu.memory_space<vmem>> -> memref<1x128xi32, #tpu.memory_space<vmem>>
      %dma_wait3A_111 = tpu.memref_squeeze %dma_wait3A_110 : memref<1x128xi32, #tpu.memory_space<vmem>> -> memref<128xi32, #tpu.memory_space<vmem>>
      %dma_wait3A_112 = arith.constant 0 : i32
      %dma_wait3A_113 = arith.constant 0 : i32
      %dma_wait3A_114 = tpu.memref_slice %arg2[%dma_wait3A_112, %dma_wait3A_113] : memref<10000x128xf32, #tpu.memory_space<hbm>> -> memref<10000x128xf32, #tpu.memory_space<hbm>>
      tpu.wait_indirect_dma semaphore(%arg18 : memref<!tpu.dma_semaphore, #tpu.memory_space<semaphore_mem>>) src(%dma_wait3A_114 : memref<10000x128xf32, #tpu.memory_space<hbm>>) dst(%arg12 : memref<128x128xf32, #tpu.memory_space<vmem>>)
      %lt3A = arith.constant 38 : i32
      %lt3A_115 = arith.cmpi slt, %add3A_60, %lt3A : i32
      %convert_element_type3A = arith.extui %lt3A_115 : i1 to i32
      %cond3A = arith.constant 0 : i32
      %cond3A_116 = arith.cmpi ne, %convert_element_type3A, %cond3A : i32
      scf.if %cond3A_116 {
        %add3A_130 = arith.constant 2 : i32
        %add3A_131 = arith.addi %add3A_60, %add3A_130 : i32
        %dma_start3A_132 = arith.constant 0 : i32
        %dma_start3A_133 = tpu.memref_slice %arg7[%add3A_131, %dma_start3A_132] : memref<40x128xi32, #tpu.memory_space<vmem>> -> memref<1x128xi32, #tpu.memory_space<vmem>>
        %dma_start3A_134 = tpu.memref_squeeze %dma_start3A_133 : memref<1x128xi32, #tpu.memory_space<vmem>> -> memref<128xi32, #tpu.memory_space<vmem>>
        %dma_start3A_135 = arith.constant 0 : i32
        %dma_start3A_136 = arith.constant 0 : i32
        %dma_start3A_137 = tpu.memref_slice %arg2[%dma_start3A_135, %dma_start3A_136] : memref<10000x128xf32, #tpu.memory_space<hbm>> -> memref<10000x128xf32, #tpu.memory_space<hbm>>
        tpu.enqueue_indirect_dma source(%dma_start3A_137 : memref<10000x128xf32, #tpu.memory_space<hbm>>) target(%arg9 : memref<128x128xf32, #tpu.memory_space<vmem>>) offsets(%dma_start3A_134 : memref<128xi32, #tpu.memory_space<vmem>>) semaphore(%arg15 : memref<!tpu.dma_semaphore, #tpu.memory_space<semaphore_mem>>)
        %add3A_138 = arith.constant 2 : i32
        %add3A_139 = arith.addi %add3A_60, %add3A_138 : i32
        %dma_start3A_140 = arith.constant 0 : i32
        %dma_start3A_141 = tpu.memref_slice %arg8[%add3A_139, %dma_start3A_140] : memref<40x128xi32, #tpu.memory_space<vmem>> -> memref<1x128xi32, #tpu.memory_space<vmem>>
        %dma_start3A_142 = tpu.memref_squeeze %dma_start3A_141 : memref<1x128xi32, #tpu.memory_space<vmem>> -> memref<128xi32, #tpu.memory_space<vmem>>
        %dma_start3A_143 = arith.constant 0 : i32
        %dma_start3A_144 = arith.constant 0 : i32
        %dma_start3A_145 = tpu.memref_slice %arg2[%dma_start3A_143, %dma_start3A_144] : memref<10000x128xf32, #tpu.memory_space<hbm>> -> memref<10000x128xf32, #tpu.memory_space<hbm>>
        tpu.enqueue_indirect_dma source(%dma_start3A_145 : memref<10000x128xf32, #tpu.memory_space<hbm>>) target(%arg10 : memref<128x128xf32, #tpu.memory_space<vmem>>) offsets(%dma_start3A_142 : memref<128xi32, #tpu.memory_space<vmem>>) semaphore(%arg16 : memref<!tpu.dma_semaphore, #tpu.memory_space<semaphore_mem>>)
      } else {
      }
      %add3A_117 = arith.addi %multiple_of3A_16, %add3A_60 : i32
      %add3A_118 = arith.constant 1 : i32
      %add3A_119 = arith.addi %add3A_117, %add3A_118 : i32
      %scan3A_120 = arith.constant 0 : i32
      %scan3A_121 = arith.constant 128 : i32
      %scan3A_122 = arith.addi %scan3A_120, %scan3A_121 : i32
      %scan3A_123 = arith.constant 1 : i32
      scf.for %scan3A_130 = %scan3A_120 to %scan3A_122 step %scan3A_123  : i32 {
        %mul3A_131 = arith.constant 1 : i32
        %mul3A_132 = arith.muli %scan3A_130, %mul3A_131 : i32
        %add3A_133 = arith.constant 0 : i32
        %add3A_134 = arith.addi %add3A_133, %mul3A_132 : i32
        %broadcast_in_dim3A = arith.constant 0.000000e+00 : f32
        %broadcast_in_dim3A_135 = vector.broadcast %broadcast_in_dim3A : f32 to vector<16xf32>
        %get3A_136 = arith.index_cast %add3A_134 : i32 to index
        %get3A_137 = arith.constant 0 : index
        %get3A_138 = tpu.vector_load %arg11[%get3A_136, %get3A_137] {strides = array<i32>} : memref<128x128xf32, #tpu.memory_space<vmem>>, vector<1x16xf32>,
        %get3A_139 = vector.shape_cast %get3A_138 : vector<1x16xf32> to vector<16xf32>
        %get3A_140 = arith.index_cast %add3A_134 : i32 to index
        %get3A_141 = arith.constant 64 : index
        %get3A_142 = tpu.vector_load %arg12[%get3A_140, %get3A_141] {strides = array<i32>} : memref<128x128xf32, #tpu.memory_space<vmem>>, vector<1x16xf32>,
        %get3A_143 = vector.shape_cast %get3A_142 : vector<1x16xf32> to vector<16xf32>
        %add3A_144 = arith.addf %get3A_139, %get3A_143 : vector<16xf32>
        %max3A = arith.constant 0.000000e+00 : f32
        %max3A_145 = vector.broadcast %max3A : f32 to vector<16xf32>
        %max3A_146 = arith.maximumf %add3A_144, %max3A_145 : vector<16xf32>
        %mul3A_147 = arith.mulf %max3A_146, %get3A_4 : vector<16xf32>
        %add3A_148 = arith.addf %broadcast_in_dim3A_135, %mul3A_147 : vector<16xf32>
        %get3A_149 = arith.index_cast %add3A_134 : i32 to index
        %get3A_150 = arith.constant 16 : index
        %get3A_151 = tpu.vector_load %arg11[%get3A_149, %get3A_150] {strides = array<i32>} : memref<128x128xf32, #tpu.memory_space<vmem>>, vector<1x16xf32>,
        %get3A_152 = vector.shape_cast %get3A_151 : vector<1x16xf32> to vector<16xf32>
        %get3A_153 = arith.index_cast %add3A_134 : i32 to index
        %get3A_154 = arith.constant 80 : index
        %get3A_155 = tpu.vector_load %arg12[%get3A_153, %get3A_154] {strides = array<i32>} : memref<128x128xf32, #tpu.memory_space<vmem>>, vector<1x16xf32>,
        %get3A_156 = vector.shape_cast %get3A_155 : vector<1x16xf32> to vector<16xf32>
        %add3A_157 = arith.addf %get3A_152, %get3A_156 : vector<16xf32>
        %max3A_158 = arith.constant 0.000000e+00 : f32
        %max3A_159 = vector.broadcast %max3A_158 : f32 to vector<16xf32>
        %max3A_160 = arith.maximumf %add3A_157, %max3A_159 : vector<16xf32>
        %mul3A_161 = arith.mulf %max3A_160, %get3A_7 : vector<16xf32>
        %add3A_162 = arith.addf %add3A_148, %mul3A_161 : vector<16xf32>
        %get3A_163 = arith.index_cast %add3A_134 : i32 to index
        %get3A_164 = arith.constant 32 : index
        %get3A_165 = tpu.vector_load %arg11[%get3A_163, %get3A_164] {strides = array<i32>} : memref<128x128xf32, #tpu.memory_space<vmem>>, vector<1x16xf32>,
        %get3A_166 = vector.shape_cast %get3A_165 : vector<1x16xf32> to vector<16xf32>
        %get3A_167 = arith.index_cast %add3A_134 : i32 to index
        %get3A_168 = arith.constant 96 : index
        %get3A_169 = tpu.vector_load %arg12[%get3A_167, %get3A_168] {strides = array<i32>} : memref<128x128xf32, #tpu.memory_space<vmem>>, vector<1x16xf32>,
        %get3A_170 = vector.shape_cast %get3A_169 : vector<1x16xf32> to vector<16xf32>
        %add3A_171 = arith.addf %get3A_166, %get3A_170 : vector<16xf32>
        %max3A_172 = arith.constant 0.000000e+00 : f32
        %max3A_173 = vector.broadcast %max3A_172 : f32 to vector<16xf32>
        %max3A_174 = arith.maximumf %add3A_171, %max3A_173 : vector<16xf32>
        %mul3A_175 = arith.mulf %max3A_174, %get3A_10 : vector<16xf32>
        %add3A_176 = arith.addf %add3A_162, %mul3A_175 : vector<16xf32>
        %get3A_177 = arith.index_cast %add3A_134 : i32 to index
        %get3A_178 = arith.constant 48 : index
        %get3A_179 = tpu.vector_load %arg11[%get3A_177, %get3A_178] {strides = array<i32>} : memref<128x128xf32, #tpu.memory_space<vmem>>, vector<1x16xf32>,
        %get3A_180 = vector.shape_cast %get3A_179 : vector<1x16xf32> to vector<16xf32>
        %get3A_181 = arith.index_cast %add3A_134 : i32 to index
        %get3A_182 = arith.constant 112 : index
        %get3A_183 = tpu.vector_load %arg12[%get3A_181, %get3A_182] {strides = array<i32>} : memref<128x128xf32, #tpu.memory_space<vmem>>, vector<1x16xf32>,
        %get3A_184 = vector.shape_cast %get3A_183 : vector<1x16xf32> to vector<16xf32>
        %add3A_185 = arith.addf %get3A_180, %get3A_184 : vector<16xf32>
        %max3A_186 = arith.constant 0.000000e+00 : f32
        %max3A_187 = vector.broadcast %max3A_186 : f32 to vector<16xf32>
        %max3A_188 = arith.maximumf %add3A_185, %max3A_187 : vector<16xf32>
        %mul3A_189 = arith.mulf %max3A_188, %get3A_13 : vector<16xf32>
        %add3A_190 = arith.addf %add3A_176, %mul3A_189 : vector<16xf32>
        %mul3A_191 = arith.constant 16 : i32
        %mul3A_192 = arith.muli %add3A_134, %mul3A_191 : i32
        %multiple_of3A_193 = tpu.assume_multiple %mul3A_192, 16 : i32
        %swap3A = arith.index_cast %multiple_of3A_193 : i32 to index
        %swap3A_194 = tpu.vector_load %arg13[%swap3A] {strides = array<i32>} : memref<2048xf32, #tpu.memory_space<vmem>>, vector<16xf32>,
        %swap3A_195 = vector.shape_cast %swap3A_194 : vector<16xf32> to vector<16xf32>
        %swap3A_196 = vector.shape_cast %add3A_190 : vector<16xf32> to vector<16xf32>
        tpu.vector_store %arg13[%swap3A], %swap3A_196 {strides = array<i32>} : memref<2048xf32, #tpu.memory_space<vmem>>, vector<16xf32>,
      }
      %scan3A_124 = arith.constant 128 : i32
      %mul3A_125 = arith.constant 128 : i32
      %mul3A_126 = arith.muli %add3A_119, %mul3A_125 : i32
      %mul3A_127 = arith.constant 16 : i32
      %mul3A_128 = arith.muli %mul3A_126, %mul3A_127 : i32
      %multiple_of3A_129 = tpu.assume_multiple %mul3A_128, 128 : i32
      "tpu.region"() ({
        %run_scoped3A = tpu.sem_alloc : memref<!tpu.dma_semaphore, #tpu.memory_space<semaphore_mem>>
        %dma_start3A_130 = tpu.memref_slice %arg6[%multiple_of3A_129] : memref<5242880xf32, #tpu.memory_space<hbm>> -> memref<2048xf32, #tpu.memory_space<hbm>>
        %dma_start3A_131 = tpu.memref_slice %arg6[%multiple_of3A_129] : memref<5242880xf32, #tpu.memory_space<hbm>> -> memref<2048xf32, #tpu.memory_space<hbm>>
        tpu.enqueue_dma source(%arg13 : memref<2048xf32, #tpu.memory_space<vmem>>) target(%dma_start3A_131 : memref<2048xf32, #tpu.memory_space<hbm>>) target_semaphore(%run_scoped3A : memref<!tpu.dma_semaphore, #tpu.memory_space<semaphore_mem>>)
        %dma_wait3A_132 = tpu.memref_slice %arg6[%multiple_of3A_129] : memref<5242880xf32, #tpu.memory_space<hbm>> -> memref<2048xf32, #tpu.memory_space<hbm>>
        %dma_wait3A_133 = tpu.memref_slice %arg6[%multiple_of3A_129] : memref<5242880xf32, #tpu.memory_space<hbm>> -> memref<2048xf32, #tpu.memory_space<hbm>>
        tpu.wait_dma2 semaphore(%run_scoped3A : memref<!tpu.dma_semaphore, #tpu.memory_space<semaphore_mem>>) src(%arg13 : memref<2048xf32, #tpu.memory_space<vmem>>) dst(%dma_wait3A_133 : memref<2048xf32, #tpu.memory_space<hbm>>)
        tpu.yield
      }) : () -> ()
    }
    %scan3A_33 = arith.constant 20 : i32
    %add3A_34 = arith.constant 40 : i32
    %add3A_35 = arith.addi %multiple_of3A, %add3A_34 : i32
    %multiple_of3A_36 = tpu.assume_multiple %add3A_35, 8 : i32
    "tpu.region"() ({
      %run_scoped3A = tpu.sem_alloc : memref<!tpu.dma_semaphore, #tpu.memory_space<semaphore_mem>>
      %dma_start3A_56 = arith.constant 0 : i32
      %dma_start3A_57 = tpu.memref_slice %arg3[%multiple_of3A_36, %dma_start3A_56] : memref<2560x128xi32, #tpu.memory_space<hbm>> -> memref<40x128xi32, #tpu.memory_space<hbm>>
      %dma_start3A_58 = arith.constant 0 : i32
      %dma_start3A_59 = tpu.memref_slice %arg3[%multiple_of3A_36, %dma_start3A_58] : memref<2560x128xi32, #tpu.memory_space<hbm>> -> memref<40x128xi32, #tpu.memory_space<hbm>>
      tpu.enqueue_dma source(%dma_start3A_59 : memref<40x128xi32, #tpu.memory_space<hbm>>) target(%arg7 : memref<40x128xi32, #tpu.memory_space<vmem>>) target_semaphore(%run_scoped3A : memref<!tpu.dma_semaphore, #tpu.memory_space<semaphore_mem>>)
      %dma_wait3A = arith.constant 0 : i32
      %dma_wait3A_60 = tpu.memref_slice %arg3[%multiple_of3A_36, %dma_wait3A] : memref<2560x128xi32, #tpu.memory_space<hbm>> -> memref<40x128xi32, #tpu.memory_space<hbm>>
      %dma_wait3A_61 = arith.constant 0 : i32
      %dma_wait3A_62 = tpu.memref_slice %arg3[%multiple_of3A_36, %dma_wait3A_61] : memref<2560x128xi32, #tpu.memory_space<hbm>> -> memref<40x128xi32, #tpu.memory_space<hbm>>
      tpu.wait_dma2 semaphore(%run_scoped3A : memref<!tpu.dma_semaphore, #tpu.memory_space<semaphore_mem>>) src(%dma_wait3A_62 : memref<40x128xi32, #tpu.memory_space<hbm>>) dst(%arg7 : memref<40x128xi32, #tpu.memory_space<vmem>>)
      tpu.yield
    }) : () -> ()
    "tpu.region"() ({
      %run_scoped3A = tpu.sem_alloc : memref<!tpu.dma_semaphore, #tpu.memory_space<semaphore_mem>>
      %dma_start3A_56 = arith.constant 0 : i32
      %dma_start3A_57 = tpu.memref_slice %arg4[%multiple_of3A_36, %dma_start3A_56] : memref<2560x128xi32, #tpu.memory_space<hbm>> -> memref<40x128xi32, #tpu.memory_space<hbm>>
      %dma_start3A_58 = arith.constant 0 : i32
      %dma_start3A_59 = tpu.memref_slice %arg4[%multiple_of3A_36, %dma_start3A_58] : memref<2560x128xi32, #tpu.memory_space<hbm>> -> memref<40x128xi32, #tpu.memory_space<hbm>>
      tpu.enqueue_dma source(%dma_start3A_59 : memref<40x128xi32, #tpu.memory_space<hbm>>) target(%arg8 : memref<40x128xi32, #tpu.memory_space<vmem>>) target_semaphore(%run_scoped3A : memref<!tpu.dma_semaphore, #tpu.memory_space<semaphore_mem>>)
      %dma_wait3A = arith.constant 0 : i32
      %dma_wait3A_60 = tpu.memref_slice %arg4[%multiple_of3A_36, %dma_wait3A] : memref<2560x128xi32, #tpu.memory_space<hbm>> -> memref<40x128xi32, #tpu.memory_space<hbm>>
      %dma_wait3A_61 = arith.constant 0 : i32
      %dma_wait3A_62 = tpu.memref_slice %arg4[%multiple_of3A_36, %dma_wait3A_61] : memref<2560x128xi32, #tpu.memory_space<hbm>> -> memref<40x128xi32, #tpu.memory_space<hbm>>
      tpu.wait_dma2 semaphore(%run_scoped3A : memref<!tpu.dma_semaphore, #tpu.memory_space<semaphore_mem>>) src(%dma_wait3A_62 : memref<40x128xi32, #tpu.memory_space<hbm>>) dst(%arg8 : memref<40x128xi32, #tpu.memory_space<vmem>>)
      tpu.yield
    }) : () -> ()
    %dma_start3A_37 = arith.constant 0 : i32
    %dma_start3A_38 = arith.constant 0 : i32
    %dma_start3A_39 = tpu.memref_slice %arg7[%dma_start3A_37, %dma_start3A_38] : memref<40x128xi32, #tpu.memory_space<vmem>> -> memref<1x128xi32, #tpu.memory_space<vmem>>
    %dma_start3A_40 = tpu.memref_squeeze %dma_start3A_39 : memref<1x128xi32, #tpu.memory_space<vmem>> -> memref<128xi32, #tpu.memory_space<vmem>>
    %dma_start3A_41 = arith.constant 0 : i32
    %dma_start3A_42 = arith.constant 0 : i32
    %dma_start3A_43 = tpu.memref_slice %arg2[%dma_start3A_41, %dma_start3A_42] : memref<10000x128xf32, #tpu.memory_space<hbm>> -> memref<10000x128xf32, #tpu.memory_space<hbm>>
    tpu.enqueue_indirect_dma source(%dma_start3A_43 : memref<10000x128xf32, #tpu.memory_space<hbm>>) target(%arg9 : memref<128x128xf32, #tpu.memory_space<vmem>>) offsets(%dma_start3A_40 : memref<128xi32, #tpu.memory_space<vmem>>) semaphore(%arg15 : memref<!tpu.dma_semaphore, #tpu.memory_space<semaphore_mem>>)
    %dma_start3A_44 = arith.constant 0 : i32
    %dma_start3A_45 = arith.constant 0 : i32
    %dma_start3A_46 = tpu.memref_slice %arg8[%dma_start3A_44, %dma_start3A_45] : memref<40x128xi32, #tpu.memory_space<vmem>> -> memref<1x128xi32, #tpu.memory_space<vmem>>
    %dma_start3A_47 = tpu.memref_squeeze %dma_start3A_46 : memref<1x128xi32, #tpu.memory_space<vmem>> -> memref<128xi32, #tpu.memory_space<vmem>>
    %dma_start3A_48 = arith.constant 0 : i32
    %dma_start3A_49 = arith.constant 0 : i32
    %dma_start3A_50 = tpu.memref_slice %arg2[%dma_start3A_48, %dma_start3A_49] : memref<10000x128xf32, #tpu.memory_space<hbm>> -> memref<10000x128xf32, #tpu.memory_space<hbm>>
    tpu.enqueue_indirect_dma source(%dma_start3A_50 : memref<10000x128xf32, #tpu.memory_space<hbm>>) target(%arg10 : memref<128x128xf32, #tpu.memory_space<vmem>>) offsets(%dma_start3A_47 : memref<128xi32, #tpu.memory_space<vmem>>) semaphore(%arg16 : memref<!tpu.dma_semaphore, #tpu.memory_space<semaphore_mem>>)
    %scan3A_51 = arith.constant 0 : i32
    %scan3A_52 = arith.constant 20 : i32
    %scan3A_53 = arith.addi %scan3A_51, %scan3A_52 : i32
    %scan3A_54 = arith.constant 1 : i32
    scf.for %scan3A_56 = %scan3A_51 to %scan3A_53 step %scan3A_54  : i32 {
      %mul3A_57 = arith.constant 2 : i32
      %mul3A_58 = arith.muli %scan3A_56, %mul3A_57 : i32
      %add3A_59 = arith.constant 0 : i32
      %add3A_60 = arith.addi %add3A_59, %mul3A_58 : i32
      %dma_wait3A = arith.constant 0 : i32
      %dma_wait3A_61 = tpu.memref_slice %arg7[%add3A_60, %dma_wait3A] : memref<40x128xi32, #tpu.memory_space<vmem>> -> memref<1x128xi32, #tpu.memory_space<vmem>>
      %dma_wait3A_62 = tpu.memref_squeeze %dma_wait3A_61 : memref<1x128xi32, #tpu.memory_space<vmem>> -> memref<128xi32, #tpu.memory_space<vmem>>
      %dma_wait3A_63 = arith.constant 0 : i32
      %dma_wait3A_64 = arith.constant 0 : i32
      %dma_wait3A_65 = tpu.memref_slice %arg2[%dma_wait3A_63, %dma_wait3A_64] : memref<10000x128xf32, #tpu.memory_space<hbm>> -> memref<10000x128xf32, #tpu.memory_space<hbm>>
      tpu.wait_indirect_dma semaphore(%arg15 : memref<!tpu.dma_semaphore, #tpu.memory_space<semaphore_mem>>) src(%dma_wait3A_65 : memref<10000x128xf32, #tpu.memory_space<hbm>>) dst(%arg9 : memref<128x128xf32, #tpu.memory_space<vmem>>)
      %dma_wait3A_66 = arith.constant 0 : i32
      %dma_wait3A_67 = tpu.memref_slice %arg8[%add3A_60, %dma_wait3A_66] : memref<40x128xi32, #tpu.memory_space<vmem>> -> memref<1x128xi32, #tpu.memory_space<vmem>>
      %dma_wait3A_68 = tpu.memref_squeeze %dma_wait3A_67 : memref<1x128xi32, #tpu.memory_space<vmem>> -> memref<128xi32, #tpu.memory_space<vmem>>
      %dma_wait3A_69 = arith.constant 0 : i32
      %dma_wait3A_70 = arith.constant 0 : i32
      %dma_wait3A_71 = tpu.memref_slice %arg2[%dma_wait3A_69, %dma_wait3A_70] : memref<10000x128xf32, #tpu.memory_space<hbm>> -> memref<10000x128xf32, #tpu.memory_space<hbm>>
      tpu.wait_indirect_dma semaphore(%arg16 : memref<!tpu.dma_semaphore, #tpu.memory_space<semaphore_mem>>) src(%dma_wait3A_71 : memref<10000x128xf32, #tpu.memory_space<hbm>>) dst(%arg10 : memref<128x128xf32, #tpu.memory_space<vmem>>)
      %add3A_72 = arith.constant 1 : i32
      %add3A_73 = arith.addi %add3A_60, %add3A_72 : i32
      %dma_start3A_74 = arith.constant 0 : i32
      %dma_start3A_75 = tpu.memref_slice %arg7[%add3A_73, %dma_start3A_74] : memref<40x128xi32, #tpu.memory_space<vmem>> -> memref<1x128xi32, #tpu.memory_space<vmem>>
      %dma_start3A_76 = tpu.memref_squeeze %dma_start3A_75 : memref<1x128xi32, #tpu.memory_space<vmem>> -> memref<128xi32, #tpu.memory_space<vmem>>
      %dma_start3A_77 = arith.constant 0 : i32
      %dma_start3A_78 = arith.constant 0 : i32
      %dma_start3A_79 = tpu.memref_slice %arg2[%dma_start3A_77, %dma_start3A_78] : memref<10000x128xf32, #tpu.memory_space<hbm>> -> memref<10000x128xf32, #tpu.memory_space<hbm>>
      tpu.enqueue_indirect_dma source(%dma_start3A_79 : memref<10000x128xf32, #tpu.memory_space<hbm>>) target(%arg11 : memref<128x128xf32, #tpu.memory_space<vmem>>) offsets(%dma_start3A_76 : memref<128xi32, #tpu.memory_space<vmem>>) semaphore(%arg17 : memref<!tpu.dma_semaphore, #tpu.memory_space<semaphore_mem>>)
      %add3A_80 = arith.constant 1 : i32
      %add3A_81 = arith.addi %add3A_60, %add3A_80 : i32
      %dma_start3A_82 = arith.constant 0 : i32
      %dma_start3A_83 = tpu.memref_slice %arg8[%add3A_81, %dma_start3A_82] : memref<40x128xi32, #tpu.memory_space<vmem>> -> memref<1x128xi32, #tpu.memory_space<vmem>>
      %dma_start3A_84 = tpu.memref_squeeze %dma_start3A_83 : memref<1x128xi32, #tpu.memory_space<vmem>> -> memref<128xi32, #tpu.memory_space<vmem>>
      %dma_start3A_85 = arith.constant 0 : i32
      %dma_start3A_86 = arith.constant 0 : i32
      %dma_start3A_87 = tpu.memref_slice %arg2[%dma_start3A_85, %dma_start3A_86] : memref<10000x128xf32, #tpu.memory_space<hbm>> -> memref<10000x128xf32, #tpu.memory_space<hbm>>
      tpu.enqueue_indirect_dma source(%dma_start3A_87 : memref<10000x128xf32, #tpu.memory_space<hbm>>) target(%arg12 : memref<128x128xf32, #tpu.memory_space<vmem>>) offsets(%dma_start3A_84 : memref<128xi32, #tpu.memory_space<vmem>>) semaphore(%arg18 : memref<!tpu.dma_semaphore, #tpu.memory_space<semaphore_mem>>)
      %add3A_88 = arith.addi %multiple_of3A_36, %add3A_60 : i32
      %scan3A_89 = arith.constant 0 : i32
      %scan3A_90 = arith.constant 128 : i32
      %scan3A_91 = arith.addi %scan3A_89, %scan3A_90 : i32
      %scan3A_92 = arith.constant 1 : i32
      scf.for %scan3A_130 = %scan3A_89 to %scan3A_91 step %scan3A_92  : i32 {
        %mul3A_131 = arith.constant 1 : i32
        %mul3A_132 = arith.muli %scan3A_130, %mul3A_131 : i32
        %add3A_133 = arith.constant 0 : i32
        %add3A_134 = arith.addi %add3A_133, %mul3A_132 : i32
        %broadcast_in_dim3A = arith.constant 0.000000e+00 : f32
        %broadcast_in_dim3A_135 = vector.broadcast %broadcast_in_dim3A : f32 to vector<16xf32>
        %get3A_136 = arith.index_cast %add3A_134 : i32 to index
        %get3A_137 = arith.constant 0 : index
        %get3A_138 = tpu.vector_load %arg9[%get3A_136, %get3A_137] {strides = array<i32>} : memref<128x128xf32, #tpu.memory_space<vmem>>, vector<1x16xf32>,
        %get3A_139 = vector.shape_cast %get3A_138 : vector<1x16xf32> to vector<16xf32>
        %get3A_140 = arith.index_cast %add3A_134 : i32 to index
        %get3A_141 = arith.constant 64 : index
        %get3A_142 = tpu.vector_load %arg10[%get3A_140, %get3A_141] {strides = array<i32>} : memref<128x128xf32, #tpu.memory_space<vmem>>, vector<1x16xf32>,
        %get3A_143 = vector.shape_cast %get3A_142 : vector<1x16xf32> to vector<16xf32>
        %add3A_144 = arith.addf %get3A_139, %get3A_143 : vector<16xf32>
        %max3A = arith.constant 0.000000e+00 : f32
        %max3A_145 = vector.broadcast %max3A : f32 to vector<16xf32>
        %max3A_146 = arith.maximumf %add3A_144, %max3A_145 : vector<16xf32>
        %mul3A_147 = arith.mulf %max3A_146, %get3A_4 : vector<16xf32>
        %add3A_148 = arith.addf %broadcast_in_dim3A_135, %mul3A_147 : vector<16xf32>
        %get3A_149 = arith.index_cast %add3A_134 : i32 to index
        %get3A_150 = arith.constant 16 : index
        %get3A_151 = tpu.vector_load %arg9[%get3A_149, %get3A_150] {strides = array<i32>} : memref<128x128xf32, #tpu.memory_space<vmem>>, vector<1x16xf32>,
        %get3A_152 = vector.shape_cast %get3A_151 : vector<1x16xf32> to vector<16xf32>
        %get3A_153 = arith.index_cast %add3A_134 : i32 to index
        %get3A_154 = arith.constant 80 : index
        %get3A_155 = tpu.vector_load %arg10[%get3A_153, %get3A_154] {strides = array<i32>} : memref<128x128xf32, #tpu.memory_space<vmem>>, vector<1x16xf32>,
        %get3A_156 = vector.shape_cast %get3A_155 : vector<1x16xf32> to vector<16xf32>
        %add3A_157 = arith.addf %get3A_152, %get3A_156 : vector<16xf32>
        %max3A_158 = arith.constant 0.000000e+00 : f32
        %max3A_159 = vector.broadcast %max3A_158 : f32 to vector<16xf32>
        %max3A_160 = arith.maximumf %add3A_157, %max3A_159 : vector<16xf32>
        %mul3A_161 = arith.mulf %max3A_160, %get3A_7 : vector<16xf32>
        %add3A_162 = arith.addf %add3A_148, %mul3A_161 : vector<16xf32>
        %get3A_163 = arith.index_cast %add3A_134 : i32 to index
        %get3A_164 = arith.constant 32 : index
        %get3A_165 = tpu.vector_load %arg9[%get3A_163, %get3A_164] {strides = array<i32>} : memref<128x128xf32, #tpu.memory_space<vmem>>, vector<1x16xf32>,
        %get3A_166 = vector.shape_cast %get3A_165 : vector<1x16xf32> to vector<16xf32>
        %get3A_167 = arith.index_cast %add3A_134 : i32 to index
        %get3A_168 = arith.constant 96 : index
        %get3A_169 = tpu.vector_load %arg10[%get3A_167, %get3A_168] {strides = array<i32>} : memref<128x128xf32, #tpu.memory_space<vmem>>, vector<1x16xf32>,
        %get3A_170 = vector.shape_cast %get3A_169 : vector<1x16xf32> to vector<16xf32>
        %add3A_171 = arith.addf %get3A_166, %get3A_170 : vector<16xf32>
        %max3A_172 = arith.constant 0.000000e+00 : f32
        %max3A_173 = vector.broadcast %max3A_172 : f32 to vector<16xf32>
        %max3A_174 = arith.maximumf %add3A_171, %max3A_173 : vector<16xf32>
        %mul3A_175 = arith.mulf %max3A_174, %get3A_10 : vector<16xf32>
        %add3A_176 = arith.addf %add3A_162, %mul3A_175 : vector<16xf32>
        %get3A_177 = arith.index_cast %add3A_134 : i32 to index
        %get3A_178 = arith.constant 48 : index
        %get3A_179 = tpu.vector_load %arg9[%get3A_177, %get3A_178] {strides = array<i32>} : memref<128x128xf32, #tpu.memory_space<vmem>>, vector<1x16xf32>,
        %get3A_180 = vector.shape_cast %get3A_179 : vector<1x16xf32> to vector<16xf32>
        %get3A_181 = arith.index_cast %add3A_134 : i32 to index
        %get3A_182 = arith.constant 112 : index
        %get3A_183 = tpu.vector_load %arg10[%get3A_181, %get3A_182] {strides = array<i32>} : memref<128x128xf32, #tpu.memory_space<vmem>>, vector<1x16xf32>,
        %get3A_184 = vector.shape_cast %get3A_183 : vector<1x16xf32> to vector<16xf32>
        %add3A_185 = arith.addf %get3A_180, %get3A_184 : vector<16xf32>
        %max3A_186 = arith.constant 0.000000e+00 : f32
        %max3A_187 = vector.broadcast %max3A_186 : f32 to vector<16xf32>
        %max3A_188 = arith.maximumf %add3A_185, %max3A_187 : vector<16xf32>
        %mul3A_189 = arith.mulf %max3A_188, %get3A_13 : vector<16xf32>
        %add3A_190 = arith.addf %add3A_176, %mul3A_189 : vector<16xf32>
        %mul3A_191 = arith.constant 16 : i32
        %mul3A_192 = arith.muli %add3A_134, %mul3A_191 : i32
        %multiple_of3A_193 = tpu.assume_multiple %mul3A_192, 16 : i32
        %swap3A = arith.index_cast %multiple_of3A_193 : i32 to index
        %swap3A_194 = tpu.vector_load %arg13[%swap3A] {strides = array<i32>} : memref<2048xf32, #tpu.memory_space<vmem>>, vector<16xf32>,
        %swap3A_195 = vector.shape_cast %swap3A_194 : vector<16xf32> to vector<16xf32>
        %swap3A_196 = vector.shape_cast %add3A_190 : vector<16xf32> to vector<16xf32>
        tpu.vector_store %arg13[%swap3A], %swap3A_196 {strides = array<i32>} : memref<2048xf32, #tpu.memory_space<vmem>>, vector<16xf32>,
      }
      %scan3A_93 = arith.constant 128 : i32
      %mul3A_94 = arith.constant 128 : i32
      %mul3A_95 = arith.muli %add3A_88, %mul3A_94 : i32
      %mul3A_96 = arith.constant 16 : i32
      %mul3A_97 = arith.muli %mul3A_95, %mul3A_96 : i32
      %multiple_of3A_98 = tpu.assume_multiple %mul3A_97, 128 : i32
      "tpu.region"() ({
        %run_scoped3A = tpu.sem_alloc : memref<!tpu.dma_semaphore, #tpu.memory_space<semaphore_mem>>
        %dma_start3A_130 = tpu.memref_slice %arg6[%multiple_of3A_98] : memref<5242880xf32, #tpu.memory_space<hbm>> -> memref<2048xf32, #tpu.memory_space<hbm>>
        %dma_start3A_131 = tpu.memref_slice %arg6[%multiple_of3A_98] : memref<5242880xf32, #tpu.memory_space<hbm>> -> memref<2048xf32, #tpu.memory_space<hbm>>
        tpu.enqueue_dma source(%arg13 : memref<2048xf32, #tpu.memory_space<vmem>>) target(%dma_start3A_131 : memref<2048xf32, #tpu.memory_space<hbm>>) target_semaphore(%run_scoped3A : memref<!tpu.dma_semaphore, #tpu.memory_space<semaphore_mem>>)
        %dma_wait3A_132 = tpu.memref_slice %arg6[%multiple_of3A_98] : memref<5242880xf32, #tpu.memory_space<hbm>> -> memref<2048xf32, #tpu.memory_space<hbm>>
        %dma_wait3A_133 = tpu.memref_slice %arg6[%multiple_of3A_98] : memref<5242880xf32, #tpu.memory_space<hbm>> -> memref<2048xf32, #tpu.memory_space<hbm>>
        tpu.wait_dma2 semaphore(%run_scoped3A : memref<!tpu.dma_semaphore, #tpu.memory_space<semaphore_mem>>) src(%arg13 : memref<2048xf32, #tpu.memory_space<vmem>>) dst(%dma_wait3A_133 : memref<2048xf32, #tpu.memory_space<hbm>>)
        tpu.yield
      }) : () -> ()
      %add3A_99 = arith.constant 1 : i32
      %add3A_100 = arith.addi %add3A_60, %add3A_99 : i32
      %dma_wait3A_101 = arith.constant 0 : i32
      %dma_wait3A_102 = tpu.memref_slice %arg7[%add3A_100, %dma_wait3A_101] : memref<40x128xi32, #tpu.memory_space<vmem>> -> memref<1x128xi32, #tpu.memory_space<vmem>>
      %dma_wait3A_103 = tpu.memref_squeeze %dma_wait3A_102 : memref<1x128xi32, #tpu.memory_space<vmem>> -> memref<128xi32, #tpu.memory_space<vmem>>
      %dma_wait3A_104 = arith.constant 0 : i32
      %dma_wait3A_105 = arith.constant 0 : i32
      %dma_wait3A_106 = tpu.memref_slice %arg2[%dma_wait3A_104, %dma_wait3A_105] : memref<10000x128xf32, #tpu.memory_space<hbm>> -> memref<10000x128xf32, #tpu.memory_space<hbm>>
      tpu.wait_indirect_dma semaphore(%arg17 : memref<!tpu.dma_semaphore, #tpu.memory_space<semaphore_mem>>) src(%dma_wait3A_106 : memref<10000x128xf32, #tpu.memory_space<hbm>>) dst(%arg11 : memref<128x128xf32, #tpu.memory_space<vmem>>)
      %add3A_107 = arith.constant 1 : i32
      %add3A_108 = arith.addi %add3A_60, %add3A_107 : i32
      %dma_wait3A_109 = arith.constant 0 : i32
      %dma_wait3A_110 = tpu.memref_slice %arg8[%add3A_108, %dma_wait3A_109] : memref<40x128xi32, #tpu.memory_space<vmem>> -> memref<1x128xi32, #tpu.memory_space<vmem>>
      %dma_wait3A_111 = tpu.memref_squeeze %dma_wait3A_110 : memref<1x128xi32, #tpu.memory_space<vmem>> -> memref<128xi32, #tpu.memory_space<vmem>>
      %dma_wait3A_112 = arith.constant 0 : i32
      %dma_wait3A_113 = arith.constant 0 : i32
      %dma_wait3A_114 = tpu.memref_slice %arg2[%dma_wait3A_112, %dma_wait3A_113] : memref<10000x128xf32, #tpu.memory_space<hbm>> -> memref<10000x128xf32, #tpu.memory_space<hbm>>
      tpu.wait_indirect_dma semaphore(%arg18 : memref<!tpu.dma_semaphore, #tpu.memory_space<semaphore_mem>>) src(%dma_wait3A_114 : memref<10000x128xf32, #tpu.memory_space<hbm>>) dst(%arg12 : memref<128x128xf32, #tpu.memory_space<vmem>>)
      %lt3A = arith.constant 38 : i32
      %lt3A_115 = arith.cmpi slt, %add3A_60, %lt3A : i32
      %convert_element_type3A = arith.extui %lt3A_115 : i1 to i32
      %cond3A = arith.constant 0 : i32
      %cond3A_116 = arith.cmpi ne, %convert_element_type3A, %cond3A : i32
      scf.if %cond3A_116 {
        %add3A_130 = arith.constant 2 : i32
        %add3A_131 = arith.addi %add3A_60, %add3A_130 : i32
        %dma_start3A_132 = arith.constant 0 : i32
        %dma_start3A_133 = tpu.memref_slice %arg7[%add3A_131, %dma_start3A_132] : memref<40x128xi32, #tpu.memory_space<vmem>> -> memref<1x128xi32, #tpu.memory_space<vmem>>
        %dma_start3A_134 = tpu.memref_squeeze %dma_start3A_133 : memref<1x128xi32, #tpu.memory_space<vmem>> -> memref<128xi32, #tpu.memory_space<vmem>>
        %dma_start3A_135 = arith.constant 0 : i32
        %dma_start3A_136 = arith.constant 0 : i32
        %dma_start3A_137 = tpu.memref_slice %arg2[%dma_start3A_135, %dma_start3A_136] : memref<10000x128xf32, #tpu.memory_space<hbm>> -> memref<10000x128xf32, #tpu.memory_space<hbm>>
        tpu.enqueue_indirect_dma source(%dma_start3A_137 : memref<10000x128xf32, #tpu.memory_space<hbm>>) target(%arg9 : memref<128x128xf32, #tpu.memory_space<vmem>>) offsets(%dma_start3A_134 : memref<128xi32, #tpu.memory_space<vmem>>) semaphore(%arg15 : memref<!tpu.dma_semaphore, #tpu.memory_space<semaphore_mem>>)
        %add3A_138 = arith.constant 2 : i32
        %add3A_139 = arith.addi %add3A_60, %add3A_138 : i32
        %dma_start3A_140 = arith.constant 0 : i32
        %dma_start3A_141 = tpu.memref_slice %arg8[%add3A_139, %dma_start3A_140] : memref<40x128xi32, #tpu.memory_space<vmem>> -> memref<1x128xi32, #tpu.memory_space<vmem>>
        %dma_start3A_142 = tpu.memref_squeeze %dma_start3A_141 : memref<1x128xi32, #tpu.memory_space<vmem>> -> memref<128xi32, #tpu.memory_space<vmem>>
        %dma_start3A_143 = arith.constant 0 : i32
        %dma_start3A_144 = arith.constant 0 : i32
        %dma_start3A_145 = tpu.memref_slice %arg2[%dma_start3A_143, %dma_start3A_144] : memref<10000x128xf32, #tpu.memory_space<hbm>> -> memref<10000x128xf32, #tpu.memory_space<hbm>>
        tpu.enqueue_indirect_dma source(%dma_start3A_145 : memref<10000x128xf32, #tpu.memory_space<hbm>>) target(%arg10 : memref<128x128xf32, #tpu.memory_space<vmem>>) offsets(%dma_start3A_142 : memref<128xi32, #tpu.memory_space<vmem>>) semaphore(%arg16 : memref<!tpu.dma_semaphore, #tpu.memory_space<semaphore_mem>>)
      } else {
      }
      %add3A_117 = arith.addi %multiple_of3A_36, %add3A_60 : i32
      %add3A_118 = arith.constant 1 : i32
      %add3A_119 = arith.addi %add3A_117, %add3A_118 : i32
      %scan3A_120 = arith.constant 0 : i32
      %scan3A_121 = arith.constant 128 : i32
      %scan3A_122 = arith.addi %scan3A_120, %scan3A_121 : i32
      %scan3A_123 = arith.constant 1 : i32
      scf.for %scan3A_130 = %scan3A_120 to %scan3A_122 step %scan3A_123  : i32 {
        %mul3A_131 = arith.constant 1 : i32
        %mul3A_132 = arith.muli %scan3A_130, %mul3A_131 : i32
        %add3A_133 = arith.constant 0 : i32
        %add3A_134 = arith.addi %add3A_133, %mul3A_132 : i32
        %broadcast_in_dim3A = arith.constant 0.000000e+00 : f32
        %broadcast_in_dim3A_135 = vector.broadcast %broadcast_in_dim3A : f32 to vector<16xf32>
        %get3A_136 = arith.index_cast %add3A_134 : i32 to index
        %get3A_137 = arith.constant 0 : index
        %get3A_138 = tpu.vector_load %arg11[%get3A_136, %get3A_137] {strides = array<i32>} : memref<128x128xf32, #tpu.memory_space<vmem>>, vector<1x16xf32>,
        %get3A_139 = vector.shape_cast %get3A_138 : vector<1x16xf32> to vector<16xf32>
        %get3A_140 = arith.index_cast %add3A_134 : i32 to index
        %get3A_141 = arith.constant 64 : index
        %get3A_142 = tpu.vector_load %arg12[%get3A_140, %get3A_141] {strides = array<i32>} : memref<128x128xf32, #tpu.memory_space<vmem>>, vector<1x16xf32>,
        %get3A_143 = vector.shape_cast %get3A_142 : vector<1x16xf32> to vector<16xf32>
        %add3A_144 = arith.addf %get3A_139, %get3A_143 : vector<16xf32>
        %max3A = arith.constant 0.000000e+00 : f32
        %max3A_145 = vector.broadcast %max3A : f32 to vector<16xf32>
        %max3A_146 = arith.maximumf %add3A_144, %max3A_145 : vector<16xf32>
        %mul3A_147 = arith.mulf %max3A_146, %get3A_4 : vector<16xf32>
        %add3A_148 = arith.addf %broadcast_in_dim3A_135, %mul3A_147 : vector<16xf32>
        %get3A_149 = arith.index_cast %add3A_134 : i32 to index
        %get3A_150 = arith.constant 16 : index
        %get3A_151 = tpu.vector_load %arg11[%get3A_149, %get3A_150] {strides = array<i32>} : memref<128x128xf32, #tpu.memory_space<vmem>>, vector<1x16xf32>,
        %get3A_152 = vector.shape_cast %get3A_151 : vector<1x16xf32> to vector<16xf32>
        %get3A_153 = arith.index_cast %add3A_134 : i32 to index
        %get3A_154 = arith.constant 80 : index
        %get3A_155 = tpu.vector_load %arg12[%get3A_153, %get3A_154] {strides = array<i32>} : memref<128x128xf32, #tpu.memory_space<vmem>>, vector<1x16xf32>,
        %get3A_156 = vector.shape_cast %get3A_155 : vector<1x16xf32> to vector<16xf32>
        %add3A_157 = arith.addf %get3A_152, %get3A_156 : vector<16xf32>
        %max3A_158 = arith.constant 0.000000e+00 : f32
        %max3A_159 = vector.broadcast %max3A_158 : f32 to vector<16xf32>
        %max3A_160 = arith.maximumf %add3A_157, %max3A_159 : vector<16xf32>
        %mul3A_161 = arith.mulf %max3A_160, %get3A_7 : vector<16xf32>
        %add3A_162 = arith.addf %add3A_148, %mul3A_161 : vector<16xf32>
        %get3A_163 = arith.index_cast %add3A_134 : i32 to index
        %get3A_164 = arith.constant 32 : index
        %get3A_165 = tpu.vector_load %arg11[%get3A_163, %get3A_164] {strides = array<i32>} : memref<128x128xf32, #tpu.memory_space<vmem>>, vector<1x16xf32>,
        %get3A_166 = vector.shape_cast %get3A_165 : vector<1x16xf32> to vector<16xf32>
        %get3A_167 = arith.index_cast %add3A_134 : i32 to index
        %get3A_168 = arith.constant 96 : index
        %get3A_169 = tpu.vector_load %arg12[%get3A_167, %get3A_168] {strides = array<i32>} : memref<128x128xf32, #tpu.memory_space<vmem>>, vector<1x16xf32>,
        %get3A_170 = vector.shape_cast %get3A_169 : vector<1x16xf32> to vector<16xf32>
        %add3A_171 = arith.addf %get3A_166, %get3A_170 : vector<16xf32>
        %max3A_172 = arith.constant 0.000000e+00 : f32
        %max3A_173 = vector.broadcast %max3A_172 : f32 to vector<16xf32>
        %max3A_174 = arith.maximumf %add3A_171, %max3A_173 : vector<16xf32>
        %mul3A_175 = arith.mulf %max3A_174, %get3A_10 : vector<16xf32>
        %add3A_176 = arith.addf %add3A_162, %mul3A_175 : vector<16xf32>
        %get3A_177 = arith.index_cast %add3A_134 : i32 to index
        %get3A_178 = arith.constant 48 : index
        %get3A_179 = tpu.vector_load %arg11[%get3A_177, %get3A_178] {strides = array<i32>} : memref<128x128xf32, #tpu.memory_space<vmem>>, vector<1x16xf32>,
        %get3A_180 = vector.shape_cast %get3A_179 : vector<1x16xf32> to vector<16xf32>
        %get3A_181 = arith.index_cast %add3A_134 : i32 to index
        %get3A_182 = arith.constant 112 : index
        %get3A_183 = tpu.vector_load %arg12[%get3A_181, %get3A_182] {strides = array<i32>} : memref<128x128xf32, #tpu.memory_space<vmem>>, vector<1x16xf32>,
        %get3A_184 = vector.shape_cast %get3A_183 : vector<1x16xf32> to vector<16xf32>
        %add3A_185 = arith.addf %get3A_180, %get3A_184 : vector<16xf32>
        %max3A_186 = arith.constant 0.000000e+00 : f32
        %max3A_187 = vector.broadcast %max3A_186 : f32 to vector<16xf32>
        %max3A_188 = arith.maximumf %add3A_185, %max3A_187 : vector<16xf32>
        %mul3A_189 = arith.mulf %max3A_188, %get3A_13 : vector<16xf32>
        %add3A_190 = arith.addf %add3A_176, %mul3A_189 : vector<16xf32>
        %mul3A_191 = arith.constant 16 : i32
        %mul3A_192 = arith.muli %add3A_134, %mul3A_191 : i32
        %multiple_of3A_193 = tpu.assume_multiple %mul3A_192, 16 : i32
        %swap3A = arith.index_cast %multiple_of3A_193 : i32 to index
        %swap3A_194 = tpu.vector_load %arg13[%swap3A] {strides = array<i32>} : memref<2048xf32, #tpu.memory_space<vmem>>, vector<16xf32>,
        %swap3A_195 = vector.shape_cast %swap3A_194 : vector<16xf32> to vector<16xf32>
        %swap3A_196 = vector.shape_cast %add3A_190 : vector<16xf32> to vector<16xf32>
        tpu.vector_store %arg13[%swap3A], %swap3A_196 {strides = array<i32>} : memref<2048xf32, #tpu.memory_space<vmem>>, vector<16xf32>,
      }
      %scan3A_124 = arith.constant 128 : i32
      %mul3A_125 = arith.constant 128 : i32
      %mul3A_126 = arith.muli %add3A_119, %mul3A_125 : i32
      %mul3A_127 = arith.constant 16 : i32
      %mul3A_128 = arith.muli %mul3A_126, %mul3A_127 : i32
      %multiple_of3A_129 = tpu.assume_multiple %mul3A_128, 128 : i32
      "tpu.region"() ({
        %run_scoped3A = tpu.sem_alloc : memref<!tpu.dma_semaphore, #tpu.memory_space<semaphore_mem>>
        %dma_start3A_130 = tpu.memref_slice %arg6[%multiple_of3A_129] : memref<5242880xf32, #tpu.memory_space<hbm>> -> memref<2048xf32, #tpu.memory_space<hbm>>
        %dma_start3A_131 = tpu.memref_slice %arg6[%multiple_of3A_129] : memref<5242880xf32, #tpu.memory_space<hbm>> -> memref<2048xf32, #tpu.memory_space<hbm>>
        tpu.enqueue_dma source(%arg13 : memref<2048xf32, #tpu.memory_space<vmem>>) target(%dma_start3A_131 : memref<2048xf32, #tpu.memory_space<hbm>>) target_semaphore(%run_scoped3A : memref<!tpu.dma_semaphore, #tpu.memory_space<semaphore_mem>>)
        %dma_wait3A_132 = tpu.memref_slice %arg6[%multiple_of3A_129] : memref<5242880xf32, #tpu.memory_space<hbm>> -> memref<2048xf32, #tpu.memory_space<hbm>>
        %dma_wait3A_133 = tpu.memref_slice %arg6[%multiple_of3A_129] : memref<5242880xf32, #tpu.memory_space<hbm>> -> memref<2048xf32, #tpu.memory_space<hbm>>
        tpu.wait_dma2 semaphore(%run_scoped3A : memref<!tpu.dma_semaphore, #tpu.memory_space<semaphore_mem>>) src(%arg13 : memref<2048xf32, #tpu.memory_space<vmem>>) dst(%dma_wait3A_133 : memref<2048xf32, #tpu.memory_space<hbm>>)
        tpu.yield
      }) : () -> ()
    }
    %scan3A_55 = arith.constant 20 : i32
    return
  }
}

#map = affine_map<(d0, d1) -> (0, 0)>
module attributes {stable_mosaic.version = 14 : i64} {
  func.func @body(%arg0: i32, %arg1: i32, %arg2: memref<10000x128xf32, #tpu.memory_space<hbm>>, %arg3: memref<2560x128xi32, #tpu.memory_space<hbm>>, %arg4: memref<2560x128xi32, #tpu.memory_space<hbm>>, %arg5: memref<10016x128xf32, #tpu.memory_space<hbm>>, %arg6: memref<10000x128xf32, #tpu.memory_space<hbm>>, %arg7: memref<10000x128xf32, #tpu.memory_space<hbm>>, %arg8: memref<10016x128xf32, #tpu.memory_space<vmem_shared>>, %arg9: memref<40x128xi32, #tpu.memory_space<vmem>>, %arg10: memref<40x128xi32, #tpu.memory_space<vmem>>, %arg11: memref<128x128xf32, #tpu.memory_space<vmem>>, %arg12: memref<128x128xf32, #tpu.memory_space<vmem>>, %arg13: memref<!tpu.dma_semaphore, #tpu.memory_space<semaphore_mem>>, %arg14: memref<!tpu.dma_semaphore, #tpu.memory_space<semaphore_mem>>, %arg15: memref<!tpu.dma_semaphore, #tpu.memory_space<semaphore_mem>>) attributes {dimension_semantics = [#tpu.dimension_semantics<core_parallel>, #tpu.dimension_semantics<subcore_parallel>], iteration_bounds = array<i64: 2, 16>, scalar_prefetch = 0 : i64, scratch_operands = 8 : i64, tpu.core_type = #tpu.core_type<sc_vector_subcore>, window_params = [{transform_indices = #map}, {transform_indices = #map}, {transform_indices = #map}, {transform_indices = #map}, {transform_indices = #map}, {transform_indices = #map}]} {
    %mul3A = arith.constant 2 : i32
    %mul3A_0 = arith.muli %arg1, %mul3A : i32
    %add3A = arith.addi %mul3A_0, %arg0 : i32
    %mul3A_1 = arith.constant 80 : i32
    %mul3A_2 = arith.muli %add3A, %mul3A_1 : i32
    %multiple_of3A = tpu.assume_multiple %mul3A_2, 8 : i32
    %mul3A_3 = arith.constant 624 : i32
    %mul3A_4 = arith.muli %arg1, %mul3A_3 : i32
    %multiple_of3A_5 = tpu.assume_multiple %mul3A_4, 8 : i32
    %dma_start3A = arith.constant 0 : i32
    %dma_start3A_6 = tpu.memref_slice %arg8[%multiple_of3A_5, %dma_start3A] : memref<10016x128xf32, #tpu.memory_space<vmem_shared>> -> memref<624x128xf32, #tpu.memory_space<vmem_shared>>
    %dma_start3A_7 = arith.constant 0 : i32
    %dma_start3A_8 = tpu.memref_slice %arg5[%multiple_of3A_5, %dma_start3A_7] : memref<10016x128xf32, #tpu.memory_space<hbm>> -> memref<624x128xf32, #tpu.memory_space<hbm>>
    tpu.enqueue_dma source(%dma_start3A_8 : memref<624x128xf32, #tpu.memory_space<hbm>>) target(%dma_start3A_6 : memref<624x128xf32, #tpu.memory_space<vmem_shared>>) target_semaphore(%arg13 : memref<!tpu.dma_semaphore, #tpu.memory_space<semaphore_mem>>)
    %eq3A = arith.constant 15 : i32
    %eq3A_9 = arith.cmpi eq, %arg1, %eq3A : i32
    %convert_element_type3A = arith.extui %eq3A_9 : i1 to i32
    %cond3A = arith.constant 0 : i32
    %cond3A_10 = arith.cmpi ne, %convert_element_type3A, %cond3A : i32
    scf.if %cond3A_10 {
      "tpu.region"() ({
        %run_scoped3A = tpu.sem_alloc : memref<!tpu.dma_semaphore, #tpu.memory_space<semaphore_mem>>
        %dma_start3A_57 = arith.constant 9984 : i32
        %dma_start3A_58 = arith.constant 0 : i32
        %dma_start3A_59 = tpu.memref_slice %arg8[%dma_start3A_57, %dma_start3A_58] : memref<10016x128xf32, #tpu.memory_space<vmem_shared>> -> memref<32x128xf32, #tpu.memory_space<vmem_shared>>
        %dma_start3A_60 = arith.constant 9984 : i32
        %dma_start3A_61 = arith.constant 0 : i32
        %dma_start3A_62 = tpu.memref_slice %arg5[%dma_start3A_60, %dma_start3A_61] : memref<10016x128xf32, #tpu.memory_space<hbm>> -> memref<32x128xf32, #tpu.memory_space<hbm>>
        tpu.enqueue_dma source(%dma_start3A_62 : memref<32x128xf32, #tpu.memory_space<hbm>>) target(%dma_start3A_59 : memref<32x128xf32, #tpu.memory_space<vmem_shared>>) target_semaphore(%run_scoped3A : memref<!tpu.dma_semaphore, #tpu.memory_space<semaphore_mem>>)
        %dma_wait3A_63 = arith.constant 9984 : i32
        %dma_wait3A_64 = arith.constant 0 : i32
        %dma_wait3A_65 = tpu.memref_slice %arg8[%dma_wait3A_63, %dma_wait3A_64] : memref<10016x128xf32, #tpu.memory_space<vmem_shared>> -> memref<32x128xf32, #tpu.memory_space<vmem_shared>>
        %dma_wait3A_66 = arith.constant 9984 : i32
        %dma_wait3A_67 = arith.constant 0 : i32
        %dma_wait3A_68 = tpu.memref_slice %arg5[%dma_wait3A_66, %dma_wait3A_67] : memref<10016x128xf32, #tpu.memory_space<hbm>> -> memref<32x128xf32, #tpu.memory_space<hbm>>
        tpu.wait_dma2 semaphore(%run_scoped3A : memref<!tpu.dma_semaphore, #tpu.memory_space<semaphore_mem>>) src(%dma_wait3A_68 : memref<32x128xf32, #tpu.memory_space<hbm>>) dst(%dma_wait3A_65 : memref<32x128xf32, #tpu.memory_space<vmem_shared>>)
        tpu.yield
      }) : () -> ()
    } else {
    }
    %dma_wait3A = arith.constant 0 : i32
    %dma_wait3A_11 = tpu.memref_slice %arg8[%multiple_of3A_5, %dma_wait3A] : memref<10016x128xf32, #tpu.memory_space<vmem_shared>> -> memref<624x128xf32, #tpu.memory_space<vmem_shared>>
    %dma_wait3A_12 = arith.constant 0 : i32
    %dma_wait3A_13 = tpu.memref_slice %arg5[%multiple_of3A_5, %dma_wait3A_12] : memref<10016x128xf32, #tpu.memory_space<hbm>> -> memref<624x128xf32, #tpu.memory_space<hbm>>
    tpu.wait_dma2 semaphore(%arg13 : memref<!tpu.dma_semaphore, #tpu.memory_space<semaphore_mem>>) src(%dma_wait3A_13 : memref<624x128xf32, #tpu.memory_space<hbm>>) dst(%dma_wait3A_11 : memref<624x128xf32, #tpu.memory_space<vmem_shared>>)
    %barrier3A = arith.constant 0 : index
    tpu.barrier barrier_id(%barrier3A)
    %add3A_14 = arith.constant 0 : i32
    %add3A_15 = arith.addi %multiple_of3A, %add3A_14 : i32
    %multiple_of3A_16 = tpu.assume_multiple %add3A_15, 8 : i32
    "tpu.region"() ({
      %run_scoped3A = tpu.sem_alloc : memref<!tpu.dma_semaphore, #tpu.memory_space<semaphore_mem>>
      %dma_start3A_57 = arith.constant 0 : i32
      %dma_start3A_58 = tpu.memref_slice %arg3[%multiple_of3A_16, %dma_start3A_57] : memref<2560x128xi32, #tpu.memory_space<hbm>> -> memref<40x128xi32, #tpu.memory_space<hbm>>
      %dma_start3A_59 = arith.constant 0 : i32
      %dma_start3A_60 = tpu.memref_slice %arg3[%multiple_of3A_16, %dma_start3A_59] : memref<2560x128xi32, #tpu.memory_space<hbm>> -> memref<40x128xi32, #tpu.memory_space<hbm>>
      tpu.enqueue_dma source(%dma_start3A_60 : memref<40x128xi32, #tpu.memory_space<hbm>>) target(%arg9 : memref<40x128xi32, #tpu.memory_space<vmem>>) target_semaphore(%run_scoped3A : memref<!tpu.dma_semaphore, #tpu.memory_space<semaphore_mem>>)
      %dma_wait3A_61 = arith.constant 0 : i32
      %dma_wait3A_62 = tpu.memref_slice %arg3[%multiple_of3A_16, %dma_wait3A_61] : memref<2560x128xi32, #tpu.memory_space<hbm>> -> memref<40x128xi32, #tpu.memory_space<hbm>>
      %dma_wait3A_63 = arith.constant 0 : i32
      %dma_wait3A_64 = tpu.memref_slice %arg3[%multiple_of3A_16, %dma_wait3A_63] : memref<2560x128xi32, #tpu.memory_space<hbm>> -> memref<40x128xi32, #tpu.memory_space<hbm>>
      tpu.wait_dma2 semaphore(%run_scoped3A : memref<!tpu.dma_semaphore, #tpu.memory_space<semaphore_mem>>) src(%dma_wait3A_64 : memref<40x128xi32, #tpu.memory_space<hbm>>) dst(%arg9 : memref<40x128xi32, #tpu.memory_space<vmem>>)
      tpu.yield
    }) : () -> ()
    "tpu.region"() ({
      %run_scoped3A = tpu.sem_alloc : memref<!tpu.dma_semaphore, #tpu.memory_space<semaphore_mem>>
      %dma_start3A_57 = arith.constant 0 : i32
      %dma_start3A_58 = tpu.memref_slice %arg4[%multiple_of3A_16, %dma_start3A_57] : memref<2560x128xi32, #tpu.memory_space<hbm>> -> memref<40x128xi32, #tpu.memory_space<hbm>>
      %dma_start3A_59 = arith.constant 0 : i32
      %dma_start3A_60 = tpu.memref_slice %arg4[%multiple_of3A_16, %dma_start3A_59] : memref<2560x128xi32, #tpu.memory_space<hbm>> -> memref<40x128xi32, #tpu.memory_space<hbm>>
      tpu.enqueue_dma source(%dma_start3A_60 : memref<40x128xi32, #tpu.memory_space<hbm>>) target(%arg10 : memref<40x128xi32, #tpu.memory_space<vmem>>) target_semaphore(%run_scoped3A : memref<!tpu.dma_semaphore, #tpu.memory_space<semaphore_mem>>)
      %dma_wait3A_61 = arith.constant 0 : i32
      %dma_wait3A_62 = tpu.memref_slice %arg4[%multiple_of3A_16, %dma_wait3A_61] : memref<2560x128xi32, #tpu.memory_space<hbm>> -> memref<40x128xi32, #tpu.memory_space<hbm>>
      %dma_wait3A_63 = arith.constant 0 : i32
      %dma_wait3A_64 = tpu.memref_slice %arg4[%multiple_of3A_16, %dma_wait3A_63] : memref<2560x128xi32, #tpu.memory_space<hbm>> -> memref<40x128xi32, #tpu.memory_space<hbm>>
      tpu.wait_dma2 semaphore(%run_scoped3A : memref<!tpu.dma_semaphore, #tpu.memory_space<semaphore_mem>>) src(%dma_wait3A_64 : memref<40x128xi32, #tpu.memory_space<hbm>>) dst(%arg10 : memref<40x128xi32, #tpu.memory_space<vmem>>)
      tpu.yield
    }) : () -> ()
    %dma_start3A_17 = arith.constant 0 : i32
    %dma_start3A_18 = arith.constant 0 : i32
    %dma_start3A_19 = tpu.memref_slice %arg9[%dma_start3A_17, %dma_start3A_18] : memref<40x128xi32, #tpu.memory_space<vmem>> -> memref<1x128xi32, #tpu.memory_space<vmem>>
    %dma_start3A_20 = tpu.memref_squeeze %dma_start3A_19 : memref<1x128xi32, #tpu.memory_space<vmem>> -> memref<128xi32, #tpu.memory_space<vmem>>
    %dma_start3A_21 = arith.constant 0 : i32
    %dma_start3A_22 = arith.constant 0 : i32
    %dma_start3A_23 = tpu.memref_slice %arg2[%dma_start3A_21, %dma_start3A_22] : memref<10000x128xf32, #tpu.memory_space<hbm>> -> memref<10000x128xf32, #tpu.memory_space<hbm>>
    tpu.enqueue_indirect_dma source(%dma_start3A_23 : memref<10000x128xf32, #tpu.memory_space<hbm>>) target(%arg11 : memref<128x128xf32, #tpu.memory_space<vmem>>) offsets(%dma_start3A_20 : memref<128xi32, #tpu.memory_space<vmem>>) semaphore(%arg14 : memref<!tpu.dma_semaphore, #tpu.memory_space<semaphore_mem>>)
    %scan3A = arith.constant 0 : i32
    %scan3A_24 = arith.constant 20 : i32
    %scan3A_25 = arith.addi %scan3A, %scan3A_24 : i32
    %scan3A_26 = arith.constant 1 : i32
    scf.for %scan3A_57 = %scan3A to %scan3A_25 step %scan3A_26  : i32 {
      %mul3A_58 = arith.constant 2 : i32
      %mul3A_59 = arith.muli %scan3A_57, %mul3A_58 : i32
      %add3A_60 = arith.constant 0 : i32
      %add3A_61 = arith.addi %add3A_60, %mul3A_59 : i32
      %dma_wait3A_62 = arith.constant 0 : i32
      %dma_wait3A_63 = tpu.memref_slice %arg9[%add3A_61, %dma_wait3A_62] : memref<40x128xi32, #tpu.memory_space<vmem>> -> memref<1x128xi32, #tpu.memory_space<vmem>>
      %dma_wait3A_64 = tpu.memref_squeeze %dma_wait3A_63 : memref<1x128xi32, #tpu.memory_space<vmem>> -> memref<128xi32, #tpu.memory_space<vmem>>
      %dma_wait3A_65 = arith.constant 0 : i32
      %dma_wait3A_66 = arith.constant 0 : i32
      %dma_wait3A_67 = tpu.memref_slice %arg2[%dma_wait3A_65, %dma_wait3A_66] : memref<10000x128xf32, #tpu.memory_space<hbm>> -> memref<10000x128xf32, #tpu.memory_space<hbm>>
      tpu.wait_indirect_dma semaphore(%arg14 : memref<!tpu.dma_semaphore, #tpu.memory_space<semaphore_mem>>) src(%dma_wait3A_67 : memref<10000x128xf32, #tpu.memory_space<hbm>>) dst(%arg11 : memref<128x128xf32, #tpu.memory_space<vmem>>)
      %add3A_68 = arith.constant 1 : i32
      %add3A_69 = arith.addi %add3A_61, %add3A_68 : i32
      %dma_start3A_70 = arith.constant 0 : i32
      %dma_start3A_71 = tpu.memref_slice %arg9[%add3A_69, %dma_start3A_70] : memref<40x128xi32, #tpu.memory_space<vmem>> -> memref<1x128xi32, #tpu.memory_space<vmem>>
      %dma_start3A_72 = tpu.memref_squeeze %dma_start3A_71 : memref<1x128xi32, #tpu.memory_space<vmem>> -> memref<128xi32, #tpu.memory_space<vmem>>
      %dma_start3A_73 = arith.constant 0 : i32
      %dma_start3A_74 = arith.constant 0 : i32
      %dma_start3A_75 = tpu.memref_slice %arg2[%dma_start3A_73, %dma_start3A_74] : memref<10000x128xf32, #tpu.memory_space<hbm>> -> memref<10000x128xf32, #tpu.memory_space<hbm>>
      tpu.enqueue_indirect_dma source(%dma_start3A_75 : memref<10000x128xf32, #tpu.memory_space<hbm>>) target(%arg12 : memref<128x128xf32, #tpu.memory_space<vmem>>) offsets(%dma_start3A_72 : memref<128xi32, #tpu.memory_space<vmem>>) semaphore(%arg15 : memref<!tpu.dma_semaphore, #tpu.memory_space<semaphore_mem>>)
      "tpu.region"() ({
        %run_scoped3A = tpu.sem_alloc : memref<!tpu.dma_semaphore, #tpu.memory_space<semaphore_mem>>
        %dma_start3A_90 = arith.constant 0 : i32
        %dma_start3A_91 = tpu.memref_slice %arg10[%add3A_61, %dma_start3A_90] : memref<40x128xi32, #tpu.memory_space<vmem>> -> memref<1x128xi32, #tpu.memory_space<vmem>>
        %dma_start3A_92 = tpu.memref_squeeze %dma_start3A_91 : memref<1x128xi32, #tpu.memory_space<vmem>> -> memref<128xi32, #tpu.memory_space<vmem>>
        %dma_start3A_93 = arith.constant 0 : i32
        %dma_start3A_94 = arith.constant 0 : i32
        %dma_start3A_95 = tpu.memref_slice %arg8[%dma_start3A_93, %dma_start3A_94] : memref<10016x128xf32, #tpu.memory_space<vmem_shared>> -> memref<10016x128xf32, #tpu.memory_space<vmem_shared>>
        tpu.enqueue_indirect_dma source(%arg11 : memref<128x128xf32, #tpu.memory_space<vmem>>) target(%dma_start3A_95 : memref<10016x128xf32, #tpu.memory_space<vmem_shared>>) offsets(%dma_start3A_92 : memref<128xi32, #tpu.memory_space<vmem>>) semaphore(%run_scoped3A : memref<!tpu.dma_semaphore, #tpu.memory_space<semaphore_mem>>) {add = true}
        %dma_wait3A_96 = arith.constant 0 : i32
        %dma_wait3A_97 = tpu.memref_slice %arg10[%add3A_61, %dma_wait3A_96] : memref<40x128xi32, #tpu.memory_space<vmem>> -> memref<1x128xi32, #tpu.memory_space<vmem>>
        %dma_wait3A_98 = tpu.memref_squeeze %dma_wait3A_97 : memref<1x128xi32, #tpu.memory_space<vmem>> -> memref<128xi32, #tpu.memory_space<vmem>>
        %dma_wait3A_99 = arith.constant 0 : i32
        %dma_wait3A_100 = arith.constant 0 : i32
        %dma_wait3A_101 = tpu.memref_slice %arg8[%dma_wait3A_99, %dma_wait3A_100] : memref<10016x128xf32, #tpu.memory_space<vmem_shared>> -> memref<10016x128xf32, #tpu.memory_space<vmem_shared>>
        tpu.wait_indirect_dma semaphore(%run_scoped3A : memref<!tpu.dma_semaphore, #tpu.memory_space<semaphore_mem>>) src(%arg11 : memref<128x128xf32, #tpu.memory_space<vmem>>) dst(%dma_wait3A_101 : memref<10016x128xf32, #tpu.memory_space<vmem_shared>>)
        tpu.yield
      }) : () -> ()
      %add3A_76 = arith.constant 1 : i32
      %add3A_77 = arith.addi %add3A_61, %add3A_76 : i32
      %dma_wait3A_78 = arith.constant 0 : i32
      %dma_wait3A_79 = tpu.memref_slice %arg9[%add3A_77, %dma_wait3A_78] : memref<40x128xi32, #tpu.memory_space<vmem>> -> memref<1x128xi32, #tpu.memory_space<vmem>>
      %dma_wait3A_80 = tpu.memref_squeeze %dma_wait3A_79 : memref<1x128xi32, #tpu.memory_space<vmem>> -> memref<128xi32, #tpu.memory_space<vmem>>
      %dma_wait3A_81 = arith.constant 0 : i32
      %dma_wait3A_82 = arith.constant 0 : i32
      %dma_wait3A_83 = tpu.memref_slice %arg2[%dma_wait3A_81, %dma_wait3A_82] : memref<10000x128xf32, #tpu.memory_space<hbm>> -> memref<10000x128xf32, #tpu.memory_space<hbm>>
      tpu.wait_indirect_dma semaphore(%arg15 : memref<!tpu.dma_semaphore, #tpu.memory_space<semaphore_mem>>) src(%dma_wait3A_83 : memref<10000x128xf32, #tpu.memory_space<hbm>>) dst(%arg12 : memref<128x128xf32, #tpu.memory_space<vmem>>)
      %lt3A = arith.constant 38 : i32
      %lt3A_84 = arith.cmpi slt, %add3A_61, %lt3A : i32
      %convert_element_type3A_85 = arith.extui %lt3A_84 : i1 to i32
      %cond3A_86 = arith.constant 0 : i32
      %cond3A_87 = arith.cmpi ne, %convert_element_type3A_85, %cond3A_86 : i32
      scf.if %cond3A_87 {
        %add3A_90 = arith.constant 2 : i32
        %add3A_91 = arith.addi %add3A_61, %add3A_90 : i32
        %dma_start3A_92 = arith.constant 0 : i32
        %dma_start3A_93 = tpu.memref_slice %arg9[%add3A_91, %dma_start3A_92] : memref<40x128xi32, #tpu.memory_space<vmem>> -> memref<1x128xi32, #tpu.memory_space<vmem>>
        %dma_start3A_94 = tpu.memref_squeeze %dma_start3A_93 : memref<1x128xi32, #tpu.memory_space<vmem>> -> memref<128xi32, #tpu.memory_space<vmem>>
        %dma_start3A_95 = arith.constant 0 : i32
        %dma_start3A_96 = arith.constant 0 : i32
        %dma_start3A_97 = tpu.memref_slice %arg2[%dma_start3A_95, %dma_start3A_96] : memref<10000x128xf32, #tpu.memory_space<hbm>> -> memref<10000x128xf32, #tpu.memory_space<hbm>>
        tpu.enqueue_indirect_dma source(%dma_start3A_97 : memref<10000x128xf32, #tpu.memory_space<hbm>>) target(%arg11 : memref<128x128xf32, #tpu.memory_space<vmem>>) offsets(%dma_start3A_94 : memref<128xi32, #tpu.memory_space<vmem>>) semaphore(%arg14 : memref<!tpu.dma_semaphore, #tpu.memory_space<semaphore_mem>>)
      } else {
      }
      %add3A_88 = arith.constant 1 : i32
      %add3A_89 = arith.addi %add3A_61, %add3A_88 : i32
      "tpu.region"() ({
        %run_scoped3A = tpu.sem_alloc : memref<!tpu.dma_semaphore, #tpu.memory_space<semaphore_mem>>
        %dma_start3A_90 = arith.constant 0 : i32
        %dma_start3A_91 = tpu.memref_slice %arg10[%add3A_89, %dma_start3A_90] : memref<40x128xi32, #tpu.memory_space<vmem>> -> memref<1x128xi32, #tpu.memory_space<vmem>>
        %dma_start3A_92 = tpu.memref_squeeze %dma_start3A_91 : memref<1x128xi32, #tpu.memory_space<vmem>> -> memref<128xi32, #tpu.memory_space<vmem>>
        %dma_start3A_93 = arith.constant 0 : i32
        %dma_start3A_94 = arith.constant 0 : i32
        %dma_start3A_95 = tpu.memref_slice %arg8[%dma_start3A_93, %dma_start3A_94] : memref<10016x128xf32, #tpu.memory_space<vmem_shared>> -> memref<10016x128xf32, #tpu.memory_space<vmem_shared>>
        tpu.enqueue_indirect_dma source(%arg12 : memref<128x128xf32, #tpu.memory_space<vmem>>) target(%dma_start3A_95 : memref<10016x128xf32, #tpu.memory_space<vmem_shared>>) offsets(%dma_start3A_92 : memref<128xi32, #tpu.memory_space<vmem>>) semaphore(%run_scoped3A : memref<!tpu.dma_semaphore, #tpu.memory_space<semaphore_mem>>) {add = true}
        %dma_wait3A_96 = arith.constant 0 : i32
        %dma_wait3A_97 = tpu.memref_slice %arg10[%add3A_89, %dma_wait3A_96] : memref<40x128xi32, #tpu.memory_space<vmem>> -> memref<1x128xi32, #tpu.memory_space<vmem>>
        %dma_wait3A_98 = tpu.memref_squeeze %dma_wait3A_97 : memref<1x128xi32, #tpu.memory_space<vmem>> -> memref<128xi32, #tpu.memory_space<vmem>>
        %dma_wait3A_99 = arith.constant 0 : i32
        %dma_wait3A_100 = arith.constant 0 : i32
        %dma_wait3A_101 = tpu.memref_slice %arg8[%dma_wait3A_99, %dma_wait3A_100] : memref<10016x128xf32, #tpu.memory_space<vmem_shared>> -> memref<10016x128xf32, #tpu.memory_space<vmem_shared>>
        tpu.wait_indirect_dma semaphore(%run_scoped3A : memref<!tpu.dma_semaphore, #tpu.memory_space<semaphore_mem>>) src(%arg12 : memref<128x128xf32, #tpu.memory_space<vmem>>) dst(%dma_wait3A_101 : memref<10016x128xf32, #tpu.memory_space<vmem_shared>>)
        tpu.yield
      }) : () -> ()
    }
    %scan3A_27 = arith.constant 20 : i32
    %add3A_28 = arith.constant 40 : i32
    %add3A_29 = arith.addi %multiple_of3A, %add3A_28 : i32
    %multiple_of3A_30 = tpu.assume_multiple %add3A_29, 8 : i32
    "tpu.region"() ({
      %run_scoped3A = tpu.sem_alloc : memref<!tpu.dma_semaphore, #tpu.memory_space<semaphore_mem>>
      %dma_start3A_57 = arith.constant 0 : i32
      %dma_start3A_58 = tpu.memref_slice %arg3[%multiple_of3A_30, %dma_start3A_57] : memref<2560x128xi32, #tpu.memory_space<hbm>> -> memref<40x128xi32, #tpu.memory_space<hbm>>
      %dma_start3A_59 = arith.constant 0 : i32
      %dma_start3A_60 = tpu.memref_slice %arg3[%multiple_of3A_30, %dma_start3A_59] : memref<2560x128xi32, #tpu.memory_space<hbm>> -> memref<40x128xi32, #tpu.memory_space<hbm>>
      tpu.enqueue_dma source(%dma_start3A_60 : memref<40x128xi32, #tpu.memory_space<hbm>>) target(%arg9 : memref<40x128xi32, #tpu.memory_space<vmem>>) target_semaphore(%run_scoped3A : memref<!tpu.dma_semaphore, #tpu.memory_space<semaphore_mem>>)
      %dma_wait3A_61 = arith.constant 0 : i32
      %dma_wait3A_62 = tpu.memref_slice %arg3[%multiple_of3A_30, %dma_wait3A_61] : memref<2560x128xi32, #tpu.memory_space<hbm>> -> memref<40x128xi32, #tpu.memory_space<hbm>>
      %dma_wait3A_63 = arith.constant 0 : i32
      %dma_wait3A_64 = tpu.memref_slice %arg3[%multiple_of3A_30, %dma_wait3A_63] : memref<2560x128xi32, #tpu.memory_space<hbm>> -> memref<40x128xi32, #tpu.memory_space<hbm>>
      tpu.wait_dma2 semaphore(%run_scoped3A : memref<!tpu.dma_semaphore, #tpu.memory_space<semaphore_mem>>) src(%dma_wait3A_64 : memref<40x128xi32, #tpu.memory_space<hbm>>) dst(%arg9 : memref<40x128xi32, #tpu.memory_space<vmem>>)
      tpu.yield
    }) : () -> ()
    "tpu.region"() ({
      %run_scoped3A = tpu.sem_alloc : memref<!tpu.dma_semaphore, #tpu.memory_space<semaphore_mem>>
      %dma_start3A_57 = arith.constant 0 : i32
      %dma_start3A_58 = tpu.memref_slice %arg4[%multiple_of3A_30, %dma_start3A_57] : memref<2560x128xi32, #tpu.memory_space<hbm>> -> memref<40x128xi32, #tpu.memory_space<hbm>>
      %dma_start3A_59 = arith.constant 0 : i32
      %dma_start3A_60 = tpu.memref_slice %arg4[%multiple_of3A_30, %dma_start3A_59] : memref<2560x128xi32, #tpu.memory_space<hbm>> -> memref<40x128xi32, #tpu.memory_space<hbm>>
      tpu.enqueue_dma source(%dma_start3A_60 : memref<40x128xi32, #tpu.memory_space<hbm>>) target(%arg10 : memref<40x128xi32, #tpu.memory_space<vmem>>) target_semaphore(%run_scoped3A : memref<!tpu.dma_semaphore, #tpu.memory_space<semaphore_mem>>)
      %dma_wait3A_61 = arith.constant 0 : i32
      %dma_wait3A_62 = tpu.memref_slice %arg4[%multiple_of3A_30, %dma_wait3A_61] : memref<2560x128xi32, #tpu.memory_space<hbm>> -> memref<40x128xi32, #tpu.memory_space<hbm>>
      %dma_wait3A_63 = arith.constant 0 : i32
      %dma_wait3A_64 = tpu.memref_slice %arg4[%multiple_of3A_30, %dma_wait3A_63] : memref<2560x128xi32, #tpu.memory_space<hbm>> -> memref<40x128xi32, #tpu.memory_space<hbm>>
      tpu.wait_dma2 semaphore(%run_scoped3A : memref<!tpu.dma_semaphore, #tpu.memory_space<semaphore_mem>>) src(%dma_wait3A_64 : memref<40x128xi32, #tpu.memory_space<hbm>>) dst(%arg10 : memref<40x128xi32, #tpu.memory_space<vmem>>)
      tpu.yield
    }) : () -> ()
    %dma_start3A_31 = arith.constant 0 : i32
    %dma_start3A_32 = arith.constant 0 : i32
    %dma_start3A_33 = tpu.memref_slice %arg9[%dma_start3A_31, %dma_start3A_32] : memref<40x128xi32, #tpu.memory_space<vmem>> -> memref<1x128xi32, #tpu.memory_space<vmem>>
    %dma_start3A_34 = tpu.memref_squeeze %dma_start3A_33 : memref<1x128xi32, #tpu.memory_space<vmem>> -> memref<128xi32, #tpu.memory_space<vmem>>
    %dma_start3A_35 = arith.constant 0 : i32
    %dma_start3A_36 = arith.constant 0 : i32
    %dma_start3A_37 = tpu.memref_slice %arg2[%dma_start3A_35, %dma_start3A_36] : memref<10000x128xf32, #tpu.memory_space<hbm>> -> memref<10000x128xf32, #tpu.memory_space<hbm>>
    tpu.enqueue_indirect_dma source(%dma_start3A_37 : memref<10000x128xf32, #tpu.memory_space<hbm>>) target(%arg11 : memref<128x128xf32, #tpu.memory_space<vmem>>) offsets(%dma_start3A_34 : memref<128xi32, #tpu.memory_space<vmem>>) semaphore(%arg14 : memref<!tpu.dma_semaphore, #tpu.memory_space<semaphore_mem>>)
    %scan3A_38 = arith.constant 0 : i32
    %scan3A_39 = arith.constant 20 : i32
    %scan3A_40 = arith.addi %scan3A_38, %scan3A_39 : i32
    %scan3A_41 = arith.constant 1 : i32
    scf.for %scan3A_57 = %scan3A_38 to %scan3A_40 step %scan3A_41  : i32 {
      %mul3A_58 = arith.constant 2 : i32
      %mul3A_59 = arith.muli %scan3A_57, %mul3A_58 : i32
      %add3A_60 = arith.constant 0 : i32
      %add3A_61 = arith.addi %add3A_60, %mul3A_59 : i32
      %dma_wait3A_62 = arith.constant 0 : i32
      %dma_wait3A_63 = tpu.memref_slice %arg9[%add3A_61, %dma_wait3A_62] : memref<40x128xi32, #tpu.memory_space<vmem>> -> memref<1x128xi32, #tpu.memory_space<vmem>>
      %dma_wait3A_64 = tpu.memref_squeeze %dma_wait3A_63 : memref<1x128xi32, #tpu.memory_space<vmem>> -> memref<128xi32, #tpu.memory_space<vmem>>
      %dma_wait3A_65 = arith.constant 0 : i32
      %dma_wait3A_66 = arith.constant 0 : i32
      %dma_wait3A_67 = tpu.memref_slice %arg2[%dma_wait3A_65, %dma_wait3A_66] : memref<10000x128xf32, #tpu.memory_space<hbm>> -> memref<10000x128xf32, #tpu.memory_space<hbm>>
      tpu.wait_indirect_dma semaphore(%arg14 : memref<!tpu.dma_semaphore, #tpu.memory_space<semaphore_mem>>) src(%dma_wait3A_67 : memref<10000x128xf32, #tpu.memory_space<hbm>>) dst(%arg11 : memref<128x128xf32, #tpu.memory_space<vmem>>)
      %add3A_68 = arith.constant 1 : i32
      %add3A_69 = arith.addi %add3A_61, %add3A_68 : i32
      %dma_start3A_70 = arith.constant 0 : i32
      %dma_start3A_71 = tpu.memref_slice %arg9[%add3A_69, %dma_start3A_70] : memref<40x128xi32, #tpu.memory_space<vmem>> -> memref<1x128xi32, #tpu.memory_space<vmem>>
      %dma_start3A_72 = tpu.memref_squeeze %dma_start3A_71 : memref<1x128xi32, #tpu.memory_space<vmem>> -> memref<128xi32, #tpu.memory_space<vmem>>
      %dma_start3A_73 = arith.constant 0 : i32
      %dma_start3A_74 = arith.constant 0 : i32
      %dma_start3A_75 = tpu.memref_slice %arg2[%dma_start3A_73, %dma_start3A_74] : memref<10000x128xf32, #tpu.memory_space<hbm>> -> memref<10000x128xf32, #tpu.memory_space<hbm>>
      tpu.enqueue_indirect_dma source(%dma_start3A_75 : memref<10000x128xf32, #tpu.memory_space<hbm>>) target(%arg12 : memref<128x128xf32, #tpu.memory_space<vmem>>) offsets(%dma_start3A_72 : memref<128xi32, #tpu.memory_space<vmem>>) semaphore(%arg15 : memref<!tpu.dma_semaphore, #tpu.memory_space<semaphore_mem>>)
      "tpu.region"() ({
        %run_scoped3A = tpu.sem_alloc : memref<!tpu.dma_semaphore, #tpu.memory_space<semaphore_mem>>
        %dma_start3A_90 = arith.constant 0 : i32
        %dma_start3A_91 = tpu.memref_slice %arg10[%add3A_61, %dma_start3A_90] : memref<40x128xi32, #tpu.memory_space<vmem>> -> memref<1x128xi32, #tpu.memory_space<vmem>>
        %dma_start3A_92 = tpu.memref_squeeze %dma_start3A_91 : memref<1x128xi32, #tpu.memory_space<vmem>> -> memref<128xi32, #tpu.memory_space<vmem>>
        %dma_start3A_93 = arith.constant 0 : i32
        %dma_start3A_94 = arith.constant 0 : i32
        %dma_start3A_95 = tpu.memref_slice %arg8[%dma_start3A_93, %dma_start3A_94] : memref<10016x128xf32, #tpu.memory_space<vmem_shared>> -> memref<10016x128xf32, #tpu.memory_space<vmem_shared>>
        tpu.enqueue_indirect_dma source(%arg11 : memref<128x128xf32, #tpu.memory_space<vmem>>) target(%dma_start3A_95 : memref<10016x128xf32, #tpu.memory_space<vmem_shared>>) offsets(%dma_start3A_92 : memref<128xi32, #tpu.memory_space<vmem>>) semaphore(%run_scoped3A : memref<!tpu.dma_semaphore, #tpu.memory_space<semaphore_mem>>) {add = true}
        %dma_wait3A_96 = arith.constant 0 : i32
        %dma_wait3A_97 = tpu.memref_slice %arg10[%add3A_61, %dma_wait3A_96] : memref<40x128xi32, #tpu.memory_space<vmem>> -> memref<1x128xi32, #tpu.memory_space<vmem>>
        %dma_wait3A_98 = tpu.memref_squeeze %dma_wait3A_97 : memref<1x128xi32, #tpu.memory_space<vmem>> -> memref<128xi32, #tpu.memory_space<vmem>>
        %dma_wait3A_99 = arith.constant 0 : i32
        %dma_wait3A_100 = arith.constant 0 : i32
        %dma_wait3A_101 = tpu.memref_slice %arg8[%dma_wait3A_99, %dma_wait3A_100] : memref<10016x128xf32, #tpu.memory_space<vmem_shared>> -> memref<10016x128xf32, #tpu.memory_space<vmem_shared>>
        tpu.wait_indirect_dma semaphore(%run_scoped3A : memref<!tpu.dma_semaphore, #tpu.memory_space<semaphore_mem>>) src(%arg11 : memref<128x128xf32, #tpu.memory_space<vmem>>) dst(%dma_wait3A_101 : memref<10016x128xf32, #tpu.memory_space<vmem_shared>>)
        tpu.yield
      }) : () -> ()
      %add3A_76 = arith.constant 1 : i32
      %add3A_77 = arith.addi %add3A_61, %add3A_76 : i32
      %dma_wait3A_78 = arith.constant 0 : i32
      %dma_wait3A_79 = tpu.memref_slice %arg9[%add3A_77, %dma_wait3A_78] : memref<40x128xi32, #tpu.memory_space<vmem>> -> memref<1x128xi32, #tpu.memory_space<vmem>>
      %dma_wait3A_80 = tpu.memref_squeeze %dma_wait3A_79 : memref<1x128xi32, #tpu.memory_space<vmem>> -> memref<128xi32, #tpu.memory_space<vmem>>
      %dma_wait3A_81 = arith.constant 0 : i32
      %dma_wait3A_82 = arith.constant 0 : i32
      %dma_wait3A_83 = tpu.memref_slice %arg2[%dma_wait3A_81, %dma_wait3A_82] : memref<10000x128xf32, #tpu.memory_space<hbm>> -> memref<10000x128xf32, #tpu.memory_space<hbm>>
      tpu.wait_indirect_dma semaphore(%arg15 : memref<!tpu.dma_semaphore, #tpu.memory_space<semaphore_mem>>) src(%dma_wait3A_83 : memref<10000x128xf32, #tpu.memory_space<hbm>>) dst(%arg12 : memref<128x128xf32, #tpu.memory_space<vmem>>)
      %lt3A = arith.constant 38 : i32
      %lt3A_84 = arith.cmpi slt, %add3A_61, %lt3A : i32
      %convert_element_type3A_85 = arith.extui %lt3A_84 : i1 to i32
      %cond3A_86 = arith.constant 0 : i32
      %cond3A_87 = arith.cmpi ne, %convert_element_type3A_85, %cond3A_86 : i32
      scf.if %cond3A_87 {
        %add3A_90 = arith.constant 2 : i32
        %add3A_91 = arith.addi %add3A_61, %add3A_90 : i32
        %dma_start3A_92 = arith.constant 0 : i32
        %dma_start3A_93 = tpu.memref_slice %arg9[%add3A_91, %dma_start3A_92] : memref<40x128xi32, #tpu.memory_space<vmem>> -> memref<1x128xi32, #tpu.memory_space<vmem>>
        %dma_start3A_94 = tpu.memref_squeeze %dma_start3A_93 : memref<1x128xi32, #tpu.memory_space<vmem>> -> memref<128xi32, #tpu.memory_space<vmem>>
        %dma_start3A_95 = arith.constant 0 : i32
        %dma_start3A_96 = arith.constant 0 : i32
        %dma_start3A_97 = tpu.memref_slice %arg2[%dma_start3A_95, %dma_start3A_96] : memref<10000x128xf32, #tpu.memory_space<hbm>> -> memref<10000x128xf32, #tpu.memory_space<hbm>>
        tpu.enqueue_indirect_dma source(%dma_start3A_97 : memref<10000x128xf32, #tpu.memory_space<hbm>>) target(%arg11 : memref<128x128xf32, #tpu.memory_space<vmem>>) offsets(%dma_start3A_94 : memref<128xi32, #tpu.memory_space<vmem>>) semaphore(%arg14 : memref<!tpu.dma_semaphore, #tpu.memory_space<semaphore_mem>>)
      } else {
      }
      %add3A_88 = arith.constant 1 : i32
      %add3A_89 = arith.addi %add3A_61, %add3A_88 : i32
      "tpu.region"() ({
        %run_scoped3A = tpu.sem_alloc : memref<!tpu.dma_semaphore, #tpu.memory_space<semaphore_mem>>
        %dma_start3A_90 = arith.constant 0 : i32
        %dma_start3A_91 = tpu.memref_slice %arg10[%add3A_89, %dma_start3A_90] : memref<40x128xi32, #tpu.memory_space<vmem>> -> memref<1x128xi32, #tpu.memory_space<vmem>>
        %dma_start3A_92 = tpu.memref_squeeze %dma_start3A_91 : memref<1x128xi32, #tpu.memory_space<vmem>> -> memref<128xi32, #tpu.memory_space<vmem>>
        %dma_start3A_93 = arith.constant 0 : i32
        %dma_start3A_94 = arith.constant 0 : i32
        %dma_start3A_95 = tpu.memref_slice %arg8[%dma_start3A_93, %dma_start3A_94] : memref<10016x128xf32, #tpu.memory_space<vmem_shared>> -> memref<10016x128xf32, #tpu.memory_space<vmem_shared>>
        tpu.enqueue_indirect_dma source(%arg12 : memref<128x128xf32, #tpu.memory_space<vmem>>) target(%dma_start3A_95 : memref<10016x128xf32, #tpu.memory_space<vmem_shared>>) offsets(%dma_start3A_92 : memref<128xi32, #tpu.memory_space<vmem>>) semaphore(%run_scoped3A : memref<!tpu.dma_semaphore, #tpu.memory_space<semaphore_mem>>) {add = true}
        %dma_wait3A_96 = arith.constant 0 : i32
        %dma_wait3A_97 = tpu.memref_slice %arg10[%add3A_89, %dma_wait3A_96] : memref<40x128xi32, #tpu.memory_space<vmem>> -> memref<1x128xi32, #tpu.memory_space<vmem>>
        %dma_wait3A_98 = tpu.memref_squeeze %dma_wait3A_97 : memref<1x128xi32, #tpu.memory_space<vmem>> -> memref<128xi32, #tpu.memory_space<vmem>>
        %dma_wait3A_99 = arith.constant 0 : i32
        %dma_wait3A_100 = arith.constant 0 : i32
        %dma_wait3A_101 = tpu.memref_slice %arg8[%dma_wait3A_99, %dma_wait3A_100] : memref<10016x128xf32, #tpu.memory_space<vmem_shared>> -> memref<10016x128xf32, #tpu.memory_space<vmem_shared>>
        tpu.wait_indirect_dma semaphore(%run_scoped3A : memref<!tpu.dma_semaphore, #tpu.memory_space<semaphore_mem>>) src(%arg12 : memref<128x128xf32, #tpu.memory_space<vmem>>) dst(%dma_wait3A_101 : memref<10016x128xf32, #tpu.memory_space<vmem_shared>>)
        tpu.yield
      }) : () -> ()
    }
    %scan3A_42 = arith.constant 20 : i32
    %barrier3A_43 = arith.constant 0 : index
    tpu.barrier barrier_id(%barrier3A_43)
    %mul3A_44 = arith.constant 624 : i32
    %mul3A_45 = arith.muli %arg1, %mul3A_44 : i32
    %multiple_of3A_46 = tpu.assume_multiple %mul3A_45, 8 : i32
    %eq3A_47 = arith.constant 0 : i32
    %eq3A_48 = arith.cmpi eq, %arg0, %eq3A_47 : i32
    %convert_element_type3A_49 = arith.extui %eq3A_48 : i1 to i32
    %cond3A_50 = arith.constant 0 : i32
    %cond3A_51 = arith.cmpi ne, %convert_element_type3A_49, %cond3A_50 : i32
    scf.if %cond3A_51 {
      "tpu.region"() ({
        %run_scoped3A = tpu.sem_alloc : memref<!tpu.dma_semaphore, #tpu.memory_space<semaphore_mem>>
        %dma_start3A_62 = arith.constant 0 : i32
        %dma_start3A_63 = tpu.memref_slice %arg6[%multiple_of3A_46, %dma_start3A_62] : memref<10000x128xf32, #tpu.memory_space<hbm>> -> memref<624x128xf32, #tpu.memory_space<hbm>>
        %dma_start3A_64 = arith.constant 0 : i32
        %dma_start3A_65 = tpu.memref_slice %arg8[%multiple_of3A_46, %dma_start3A_64] : memref<10016x128xf32, #tpu.memory_space<vmem_shared>> -> memref<624x128xf32, #tpu.memory_space<vmem_shared>>
        tpu.enqueue_dma source(%dma_start3A_65 : memref<624x128xf32, #tpu.memory_space<vmem_shared>>) target(%dma_start3A_63 : memref<624x128xf32, #tpu.memory_space<hbm>>) target_semaphore(%run_scoped3A : memref<!tpu.dma_semaphore, #tpu.memory_space<semaphore_mem>>)
        %dma_wait3A_66 = arith.constant 0 : i32
        %dma_wait3A_67 = tpu.memref_slice %arg6[%multiple_of3A_46, %dma_wait3A_66] : memref<10000x128xf32, #tpu.memory_space<hbm>> -> memref<624x128xf32, #tpu.memory_space<hbm>>
        %dma_wait3A_68 = arith.constant 0 : i32
        %dma_wait3A_69 = tpu.memref_slice %arg8[%multiple_of3A_46, %dma_wait3A_68] : memref<10016x128xf32, #tpu.memory_space<vmem_shared>> -> memref<624x128xf32, #tpu.memory_space<vmem_shared>>
        tpu.wait_dma2 semaphore(%run_scoped3A : memref<!tpu.dma_semaphore, #tpu.memory_space<semaphore_mem>>) src(%dma_wait3A_69 : memref<624x128xf32, #tpu.memory_space<vmem_shared>>) dst(%dma_wait3A_67 : memref<624x128xf32, #tpu.memory_space<hbm>>)
        tpu.yield
      }) : () -> ()
      %eq3A_57 = arith.constant 15 : i32
      %eq3A_58 = arith.cmpi eq, %arg1, %eq3A_57 : i32
      %convert_element_type3A_59 = arith.extui %eq3A_58 : i1 to i32
      %cond3A_60 = arith.constant 0 : i32
      %cond3A_61 = arith.cmpi ne, %convert_element_type3A_59, %cond3A_60 : i32
      scf.if %cond3A_61 {
        "tpu.region"() ({
          %run_scoped3A = tpu.sem_alloc : memref<!tpu.dma_semaphore, #tpu.memory_space<semaphore_mem>>
          %dma_start3A_62 = arith.constant 9984 : i32
          %dma_start3A_63 = arith.constant 0 : i32
          %dma_start3A_64 = tpu.memref_slice %arg6[%dma_start3A_62, %dma_start3A_63] : memref<10000x128xf32, #tpu.memory_space<hbm>> -> memref<16x128xf32, #tpu.memory_space<hbm>>
          %dma_start3A_65 = arith.constant 9984 : i32
          %dma_start3A_66 = arith.constant 0 : i32
          %dma_start3A_67 = tpu.memref_slice %arg8[%dma_start3A_65, %dma_start3A_66] : memref<10016x128xf32, #tpu.memory_space<vmem_shared>> -> memref<16x128xf32, #tpu.memory_space<vmem_shared>>
          tpu.enqueue_dma source(%dma_start3A_67 : memref<16x128xf32, #tpu.memory_space<vmem_shared>>) target(%dma_start3A_64 : memref<16x128xf32, #tpu.memory_space<hbm>>) target_semaphore(%run_scoped3A : memref<!tpu.dma_semaphore, #tpu.memory_space<semaphore_mem>>)
          %dma_wait3A_68 = arith.constant 9984 : i32
          %dma_wait3A_69 = arith.constant 0 : i32
          %dma_wait3A_70 = tpu.memref_slice %arg6[%dma_wait3A_68, %dma_wait3A_69] : memref<10000x128xf32, #tpu.memory_space<hbm>> -> memref<16x128xf32, #tpu.memory_space<hbm>>
          %dma_wait3A_71 = arith.constant 9984 : i32
          %dma_wait3A_72 = arith.constant 0 : i32
          %dma_wait3A_73 = tpu.memref_slice %arg8[%dma_wait3A_71, %dma_wait3A_72] : memref<10016x128xf32, #tpu.memory_space<vmem_shared>> -> memref<16x128xf32, #tpu.memory_space<vmem_shared>>
          tpu.wait_dma2 semaphore(%run_scoped3A : memref<!tpu.dma_semaphore, #tpu.memory_space<semaphore_mem>>) src(%dma_wait3A_73 : memref<16x128xf32, #tpu.memory_space<vmem_shared>>) dst(%dma_wait3A_70 : memref<16x128xf32, #tpu.memory_space<hbm>>)
          tpu.yield
        }) : () -> ()
      } else {
      }
    } else {
    }
    %eq3A_52 = arith.constant 1 : i32
    %eq3A_53 = arith.cmpi eq, %arg0, %eq3A_52 : i32
    %convert_element_type3A_54 = arith.extui %eq3A_53 : i1 to i32
    %cond3A_55 = arith.constant 0 : i32
    %cond3A_56 = arith.cmpi ne, %convert_element_type3A_54, %cond3A_55 : i32
    scf.if %cond3A_56 {
      "tpu.region"() ({
        %run_scoped3A = tpu.sem_alloc : memref<!tpu.dma_semaphore, #tpu.memory_space<semaphore_mem>>
        %dma_start3A_62 = arith.constant 0 : i32
        %dma_start3A_63 = tpu.memref_slice %arg7[%multiple_of3A_46, %dma_start3A_62] : memref<10000x128xf32, #tpu.memory_space<hbm>> -> memref<624x128xf32, #tpu.memory_space<hbm>>
        %dma_start3A_64 = arith.constant 0 : i32
        %dma_start3A_65 = tpu.memref_slice %arg8[%multiple_of3A_46, %dma_start3A_64] : memref<10016x128xf32, #tpu.memory_space<vmem_shared>> -> memref<624x128xf32, #tpu.memory_space<vmem_shared>>
        tpu.enqueue_dma source(%dma_start3A_65 : memref<624x128xf32, #tpu.memory_space<vmem_shared>>) target(%dma_start3A_63 : memref<624x128xf32, #tpu.memory_space<hbm>>) target_semaphore(%run_scoped3A : memref<!tpu.dma_semaphore, #tpu.memory_space<semaphore_mem>>)
        %dma_wait3A_66 = arith.constant 0 : i32
        %dma_wait3A_67 = tpu.memref_slice %arg7[%multiple_of3A_46, %dma_wait3A_66] : memref<10000x128xf32, #tpu.memory_space<hbm>> -> memref<624x128xf32, #tpu.memory_space<hbm>>
        %dma_wait3A_68 = arith.constant 0 : i32
        %dma_wait3A_69 = tpu.memref_slice %arg8[%multiple_of3A_46, %dma_wait3A_68] : memref<10016x128xf32, #tpu.memory_space<vmem_shared>> -> memref<624x128xf32, #tpu.memory_space<vmem_shared>>
        tpu.wait_dma2 semaphore(%run_scoped3A : memref<!tpu.dma_semaphore, #tpu.memory_space<semaphore_mem>>) src(%dma_wait3A_69 : memref<624x128xf32, #tpu.memory_space<vmem_shared>>) dst(%dma_wait3A_67 : memref<624x128xf32, #tpu.memory_space<hbm>>)
        tpu.yield
      }) : () -> ()
      %eq3A_57 = arith.constant 15 : i32
      %eq3A_58 = arith.cmpi eq, %arg1, %eq3A_57 : i32
      %convert_element_type3A_59 = arith.extui %eq3A_58 : i1 to i32
      %cond3A_60 = arith.constant 0 : i32
      %cond3A_61 = arith.cmpi ne, %convert_element_type3A_59, %cond3A_60 : i32
      scf.if %cond3A_61 {
        "tpu.region"() ({
          %run_scoped3A = tpu.sem_alloc : memref<!tpu.dma_semaphore, #tpu.memory_space<semaphore_mem>>
          %dma_start3A_62 = arith.constant 9984 : i32
          %dma_start3A_63 = arith.constant 0 : i32
          %dma_start3A_64 = tpu.memref_slice %arg7[%dma_start3A_62, %dma_start3A_63] : memref<10000x128xf32, #tpu.memory_space<hbm>> -> memref<16x128xf32, #tpu.memory_space<hbm>>
          %dma_start3A_65 = arith.constant 9984 : i32
          %dma_start3A_66 = arith.constant 0 : i32
          %dma_start3A_67 = tpu.memref_slice %arg8[%dma_start3A_65, %dma_start3A_66] : memref<10016x128xf32, #tpu.memory_space<vmem_shared>> -> memref<16x128xf32, #tpu.memory_space<vmem_shared>>
          tpu.enqueue_dma source(%dma_start3A_67 : memref<16x128xf32, #tpu.memory_space<vmem_shared>>) target(%dma_start3A_64 : memref<16x128xf32, #tpu.memory_space<hbm>>) target_semaphore(%run_scoped3A : memref<!tpu.dma_semaphore, #tpu.memory_space<semaphore_mem>>)
          %dma_wait3A_68 = arith.constant 9984 : i32
          %dma_wait3A_69 = arith.constant 0 : i32
          %dma_wait3A_70 = tpu.memref_slice %arg7[%dma_wait3A_68, %dma_wait3A_69] : memref<10000x128xf32, #tpu.memory_space<hbm>> -> memref<16x128xf32, #tpu.memory_space<hbm>>
          %dma_wait3A_71 = arith.constant 9984 : i32
          %dma_wait3A_72 = arith.constant 0 : i32
          %dma_wait3A_73 = tpu.memref_slice %arg8[%dma_wait3A_71, %dma_wait3A_72] : memref<10016x128xf32, #tpu.memory_space<vmem_shared>> -> memref<16x128xf32, #tpu.memory_space<vmem_shared>>
          tpu.wait_dma2 semaphore(%run_scoped3A : memref<!tpu.dma_semaphore, #tpu.memory_space<semaphore_mem>>) src(%dma_wait3A_73 : memref<16x128xf32, #tpu.memory_space<vmem_shared>>) dst(%dma_wait3A_70 : memref<16x128xf32, #tpu.memory_space<hbm>>)
          tpu.yield
        }) : () -> ()
      } else {
      }
    } else {
    }
    return
  }
}

#map = affine_map<(d0, d1) -> (0, 0)>
module attributes {stable_mosaic.version = 14 : i64} {
  func.func @body(%arg0: i32, %arg1: i32, %arg2: memref<10000x128xf32, #tpu.memory_space<hbm>>, %arg3: memref<2560x128xi32, #tpu.memory_space<hbm>>, %arg4: memref<2560x128xi32, #tpu.memory_space<hbm>>, %arg5: memref<10016x128xf32, #tpu.memory_space<hbm>>, %arg6: memref<10000x128xf32, #tpu.memory_space<hbm>>, %arg7: memref<10000x128xf32, #tpu.memory_space<hbm>>, %arg8: memref<10016x128xf32, #tpu.memory_space<vmem_shared>>, %arg9: memref<40x128xi32, #tpu.memory_space<vmem>>, %arg10: memref<40x128xi32, #tpu.memory_space<vmem>>, %arg11: memref<128x128xf32, #tpu.memory_space<vmem>>, %arg12: memref<128x128xf32, #tpu.memory_space<vmem>>, %arg13: memref<!tpu.dma_semaphore, #tpu.memory_space<semaphore_mem>>, %arg14: memref<!tpu.dma_semaphore, #tpu.memory_space<semaphore_mem>>, %arg15: memref<!tpu.dma_semaphore, #tpu.memory_space<semaphore_mem>>) attributes {dimension_semantics = [#tpu.dimension_semantics<core_parallel>, #tpu.dimension_semantics<subcore_parallel>], iteration_bounds = array<i64: 2, 16>, scalar_prefetch = 0 : i64, scratch_operands = 8 : i64, tpu.core_type = #tpu.core_type<sc_vector_subcore>, window_params = [{transform_indices = #map}, {transform_indices = #map}, {transform_indices = #map}, {transform_indices = #map}, {transform_indices = #map}, {transform_indices = #map}]} {
    %mul3A = arith.constant 2 : i32
    %mul3A_0 = arith.muli %arg1, %mul3A : i32
    %add3A = arith.addi %mul3A_0, %arg0 : i32
    %mul3A_1 = arith.constant 80 : i32
    %mul3A_2 = arith.muli %add3A, %mul3A_1 : i32
    %multiple_of3A = tpu.assume_multiple %mul3A_2, 8 : i32
    %mul3A_3 = arith.constant 624 : i32
    %mul3A_4 = arith.muli %arg1, %mul3A_3 : i32
    %multiple_of3A_5 = tpu.assume_multiple %mul3A_4, 8 : i32
    %dma_start3A = arith.constant 0 : i32
    %dma_start3A_6 = tpu.memref_slice %arg8[%multiple_of3A_5, %dma_start3A] : memref<10016x128xf32, #tpu.memory_space<vmem_shared>> -> memref<624x128xf32, #tpu.memory_space<vmem_shared>>
    %dma_start3A_7 = arith.constant 0 : i32
    %dma_start3A_8 = tpu.memref_slice %arg5[%multiple_of3A_5, %dma_start3A_7] : memref<10016x128xf32, #tpu.memory_space<hbm>> -> memref<624x128xf32, #tpu.memory_space<hbm>>
    tpu.enqueue_dma source(%dma_start3A_8 : memref<624x128xf32, #tpu.memory_space<hbm>>) target(%dma_start3A_6 : memref<624x128xf32, #tpu.memory_space<vmem_shared>>) target_semaphore(%arg13 : memref<!tpu.dma_semaphore, #tpu.memory_space<semaphore_mem>>)
    %eq3A = arith.constant 15 : i32
    %eq3A_9 = arith.cmpi eq, %arg1, %eq3A : i32
    %convert_element_type3A = arith.extui %eq3A_9 : i1 to i32
    %cond3A = arith.constant 0 : i32
    %cond3A_10 = arith.cmpi ne, %convert_element_type3A, %cond3A : i32
    scf.if %cond3A_10 {
      "tpu.region"() ({
        %run_scoped3A = tpu.sem_alloc : memref<!tpu.dma_semaphore, #tpu.memory_space<semaphore_mem>>
        %dma_start3A_57 = arith.constant 9984 : i32
        %dma_start3A_58 = arith.constant 0 : i32
        %dma_start3A_59 = tpu.memref_slice %arg8[%dma_start3A_57, %dma_start3A_58] : memref<10016x128xf32, #tpu.memory_space<vmem_shared>> -> memref<32x128xf32, #tpu.memory_space<vmem_shared>>
        %dma_start3A_60 = arith.constant 9984 : i32
        %dma_start3A_61 = arith.constant 0 : i32
        %dma_start3A_62 = tpu.memref_slice %arg5[%dma_start3A_60, %dma_start3A_61] : memref<10016x128xf32, #tpu.memory_space<hbm>> -> memref<32x128xf32, #tpu.memory_space<hbm>>
        tpu.enqueue_dma source(%dma_start3A_62 : memref<32x128xf32, #tpu.memory_space<hbm>>) target(%dma_start3A_59 : memref<32x128xf32, #tpu.memory_space<vmem_shared>>) target_semaphore(%run_scoped3A : memref<!tpu.dma_semaphore, #tpu.memory_space<semaphore_mem>>)
        %dma_wait3A_63 = arith.constant 9984 : i32
        %dma_wait3A_64 = arith.constant 0 : i32
        %dma_wait3A_65 = tpu.memref_slice %arg8[%dma_wait3A_63, %dma_wait3A_64] : memref<10016x128xf32, #tpu.memory_space<vmem_shared>> -> memref<32x128xf32, #tpu.memory_space<vmem_shared>>
        %dma_wait3A_66 = arith.constant 9984 : i32
        %dma_wait3A_67 = arith.constant 0 : i32
        %dma_wait3A_68 = tpu.memref_slice %arg5[%dma_wait3A_66, %dma_wait3A_67] : memref<10016x128xf32, #tpu.memory_space<hbm>> -> memref<32x128xf32, #tpu.memory_space<hbm>>
        tpu.wait_dma2 semaphore(%run_scoped3A : memref<!tpu.dma_semaphore, #tpu.memory_space<semaphore_mem>>) src(%dma_wait3A_68 : memref<32x128xf32, #tpu.memory_space<hbm>>) dst(%dma_wait3A_65 : memref<32x128xf32, #tpu.memory_space<vmem_shared>>)
        tpu.yield
      }) : () -> ()
    } else {
    }
    %dma_wait3A = arith.constant 0 : i32
    %dma_wait3A_11 = tpu.memref_slice %arg8[%multiple_of3A_5, %dma_wait3A] : memref<10016x128xf32, #tpu.memory_space<vmem_shared>> -> memref<624x128xf32, #tpu.memory_space<vmem_shared>>
    %dma_wait3A_12 = arith.constant 0 : i32
    %dma_wait3A_13 = tpu.memref_slice %arg5[%multiple_of3A_5, %dma_wait3A_12] : memref<10016x128xf32, #tpu.memory_space<hbm>> -> memref<624x128xf32, #tpu.memory_space<hbm>>
    tpu.wait_dma2 semaphore(%arg13 : memref<!tpu.dma_semaphore, #tpu.memory_space<semaphore_mem>>) src(%dma_wait3A_13 : memref<624x128xf32, #tpu.memory_space<hbm>>) dst(%dma_wait3A_11 : memref<624x128xf32, #tpu.memory_space<vmem_shared>>)
    %barrier3A = arith.constant 0 : index
    tpu.barrier barrier_id(%barrier3A)
    %add3A_14 = arith.constant 0 : i32
    %add3A_15 = arith.addi %multiple_of3A, %add3A_14 : i32
    %multiple_of3A_16 = tpu.assume_multiple %add3A_15, 8 : i32
    "tpu.region"() ({
      %run_scoped3A = tpu.sem_alloc : memref<!tpu.dma_semaphore, #tpu.memory_space<semaphore_mem>>
      %dma_start3A_57 = arith.constant 0 : i32
      %dma_start3A_58 = tpu.memref_slice %arg3[%multiple_of3A_16, %dma_start3A_57] : memref<2560x128xi32, #tpu.memory_space<hbm>> -> memref<40x128xi32, #tpu.memory_space<hbm>>
      %dma_start3A_59 = arith.constant 0 : i32
      %dma_start3A_60 = tpu.memref_slice %arg3[%multiple_of3A_16, %dma_start3A_59] : memref<2560x128xi32, #tpu.memory_space<hbm>> -> memref<40x128xi32, #tpu.memory_space<hbm>>
      tpu.enqueue_dma source(%dma_start3A_60 : memref<40x128xi32, #tpu.memory_space<hbm>>) target(%arg9 : memref<40x128xi32, #tpu.memory_space<vmem>>) target_semaphore(%run_scoped3A : memref<!tpu.dma_semaphore, #tpu.memory_space<semaphore_mem>>)
      %dma_wait3A_61 = arith.constant 0 : i32
      %dma_wait3A_62 = tpu.memref_slice %arg3[%multiple_of3A_16, %dma_wait3A_61] : memref<2560x128xi32, #tpu.memory_space<hbm>> -> memref<40x128xi32, #tpu.memory_space<hbm>>
      %dma_wait3A_63 = arith.constant 0 : i32
      %dma_wait3A_64 = tpu.memref_slice %arg3[%multiple_of3A_16, %dma_wait3A_63] : memref<2560x128xi32, #tpu.memory_space<hbm>> -> memref<40x128xi32, #tpu.memory_space<hbm>>
      tpu.wait_dma2 semaphore(%run_scoped3A : memref<!tpu.dma_semaphore, #tpu.memory_space<semaphore_mem>>) src(%dma_wait3A_64 : memref<40x128xi32, #tpu.memory_space<hbm>>) dst(%arg9 : memref<40x128xi32, #tpu.memory_space<vmem>>)
      tpu.yield
    }) : () -> ()
    "tpu.region"() ({
      %run_scoped3A = tpu.sem_alloc : memref<!tpu.dma_semaphore, #tpu.memory_space<semaphore_mem>>
      %dma_start3A_57 = arith.constant 0 : i32
      %dma_start3A_58 = tpu.memref_slice %arg4[%multiple_of3A_16, %dma_start3A_57] : memref<2560x128xi32, #tpu.memory_space<hbm>> -> memref<40x128xi32, #tpu.memory_space<hbm>>
      %dma_start3A_59 = arith.constant 0 : i32
      %dma_start3A_60 = tpu.memref_slice %arg4[%multiple_of3A_16, %dma_start3A_59] : memref<2560x128xi32, #tpu.memory_space<hbm>> -> memref<40x128xi32, #tpu.memory_space<hbm>>
      tpu.enqueue_dma source(%dma_start3A_60 : memref<40x128xi32, #tpu.memory_space<hbm>>) target(%arg10 : memref<40x128xi32, #tpu.memory_space<vmem>>) target_semaphore(%run_scoped3A : memref<!tpu.dma_semaphore, #tpu.memory_space<semaphore_mem>>)
      %dma_wait3A_61 = arith.constant 0 : i32
      %dma_wait3A_62 = tpu.memref_slice %arg4[%multiple_of3A_16, %dma_wait3A_61] : memref<2560x128xi32, #tpu.memory_space<hbm>> -> memref<40x128xi32, #tpu.memory_space<hbm>>
      %dma_wait3A_63 = arith.constant 0 : i32
      %dma_wait3A_64 = tpu.memref_slice %arg4[%multiple_of3A_16, %dma_wait3A_63] : memref<2560x128xi32, #tpu.memory_space<hbm>> -> memref<40x128xi32, #tpu.memory_space<hbm>>
      tpu.wait_dma2 semaphore(%run_scoped3A : memref<!tpu.dma_semaphore, #tpu.memory_space<semaphore_mem>>) src(%dma_wait3A_64 : memref<40x128xi32, #tpu.memory_space<hbm>>) dst(%arg10 : memref<40x128xi32, #tpu.memory_space<vmem>>)
      tpu.yield
    }) : () -> ()
    %dma_start3A_17 = arith.constant 0 : i32
    %dma_start3A_18 = arith.constant 0 : i32
    %dma_start3A_19 = tpu.memref_slice %arg9[%dma_start3A_17, %dma_start3A_18] : memref<40x128xi32, #tpu.memory_space<vmem>> -> memref<1x128xi32, #tpu.memory_space<vmem>>
    %dma_start3A_20 = tpu.memref_squeeze %dma_start3A_19 : memref<1x128xi32, #tpu.memory_space<vmem>> -> memref<128xi32, #tpu.memory_space<vmem>>
    %dma_start3A_21 = arith.constant 0 : i32
    %dma_start3A_22 = arith.constant 0 : i32
    %dma_start3A_23 = tpu.memref_slice %arg2[%dma_start3A_21, %dma_start3A_22] : memref<10000x128xf32, #tpu.memory_space<hbm>> -> memref<10000x128xf32, #tpu.memory_space<hbm>>
    tpu.enqueue_indirect_dma source(%dma_start3A_23 : memref<10000x128xf32, #tpu.memory_space<hbm>>) target(%arg11 : memref<128x128xf32, #tpu.memory_space<vmem>>) offsets(%dma_start3A_20 : memref<128xi32, #tpu.memory_space<vmem>>) semaphore(%arg14 : memref<!tpu.dma_semaphore, #tpu.memory_space<semaphore_mem>>)
    %scan3A = arith.constant 0 : i32
    %scan3A_24 = arith.constant 20 : i32
    %scan3A_25 = arith.addi %scan3A, %scan3A_24 : i32
    %scan3A_26 = arith.constant 1 : i32
    scf.for %scan3A_57 = %scan3A to %scan3A_25 step %scan3A_26  : i32 {
      %mul3A_58 = arith.constant 2 : i32
      %mul3A_59 = arith.muli %scan3A_57, %mul3A_58 : i32
      %add3A_60 = arith.constant 0 : i32
      %add3A_61 = arith.addi %add3A_60, %mul3A_59 : i32
      %dma_wait3A_62 = arith.constant 0 : i32
      %dma_wait3A_63 = tpu.memref_slice %arg9[%add3A_61, %dma_wait3A_62] : memref<40x128xi32, #tpu.memory_space<vmem>> -> memref<1x128xi32, #tpu.memory_space<vmem>>
      %dma_wait3A_64 = tpu.memref_squeeze %dma_wait3A_63 : memref<1x128xi32, #tpu.memory_space<vmem>> -> memref<128xi32, #tpu.memory_space<vmem>>
      %dma_wait3A_65 = arith.constant 0 : i32
      %dma_wait3A_66 = arith.constant 0 : i32
      %dma_wait3A_67 = tpu.memref_slice %arg2[%dma_wait3A_65, %dma_wait3A_66] : memref<10000x128xf32, #tpu.memory_space<hbm>> -> memref<10000x128xf32, #tpu.memory_space<hbm>>
      tpu.wait_indirect_dma semaphore(%arg14 : memref<!tpu.dma_semaphore, #tpu.memory_space<semaphore_mem>>) src(%dma_wait3A_67 : memref<10000x128xf32, #tpu.memory_space<hbm>>) dst(%arg11 : memref<128x128xf32, #tpu.memory_space<vmem>>)
      %add3A_68 = arith.constant 1 : i32
      %add3A_69 = arith.addi %add3A_61, %add3A_68 : i32
      %dma_start3A_70 = arith.constant 0 : i32
      %dma_start3A_71 = tpu.memref_slice %arg9[%add3A_69, %dma_start3A_70] : memref<40x128xi32, #tpu.memory_space<vmem>> -> memref<1x128xi32, #tpu.memory_space<vmem>>
      %dma_start3A_72 = tpu.memref_squeeze %dma_start3A_71 : memref<1x128xi32, #tpu.memory_space<vmem>> -> memref<128xi32, #tpu.memory_space<vmem>>
      %dma_start3A_73 = arith.constant 0 : i32
      %dma_start3A_74 = arith.constant 0 : i32
      %dma_start3A_75 = tpu.memref_slice %arg2[%dma_start3A_73, %dma_start3A_74] : memref<10000x128xf32, #tpu.memory_space<hbm>> -> memref<10000x128xf32, #tpu.memory_space<hbm>>
      tpu.enqueue_indirect_dma source(%dma_start3A_75 : memref<10000x128xf32, #tpu.memory_space<hbm>>) target(%arg12 : memref<128x128xf32, #tpu.memory_space<vmem>>) offsets(%dma_start3A_72 : memref<128xi32, #tpu.memory_space<vmem>>) semaphore(%arg15 : memref<!tpu.dma_semaphore, #tpu.memory_space<semaphore_mem>>)
      "tpu.region"() ({
        %run_scoped3A = tpu.sem_alloc : memref<!tpu.dma_semaphore, #tpu.memory_space<semaphore_mem>>
        %dma_start3A_90 = arith.constant 0 : i32
        %dma_start3A_91 = tpu.memref_slice %arg10[%add3A_61, %dma_start3A_90] : memref<40x128xi32, #tpu.memory_space<vmem>> -> memref<1x128xi32, #tpu.memory_space<vmem>>
        %dma_start3A_92 = tpu.memref_squeeze %dma_start3A_91 : memref<1x128xi32, #tpu.memory_space<vmem>> -> memref<128xi32, #tpu.memory_space<vmem>>
        %dma_start3A_93 = arith.constant 0 : i32
        %dma_start3A_94 = arith.constant 0 : i32
        %dma_start3A_95 = tpu.memref_slice %arg8[%dma_start3A_93, %dma_start3A_94] : memref<10016x128xf32, #tpu.memory_space<vmem_shared>> -> memref<10016x128xf32, #tpu.memory_space<vmem_shared>>
        tpu.enqueue_indirect_dma source(%arg11 : memref<128x128xf32, #tpu.memory_space<vmem>>) target(%dma_start3A_95 : memref<10016x128xf32, #tpu.memory_space<vmem_shared>>) offsets(%dma_start3A_92 : memref<128xi32, #tpu.memory_space<vmem>>) semaphore(%run_scoped3A : memref<!tpu.dma_semaphore, #tpu.memory_space<semaphore_mem>>) {add = true}
        %dma_wait3A_96 = arith.constant 0 : i32
        %dma_wait3A_97 = tpu.memref_slice %arg10[%add3A_61, %dma_wait3A_96] : memref<40x128xi32, #tpu.memory_space<vmem>> -> memref<1x128xi32, #tpu.memory_space<vmem>>
        %dma_wait3A_98 = tpu.memref_squeeze %dma_wait3A_97 : memref<1x128xi32, #tpu.memory_space<vmem>> -> memref<128xi32, #tpu.memory_space<vmem>>
        %dma_wait3A_99 = arith.constant 0 : i32
        %dma_wait3A_100 = arith.constant 0 : i32
        %dma_wait3A_101 = tpu.memref_slice %arg8[%dma_wait3A_99, %dma_wait3A_100] : memref<10016x128xf32, #tpu.memory_space<vmem_shared>> -> memref<10016x128xf32, #tpu.memory_space<vmem_shared>>
        tpu.wait_indirect_dma semaphore(%run_scoped3A : memref<!tpu.dma_semaphore, #tpu.memory_space<semaphore_mem>>) src(%arg11 : memref<128x128xf32, #tpu.memory_space<vmem>>) dst(%dma_wait3A_101 : memref<10016x128xf32, #tpu.memory_space<vmem_shared>>)
        tpu.yield
      }) : () -> ()
      %add3A_76 = arith.constant 1 : i32
      %add3A_77 = arith.addi %add3A_61, %add3A_76 : i32
      %dma_wait3A_78 = arith.constant 0 : i32
      %dma_wait3A_79 = tpu.memref_slice %arg9[%add3A_77, %dma_wait3A_78] : memref<40x128xi32, #tpu.memory_space<vmem>> -> memref<1x128xi32, #tpu.memory_space<vmem>>
      %dma_wait3A_80 = tpu.memref_squeeze %dma_wait3A_79 : memref<1x128xi32, #tpu.memory_space<vmem>> -> memref<128xi32, #tpu.memory_space<vmem>>
      %dma_wait3A_81 = arith.constant 0 : i32
      %dma_wait3A_82 = arith.constant 0 : i32
      %dma_wait3A_83 = tpu.memref_slice %arg2[%dma_wait3A_81, %dma_wait3A_82] : memref<10000x128xf32, #tpu.memory_space<hbm>> -> memref<10000x128xf32, #tpu.memory_space<hbm>>
      tpu.wait_indirect_dma semaphore(%arg15 : memref<!tpu.dma_semaphore, #tpu.memory_space<semaphore_mem>>) src(%dma_wait3A_83 : memref<10000x128xf32, #tpu.memory_space<hbm>>) dst(%arg12 : memref<128x128xf32, #tpu.memory_space<vmem>>)
      %lt3A = arith.constant 38 : i32
      %lt3A_84 = arith.cmpi slt, %add3A_61, %lt3A : i32
      %convert_element_type3A_85 = arith.extui %lt3A_84 : i1 to i32
      %cond3A_86 = arith.constant 0 : i32
      %cond3A_87 = arith.cmpi ne, %convert_element_type3A_85, %cond3A_86 : i32
      scf.if %cond3A_87 {
        %add3A_90 = arith.constant 2 : i32
        %add3A_91 = arith.addi %add3A_61, %add3A_90 : i32
        %dma_start3A_92 = arith.constant 0 : i32
        %dma_start3A_93 = tpu.memref_slice %arg9[%add3A_91, %dma_start3A_92] : memref<40x128xi32, #tpu.memory_space<vmem>> -> memref<1x128xi32, #tpu.memory_space<vmem>>
        %dma_start3A_94 = tpu.memref_squeeze %dma_start3A_93 : memref<1x128xi32, #tpu.memory_space<vmem>> -> memref<128xi32, #tpu.memory_space<vmem>>
        %dma_start3A_95 = arith.constant 0 : i32
        %dma_start3A_96 = arith.constant 0 : i32
        %dma_start3A_97 = tpu.memref_slice %arg2[%dma_start3A_95, %dma_start3A_96] : memref<10000x128xf32, #tpu.memory_space<hbm>> -> memref<10000x128xf32, #tpu.memory_space<hbm>>
        tpu.enqueue_indirect_dma source(%dma_start3A_97 : memref<10000x128xf32, #tpu.memory_space<hbm>>) target(%arg11 : memref<128x128xf32, #tpu.memory_space<vmem>>) offsets(%dma_start3A_94 : memref<128xi32, #tpu.memory_space<vmem>>) semaphore(%arg14 : memref<!tpu.dma_semaphore, #tpu.memory_space<semaphore_mem>>)
      } else {
      }
      %add3A_88 = arith.constant 1 : i32
      %add3A_89 = arith.addi %add3A_61, %add3A_88 : i32
      "tpu.region"() ({
        %run_scoped3A = tpu.sem_alloc : memref<!tpu.dma_semaphore, #tpu.memory_space<semaphore_mem>>
        %dma_start3A_90 = arith.constant 0 : i32
        %dma_start3A_91 = tpu.memref_slice %arg10[%add3A_89, %dma_start3A_90] : memref<40x128xi32, #tpu.memory_space<vmem>> -> memref<1x128xi32, #tpu.memory_space<vmem>>
        %dma_start3A_92 = tpu.memref_squeeze %dma_start3A_91 : memref<1x128xi32, #tpu.memory_space<vmem>> -> memref<128xi32, #tpu.memory_space<vmem>>
        %dma_start3A_93 = arith.constant 0 : i32
        %dma_start3A_94 = arith.constant 0 : i32
        %dma_start3A_95 = tpu.memref_slice %arg8[%dma_start3A_93, %dma_start3A_94] : memref<10016x128xf32, #tpu.memory_space<vmem_shared>> -> memref<10016x128xf32, #tpu.memory_space<vmem_shared>>
        tpu.enqueue_indirect_dma source(%arg12 : memref<128x128xf32, #tpu.memory_space<vmem>>) target(%dma_start3A_95 : memref<10016x128xf32, #tpu.memory_space<vmem_shared>>) offsets(%dma_start3A_92 : memref<128xi32, #tpu.memory_space<vmem>>) semaphore(%run_scoped3A : memref<!tpu.dma_semaphore, #tpu.memory_space<semaphore_mem>>) {add = true}
        %dma_wait3A_96 = arith.constant 0 : i32
        %dma_wait3A_97 = tpu.memref_slice %arg10[%add3A_89, %dma_wait3A_96] : memref<40x128xi32, #tpu.memory_space<vmem>> -> memref<1x128xi32, #tpu.memory_space<vmem>>
        %dma_wait3A_98 = tpu.memref_squeeze %dma_wait3A_97 : memref<1x128xi32, #tpu.memory_space<vmem>> -> memref<128xi32, #tpu.memory_space<vmem>>
        %dma_wait3A_99 = arith.constant 0 : i32
        %dma_wait3A_100 = arith.constant 0 : i32
        %dma_wait3A_101 = tpu.memref_slice %arg8[%dma_wait3A_99, %dma_wait3A_100] : memref<10016x128xf32, #tpu.memory_space<vmem_shared>> -> memref<10016x128xf32, #tpu.memory_space<vmem_shared>>
        tpu.wait_indirect_dma semaphore(%run_scoped3A : memref<!tpu.dma_semaphore, #tpu.memory_space<semaphore_mem>>) src(%arg12 : memref<128x128xf32, #tpu.memory_space<vmem>>) dst(%dma_wait3A_101 : memref<10016x128xf32, #tpu.memory_space<vmem_shared>>)
        tpu.yield
      }) : () -> ()
    }
    %scan3A_27 = arith.constant 20 : i32
    %add3A_28 = arith.constant 40 : i32
    %add3A_29 = arith.addi %multiple_of3A, %add3A_28 : i32
    %multiple_of3A_30 = tpu.assume_multiple %add3A_29, 8 : i32
    "tpu.region"() ({
      %run_scoped3A = tpu.sem_alloc : memref<!tpu.dma_semaphore, #tpu.memory_space<semaphore_mem>>
      %dma_start3A_57 = arith.constant 0 : i32
      %dma_start3A_58 = tpu.memref_slice %arg3[%multiple_of3A_30, %dma_start3A_57] : memref<2560x128xi32, #tpu.memory_space<hbm>> -> memref<40x128xi32, #tpu.memory_space<hbm>>
      %dma_start3A_59 = arith.constant 0 : i32
      %dma_start3A_60 = tpu.memref_slice %arg3[%multiple_of3A_30, %dma_start3A_59] : memref<2560x128xi32, #tpu.memory_space<hbm>> -> memref<40x128xi32, #tpu.memory_space<hbm>>
      tpu.enqueue_dma source(%dma_start3A_60 : memref<40x128xi32, #tpu.memory_space<hbm>>) target(%arg9 : memref<40x128xi32, #tpu.memory_space<vmem>>) target_semaphore(%run_scoped3A : memref<!tpu.dma_semaphore, #tpu.memory_space<semaphore_mem>>)
      %dma_wait3A_61 = arith.constant 0 : i32
      %dma_wait3A_62 = tpu.memref_slice %arg3[%multiple_of3A_30, %dma_wait3A_61] : memref<2560x128xi32, #tpu.memory_space<hbm>> -> memref<40x128xi32, #tpu.memory_space<hbm>>
      %dma_wait3A_63 = arith.constant 0 : i32
      %dma_wait3A_64 = tpu.memref_slice %arg3[%multiple_of3A_30, %dma_wait3A_63] : memref<2560x128xi32, #tpu.memory_space<hbm>> -> memref<40x128xi32, #tpu.memory_space<hbm>>
      tpu.wait_dma2 semaphore(%run_scoped3A : memref<!tpu.dma_semaphore, #tpu.memory_space<semaphore_mem>>) src(%dma_wait3A_64 : memref<40x128xi32, #tpu.memory_space<hbm>>) dst(%arg9 : memref<40x128xi32, #tpu.memory_space<vmem>>)
      tpu.yield
    }) : () -> ()
    "tpu.region"() ({
      %run_scoped3A = tpu.sem_alloc : memref<!tpu.dma_semaphore, #tpu.memory_space<semaphore_mem>>
      %dma_start3A_57 = arith.constant 0 : i32
      %dma_start3A_58 = tpu.memref_slice %arg4[%multiple_of3A_30, %dma_start3A_57] : memref<2560x128xi32, #tpu.memory_space<hbm>> -> memref<40x128xi32, #tpu.memory_space<hbm>>
      %dma_start3A_59 = arith.constant 0 : i32
      %dma_start3A_60 = tpu.memref_slice %arg4[%multiple_of3A_30, %dma_start3A_59] : memref<2560x128xi32, #tpu.memory_space<hbm>> -> memref<40x128xi32, #tpu.memory_space<hbm>>
      tpu.enqueue_dma source(%dma_start3A_60 : memref<40x128xi32, #tpu.memory_space<hbm>>) target(%arg10 : memref<40x128xi32, #tpu.memory_space<vmem>>) target_semaphore(%run_scoped3A : memref<!tpu.dma_semaphore, #tpu.memory_space<semaphore_mem>>)
      %dma_wait3A_61 = arith.constant 0 : i32
      %dma_wait3A_62 = tpu.memref_slice %arg4[%multiple_of3A_30, %dma_wait3A_61] : memref<2560x128xi32, #tpu.memory_space<hbm>> -> memref<40x128xi32, #tpu.memory_space<hbm>>
      %dma_wait3A_63 = arith.constant 0 : i32
      %dma_wait3A_64 = tpu.memref_slice %arg4[%multiple_of3A_30, %dma_wait3A_63] : memref<2560x128xi32, #tpu.memory_space<hbm>> -> memref<40x128xi32, #tpu.memory_space<hbm>>
      tpu.wait_dma2 semaphore(%run_scoped3A : memref<!tpu.dma_semaphore, #tpu.memory_space<semaphore_mem>>) src(%dma_wait3A_64 : memref<40x128xi32, #tpu.memory_space<hbm>>) dst(%arg10 : memref<40x128xi32, #tpu.memory_space<vmem>>)
      tpu.yield
    }) : () -> ()
    %dma_start3A_31 = arith.constant 0 : i32
    %dma_start3A_32 = arith.constant 0 : i32
    %dma_start3A_33 = tpu.memref_slice %arg9[%dma_start3A_31, %dma_start3A_32] : memref<40x128xi32, #tpu.memory_space<vmem>> -> memref<1x128xi32, #tpu.memory_space<vmem>>
    %dma_start3A_34 = tpu.memref_squeeze %dma_start3A_33 : memref<1x128xi32, #tpu.memory_space<vmem>> -> memref<128xi32, #tpu.memory_space<vmem>>
    %dma_start3A_35 = arith.constant 0 : i32
    %dma_start3A_36 = arith.constant 0 : i32
    %dma_start3A_37 = tpu.memref_slice %arg2[%dma_start3A_35, %dma_start3A_36] : memref<10000x128xf32, #tpu.memory_space<hbm>> -> memref<10000x128xf32, #tpu.memory_space<hbm>>
    tpu.enqueue_indirect_dma source(%dma_start3A_37 : memref<10000x128xf32, #tpu.memory_space<hbm>>) target(%arg11 : memref<128x128xf32, #tpu.memory_space<vmem>>) offsets(%dma_start3A_34 : memref<128xi32, #tpu.memory_space<vmem>>) semaphore(%arg14 : memref<!tpu.dma_semaphore, #tpu.memory_space<semaphore_mem>>)
    %scan3A_38 = arith.constant 0 : i32
    %scan3A_39 = arith.constant 20 : i32
    %scan3A_40 = arith.addi %scan3A_38, %scan3A_39 : i32
    %scan3A_41 = arith.constant 1 : i32
    scf.for %scan3A_57 = %scan3A_38 to %scan3A_40 step %scan3A_41  : i32 {
      %mul3A_58 = arith.constant 2 : i32
      %mul3A_59 = arith.muli %scan3A_57, %mul3A_58 : i32
      %add3A_60 = arith.constant 0 : i32
      %add3A_61 = arith.addi %add3A_60, %mul3A_59 : i32
      %dma_wait3A_62 = arith.constant 0 : i32
      %dma_wait3A_63 = tpu.memref_slice %arg9[%add3A_61, %dma_wait3A_62] : memref<40x128xi32, #tpu.memory_space<vmem>> -> memref<1x128xi32, #tpu.memory_space<vmem>>
      %dma_wait3A_64 = tpu.memref_squeeze %dma_wait3A_63 : memref<1x128xi32, #tpu.memory_space<vmem>> -> memref<128xi32, #tpu.memory_space<vmem>>
      %dma_wait3A_65 = arith.constant 0 : i32
      %dma_wait3A_66 = arith.constant 0 : i32
      %dma_wait3A_67 = tpu.memref_slice %arg2[%dma_wait3A_65, %dma_wait3A_66] : memref<10000x128xf32, #tpu.memory_space<hbm>> -> memref<10000x128xf32, #tpu.memory_space<hbm>>
      tpu.wait_indirect_dma semaphore(%arg14 : memref<!tpu.dma_semaphore, #tpu.memory_space<semaphore_mem>>) src(%dma_wait3A_67 : memref<10000x128xf32, #tpu.memory_space<hbm>>) dst(%arg11 : memref<128x128xf32, #tpu.memory_space<vmem>>)
      %add3A_68 = arith.constant 1 : i32
      %add3A_69 = arith.addi %add3A_61, %add3A_68 : i32
      %dma_start3A_70 = arith.constant 0 : i32
      %dma_start3A_71 = tpu.memref_slice %arg9[%add3A_69, %dma_start3A_70] : memref<40x128xi32, #tpu.memory_space<vmem>> -> memref<1x128xi32, #tpu.memory_space<vmem>>
      %dma_start3A_72 = tpu.memref_squeeze %dma_start3A_71 : memref<1x128xi32, #tpu.memory_space<vmem>> -> memref<128xi32, #tpu.memory_space<vmem>>
      %dma_start3A_73 = arith.constant 0 : i32
      %dma_start3A_74 = arith.constant 0 : i32
      %dma_start3A_75 = tpu.memref_slice %arg2[%dma_start3A_73, %dma_start3A_74] : memref<10000x128xf32, #tpu.memory_space<hbm>> -> memref<10000x128xf32, #tpu.memory_space<hbm>>
      tpu.enqueue_indirect_dma source(%dma_start3A_75 : memref<10000x128xf32, #tpu.memory_space<hbm>>) target(%arg12 : memref<128x128xf32, #tpu.memory_space<vmem>>) offsets(%dma_start3A_72 : memref<128xi32, #tpu.memory_space<vmem>>) semaphore(%arg15 : memref<!tpu.dma_semaphore, #tpu.memory_space<semaphore_mem>>)
      "tpu.region"() ({
        %run_scoped3A = tpu.sem_alloc : memref<!tpu.dma_semaphore, #tpu.memory_space<semaphore_mem>>
        %dma_start3A_90 = arith.constant 0 : i32
        %dma_start3A_91 = tpu.memref_slice %arg10[%add3A_61, %dma_start3A_90] : memref<40x128xi32, #tpu.memory_space<vmem>> -> memref<1x128xi32, #tpu.memory_space<vmem>>
        %dma_start3A_92 = tpu.memref_squeeze %dma_start3A_91 : memref<1x128xi32, #tpu.memory_space<vmem>> -> memref<128xi32, #tpu.memory_space<vmem>>
        %dma_start3A_93 = arith.constant 0 : i32
        %dma_start3A_94 = arith.constant 0 : i32
        %dma_start3A_95 = tpu.memref_slice %arg8[%dma_start3A_93, %dma_start3A_94] : memref<10016x128xf32, #tpu.memory_space<vmem_shared>> -> memref<10016x128xf32, #tpu.memory_space<vmem_shared>>
        tpu.enqueue_indirect_dma source(%arg11 : memref<128x128xf32, #tpu.memory_space<vmem>>) target(%dma_start3A_95 : memref<10016x128xf32, #tpu.memory_space<vmem_shared>>) offsets(%dma_start3A_92 : memref<128xi32, #tpu.memory_space<vmem>>) semaphore(%run_scoped3A : memref<!tpu.dma_semaphore, #tpu.memory_space<semaphore_mem>>) {add = true}
        %dma_wait3A_96 = arith.constant 0 : i32
        %dma_wait3A_97 = tpu.memref_slice %arg10[%add3A_61, %dma_wait3A_96] : memref<40x128xi32, #tpu.memory_space<vmem>> -> memref<1x128xi32, #tpu.memory_space<vmem>>
        %dma_wait3A_98 = tpu.memref_squeeze %dma_wait3A_97 : memref<1x128xi32, #tpu.memory_space<vmem>> -> memref<128xi32, #tpu.memory_space<vmem>>
        %dma_wait3A_99 = arith.constant 0 : i32
        %dma_wait3A_100 = arith.constant 0 : i32
        %dma_wait3A_101 = tpu.memref_slice %arg8[%dma_wait3A_99, %dma_wait3A_100] : memref<10016x128xf32, #tpu.memory_space<vmem_shared>> -> memref<10016x128xf32, #tpu.memory_space<vmem_shared>>
        tpu.wait_indirect_dma semaphore(%run_scoped3A : memref<!tpu.dma_semaphore, #tpu.memory_space<semaphore_mem>>) src(%arg11 : memref<128x128xf32, #tpu.memory_space<vmem>>) dst(%dma_wait3A_101 : memref<10016x128xf32, #tpu.memory_space<vmem_shared>>)
        tpu.yield
      }) : () -> ()
      %add3A_76 = arith.constant 1 : i32
      %add3A_77 = arith.addi %add3A_61, %add3A_76 : i32
      %dma_wait3A_78 = arith.constant 0 : i32
      %dma_wait3A_79 = tpu.memref_slice %arg9[%add3A_77, %dma_wait3A_78] : memref<40x128xi32, #tpu.memory_space<vmem>> -> memref<1x128xi32, #tpu.memory_space<vmem>>
      %dma_wait3A_80 = tpu.memref_squeeze %dma_wait3A_79 : memref<1x128xi32, #tpu.memory_space<vmem>> -> memref<128xi32, #tpu.memory_space<vmem>>
      %dma_wait3A_81 = arith.constant 0 : i32
      %dma_wait3A_82 = arith.constant 0 : i32
      %dma_wait3A_83 = tpu.memref_slice %arg2[%dma_wait3A_81, %dma_wait3A_82] : memref<10000x128xf32, #tpu.memory_space<hbm>> -> memref<10000x128xf32, #tpu.memory_space<hbm>>
      tpu.wait_indirect_dma semaphore(%arg15 : memref<!tpu.dma_semaphore, #tpu.memory_space<semaphore_mem>>) src(%dma_wait3A_83 : memref<10000x128xf32, #tpu.memory_space<hbm>>) dst(%arg12 : memref<128x128xf32, #tpu.memory_space<vmem>>)
      %lt3A = arith.constant 38 : i32
      %lt3A_84 = arith.cmpi slt, %add3A_61, %lt3A : i32
      %convert_element_type3A_85 = arith.extui %lt3A_84 : i1 to i32
      %cond3A_86 = arith.constant 0 : i32
      %cond3A_87 = arith.cmpi ne, %convert_element_type3A_85, %cond3A_86 : i32
      scf.if %cond3A_87 {
        %add3A_90 = arith.constant 2 : i32
        %add3A_91 = arith.addi %add3A_61, %add3A_90 : i32
        %dma_start3A_92 = arith.constant 0 : i32
        %dma_start3A_93 = tpu.memref_slice %arg9[%add3A_91, %dma_start3A_92] : memref<40x128xi32, #tpu.memory_space<vmem>> -> memref<1x128xi32, #tpu.memory_space<vmem>>
        %dma_start3A_94 = tpu.memref_squeeze %dma_start3A_93 : memref<1x128xi32, #tpu.memory_space<vmem>> -> memref<128xi32, #tpu.memory_space<vmem>>
        %dma_start3A_95 = arith.constant 0 : i32
        %dma_start3A_96 = arith.constant 0 : i32
        %dma_start3A_97 = tpu.memref_slice %arg2[%dma_start3A_95, %dma_start3A_96] : memref<10000x128xf32, #tpu.memory_space<hbm>> -> memref<10000x128xf32, #tpu.memory_space<hbm>>
        tpu.enqueue_indirect_dma source(%dma_start3A_97 : memref<10000x128xf32, #tpu.memory_space<hbm>>) target(%arg11 : memref<128x128xf32, #tpu.memory_space<vmem>>) offsets(%dma_start3A_94 : memref<128xi32, #tpu.memory_space<vmem>>) semaphore(%arg14 : memref<!tpu.dma_semaphore, #tpu.memory_space<semaphore_mem>>)
      } else {
      }
      %add3A_88 = arith.constant 1 : i32
      %add3A_89 = arith.addi %add3A_61, %add3A_88 : i32
      "tpu.region"() ({
        %run_scoped3A = tpu.sem_alloc : memref<!tpu.dma_semaphore, #tpu.memory_space<semaphore_mem>>
        %dma_start3A_90 = arith.constant 0 : i32
        %dma_start3A_91 = tpu.memref_slice %arg10[%add3A_89, %dma_start3A_90] : memref<40x128xi32, #tpu.memory_space<vmem>> -> memref<1x128xi32, #tpu.memory_space<vmem>>
        %dma_start3A_92 = tpu.memref_squeeze %dma_start3A_91 : memref<1x128xi32, #tpu.memory_space<vmem>> -> memref<128xi32, #tpu.memory_space<vmem>>
        %dma_start3A_93 = arith.constant 0 : i32
        %dma_start3A_94 = arith.constant 0 : i32
        %dma_start3A_95 = tpu.memref_slice %arg8[%dma_start3A_93, %dma_start3A_94] : memref<10016x128xf32, #tpu.memory_space<vmem_shared>> -> memref<10016x128xf32, #tpu.memory_space<vmem_shared>>
        tpu.enqueue_indirect_dma source(%arg12 : memref<128x128xf32, #tpu.memory_space<vmem>>) target(%dma_start3A_95 : memref<10016x128xf32, #tpu.memory_space<vmem_shared>>) offsets(%dma_start3A_92 : memref<128xi32, #tpu.memory_space<vmem>>) semaphore(%run_scoped3A : memref<!tpu.dma_semaphore, #tpu.memory_space<semaphore_mem>>) {add = true}
        %dma_wait3A_96 = arith.constant 0 : i32
        %dma_wait3A_97 = tpu.memref_slice %arg10[%add3A_89, %dma_wait3A_96] : memref<40x128xi32, #tpu.memory_space<vmem>> -> memref<1x128xi32, #tpu.memory_space<vmem>>
        %dma_wait3A_98 = tpu.memref_squeeze %dma_wait3A_97 : memref<1x128xi32, #tpu.memory_space<vmem>> -> memref<128xi32, #tpu.memory_space<vmem>>
        %dma_wait3A_99 = arith.constant 0 : i32
        %dma_wait3A_100 = arith.constant 0 : i32
        %dma_wait3A_101 = tpu.memref_slice %arg8[%dma_wait3A_99, %dma_wait3A_100] : memref<10016x128xf32, #tpu.memory_space<vmem_shared>> -> memref<10016x128xf32, #tpu.memory_space<vmem_shared>>
        tpu.wait_indirect_dma semaphore(%run_scoped3A : memref<!tpu.dma_semaphore, #tpu.memory_space<semaphore_mem>>) src(%arg12 : memref<128x128xf32, #tpu.memory_space<vmem>>) dst(%dma_wait3A_101 : memref<10016x128xf32, #tpu.memory_space<vmem_shared>>)
        tpu.yield
      }) : () -> ()
    }
    %scan3A_42 = arith.constant 20 : i32
    %barrier3A_43 = arith.constant 0 : index
    tpu.barrier barrier_id(%barrier3A_43)
    %mul3A_44 = arith.constant 624 : i32
    %mul3A_45 = arith.muli %arg1, %mul3A_44 : i32
    %multiple_of3A_46 = tpu.assume_multiple %mul3A_45, 8 : i32
    %eq3A_47 = arith.constant 0 : i32
    %eq3A_48 = arith.cmpi eq, %arg0, %eq3A_47 : i32
    %convert_element_type3A_49 = arith.extui %eq3A_48 : i1 to i32
    %cond3A_50 = arith.constant 0 : i32
    %cond3A_51 = arith.cmpi ne, %convert_element_type3A_49, %cond3A_50 : i32
    scf.if %cond3A_51 {
      "tpu.region"() ({
        %run_scoped3A = tpu.sem_alloc : memref<!tpu.dma_semaphore, #tpu.memory_space<semaphore_mem>>
        %dma_start3A_62 = arith.constant 0 : i32
        %dma_start3A_63 = tpu.memref_slice %arg6[%multiple_of3A_46, %dma_start3A_62] : memref<10000x128xf32, #tpu.memory_space<hbm>> -> memref<624x128xf32, #tpu.memory_space<hbm>>
        %dma_start3A_64 = arith.constant 0 : i32
        %dma_start3A_65 = tpu.memref_slice %arg8[%multiple_of3A_46, %dma_start3A_64] : memref<10016x128xf32, #tpu.memory_space<vmem_shared>> -> memref<624x128xf32, #tpu.memory_space<vmem_shared>>
        tpu.enqueue_dma source(%dma_start3A_65 : memref<624x128xf32, #tpu.memory_space<vmem_shared>>) target(%dma_start3A_63 : memref<624x128xf32, #tpu.memory_space<hbm>>) target_semaphore(%run_scoped3A : memref<!tpu.dma_semaphore, #tpu.memory_space<semaphore_mem>>)
        %dma_wait3A_66 = arith.constant 0 : i32
        %dma_wait3A_67 = tpu.memref_slice %arg6[%multiple_of3A_46, %dma_wait3A_66] : memref<10000x128xf32, #tpu.memory_space<hbm>> -> memref<624x128xf32, #tpu.memory_space<hbm>>
        %dma_wait3A_68 = arith.constant 0 : i32
        %dma_wait3A_69 = tpu.memref_slice %arg8[%multiple_of3A_46, %dma_wait3A_68] : memref<10016x128xf32, #tpu.memory_space<vmem_shared>> -> memref<624x128xf32, #tpu.memory_space<vmem_shared>>
        tpu.wait_dma2 semaphore(%run_scoped3A : memref<!tpu.dma_semaphore, #tpu.memory_space<semaphore_mem>>) src(%dma_wait3A_69 : memref<624x128xf32, #tpu.memory_space<vmem_shared>>) dst(%dma_wait3A_67 : memref<624x128xf32, #tpu.memory_space<hbm>>)
        tpu.yield
      }) : () -> ()
      %eq3A_57 = arith.constant 15 : i32
      %eq3A_58 = arith.cmpi eq, %arg1, %eq3A_57 : i32
      %convert_element_type3A_59 = arith.extui %eq3A_58 : i1 to i32
      %cond3A_60 = arith.constant 0 : i32
      %cond3A_61 = arith.cmpi ne, %convert_element_type3A_59, %cond3A_60 : i32
      scf.if %cond3A_61 {
        "tpu.region"() ({
          %run_scoped3A = tpu.sem_alloc : memref<!tpu.dma_semaphore, #tpu.memory_space<semaphore_mem>>
          %dma_start3A_62 = arith.constant 9984 : i32
          %dma_start3A_63 = arith.constant 0 : i32
          %dma_start3A_64 = tpu.memref_slice %arg6[%dma_start3A_62, %dma_start3A_63] : memref<10000x128xf32, #tpu.memory_space<hbm>> -> memref<16x128xf32, #tpu.memory_space<hbm>>
          %dma_start3A_65 = arith.constant 9984 : i32
          %dma_start3A_66 = arith.constant 0 : i32
          %dma_start3A_67 = tpu.memref_slice %arg8[%dma_start3A_65, %dma_start3A_66] : memref<10016x128xf32, #tpu.memory_space<vmem_shared>> -> memref<16x128xf32, #tpu.memory_space<vmem_shared>>
          tpu.enqueue_dma source(%dma_start3A_67 : memref<16x128xf32, #tpu.memory_space<vmem_shared>>) target(%dma_start3A_64 : memref<16x128xf32, #tpu.memory_space<hbm>>) target_semaphore(%run_scoped3A : memref<!tpu.dma_semaphore, #tpu.memory_space<semaphore_mem>>)
          %dma_wait3A_68 = arith.constant 9984 : i32
          %dma_wait3A_69 = arith.constant 0 : i32
          %dma_wait3A_70 = tpu.memref_slice %arg6[%dma_wait3A_68, %dma_wait3A_69] : memref<10000x128xf32, #tpu.memory_space<hbm>> -> memref<16x128xf32, #tpu.memory_space<hbm>>
          %dma_wait3A_71 = arith.constant 9984 : i32
          %dma_wait3A_72 = arith.constant 0 : i32
          %dma_wait3A_73 = tpu.memref_slice %arg8[%dma_wait3A_71, %dma_wait3A_72] : memref<10016x128xf32, #tpu.memory_space<vmem_shared>> -> memref<16x128xf32, #tpu.memory_space<vmem_shared>>
          tpu.wait_dma2 semaphore(%run_scoped3A : memref<!tpu.dma_semaphore, #tpu.memory_space<semaphore_mem>>) src(%dma_wait3A_73 : memref<16x128xf32, #tpu.memory_space<vmem_shared>>) dst(%dma_wait3A_70 : memref<16x128xf32, #tpu.memory_space<hbm>>)
          tpu.yield
        }) : () -> ()
      } else {
      }
    } else {
    }
    %eq3A_52 = arith.constant 1 : i32
    %eq3A_53 = arith.cmpi eq, %arg0, %eq3A_52 : i32
    %convert_element_type3A_54 = arith.extui %eq3A_53 : i1 to i32
    %cond3A_55 = arith.constant 0 : i32
    %cond3A_56 = arith.cmpi ne, %convert_element_type3A_54, %cond3A_55 : i32
    scf.if %cond3A_56 {
      "tpu.region"() ({
        %run_scoped3A = tpu.sem_alloc : memref<!tpu.dma_semaphore, #tpu.memory_space<semaphore_mem>>
        %dma_start3A_62 = arith.constant 0 : i32
        %dma_start3A_63 = tpu.memref_slice %arg7[%multiple_of3A_46, %dma_start3A_62] : memref<10000x128xf32, #tpu.memory_space<hbm>> -> memref<624x128xf32, #tpu.memory_space<hbm>>
        %dma_start3A_64 = arith.constant 0 : i32
        %dma_start3A_65 = tpu.memref_slice %arg8[%multiple_of3A_46, %dma_start3A_64] : memref<10016x128xf32, #tpu.memory_space<vmem_shared>> -> memref<624x128xf32, #tpu.memory_space<vmem_shared>>
        tpu.enqueue_dma source(%dma_start3A_65 : memref<624x128xf32, #tpu.memory_space<vmem_shared>>) target(%dma_start3A_63 : memref<624x128xf32, #tpu.memory_space<hbm>>) target_semaphore(%run_scoped3A : memref<!tpu.dma_semaphore, #tpu.memory_space<semaphore_mem>>)
        %dma_wait3A_66 = arith.constant 0 : i32
        %dma_wait3A_67 = tpu.memref_slice %arg7[%multiple_of3A_46, %dma_wait3A_66] : memref<10000x128xf32, #tpu.memory_space<hbm>> -> memref<624x128xf32, #tpu.memory_space<hbm>>
        %dma_wait3A_68 = arith.constant 0 : i32
        %dma_wait3A_69 = tpu.memref_slice %arg8[%multiple_of3A_46, %dma_wait3A_68] : memref<10016x128xf32, #tpu.memory_space<vmem_shared>> -> memref<624x128xf32, #tpu.memory_space<vmem_shared>>
        tpu.wait_dma2 semaphore(%run_scoped3A : memref<!tpu.dma_semaphore, #tpu.memory_space<semaphore_mem>>) src(%dma_wait3A_69 : memref<624x128xf32, #tpu.memory_space<vmem_shared>>) dst(%dma_wait3A_67 : memref<624x128xf32, #tpu.memory_space<hbm>>)
        tpu.yield
      }) : () -> ()
      %eq3A_57 = arith.constant 15 : i32
      %eq3A_58 = arith.cmpi eq, %arg1, %eq3A_57 : i32
      %convert_element_type3A_59 = arith.extui %eq3A_58 : i1 to i32
      %cond3A_60 = arith.constant 0 : i32
      %cond3A_61 = arith.cmpi ne, %convert_element_type3A_59, %cond3A_60 : i32
      scf.if %cond3A_61 {
        "tpu.region"() ({
          %run_scoped3A = tpu.sem_alloc : memref<!tpu.dma_semaphore, #tpu.memory_space<semaphore_mem>>
          %dma_start3A_62 = arith.constant 9984 : i32
          %dma_start3A_63 = arith.constant 0 : i32
          %dma_start3A_64 = tpu.memref_slice %arg7[%dma_start3A_62, %dma_start3A_63] : memref<10000x128xf32, #tpu.memory_space<hbm>> -> memref<16x128xf32, #tpu.memory_space<hbm>>
          %dma_start3A_65 = arith.constant 9984 : i32
          %dma_start3A_66 = arith.constant 0 : i32
          %dma_start3A_67 = tpu.memref_slice %arg8[%dma_start3A_65, %dma_start3A_66] : memref<10016x128xf32, #tpu.memory_space<vmem_shared>> -> memref<16x128xf32, #tpu.memory_space<vmem_shared>>
          tpu.enqueue_dma source(%dma_start3A_67 : memref<16x128xf32, #tpu.memory_space<vmem_shared>>) target(%dma_start3A_64 : memref<16x128xf32, #tpu.memory_space<hbm>>) target_semaphore(%run_scoped3A : memref<!tpu.dma_semaphore, #tpu.memory_space<semaphore_mem>>)
          %dma_wait3A_68 = arith.constant 9984 : i32
          %dma_wait3A_69 = arith.constant 0 : i32
          %dma_wait3A_70 = tpu.memref_slice %arg7[%dma_wait3A_68, %dma_wait3A_69] : memref<10000x128xf32, #tpu.memory_space<hbm>> -> memref<16x128xf32, #tpu.memory_space<hbm>>
          %dma_wait3A_71 = arith.constant 9984 : i32
          %dma_wait3A_72 = arith.constant 0 : i32
          %dma_wait3A_73 = tpu.memref_slice %arg8[%dma_wait3A_71, %dma_wait3A_72] : memref<10016x128xf32, #tpu.memory_space<vmem_shared>> -> memref<16x128xf32, #tpu.memory_space<vmem_shared>>
          tpu.wait_dma2 semaphore(%run_scoped3A : memref<!tpu.dma_semaphore, #tpu.memory_space<semaphore_mem>>) src(%dma_wait3A_73 : memref<16x128xf32, #tpu.memory_space<vmem_shared>>) dst(%dma_wait3A_70 : memref<16x128xf32, #tpu.memory_space<hbm>>)
          tpu.yield
        }) : () -> ()
      } else {
      }
    } else {
    }
    return
  }
}

module attributes {stable_mosaic.version = 14 : i64} {
  func.func @body(%arg0: i32, %arg1: memref<2000x128xf32, #tpu.memory_space<vmem>>, %arg2: memref<128x64xf32, #tpu.memory_space<vmem>>, %arg3: memref<64xf32, #tpu.memory_space<vmem>>, %arg4: memref<64x64xf32, #tpu.memory_space<vmem>>, %arg5: memref<2000x128xf32, #tpu.memory_space<vmem>>) attributes {dimension_semantics = [#tpu.dimension_semantics<arbitrary>], iteration_bounds = array<i64: 5>, scalar_prefetch = 0 : i64, scratch_operands = 0 : i64, tpu.core_type = #tpu.core_type<tc>, window_params = [{transform_indices = @transform_0, window_bounds = array<i64: 2000, 128>}, {pipeline_mode = #tpu.pipeline_mode<synchronous>, transform_indices = @transform_1, window_bounds = array<i64: 128, 64>}, {pipeline_mode = #tpu.pipeline_mode<synchronous>, transform_indices = @transform_2, window_bounds = array<i64: 64>}, {pipeline_mode = #tpu.pipeline_mode<synchronous>, transform_indices = @transform_3, window_bounds = array<i64: 64, 64>}, {transform_indices = @transform_4, window_bounds = array<i64: 2000, 128>}]} {
    %get3A = arith.constant 0 : index
    %get3A_0 = arith.constant 0 : index
    %get3A_1 = vector.load %arg1[%get3A, %get3A_0] : memref<2000x128xf32, #tpu.memory_space<vmem>>, vector<2000x128xf32>
    %get3A_2 = arith.constant 0 : index
    %get3A_3 = arith.constant 0 : index
    %get3A_4 = vector.load %arg2[%get3A_2, %get3A_3] : memref<128x64xf32, #tpu.memory_space<vmem>>, vector<128x64xf32>
    %dot_general3A = arith.constant dense<0.000000e+00> : vector<2000x64xf32>
    %dot_general3A_5 = tpu.matmul %get3A_1, %get3A_4, %dot_general3A {dimension_numbers = #tpu.dot_dimension_numbers<[1], [0], [0], [1], [0, 0, 1, 1], [], []>, transpose_lhs_hint = false} : vector<2000x128xf32>, vector<128x64xf32>, vector<2000x64xf32> -> vector<2000x64xf32>
    %get3A_6 = arith.constant 0 : index
    %get3A_7 = vector.load %arg3[%get3A_6] : memref<64xf32, #tpu.memory_space<vmem>>, vector<64xf32>
    %broadcast_in_dim3A = vector.shape_cast %get3A_7 : vector<64xf32> to vector<1x64xf32>
    %add3A = vector.broadcast %broadcast_in_dim3A : vector<1x64xf32> to vector<2000x64xf32>
    %add3A_8 = arith.addf %dot_general3A_5, %add3A : vector<2000x64xf32>
    %max3A = arith.constant 0.000000e+00 : f32
    %max3A_9 = vector.broadcast %max3A : f32 to vector<2000x64xf32>
    %max3A_10 = arith.maximumf %add3A_8, %max3A_9 : vector<2000x64xf32>
    %get3A_11 = arith.constant 0 : index
    %get3A_12 = arith.constant 0 : index
    %get3A_13 = vector.load %arg4[%get3A_11, %get3A_12] : memref<64x64xf32, #tpu.memory_space<vmem>>, vector<64x64xf32>
    %dot_general3A_14 = arith.constant dense<0.000000e+00> : vector<2000x64xf32>
    %dot_general3A_15 = tpu.matmul %max3A_10, %get3A_13, %dot_general3A_14 {dimension_numbers = #tpu.dot_dimension_numbers<[1], [0], [0], [1], [0, 0, 1, 1], [], []>, transpose_lhs_hint = false} : vector<2000x64xf32>, vector<64x64xf32>, vector<2000x64xf32> -> vector<2000x64xf32>
    %broadcast_in_dim3A_16 = arith.constant 0.000000e+00 : f32
    %broadcast_in_dim3A_17 = vector.broadcast %broadcast_in_dim3A_16 : f32 to vector<2000x64xf32>
    %concatenate3A = tpu.concatenate %dot_general3A_15, %broadcast_in_dim3A_17 in 1 : vector<2000x64xf32>, vector<2000x64xf32> -> vector<2000x128xf32>
    %swap3A = arith.constant 0 : index
    %swap3A_18 = arith.constant 0 : index
    %swap3A_19 = vector.load %arg5[%swap3A, %swap3A_18] : memref<2000x128xf32, #tpu.memory_space<vmem>>, vector<2000x128xf32>
    tpu.vector_store %arg5[%swap3A, %swap3A_18], %concatenate3A {strides = array<i32>} : memref<2000x128xf32, #tpu.memory_space<vmem>>, vector<2000x128xf32>,
    return
  }
  func.func @transform_0(%arg0: i32) -> (i32, i32) {
    %c0_i32 = arith.constant 0 : i32
    %c0_i32_0 = arith.constant 0 : i32
    return %arg0, %c0_i32 : i32, i32
  }
  func.func @transform_1(%arg0: i32) -> (i32, i32) {
    %c0_i32 = arith.constant 0 : i32
    %c0_i32_0 = arith.constant 0 : i32
    %c0_i32_1 = arith.constant 0 : i32
    return %c0_i32, %c0_i32_0 : i32, i32
  }
  func.func @transform_2(%arg0: i32) -> i32 {
    %c0_i32 = arith.constant 0 : i32
    %c0_i32_0 = arith.constant 0 : i32
    return %c0_i32 : i32
  }
  func.func @transform_3(%arg0: i32) -> (i32, i32) {
    %c0_i32 = arith.constant 0 : i32
    %c0_i32_0 = arith.constant 0 : i32
    %c0_i32_1 = arith.constant 0 : i32
    return %c0_i32, %c0_i32_0 : i32, i32
  }
  func.func @transform_4(%arg0: i32) -> (i32, i32) {
    %c0_i32 = arith.constant 0 : i32
    %c0_i32_0 = arith.constant 0 : i32
    return %arg0, %c0_i32 : i32, i32
  }
}

module attributes {stable_mosaic.version = 14 : i64} {
  func.func @body(%arg0: i32, %arg1: memref<2000x128xf32, #tpu.memory_space<vmem>>, %arg2: memref<2000x128xf32, #tpu.memory_space<vmem>>, %arg3: memref<2000x128xf32, #tpu.memory_space<vmem>>, %arg4: memref<2000x128xf32, #tpu.memory_space<vmem>>, %arg5: memref<2000x1xf32, #tpu.memory_space<vmem>>) attributes {dimension_semantics = [#tpu.dimension_semantics<arbitrary>], iteration_bounds = array<i64: 5>, scalar_prefetch = 0 : i64, scratch_operands = 0 : i64, tpu.core_type = #tpu.core_type<tc>, window_params = [{transform_indices = @transform_0, window_bounds = array<i64: 2000, 128>}, {transform_indices = @transform_1, window_bounds = array<i64: 2000, 128>}, {transform_indices = @transform_2, window_bounds = array<i64: 2000, 128>}, {transform_indices = @transform_3, window_bounds = array<i64: 2000, 128>}, {transform_indices = @transform_4, window_bounds = array<i64: 2000, 1>}]} {
    %get3A = arith.constant 0 : index
    %get3A_0 = arith.constant 0 : index
    %get3A_1 = vector.load %arg2[%get3A, %get3A_0] : memref<2000x128xf32, #tpu.memory_space<vmem>>, vector<2000x128xf32>
    %slice3A = vector.extract_strided_slice %get3A_1 {offsets = [0, 0], sizes = [2000, 1], strides = [1, 1]} : vector<2000x128xf32> to vector<2000x1xf32>
    %get3A_2 = arith.constant 0 : index
    %get3A_3 = arith.constant 0 : index
    %get3A_4 = vector.load %arg3[%get3A_2, %get3A_3] : memref<2000x128xf32, #tpu.memory_space<vmem>>, vector<2000x128xf32>
    %slice3A_5 = vector.extract_strided_slice %get3A_4 {offsets = [0, 0], sizes = [2000, 1], strides = [1, 1]} : vector<2000x128xf32> to vector<2000x1xf32>
    %add3A = arith.addf %slice3A, %slice3A_5 : vector<2000x1xf32>
    %add3A_6 = arith.constant 1.000000e+00 : f32
    %add3A_7 = vector.broadcast %add3A_6 : f32 to vector<2000x1xf32>
    %add3A_8 = arith.addf %add3A, %add3A_7 : vector<2000x1xf32>
    %rsqrt3A = math.rsqrt %add3A_8 : vector<2000x1xf32>
    %swap3A = arith.constant 0 : index
    %swap3A_9 = arith.constant 0 : index
    %swap3A_10 = vector.load %arg5[%swap3A, %swap3A_9] : memref<2000x1xf32, #tpu.memory_space<vmem>>, vector<2000x1xf32>
    tpu.vector_store %arg5[%swap3A, %swap3A_9], %rsqrt3A {strides = array<i32>} : memref<2000x1xf32, #tpu.memory_space<vmem>>, vector<2000x1xf32>,
    %get3A_11 = arith.constant 0 : index
    %get3A_12 = arith.constant 0 : index
    %get3A_13 = vector.load %arg1[%get3A_11, %get3A_12] : memref<2000x128xf32, #tpu.memory_space<vmem>>, vector<2000x128xf32>
    %mul3A = vector.broadcast %rsqrt3A : vector<2000x1xf32> to vector<2000x128xf32>
    %mul3A_14 = arith.mulf %get3A_13, %mul3A : vector<2000x128xf32>
    %swap3A_15 = arith.constant 0 : index
    %swap3A_16 = arith.constant 0 : index
    %swap3A_17 = vector.load %arg4[%swap3A_15, %swap3A_16] : memref<2000x128xf32, #tpu.memory_space<vmem>>, vector<2000x128xf32>
    tpu.vector_store %arg4[%swap3A_15, %swap3A_16], %mul3A_14 {strides = array<i32>} : memref<2000x128xf32, #tpu.memory_space<vmem>>, vector<2000x128xf32>,
    return
  }
  func.func @transform_0(%arg0: i32) -> (i32, i32) {
    %c0_i32 = arith.constant 0 : i32
    %c0_i32_0 = arith.constant 0 : i32
    return %arg0, %c0_i32 : i32, i32
  }
  func.func @transform_1(%arg0: i32) -> (i32, i32) {
    %c0_i32 = arith.constant 0 : i32
    %c0_i32_0 = arith.constant 0 : i32
    return %arg0, %c0_i32 : i32, i32
  }
  func.func @transform_2(%arg0: i32) -> (i32, i32) {
    %c0_i32 = arith.constant 0 : i32
    %c0_i32_0 = arith.constant 0 : i32
    return %arg0, %c0_i32 : i32, i32
  }
  func.func @transform_3(%arg0: i32) -> (i32, i32) {
    %c0_i32 = arith.constant 0 : i32
    %c0_i32_0 = arith.constant 0 : i32
    return %arg0, %c0_i32 : i32, i32
  }
  func.func @transform_4(%arg0: i32) -> (i32, i32) {
    %c0_i32 = arith.constant 0 : i32
    %c0_i32_0 = arith.constant 0 : i32
    return %arg0, %c0_i32 : i32, i32
  }
}

module attributes {stable_mosaic.version = 14 : i64} {
  func.func @body(%arg0: i32, %arg1: memref<2000x128xf32, #tpu.memory_space<vmem>>, %arg2: memref<2000x128xf32, #tpu.memory_space<vmem>>, %arg3: memref<2000x128xf32, #tpu.memory_space<vmem>>, %arg4: memref<2000x1xf32, #tpu.memory_space<vmem>>, %arg5: memref<64xf32, #tpu.memory_space<vmem>>, %arg6: memref<64x64xf32, #tpu.memory_space<vmem>>, %arg7: memref<2000x128xf32, #tpu.memory_space<vmem>>) attributes {dimension_semantics = [#tpu.dimension_semantics<arbitrary>], iteration_bounds = array<i64: 5>, scalar_prefetch = 0 : i64, scratch_operands = 0 : i64, tpu.core_type = #tpu.core_type<tc>, window_params = [{transform_indices = @transform_0, window_bounds = array<i64: 2000, 128>}, {transform_indices = @transform_1, window_bounds = array<i64: 2000, 128>}, {transform_indices = @transform_2, window_bounds = array<i64: 2000, 128>}, {transform_indices = @transform_3, window_bounds = array<i64: 2000, 1>}, {pipeline_mode = #tpu.pipeline_mode<synchronous>, transform_indices = @transform_4, window_bounds = array<i64: 64>}, {pipeline_mode = #tpu.pipeline_mode<synchronous>, transform_indices = @transform_5, window_bounds = array<i64: 64, 64>}, {transform_indices = @transform_6, window_bounds = array<i64: 2000, 128>}]} {
    %get3A = arith.constant 0 : index
    %get3A_0 = arith.constant 0 : index
    %get3A_1 = vector.load %arg4[%get3A, %get3A_0] : memref<2000x1xf32, #tpu.memory_space<vmem>>, vector<2000x1xf32>
    %get3A_2 = arith.constant 0 : index
    %get3A_3 = arith.constant 0 : index
    %get3A_4 = vector.load %arg1[%get3A_2, %get3A_3] : memref<2000x128xf32, #tpu.memory_space<vmem>>, vector<2000x128xf32>
    %get3A_5 = arith.constant 0 : index
    %get3A_6 = arith.constant 0 : index
    %get3A_7 = vector.load %arg2[%get3A_5, %get3A_6] : memref<2000x128xf32, #tpu.memory_space<vmem>>, vector<2000x128xf32>
    %add3A = arith.addf %get3A_4, %get3A_7 : vector<2000x128xf32>
    %get3A_8 = arith.constant 0 : index
    %get3A_9 = arith.constant 0 : index
    %get3A_10 = vector.load %arg3[%get3A_8, %get3A_9] : memref<2000x128xf32, #tpu.memory_space<vmem>>, vector<2000x128xf32>
    %add3A_11 = arith.addf %add3A, %get3A_10 : vector<2000x128xf32>
    %slice3A = vector.extract_strided_slice %add3A_11 {offsets = [0, 0], sizes = [2000, 64], strides = [1, 1]} : vector<2000x128xf32> to vector<2000x64xf32>
    %mul3A = vector.broadcast %get3A_1 : vector<2000x1xf32> to vector<2000x64xf32>
    %mul3A_12 = arith.mulf %mul3A, %slice3A : vector<2000x64xf32>
    %get3A_13 = arith.constant 0 : index
    %get3A_14 = vector.load %arg5[%get3A_13] : memref<64xf32, #tpu.memory_space<vmem>>, vector<64xf32>
    %broadcast_in_dim3A = vector.shape_cast %get3A_14 : vector<64xf32> to vector<1x64xf32>
    %add3A_15 = vector.broadcast %broadcast_in_dim3A : vector<1x64xf32> to vector<2000x64xf32>
    %add3A_16 = arith.addf %mul3A_12, %add3A_15 : vector<2000x64xf32>
    %max3A = arith.constant 0.000000e+00 : f32
    %max3A_17 = vector.broadcast %max3A : f32 to vector<2000x64xf32>
    %max3A_18 = arith.maximumf %add3A_16, %max3A_17 : vector<2000x64xf32>
    %get3A_19 = arith.constant 0 : index
    %get3A_20 = arith.constant 0 : index
    %get3A_21 = vector.load %arg6[%get3A_19, %get3A_20] : memref<64x64xf32, #tpu.memory_space<vmem>>, vector<64x64xf32>
    %dot_general3A = arith.constant dense<0.000000e+00> : vector<2000x64xf32>
    %dot_general3A_22 = tpu.matmul %max3A_18, %get3A_21, %dot_general3A {dimension_numbers = #tpu.dot_dimension_numbers<[1], [0], [0], [1], [0, 0, 1, 1], [], []>, transpose_lhs_hint = false} : vector<2000x64xf32>, vector<64x64xf32>, vector<2000x64xf32> -> vector<2000x64xf32>
    %mul3A_23 = vector.broadcast %get3A_1 : vector<2000x1xf32> to vector<2000x64xf32>
    %mul3A_24 = arith.mulf %dot_general3A_22, %mul3A_23 : vector<2000x64xf32>
    %broadcast_in_dim3A_25 = arith.constant 0.000000e+00 : f32
    %broadcast_in_dim3A_26 = vector.broadcast %broadcast_in_dim3A_25 : f32 to vector<2000x64xf32>
    %concatenate3A = tpu.concatenate %mul3A_24, %broadcast_in_dim3A_26 in 1 : vector<2000x64xf32>, vector<2000x64xf32> -> vector<2000x128xf32>
    %swap3A = arith.constant 0 : index
    %swap3A_27 = arith.constant 0 : index
    %swap3A_28 = vector.load %arg7[%swap3A, %swap3A_27] : memref<2000x128xf32, #tpu.memory_space<vmem>>, vector<2000x128xf32>
    tpu.vector_store %arg7[%swap3A, %swap3A_27], %concatenate3A {strides = array<i32>} : memref<2000x128xf32, #tpu.memory_space<vmem>>, vector<2000x128xf32>,
    return
  }
  func.func @transform_0(%arg0: i32) -> (i32, i32) {
    %c0_i32 = arith.constant 0 : i32
    %c0_i32_0 = arith.constant 0 : i32
    return %arg0, %c0_i32 : i32, i32
  }
  func.func @transform_1(%arg0: i32) -> (i32, i32) {
    %c0_i32 = arith.constant 0 : i32
    %c0_i32_0 = arith.constant 0 : i32
    return %arg0, %c0_i32 : i32, i32
  }
  func.func @transform_2(%arg0: i32) -> (i32, i32) {
    %c0_i32 = arith.constant 0 : i32
    %c0_i32_0 = arith.constant 0 : i32
    return %arg0, %c0_i32 : i32, i32
  }
  func.func @transform_3(%arg0: i32) -> (i32, i32) {
    %c0_i32 = arith.constant 0 : i32
    %c0_i32_0 = arith.constant 0 : i32
    return %arg0, %c0_i32 : i32, i32
  }
  func.func @transform_4(%arg0: i32) -> i32 {
    %c0_i32 = arith.constant 0 : i32
    %c0_i32_0 = arith.constant 0 : i32
    return %c0_i32 : i32
  }
  func.func @transform_5(%arg0: i32) -> (i32, i32) {
    %c0_i32 = arith.constant 0 : i32
    %c0_i32_0 = arith.constant 0 : i32
    %c0_i32_1 = arith.constant 0 : i32
    return %c0_i32, %c0_i32_0 : i32, i32
  }
  func.func @transform_6(%arg0: i32) -> (i32, i32) {
    %c0_i32 = arith.constant 0 : i32
    %c0_i32_0 = arith.constant 0 : i32
    return %arg0, %c0_i32 : i32, i32
  }
}

module attributes {stable_mosaic.version = 14 : i64} {
  func.func @body(%arg0: i32, %arg1: memref<2000x128xf32, #tpu.memory_space<vmem>>, %arg2: memref<2000x128xf32, #tpu.memory_space<vmem>>, %arg3: memref<2000x128xf32, #tpu.memory_space<vmem>>, %arg4: memref<2000x1xf32, #tpu.memory_space<vmem>>, %arg5: memref<64xf32, #tpu.memory_space<vmem>>, %arg6: memref<64x64xf32, #tpu.memory_space<vmem>>, %arg7: memref<64x64xf32, #tpu.memory_space<vmem>>, %arg8: memref<64xf32, #tpu.memory_space<vmem>>, %arg9: memref<2000x64xf32, #tpu.memory_space<vmem>>, %arg10: memref<2000x128xf32, #tpu.memory_space<vmem>>) attributes {dimension_semantics = [#tpu.dimension_semantics<arbitrary>], iteration_bounds = array<i64: 5>, scalar_prefetch = 0 : i64, scratch_operands = 0 : i64, tpu.core_type = #tpu.core_type<tc>, window_params = [{transform_indices = @transform_0, window_bounds = array<i64: 2000, 128>}, {transform_indices = @transform_1, window_bounds = array<i64: 2000, 128>}, {transform_indices = @transform_2, window_bounds = array<i64: 2000, 128>}, {transform_indices = @transform_3, window_bounds = array<i64: 2000, 1>}, {pipeline_mode = #tpu.pipeline_mode<synchronous>, transform_indices = @transform_4, window_bounds = array<i64: 64>}, {pipeline_mode = #tpu.pipeline_mode<synchronous>, transform_indices = @transform_5, window_bounds = array<i64: 64, 64>}, {pipeline_mode = #tpu.pipeline_mode<synchronous>, transform_indices = @transform_6, window_bounds = array<i64: 64, 64>}, {pipeline_mode = #tpu.pipeline_mode<synchronous>, transform_indices = @transform_7, window_bounds = array<i64: 64>}, {transform_indices = @transform_8, window_bounds = array<i64: 2000, 64>}, {transform_indices = @transform_9, window_bounds = array<i64: 2000, 128>}]} {
    %get3A = arith.constant 0 : index
    %get3A_0 = arith.constant 0 : index
    %get3A_1 = vector.load %arg4[%get3A, %get3A_0] : memref<2000x1xf32, #tpu.memory_space<vmem>>, vector<2000x1xf32>
    %get3A_2 = arith.constant 0 : index
    %get3A_3 = arith.constant 0 : index
    %get3A_4 = vector.load %arg1[%get3A_2, %get3A_3] : memref<2000x128xf32, #tpu.memory_space<vmem>>, vector<2000x128xf32>
    %get3A_5 = arith.constant 0 : index
    %get3A_6 = arith.constant 0 : index
    %get3A_7 = vector.load %arg2[%get3A_5, %get3A_6] : memref<2000x128xf32, #tpu.memory_space<vmem>>, vector<2000x128xf32>
    %add3A = arith.addf %get3A_4, %get3A_7 : vector<2000x128xf32>
    %get3A_8 = arith.constant 0 : index
    %get3A_9 = arith.constant 0 : index
    %get3A_10 = vector.load %arg3[%get3A_8, %get3A_9] : memref<2000x128xf32, #tpu.memory_space<vmem>>, vector<2000x128xf32>
    %add3A_11 = arith.addf %add3A, %get3A_10 : vector<2000x128xf32>
    %slice3A = vector.extract_strided_slice %add3A_11 {offsets = [0, 0], sizes = [2000, 64], strides = [1, 1]} : vector<2000x128xf32> to vector<2000x64xf32>
    %mul3A = vector.broadcast %get3A_1 : vector<2000x1xf32> to vector<2000x64xf32>
    %mul3A_12 = arith.mulf %mul3A, %slice3A : vector<2000x64xf32>
    %get3A_13 = arith.constant 0 : index
    %get3A_14 = vector.load %arg5[%get3A_13] : memref<64xf32, #tpu.memory_space<vmem>>, vector<64xf32>
    %broadcast_in_dim3A = vector.shape_cast %get3A_14 : vector<64xf32> to vector<1x64xf32>
    %add3A_15 = vector.broadcast %broadcast_in_dim3A : vector<1x64xf32> to vector<2000x64xf32>
    %add3A_16 = arith.addf %mul3A_12, %add3A_15 : vector<2000x64xf32>
    %max3A = arith.constant 0.000000e+00 : f32
    %max3A_17 = vector.broadcast %max3A : f32 to vector<2000x64xf32>
    %max3A_18 = arith.maximumf %add3A_16, %max3A_17 : vector<2000x64xf32>
    %swap3A = arith.constant 0 : index
    %swap3A_19 = arith.constant 0 : index
    %swap3A_20 = vector.load %arg9[%swap3A, %swap3A_19] : memref<2000x64xf32, #tpu.memory_space<vmem>>, vector<2000x64xf32>
    tpu.vector_store %arg9[%swap3A, %swap3A_19], %max3A_18 {strides = array<i32>} : memref<2000x64xf32, #tpu.memory_space<vmem>>, vector<2000x64xf32>,
    %get3A_21 = arith.constant 0 : index
    %get3A_22 = arith.constant 0 : index
    %get3A_23 = vector.load %arg6[%get3A_21, %get3A_22] : memref<64x64xf32, #tpu.memory_space<vmem>>, vector<64x64xf32>
    %dot_general3A = arith.constant dense<0.000000e+00> : vector<2000x64xf32>
    %dot_general3A_24 = tpu.matmul %max3A_18, %get3A_23, %dot_general3A {dimension_numbers = #tpu.dot_dimension_numbers<[1], [0], [0], [1], [0, 0, 1, 1], [], []>, transpose_lhs_hint = false} : vector<2000x64xf32>, vector<64x64xf32>, vector<2000x64xf32> -> vector<2000x64xf32>
    %get3A_25 = arith.constant 0 : index
    %get3A_26 = vector.load %arg8[%get3A_25] : memref<64xf32, #tpu.memory_space<vmem>>, vector<64xf32>
    %broadcast_in_dim3A_27 = vector.shape_cast %get3A_26 : vector<64xf32> to vector<1x64xf32>
    %add3A_28 = vector.broadcast %broadcast_in_dim3A_27 : vector<1x64xf32> to vector<2000x64xf32>
    %add3A_29 = arith.addf %dot_general3A_24, %add3A_28 : vector<2000x64xf32>
    %get3A_30 = arith.constant 0 : index
    %get3A_31 = arith.constant 0 : index
    %get3A_32 = vector.load %arg7[%get3A_30, %get3A_31] : memref<64x64xf32, #tpu.memory_space<vmem>>, vector<64x64xf32>
    %dot_general3A_33 = arith.constant dense<0.000000e+00> : vector<2000x64xf32>
    %dot_general3A_34 = tpu.matmul %max3A_18, %get3A_32, %dot_general3A_33 {dimension_numbers = #tpu.dot_dimension_numbers<[1], [0], [0], [1], [0, 0, 1, 1], [], []>, transpose_lhs_hint = false} : vector<2000x64xf32>, vector<64x64xf32>, vector<2000x64xf32> -> vector<2000x64xf32>
    %concatenate3A = tpu.concatenate %add3A_29, %dot_general3A_34 in 1 : vector<2000x64xf32>, vector<2000x64xf32> -> vector<2000x128xf32>
    %swap3A_35 = arith.constant 0 : index
    %swap3A_36 = arith.constant 0 : index
    %swap3A_37 = vector.load %arg10[%swap3A_35, %swap3A_36] : memref<2000x128xf32, #tpu.memory_space<vmem>>, vector<2000x128xf32>
    tpu.vector_store %arg10[%swap3A_35, %swap3A_36], %concatenate3A {strides = array<i32>} : memref<2000x128xf32, #tpu.memory_space<vmem>>, vector<2000x128xf32>,
    return
  }
  func.func @transform_0(%arg0: i32) -> (i32, i32) {
    %c0_i32 = arith.constant 0 : i32
    %c0_i32_0 = arith.constant 0 : i32
    return %arg0, %c0_i32 : i32, i32
  }
  func.func @transform_1(%arg0: i32) -> (i32, i32) {
    %c0_i32 = arith.constant 0 : i32
    %c0_i32_0 = arith.constant 0 : i32
    return %arg0, %c0_i32 : i32, i32
  }
  func.func @transform_2(%arg0: i32) -> (i32, i32) {
    %c0_i32 = arith.constant 0 : i32
    %c0_i32_0 = arith.constant 0 : i32
    return %arg0, %c0_i32 : i32, i32
  }
  func.func @transform_3(%arg0: i32) -> (i32, i32) {
    %c0_i32 = arith.constant 0 : i32
    %c0_i32_0 = arith.constant 0 : i32
    return %arg0, %c0_i32 : i32, i32
  }
  func.func @transform_4(%arg0: i32) -> i32 {
    %c0_i32 = arith.constant 0 : i32
    %c0_i32_0 = arith.constant 0 : i32
    return %c0_i32 : i32
  }
  func.func @transform_5(%arg0: i32) -> (i32, i32) {
    %c0_i32 = arith.constant 0 : i32
    %c0_i32_0 = arith.constant 0 : i32
    %c0_i32_1 = arith.constant 0 : i32
    return %c0_i32, %c0_i32_0 : i32, i32
  }
  func.func @transform_6(%arg0: i32) -> (i32, i32) {
    %c0_i32 = arith.constant 0 : i32
    %c0_i32_0 = arith.constant 0 : i32
    %c0_i32_1 = arith.constant 0 : i32
    return %c0_i32, %c0_i32_0 : i32, i32
  }
  func.func @transform_7(%arg0: i32) -> i32 {
    %c0_i32 = arith.constant 0 : i32
    %c0_i32_0 = arith.constant 0 : i32
    return %c0_i32 : i32
  }
  func.func @transform_8(%arg0: i32) -> (i32, i32) {
    %c0_i32 = arith.constant 0 : i32
    %c0_i32_0 = arith.constant 0 : i32
    return %arg0, %c0_i32 : i32, i32
  }
  func.func @transform_9(%arg0: i32) -> (i32, i32) {
    %c0_i32 = arith.constant 0 : i32
    %c0_i32_0 = arith.constant 0 : i32
    return %arg0, %c0_i32 : i32, i32
  }
}

module attributes {stable_mosaic.version = 14 : i64} {
  func.func @body(%arg0: i32, %arg1: memref<8192x16xf32, #tpu.memory_space<vmem>>, %arg2: memref<1xf32, #tpu.memory_space<vmem>>, %arg3: memref<8192x1xf32, #tpu.memory_space<vmem>>) attributes {dimension_semantics = [#tpu.dimension_semantics<arbitrary>], iteration_bounds = array<i64: 40>, scalar_prefetch = 0 : i64, scratch_operands = 0 : i64, tpu.core_type = #tpu.core_type<tc>, window_params = [{transform_indices = @transform_0, window_bounds = array<i64: 8192, 16>}, {pipeline_mode = #tpu.pipeline_mode<synchronous>, transform_indices = @transform_1, window_bounds = array<i64: 1>}, {transform_indices = @transform_2, window_bounds = array<i64: 8192, 1>}]} {
    %get3A = arith.constant 0 : index
    %get3A_0 = arith.constant 0 : index
    %get3A_1 = vector.load %arg1[%get3A, %get3A_0] : memref<8192x16xf32, #tpu.memory_space<vmem>>, vector<8192x16xf32>
    %reduce_sum3A = arith.constant dense<0.000000e+00> : vector<8192xf32>
    %reduce_sum3A_2 = vector.multi_reduction <add>, %get3A_1, %reduce_sum3A [1] : vector<8192x16xf32> to vector<8192xf32>
    %get3A_3 = arith.constant 0 : index
    %get3A_4 = vector.load %arg2[%get3A_3] : memref<1xf32, #tpu.memory_space<vmem>>, vector<1xf32>
    %get3A_5 = vector.extract %get3A_4[0] : f32 from vector<1xf32>
    %add3A = vector.broadcast %get3A_5 : f32 to vector<8192xf32>
    %add3A_6 = arith.addf %reduce_sum3A_2, %add3A : vector<8192xf32>
    %neg3A = arith.constant 0.000000e+00 : f32
    %neg3A_7 = vector.broadcast %neg3A : f32 to vector<8192xf32>
    %neg3A_8 = arith.subf %neg3A_7, %add3A_6 : vector<8192xf32>
    %exp3A = math.exp %neg3A_8 : vector<8192xf32>
    %add3A_9 = arith.constant 1.000000e+00 : f32
    %add3A_10 = vector.broadcast %add3A_9 : f32 to vector<8192xf32>
    %add3A_11 = arith.addf %add3A_10, %exp3A : vector<8192xf32>
    %div3A = arith.constant 1.000000e+00 : f32
    %div3A_12 = vector.broadcast %div3A : f32 to vector<8192xf32>
    %div3A_13 = arith.divf %div3A_12, %add3A_11 : vector<8192xf32>
    %broadcast_in_dim3A = vector.shape_cast %div3A_13 : vector<8192xf32> to vector<8192x1xf32>
    %swap3A = arith.constant 0 : index
    %swap3A_14 = arith.constant 0 : index
    %swap3A_15 = vector.load %arg3[%swap3A, %swap3A_14] : memref<8192x1xf32, #tpu.memory_space<vmem>>, vector<8192x1xf32>
    tpu.vector_store %arg3[%swap3A, %swap3A_14], %broadcast_in_dim3A {strides = array<i32>} : memref<8192x1xf32, #tpu.memory_space<vmem>>, vector<8192x1xf32>,
    return
  }
  func.func @transform_0(%arg0: i32) -> (i32, i32) {
    %c0_i32 = arith.constant 0 : i32
    %c0_i32_0 = arith.constant 0 : i32
    return %arg0, %c0_i32 : i32, i32
  }
  func.func @transform_1(%arg0: i32) -> i32 {
    %c0_i32 = arith.constant 0 : i32
    %c0_i32_0 = arith.constant 0 : i32
    return %c0_i32 : i32
  }
  func.func @transform_2(%arg0: i32) -> (i32, i32) {
    %c0_i32 = arith.constant 0 : i32
    %c0_i32_0 = arith.constant 0 : i32
    return %arg0, %c0_i32 : i32, i32
  }
}

</mosaic_0001>

<sc_bundles>
// kernel: kernel.11.cloned.1.call-start
scs
__scs_entry_jumppad:
0x0: {  	(pc) =	sbr.rel $0x88, $3  }
0x1: {  	(tag) =	ssettag $0x0;
	lr =	simm.s32 $0x1  }
0x2: {  	[smem:$0x3F91] =	sst lr;
	_ =	strace $0xD0000000  }
0x3: {  	_ = 	snop  }
0x4: {  	_ = 	snop  }
0x5: {  	_ = 	snop  }
0x6: {  	_ = 	snop  }
0x7: {  	_ = 	snop  }
__scs_overlays_trampoline_lowered:
0x8: {  	[smem:$0x3FA0] =	sst s0  }
0x9: {  	[smem:$0x3FA1] =	sst s1  }
0xa: {  	[smem:$0x3FA2] =	sst s2  }
0xb: {  	[smem:$0x3FA3] =	sst s3  }
0xc: {  	[smem:$0x3FA4] =	sst s4  }
0xd: {  	[smem:$0x3FA5] =	sst s5  }
0xe: {  	[smem:$0x3FA6] =	sst s6  }
0xf: {  	[smem:$0x3FA7] =	sst s7  }
0x10: {  	[smem:$0x3FA8] =	sst s8  }
0x11: {  	[smem:$0x3FA9] =	sst s9;
	s0 =	simm.s32 @!p0 $0x0  }
0x12: {  	s1 =	sld [smem:$0x3F8F];
	s0 =	simm.s32 @p0 $0x1  }
0x13: {  	[smem:$0x3FAA] =	sst s0;
	s0 =	simm.s32 @!p1 $0x0  }
0x14: {  	s2 =	sld [smem:$0x3F8E];
	s0 =	simm.s32 @p1 $0x1  }
0x15: {  	[smem:$0x3FAB] =	sst s0;
	s0 =	simm.s32 @!p2 $0x0  }
0x16: {  	s3 =	sld [smem:$0x3FDB];
	s0 =	simm.s32 @p2 $0x1  }
0x17: {  	s4 =	simm.s32 $0x1BF5;
	[smem:$0x3FAD] =	sst s0  }
0x18: {  	s0 =	sld [smem:$0x3F90];
	_ =	swait.ge [sflag:s4], $0x0  }
0x19: {  	s7 =	sld [smem:$0x3F91]  }
0x1a: {  	s8 =	sadd.s32 $0xFFFFE003, lr  }
0x1b: {  	s9 =	sadd.s32 $0xFFFFFEF7, lr;
	s5 =	simm.s32 $0xFFFFFFFF;
	p2 =	slt.u32 s8, $0xFFFFF086  }
0x1c: {  	p1 =	slt.u32 s9, $0xF7A;
	s5 =	simm.s32 @!p2 $0x0  }
0x1d: {  	s5 =	simm.s32 @p1 $0x1;
	p0 =	seq.s32 s7, s2  }
0x1e: {  	s7 =	smul.u32 @!p0 $0xF7A, s2;
	p2 =	seq.s32 @!p0 s5, $0x0  }
0x1f: {  	s9 =	smul.u32 $0xF7A, s1;
	s8 =	simm.s32 @!p0 $0x1BF5;
	p2 =	por !p2, p0  }
0x20: {  	[sflag:s8] =	ssyncset.s32 @!p0 $0xFFFFF086;
	s6 =	sadd.s32 @!p0 s3, s7;
	s7 =	simm.s32 @!p0 $0x108  }
0x21: {  	s3 =	sadd.s32 s3, s9;
	s6 =	sadd.s32 @!p0 $0x88, s6;
	s7 =	simm.s32 @p2 $0x1082  }
0x22: {  	[simem:s7], [sflag:s8] =	dma.local @!p0 [hbm:s6], $0xF7A  }
0x23: {  	s9 =	sor.u32 $0xD0000000, s2;
	s6 =	simm.s32 $0x108;
	_ =	swait.ge @!p0 [sflag:s8], $0x0  }
0x24: {  	s3 =	sadd.s32 $0x88, s3;
	s6 =	simm.s32 @!p1 $0x1082;
	[sflag:s4] =	ssyncset.s32 $0xFFFFF086  }
0x25: {  	[simem:s6], [sflag:s4] =	dma.local [hbm:s3], $0xF7A  }
0x26: {  	[smem:$0x3F91] =	sst s1;
	(tag) =	ssettag s2;
	_ =	strace s9  }
0x27: {  	s1 =	sld [smem:$0x3FA1]  }
0x28: {  	s2 =	sld [smem:$0x3FA2]  }
0x29: {  	s4 =	sld [smem:$0x3FA4]  }
0x2a: {  	p0 =	seq.s32 s5, $0x0;
	s5 =	sld [smem:$0x3FA5]  }
0x2b: {  	s6 =	sld [smem:$0x3FA6]  }
0x2c: {  	s7 =	sld [smem:$0x3FA7]  }
0x2d: {  	s3 =	simm.s32 $0x108;
	s8 =	sld [smem:$0x3FA8]  }
0x2e: {  	s3 =	simm.s32 @!p0 $0x1082;
	s9 =	sld [smem:$0x3FA9]  }
0x2f: {  	lr =	sadd.s32 s0, s3;
	s0 =	sld [smem:$0x3FA0]  }
0x30: {  	s3 =	sld [smem:$0x3FA3]  }
0x31: {  	[smem:$0x3FAC] =	sst s10  }
0x32: {  	s10 =	sld [smem:$0x3FAA];
	_ =	sdelay $0x3  }
0x33: {  	p0 =	seq.s32 s10, $0x1;
	s10 =	sld [smem:$0x3FAC];
	_ =	sdelay $0x3  }
0x34: {  	[smem:$0x3FAC] =	sst s10  }
0x35: {  	s10 =	sld [smem:$0x3FAB];
	_ =	sdelay $0x3  }
0x36: {  	p1 =	seq.s32 s10, $0x1;
	s10 =	sld [smem:$0x3FAC];
	_ =	sdelay $0x3  }
0x37: {  	[smem:$0x3FAC] =	sst s10  }
0x38: {  	s10 =	sld [smem:$0x3FAD]  }
0x39: {  	_ = 	snop;
	(pc) =	sbr.ind lr, $3  }
0x3a: {  	_ = 	snop  }
0x3b: {  	_ = 	snop  }
0x3c: {  	p2 =	seq.s32 s10, $0x1;
	s10 =	sld [smem:$0x3FAC]  }
0x3d: {  	_ =	shalt  }
0x3e: {  	_ =	shalt  }
0x3f: {  	_ =	shalt  }
0x40: {  	_ =	shalt  }
0x41: {  	_ =	shalt  }
0x42: {  	_ =	shalt  }
0x43: {  	_ =	shalt  }
0x44: {  	_ =	shalt  }
0x45: {  	_ =	shalt  }
0x46: {  	_ =	shalt  }
0x47: {  	_ =	shalt  }
0x48: {  	_ =	shalt  }
0x49: {  	_ =	shalt  }
0x4a: {  	_ =	shalt  }
0x4b: {  	_ =	shalt  }
0x4c: {  	_ =	shalt  }
0x4d: {  	_ =	shalt  }
0x4e: {  	_ =	shalt  }
0x4f: {  	_ =	shalt  }
0x50: {  	_ =	shalt  }
0x51: {  	_ =	shalt  }
0x52: {  	_ =	shalt  }
0x53: {  	_ =	shalt  }
0x54: {  	_ =	shalt  }
0x55: {  	_ =	shalt  }
0x56: {  	_ =	shalt  }
0x57: {  	_ =	shalt  }
0x58: {  	_ =	shalt  }
0x59: {  	_ =	shalt  }
0x5a: {  	_ =	shalt  }
0x5b: {  	_ =	shalt  }
0x5c: {  	_ =	shalt  }
0x5d: {  	_ =	shalt  }
0x5e: {  	_ =	shalt  }
0x5f: {  	_ =	shalt  }
0x60: {  	_ =	shalt  }
0x61: {  	_ =	shalt  }
0x62: {  	_ =	shalt  }
0x63: {  	_ =	shalt  }
0x64: {  	_ =	shalt  }
0x65: {  	_ =	shalt  }
0x66: {  	_ =	shalt  }
0x67: {  	_ =	shalt  }
0x68: {  	_ =	shalt  }
0x69: {  	_ =	shalt  }
0x6a: {  	_ =	shalt  }
0x6b: {  	_ =	shalt  }
0x6c: {  	_ =	shalt  }
0x6d: {  	_ =	shalt  }
0x6e: {  	_ =	shalt  }
0x6f: {  	_ =	shalt  }
0x70: {  	_ =	shalt  }
0x71: {  	_ =	shalt  }
0x72: {  	_ =	shalt  }
0x73: {  	_ =	shalt  }
0x74: {  	_ =	shalt  }
0x75: {  	_ =	shalt  }
0x76: {  	_ =	shalt  }
0x77: {  	_ =	shalt  }
0x78: {  	_ =	shalt  }
0x79: {  	_ =	shalt  }
0x7a: {  	_ =	shalt  }
0x7b: {  	_ =	shalt  }
0x7c: {  	_ =	shalt  }
0x7d: {  	_ =	shalt  }
0x7e: {  	_ =	shalt  }
0x7f: {  	_ =	shalt  }
0x80: {  	_ =	shalt  }
0x81: {  	_ =	shalt  }
0x82: {  	_ =	shalt  }
0x83: {  	_ =	shalt  }
0x84: {  	_ =	shalt  }
0x85: {  	_ =	shalt  }
0x86: {  	_ =	shalt  }
0x87: {  	_ =	shalt  }
.Lfunc_end0:
.L_simem_size_0:
called_computation_lowered:
.L_overlay_start_0:
0x88: {  	s2 =	sld [smem:$0x3FD9]  }
0x89: {  	s3 =	sld [smem:$0x3FFE];
	_ =	sdelay $0x1  }
0x8a: {  	s1 =	srdreg.scid  }
0x8b: {  	s0 =	sand.u32 $0x1, s1  }
0x8c: {  	s14 =	sshll.u32 s0, $0xA;
	s2 =	sadd.s32 s3, s2  }
0x8d: {  	s2 =	sadd.s32 s2, s14  }
0x8e: {  	[smem:$0x3FB8] =	sst s2  }
0x8f: {  	_ = 	snop  }
0x90: {  	s2 =	sld [smem:$0x3FD0];
	_ =	sdelay $0x2  }
0x91: {  	s15 =	simm.s32 $0xA;
	s4 =	simm.s32 $0x10  }
0x92: {  	[smem:s4], [sflag:s15] =	dma.local [hbm:s2], $0x1  }
0x93: {  	_ =	swait.eq [sflag:s15], $0x1  }
0x94: {  	[sflag:s15] =	ssyncset.done $0x0  }
0x95: {  	[sflag:s15] =	ssyncadd.s32 $0xFFFFFFFF  }
0x96: {  	s16 =	sld [smem:$0x11];
	(tm) =	ssettm $0x1  }
0x97: {  	s17 =	sld [smem:$0x3FFB];
	_ =	sdelay $0x3  }
0x98: {  	_ =	strace s17  }
0x99: {  	s3 =	sld [smem:$0x3FFC];
	_ =	sdelay $0x3  }
0x9a: {  	_ =	strace s3  }
0x9b: {  	s3 =	sld [smem:$0x3FFD];
	_ =	sdelay $0x3  }
0x9c: {  	_ =	strace s3  }
0x9d: {  	_ =	strace $0x8FFFFFFF  }
0x9e: {  	s18 =	sld [smem:$0x3FDB];
	_ =	sdelay $0x1  }
0x9f: {  	s19 =	simm.s32 $_scs_section_size  }
0xa0: {  	s5 =	simm.s32 $_size__tile_overlayer_lowered;
	s6 =	simm.s32 $_tile_overlayer_lowered  }
0xa1: {  	s22 =	simm.s32 $0x1BFF;
	s21 =	sshll.u32 s6, $0x1;
	s3 =	sadd.s32 s19, s18  }
0xa2: {  	s7 =	simm.s32 $0x0;
	s20 =	sshll.u32 s5, $0x1;
	s5 =	sadd.s32 s21, s3  }
0xa3: {  	[timem:s7], [sflag:s22] =	dma.local [hbm:s5], s20  }
0xa4: {  	_ =	swait.ge [sflag:s22], s20  }
0xa5: {  	s4 =	ssub.s32 $0x0, s20;
	[sflag:s22] =	ssyncset.done $0x0  }
0xa6: {  	[sflag:s22] =	ssyncadd.s32 s4;
	_ =	sdelay $0x1  }
0xa7: {  	s23 =	simm.s32 $0x1B8B  }
0xa8: {  	_ =	swait.ge [sflag:s23], $0x1  }
0xa9: {  	[sflag:s23] =	ssyncset.done $0x0  }
0xaa: {  	s25 =	simm.s32 $0x1B8E;
	s24 =	sld [smem:$0x3FFE];
	[sflag:s23] =	ssyncadd.s32 $0xFFFFFFFF  }
0xab: {  	s26 =	simm.s32 $execute0_lowered;
	[smem:$0x3FD2] =	sst s25  }
0xac: {  	s5 =	sshll.u32 s26, $0x1;
	_ =	strace $0x80000046;
	[dreg:$0x1] =	wrdreg $0xFFFFFFFF  }
0xad: {  	s28 =	simm.s32 $_size_execute0_lowered;
	s3 =	sadd.s32 s3, s5;
	[dreg:$0x0] =	wrdreg $0x0  }
0xae: {  	s5 =	sshll.u32 s28, $0x1;
	[dreg:$0x2] =	wrdreg s3  }
0xaf: {  	[dreg:$0x3] =	wrdreg s5  }
0xb0: {  	[dreg:$0x4] =	wrdreg $0xC0  }
0xb1: {  	_ =	task [dreg:s7], $0x5FFFF  }
0xb2: {  	[dreg:$0x1] =	wrdreg $0xFFFFFFFF  }
0xb3: {  	[dreg:$0x0] =	wrdreg $0x60  }
0xb4: {  	[dreg:$0x2] =	wrdreg s24  }
0xb5: {  	[dreg:$0x3] =	wrdreg s16  }
0xb6: {  	[dreg:$0x4] =	wrdreg $0x0  }
0xb7: {  	[dreg:$0x5] =	wrdreg $0x9  }
0xb8: {  	_ =	task.clear_ibuf [dreg:s7], $0x6FFFF;
	_ =	strace $0x90000046  }
0xb9: {  	s29 =	simm.s32 $0x9;
	_ =	strace $0x80000048  }
0xba: {  	_ =	swait.ge [sflag:s29], $0x1  }
0xbb: {  	[sflag:s29] =	ssyncadd.s32 $0xFFFFFFFF  }
0xbc: {  	_ =	strace $0x90000048  }
0xbd: {  	_ =	sfence  }
0xbe: {  	s30 =	sld [smem:$0x0];
	_ =	sdelay $0x2  }
0xbf: {  	s31 =	sshll.u32 s1, $0xD;
	s1 =	sshrl.u32 s1, $0x2  }
0xc0: {  	s3 =	sand.u32 $0x4000, s31;
	s1 =	sadd.s32 s1, s30  }
0xc1: {  	s0 =	sor.u32 s3, s0;
	s1 =	sshll.u32 s1, $0x11  }
0xc2: {  	s0 =	sor.u32 s1, s0  }
0xc3: {  	s0 =	sadd.s32 $0x8F2B, s0  }
0xc4: {  	[sflag:s0] =	ssyncadd.remote.s32 $0x1  }
0xc5: {  	_ =	sfence.sel $0xFFFF  }
0xc6: {  	[dreg:$0x0] =	wrdreg $0xFFFFFFFF;
	(pc) =	sbr.abs _section_cstart, $3  }
0xc7: {  	[dreg:$0x1] =	wrdreg $0xFFFFFFFF  }
0xc8: {  	_ =	task.clear_ibuf [dreg:s7], $0x2FFFF;
	_ =	strace $0x9FFFFFFF  }
0xc9: {  	(tm) =	ssettm $0x7FFFFFFF  }
tec
execute0_lowered:
.L_overlay_start_1:
0x0: {  	(tag) =	ssettag $0x1  }
0x1: {  	s0 =	rddreg [dreg:$0x0]  }
0x2: {  	s16 =	rddreg [dreg:$0x1]  }
0x3: {  	s3 =	rddreg [dreg:$0x2];
	s4 =	simm.s32 $0x0;
	s12 =	stileid.u32  }
0x4: {  	s6 =	srdreg.scid;
	s31 =	simm.s32 $0x13980;
	[smem:$0x7FF] =	sst s4  }
0x5: {  	s1 =	smul.u32 $0x2700, s12;
	s2 =	sadd.s32 $0x5C00, s0;
	s13 =	sadd.s32 $0x40E00, s0  }
0x6: {  	s6 =	sand.u32 $0x1, s6;
	s7 =	smul.u32 $0x4E000, s12;
	s14 =	sadd.s32 $0x68000, s0  }
0x7: {  	s9 =	sshll.u32 s12, $0x1;
	s15 =	sadd.s32 $0x138000, s3;
	s25 =	sadd.s32 $0x40C00, s0  }
0x8: {  	p1 =	sne.s32 s12, $0xF;
	_ =	strace $0x80000047;
	[dreg:$0x4] =	wrdreg s13  }
0x9: {  	p2 =	seq.s32 s12, $0xF;
	s8 =	ssub.s32 $0x2, s6;
	[dreg:$0x5] =	wrdreg s14  }
0xa: {  	s9 =	sor.u32 s6, s9;
	p0 =	seq.s32 s6, $0x1;
	[dreg:$0x6] =	wrdreg s15  }
0xb: {  	s30 =	sshrl.u32 @!p1 s15, $0x3;
	s6 =	simm.s32 $0x14A00;
	s15 =	simm.s32 $0x14B00  }
0xc: {  	s5 =	sadd.s32 s1, s0;
	s10 =	sshrl.u32 s8, $0x1;
	s11 =	smul.u32 $0x2800, s9  }
0xd: {  	s7 =	sshrl.u32 s7, $0x2;
	s19 =	smul.u32 $0x500, s9;
	s22 =	sadd.s32 s13, s1  }
0xe: {  	s23 =	sadd.s32 s14, s1;
	s13 =	simm.s32 $0x13A00;
	s0 =	simm.s32 $0x14800  }
0xf: {  	s1 =	simm.s32 $0x14880;
	s14 =	simm.s32 $0x14A80;
	s9 =	simm.s32 $0x14C80  }
0x10: {  	s10 =	ssub.s32 s8, s10;
	s7 =	sadd.s32 s7, s3;
	[dreg:$0x7] =	wrdreg s22  }
0x11: {  	s18 =	sadd.s32 $0x19C00, s5;
	s8 =	sshll.u32 s12, $0x6;
	[dreg:$0x8] =	wrdreg s23  }
0x12: {  	s22 =	simm.s32 $0x13900;
	s23 =	simm.s32 $0x80;
	s5 =	simm.s32 $0x14980  }
.Ltmp0:
0x13: {  	s24 =	sor.u32 $0x1C01, s8;
	s20 =	sshrl.u32 s11, $0x3;
	(pc) =	sbr.rel .LBB2_1-.Ltmp0, $4  }
0x14: {  	s26 =	sadd.s32 s2, s19;
	s29 =	smax.u32 s10, $0x1;
	s17 =	sshrl.u32 s7, $0x3  }
0x15: {  	s19 =	simm.s32 $0x14D00;
	s10 =	simm.s32 $0x14B80;
	s7 =	simm.s32 $0x14C00  }
0x16: {  	s11 =	simm.s32 $0x0;
	s21 =	sadd.s32 s2, s20;
	s20 =	simm.s32 $0x2  }
0x17: {  	s2 =	simm.s32 $0x14900;
	s28 =	sadd.s32 $0x280, s21;
	s21 =	simm.s32 $0x1  }
.LBB2_8:
0x18: {  	s31 =	smov.u32 s30;
	s30 =	smov.u32 s29;
	s29 =	smov.u32 s28  }
0x19: {  	s28 =	smov.u32 s26;
	s26 =	smov.u32 s25;
	s25 =	smov.u32 s24  }
0x1a: {  	s24 =	smov.u32 s18;
	s18 =	smov.u32 s16;
	s16 =	rddreg [dreg:$0x6]  }
0x1b: {  	s13 =	sadd.s32 $0x27000, s13;
	s16 =	sshrl.u32 s16, $0x3  }
0x1c: {  	[hbm:s13], [sflag:s12] =	dma.local [spmem:s16], $0x100  }
0x1d: {  	s16 =	smov.u32 s18;
	s18 =	smov.u32 s24;
	s24 =	smov.u32 s25  }
0x1e: {  	s25 =	smov.u32 s26;
	s26 =	smov.u32 s28;
	_ =	swait.ge [sflag:s20], $0x100  }
0x1f: {  	s28 =	smov.u32 s29;
	s29 =	smov.u32 s30;
	[sflag:s20] =	ssyncset.done $0x0  }
0x20: {  	s30 =	smov.u32 s31;
	s31 =	simm.s32 $0x13980;
	[sflag:s20] =	ssyncadd.s32 $0xFFFFFF00  }
.LBB2_9:
0x21: {  	s11 =	sadd.s32 $0x1, s11  }
0x22: {  	p3 =	sne.s32 s11, s29  }
.Ltmp1:
0x23: {  	_ = 	snop;
	(pc) =	sbr.rel @!p3 .LBB2_10-.Ltmp1, $2  }
0x24: {  	_ =	sdelay $0x2  }
0x25: {  	s13 =	simm.s32 $0x13A00  }
.LBB2_1:
0x26: {  	[spmem:s17], [sflag:s24] =	dma.local [hbm:s18], $0x2700  }
0x27: {  	s12 =	simm.s32 @!p1 $0x1FC2  }
0x28: {  	[spmem:s30], [sflag:s12] =	dma.local @!p1 [hbm:s25], $0x200  }
0x29: {  	s12 =	simm.s32 @!p1 $0x2  }
0x2a: {  	_ =	swait.ge @!p1 [sflag:s12], $0x200  }
0x2b: {  	[sflag:s12] =	ssyncset.done @!p1 $0x0  }
0x2c: {  	[sflag:s12] =	ssyncadd.s32 @!p1 $0xFFFFFE00  }
0x2d: {  	[tilespmem:s19], [sflag:$0x2] =	stream.linear.gather [hbm4b:s16+s4], $0x4000, $0x38;
	[tilespmem:$0x18D00] =	vst v63  }
0x2e: {  	_ =	swait.ge [sflag:s20], $0x4000  }
0x2f: {  	[sflag:s20] =	ssyncset.done $0x0  }
0x30: {  	[sflag:s20] =	ssyncadd.s32 $0xFFFFC000  }
0x31: {  	_ =	swait.ge [sflag:s21], $0x2700  }
0x32: {  	[sflag:s21] =	ssyncset.done $0x0  }
0x33: {  	[sflag:s21] =	ssyncadd.s32 $0xFFFFD900  }
0x34: {  	[bflag:$0x0] =	sbarrier.arrive $0xFFFF  }
0x35: {  	[tilespmem:s22], [sflag:$0x2] =	stream.linear.gather [hbm4b:s26+s4], $0x1400, $0x38;
	[tilespmem:$0x18D00] =	vst v63  }
0x36: {  	_ =	swait.ge [sflag:s20], $0x1400  }
0x37: {  	[sflag:s20] =	ssyncset.done $0x0  }
0x38: {  	[sflag:s20] =	ssyncadd.s32 $0xFFFFEC00  }
0x39: {  	[spmem:s3] =	stream.indirect.scatter.add.f32 [tilespmem:s19], [sflag:$0x1], $0x80, s22, s23, $0xb8;
	[tilespmem:$0x18D00] =	vst v63  }
0x3a: {  	_ = 	snop  }
0x3b: {  	[spmem:s3] =	stream.indirect.scatter.add.f32 [tilespmem:s19], [sflag:$0x1], $0x80, s31, s23, $0xb8;
	[tilespmem:$0x18D00] =	vst v63  }
0x3c: {  	_ = 	snop  }
0x3d: {  	[spmem:s3] =	stream.indirect.scatter.add.f32 [tilespmem:s19], [sflag:$0x1], $0x80, s13, s23, $0xb8;
	[tilespmem:$0x18D00] =	vst v63  }
0x3e: {  	s12 =	simm.s32 $0x13A80  }
0x3f: {  	[spmem:s3] =	stream.indirect.scatter.add.f32 [tilespmem:s19], [sflag:$0x1], $0x80, s12, s23, $0xb8;
	[tilespmem:$0x18D00] =	vst v63  }
0x40: {  	s12 =	simm.s32 $0x13B00  }
0x41: {  	[spmem:s3] =	stream.indirect.scatter.add.f32 [tilespmem:s19], [sflag:$0x1], $0x80, s12, s23, $0xb8;
	[tilespmem:$0x18D00] =	vst v63  }
0x42: {  	s12 =	simm.s32 $0x13B80  }
0x43: {  	[spmem:s3] =	stream.indirect.scatter.add.f32 [tilespmem:s19], [sflag:$0x1], $0x80, s12, s23, $0xb8;
	[tilespmem:$0x18D00] =	vst v63  }
0x44: {  	s12 =	simm.s32 $0x13C00  }
0x45: {  	[spmem:s3] =	stream.indirect.scatter.add.f32 [tilespmem:s19], [sflag:$0x1], $0x80, s12, s23, $0xb8;
	[tilespmem:$0x18D00] =	vst v63  }
0x46: {  	s12 =	simm.s32 $0x13C80  }
0x47: {  	[spmem:s3] =	stream.indirect.scatter.add.f32 [tilespmem:s19], [sflag:$0x1], $0x80, s12, s23, $0xb8;
	[tilespmem:$0x18D00] =	vst v63  }
0x48: {  	s12 =	simm.s32 $0x13D00  }
0x49: {  	[spmem:s3] =	stream.indirect.scatter.add.f32 [tilespmem:s19], [sflag:$0x1], $0x80, s12, s23, $0xb8;
	[tilespmem:$0x18D00] =	vst v63  }
0x4a: {  	s12 =	simm.s32 $0x13D80  }
0x4b: {  	[spmem:s3] =	stream.indirect.scatter.add.f32 [tilespmem:s19], [sflag:$0x1], $0x80, s12, s23, $0xb8;
	[tilespmem:$0x18D00] =	vst v63  }
0x4c: {  	s12 =	simm.s32 $0x13E00  }
0x4d: {  	[spmem:s3] =	stream.indirect.scatter.add.f32 [tilespmem:s19], [sflag:$0x1], $0x80, s12, s23, $0xb8;
	[tilespmem:$0x18D00] =	vst v63  }
0x4e: {  	s12 =	simm.s32 $0x13E80  }
0x4f: {  	[spmem:s3] =	stream.indirect.scatter.add.f32 [tilespmem:s19], [sflag:$0x1], $0x80, s12, s23, $0xb8;
	[tilespmem:$0x18D00] =	vst v63  }
0x50: {  	s12 =	simm.s32 $0x13F00  }
0x51: {  	[spmem:s3] =	stream.indirect.scatter.add.f32 [tilespmem:s19], [sflag:$0x1], $0x80, s12, s23, $0xb8;
	[tilespmem:$0x18D00] =	vst v63  }
0x52: {  	s12 =	simm.s32 $0x13F80  }
0x53: {  	[spmem:s3] =	stream.indirect.scatter.add.f32 [tilespmem:s19], [sflag:$0x1], $0x80, s12, s23, $0xb8;
	[tilespmem:$0x18D00] =	vst v63  }
0x54: {  	s12 =	simm.s32 $0x14000  }
0x55: {  	[spmem:s3] =	stream.indirect.scatter.add.f32 [tilespmem:s19], [sflag:$0x1], $0x80, s12, s23, $0xb8;
	[tilespmem:$0x18D00] =	vst v63  }
0x56: {  	s12 =	simm.s32 $0x14080  }
0x57: {  	[spmem:s3] =	stream.indirect.scatter.add.f32 [tilespmem:s19], [sflag:$0x1], $0x80, s12, s23, $0xb8;
	[tilespmem:$0x18D00] =	vst v63  }
0x58: {  	s12 =	simm.s32 $0x14100  }
0x59: {  	[spmem:s3] =	stream.indirect.scatter.add.f32 [tilespmem:s19], [sflag:$0x1], $0x80, s12, s23, $0xb8;
	[tilespmem:$0x18D00] =	vst v63  }
0x5a: {  	s12 =	simm.s32 $0x14180  }
0x5b: {  	[spmem:s3] =	stream.indirect.scatter.add.f32 [tilespmem:s19], [sflag:$0x1], $0x80, s12, s23, $0xb8;
	[tilespmem:$0x18D00] =	vst v63  }
0x5c: {  	s12 =	simm.s32 $0x14200  }
0x5d: {  	[spmem:s3] =	stream.indirect.scatter.add.f32 [tilespmem:s19], [sflag:$0x1], $0x80, s12, s23, $0xb8;
	[tilespmem:$0x18D00] =	vst v63  }
0x5e: {  	s12 =	simm.s32 $0x14280  }
0x5f: {  	[spmem:s3] =	stream.indirect.scatter.add.f32 [tilespmem:s19], [sflag:$0x1], $0x80, s12, s23, $0xb8;
	[tilespmem:$0x18D00] =	vst v63  }
0x60: {  	s12 =	simm.s32 $0x14300  }
0x61: {  	[spmem:s3] =	stream.indirect.scatter.add.f32 [tilespmem:s19], [sflag:$0x1], $0x80, s12, s23, $0xb8;
	[tilespmem:$0x18D00] =	vst v63  }
0x62: {  	s12 =	simm.s32 $0x14380  }
0x63: {  	[spmem:s3] =	stream.indirect.scatter.add.f32 [tilespmem:s19], [sflag:$0x1], $0x80, s12, s23, $0xb8;
	[tilespmem:$0x18D00] =	vst v63  }
0x64: {  	s12 =	simm.s32 $0x14400  }
0x65: {  	[spmem:s3] =	stream.indirect.scatter.add.f32 [tilespmem:s19], [sflag:$0x1], $0x80, s12, s23, $0xb8;
	[tilespmem:$0x18D00] =	vst v63  }
0x66: {  	s12 =	simm.s32 $0x14480  }
0x67: {  	[spmem:s3] =	stream.indirect.scatter.add.f32 [tilespmem:s19], [sflag:$0x1], $0x80, s12, s23, $0xb8;
	[tilespmem:$0x18D00] =	vst v63  }
0x68: {  	s12 =	simm.s32 $0x14500  }
0x69: {  	[spmem:s3] =	stream.indirect.scatter.add.f32 [tilespmem:s19], [sflag:$0x1], $0x80, s12, s23, $0xb8;
	[tilespmem:$0x18D00] =	vst v63  }
0x6a: {  	s12 =	simm.s32 $0x14580  }
0x6b: {  	[spmem:s3] =	stream.indirect.scatter.add.f32 [tilespmem:s19], [sflag:$0x1], $0x80, s12, s23, $0xb8;
	[tilespmem:$0x18D00] =	vst v63  }
0x6c: {  	s12 =	simm.s32 $0x14600  }
0x6d: {  	[spmem:s3] =	stream.indirect.scatter.add.f32 [tilespmem:s19], [sflag:$0x1], $0x80, s12, s23, $0xb8;
	[tilespmem:$0x18D00] =	vst v63  }
0x6e: {  	s12 =	simm.s32 $0x14680  }
0x6f: {  	[spmem:s3] =	stream.indirect.scatter.add.f32 [tilespmem:s19], [sflag:$0x1], $0x80, s12, s23, $0xb8;
	[tilespmem:$0x18D00] =	vst v63  }
0x70: {  	s12 =	simm.s32 $0x14700  }
0x71: {  	[spmem:s3] =	stream.indirect.scatter.add.f32 [tilespmem:s19], [sflag:$0x1], $0x80, s12, s23, $0xb8;
	[tilespmem:$0x18D00] =	vst v63  }
0x72: {  	s12 =	simm.s32 $0x14780  }
0x73: {  	[spmem:s3] =	stream.indirect.scatter.add.f32 [tilespmem:s19], [sflag:$0x1], $0x80, s12, s23, $0xb8;
	[tilespmem:$0x18D00] =	vst v63  }
0x74: {  	_ = 	snop  }
0x75: {  	[spmem:s3] =	stream.indirect.scatter.add.f32 [tilespmem:s19], [sflag:$0x1], $0x80, s0, s23, $0xb8;
	[tilespmem:$0x18D00] =	vst v63  }
0x76: {  	_ = 	snop  }
0x77: {  	[spmem:s3] =	stream.indirect.scatter.add.f32 [tilespmem:s19], [sflag:$0x1], $0x80, s1, s23, $0xb8;
	[tilespmem:$0x18D00] =	vst v63  }
0x78: {  	_ = 	snop  }
0x79: {  	[spmem:s3] =	stream.indirect.scatter.add.f32 [tilespmem:s19], [sflag:$0x1], $0x80, s2, s23, $0xb8;
	[tilespmem:$0x18D00] =	vst v63  }
0x7a: {  	_ = 	snop  }
0x7b: {  	[spmem:s3] =	stream.indirect.scatter.add.f32 [tilespmem:s19], [sflag:$0x1], $0x80, s5, s23, $0xb8;
	[tilespmem:$0x18D00] =	vst v63  }
0x7c: {  	_ = 	snop  }
0x7d: {  	[spmem:s3] =	stream.indirect.scatter.add.f32 [tilespmem:s19], [sflag:$0x1], $0x80, s6, s23, $0xb8;
	[tilespmem:$0x18D00] =	vst v63  }
0x7e: {  	_ = 	snop  }
0x7f: {  	[spmem:s3] =	stream.indirect.scatter.add.f32 [tilespmem:s19], [sflag:$0x1], $0x80, s14, s23, $0xb8;
	[tilespmem:$0x18D00] =	vst v63  }
0x80: {  	_ = 	snop  }
0x81: {  	[spmem:s3] =	stream.indirect.scatter.add.f32 [tilespmem:s19], [sflag:$0x1], $0x80, s15, s23, $0xb8;
	[tilespmem:$0x18D00] =	vst v63  }
0x82: {  	_ = 	snop  }
0x83: {  	[spmem:s3] =	stream.indirect.scatter.add.f32 [tilespmem:s19], [sflag:$0x1], $0x80, s10, s23, $0xb8;
	[tilespmem:$0x18D00] =	vst v63  }
0x84: {  	_ = 	snop  }
0x85: {  	[spmem:s3] =	stream.indirect.scatter.add.f32 [tilespmem:s19], [sflag:$0x1], $0x80, s7, s23, $0xb8;
	[tilespmem:$0x18D00] =	vst v63  }
0x86: {  	_ = 	snop  }
0x87: {  	[spmem:s3] =	stream.indirect.scatter.add.f32 [tilespmem:s19], [sflag:$0x1], $0x80, s9, s23, $0xb8;
	[tilespmem:$0x18D00] =	vst v63  }
0x88: {  	_ =	swait.ge [sflag:s21], $0x4000  }
0x89: {  	s12 =	simm.s32 $0x27;
	[sflag:s21] =	ssyncset.done $0x0  }
.LBB2_2:
0x8a: {  	p3 =	sne.s32 s12, $0x1;
	s12 =	sadd.s32 $0xFFFFFFFF, s12;
	[sflag:s21] =	ssyncadd.s32 $0xFFFFC000  }
.Ltmp2:
0x8b: {  	(pc) =	sbr.rel @p3 .LBB2_2-.Ltmp2, $3  }
0x8c: {  	_ =	sdelay $0x1  }
0x8d: {  	_ =	swait.ge [sflag:s21], $0x4000  }
0x8e: {  	[sflag:s21] =	ssyncset.done $0x0  }
0x8f: {  	[sflag:s21] =	ssyncadd.s32 $0xFFFFC000  }
0x90: {  	[tilespmem:s22], [sflag:$0x2] =	stream.linear.gather [hbm4b:s28+s4], $0x1400, $0x38;
	[tilespmem:$0x18D00] =	vst v63  }
0x91: {  	_ =	swait.ge [sflag:s20], $0x1400  }
0x92: {  	[sflag:s20] =	ssyncset.done $0x0  }
0x93: {  	[sflag:s20] =	ssyncadd.s32 $0xFFFFEC00  }
0x94: {  	[spmem:s3] =	stream.indirect.scatter.add.f32 [tilespmem:s19], [sflag:$0x1], $0x80, s22, s23, $0xb8;
	[tilespmem:$0x18D00] =	vst v63  }
0x95: {  	_ = 	snop  }
0x96: {  	[spmem:s3] =	stream.indirect.scatter.add.f32 [tilespmem:s19], [sflag:$0x1], $0x80, s31, s23, $0xb8;
	[tilespmem:$0x18D00] =	vst v63  }
0x97: {  	_ = 	snop  }
0x98: {  	[spmem:s3] =	stream.indirect.scatter.add.f32 [tilespmem:s19], [sflag:$0x1], $0x80, s13, s23, $0xb8;
	[tilespmem:$0x18D00] =	vst v63  }
0x99: {  	s12 =	simm.s32 $0x13A80  }
0x9a: {  	[spmem:s3] =	stream.indirect.scatter.add.f32 [tilespmem:s19], [sflag:$0x1], $0x80, s12, s23, $0xb8;
	[tilespmem:$0x18D00] =	vst v63  }
0x9b: {  	s13 =	simm.s32 $0x13B00  }
0x9c: {  	[spmem:s3] =	stream.indirect.scatter.add.f32 [tilespmem:s19], [sflag:$0x1], $0x80, s13, s23, $0xb8;
	[tilespmem:$0x18D00] =	vst v63  }
0x9d: {  	s13 =	simm.s32 $0x13B80  }
0x9e: {  	[spmem:s3] =	stream.indirect.scatter.add.f32 [tilespmem:s19], [sflag:$0x1], $0x80, s13, s23, $0xb8;
	[tilespmem:$0x18D00] =	vst v63  }
0x9f: {  	s13 =	simm.s32 $0x13C00  }
0xa0: {  	[spmem:s3] =	stream.indirect.scatter.add.f32 [tilespmem:s19], [sflag:$0x1], $0x80, s13, s23, $0xb8;
	[tilespmem:$0x18D00] =	vst v63  }
0xa1: {  	s13 =	simm.s32 $0x13C80  }
0xa2: {  	[spmem:s3] =	stream.indirect.scatter.add.f32 [tilespmem:s19], [sflag:$0x1], $0x80, s13, s23, $0xb8;
	[tilespmem:$0x18D00] =	vst v63  }
0xa3: {  	s13 =	simm.s32 $0x13D00  }
0xa4: {  	[spmem:s3] =	stream.indirect.scatter.add.f32 [tilespmem:s19], [sflag:$0x1], $0x80, s13, s23, $0xb8;
	[tilespmem:$0x18D00] =	vst v63  }
0xa5: {  	s13 =	simm.s32 $0x13D80  }
0xa6: {  	[spmem:s3] =	stream.indirect.scatter.add.f32 [tilespmem:s19], [sflag:$0x1], $0x80, s13, s23, $0xb8;
	[tilespmem:$0x18D00] =	vst v63  }
0xa7: {  	s13 =	simm.s32 $0x13E00  }
0xa8: {  	[spmem:s3] =	stream.indirect.scatter.add.f32 [tilespmem:s19], [sflag:$0x1], $0x80, s13, s23, $0xb8;
	[tilespmem:$0x18D00] =	vst v63  }
0xa9: {  	s13 =	simm.s32 $0x13E80  }
0xaa: {  	[spmem:s3] =	stream.indirect.scatter.add.f32 [tilespmem:s19], [sflag:$0x1], $0x80, s13, s23, $0xb8;
	[tilespmem:$0x18D00] =	vst v63  }
0xab: {  	s13 =	simm.s32 $0x13F00  }
0xac: {  	[spmem:s3] =	stream.indirect.scatter.add.f32 [tilespmem:s19], [sflag:$0x1], $0x80, s13, s23, $0xb8;
	[tilespmem:$0x18D00] =	vst v63  }
0xad: {  	s13 =	simm.s32 $0x13F80  }
0xae: {  	[spmem:s3] =	stream.indirect.scatter.add.f32 [tilespmem:s19], [sflag:$0x1], $0x80, s13, s23, $0xb8;
	[tilespmem:$0x18D00] =	vst v63  }
0xaf: {  	s13 =	simm.s32 $0x14000  }
0xb0: {  	[spmem:s3] =	stream.indirect.scatter.add.f32 [tilespmem:s19], [sflag:$0x1], $0x80, s13, s23, $0xb8;
	[tilespmem:$0x18D00] =	vst v63  }
0xb1: {  	s13 =	simm.s32 $0x14080  }
0xb2: {  	[spmem:s3] =	stream.indirect.scatter.add.f32 [tilespmem:s19], [sflag:$0x1], $0x80, s13, s23, $0xb8;
	[tilespmem:$0x18D00] =	vst v63  }
0xb3: {  	s13 =	simm.s32 $0x14100  }
0xb4: {  	[spmem:s3] =	stream.indirect.scatter.add.f32 [tilespmem:s19], [sflag:$0x1], $0x80, s13, s23, $0xb8;
	[tilespmem:$0x18D00] =	vst v63  }
0xb5: {  	s13 =	simm.s32 $0x14180  }
0xb6: {  	[spmem:s3] =	stream.indirect.scatter.add.f32 [tilespmem:s19], [sflag:$0x1], $0x80, s13, s23, $0xb8;
	[tilespmem:$0x18D00] =	vst v63  }
0xb7: {  	s13 =	simm.s32 $0x14200  }
0xb8: {  	[spmem:s3] =	stream.indirect.scatter.add.f32 [tilespmem:s19], [sflag:$0x1], $0x80, s13, s23, $0xb8;
	[tilespmem:$0x18D00] =	vst v63  }
0xb9: {  	s13 =	simm.s32 $0x14280  }
0xba: {  	[spmem:s3] =	stream.indirect.scatter.add.f32 [tilespmem:s19], [sflag:$0x1], $0x80, s13, s23, $0xb8;
	[tilespmem:$0x18D00] =	vst v63  }
0xbb: {  	s13 =	simm.s32 $0x14300  }
0xbc: {  	[spmem:s3] =	stream.indirect.scatter.add.f32 [tilespmem:s19], [sflag:$0x1], $0x80, s13, s23, $0xb8;
	[tilespmem:$0x18D00] =	vst v63  }
0xbd: {  	s13 =	simm.s32 $0x14380  }
0xbe: {  	[spmem:s3] =	stream.indirect.scatter.add.f32 [tilespmem:s19], [sflag:$0x1], $0x80, s13, s23, $0xb8;
	[tilespmem:$0x18D00] =	vst v63  }
0xbf: {  	s13 =	simm.s32 $0x14400  }
0xc0: {  	[spmem:s3] =	stream.indirect.scatter.add.f32 [tilespmem:s19], [sflag:$0x1], $0x80, s13, s23, $0xb8;
	[tilespmem:$0x18D00] =	vst v63  }
0xc1: {  	s13 =	simm.s32 $0x14480  }
0xc2: {  	[spmem:s3] =	stream.indirect.scatter.add.f32 [tilespmem:s19], [sflag:$0x1], $0x80, s13, s23, $0xb8;
	[tilespmem:$0x18D00] =	vst v63  }
0xc3: {  	s13 =	simm.s32 $0x14500  }
0xc4: {  	[spmem:s3] =	stream.indirect.scatter.add.f32 [tilespmem:s19], [sflag:$0x1], $0x80, s13, s23, $0xb8;
	[tilespmem:$0x18D00] =	vst v63  }
0xc5: {  	s13 =	simm.s32 $0x14580  }
0xc6: {  	[spmem:s3] =	stream.indirect.scatter.add.f32 [tilespmem:s19], [sflag:$0x1], $0x80, s13, s23, $0xb8;
	[tilespmem:$0x18D00] =	vst v63  }
0xc7: {  	s13 =	simm.s32 $0x14600  }
0xc8: {  	[spmem:s3] =	stream.indirect.scatter.add.f32 [tilespmem:s19], [sflag:$0x1], $0x80, s13, s23, $0xb8;
	[tilespmem:$0x18D00] =	vst v63  }
0xc9: {  	s13 =	simm.s32 $0x14680  }
0xca: {  	[spmem:s3] =	stream.indirect.scatter.add.f32 [tilespmem:s19], [sflag:$0x1], $0x80, s13, s23, $0xb8;
	[tilespmem:$0x18D00] =	vst v63  }
0xcb: {  	s13 =	simm.s32 $0x14700  }
0xcc: {  	[spmem:s3] =	stream.indirect.scatter.add.f32 [tilespmem:s19], [sflag:$0x1], $0x80, s13, s23, $0xb8;
	[tilespmem:$0x18D00] =	vst v63  }
0xcd: {  	s13 =	simm.s32 $0x14780  }
0xce: {  	[spmem:s3] =	stream.indirect.scatter.add.f32 [tilespmem:s19], [sflag:$0x1], $0x80, s13, s23, $0xb8;
	[tilespmem:$0x18D00] =	vst v63  }
0xcf: {  	_ = 	snop  }
0xd0: {  	[spmem:s3] =	stream.indirect.scatter.add.f32 [tilespmem:s19], [sflag:$0x1], $0x80, s0, s23, $0xb8;
	[tilespmem:$0x18D00] =	vst v63  }
0xd1: {  	_ = 	snop  }
0xd2: {  	[spmem:s3] =	stream.indirect.scatter.add.f32 [tilespmem:s19], [sflag:$0x1], $0x80, s1, s23, $0xb8;
	[tilespmem:$0x18D00] =	vst v63  }
0xd3: {  	_ = 	snop  }
0xd4: {  	[spmem:s3] =	stream.indirect.scatter.add.f32 [tilespmem:s19], [sflag:$0x1], $0x80, s2, s23, $0xb8;
	[tilespmem:$0x18D00] =	vst v63  }
0xd5: {  	_ = 	snop  }
0xd6: {  	[spmem:s3] =	stream.indirect.scatter.add.f32 [tilespmem:s19], [sflag:$0x1], $0x80, s5, s23, $0xb8;
	[tilespmem:$0x18D00] =	vst v63  }
0xd7: {  	_ = 	snop  }
0xd8: {  	[spmem:s3] =	stream.indirect.scatter.add.f32 [tilespmem:s19], [sflag:$0x1], $0x80, s6, s23, $0xb8;
	[tilespmem:$0x18D00] =	vst v63  }
0xd9: {  	_ = 	snop  }
0xda: {  	[spmem:s3] =	stream.indirect.scatter.add.f32 [tilespmem:s19], [sflag:$0x1], $0x80, s14, s23, $0xb8;
	[tilespmem:$0x18D00] =	vst v63  }
0xdb: {  	_ = 	snop  }
0xdc: {  	[spmem:s3] =	stream.indirect.scatter.add.f32 [tilespmem:s19], [sflag:$0x1], $0x80, s15, s23, $0xb8;
	[tilespmem:$0x18D00] =	vst v63  }
0xdd: {  	_ = 	snop  }
0xde: {  	[spmem:s3] =	stream.indirect.scatter.add.f32 [tilespmem:s19], [sflag:$0x1], $0x80, s10, s23, $0xb8;
	[tilespmem:$0x18D00] =	vst v63  }
0xdf: {  	_ = 	snop  }
0xe0: {  	[spmem:s3] =	stream.indirect.scatter.add.f32 [tilespmem:s19], [sflag:$0x1], $0x80, s7, s23, $0xb8;
	[tilespmem:$0x18D00] =	vst v63  }
0xe1: {  	_ = 	snop  }
0xe2: {  	[spmem:s3] =	stream.indirect.scatter.add.f32 [tilespmem:s19], [sflag:$0x1], $0x80, s9, s23, $0xb8;
	[tilespmem:$0x18D00] =	vst v63  }
0xe3: {  	_ =	swait.ge [sflag:s21], $0x4000  }
0xe4: {  	s12 =	simm.s32 $0x27;
	[sflag:s21] =	ssyncset.done $0x0  }
.LBB2_4:
0xe5: {  	p3 =	sne.s32 s12, $0x1;
	s12 =	sadd.s32 $0xFFFFFFFF, s12;
	[sflag:s21] =	ssyncadd.s32 $0xFFFFC000  }
.Ltmp3:
0xe6: {  	(pc) =	sbr.rel @p3 .LBB2_4-.Ltmp3, $3  }
0xe7: {  	_ =	sdelay $0x1  }
0xe8: {  	_ =	swait.ge [sflag:s21], $0x4000  }
0xe9: {  	[sflag:s21] =	ssyncset.done $0x0  }
.Ltmp4:
0xea: {  	(pc) =	sbr.rel @!p0 .LBB2_6-.Ltmp4, $4  }
0xeb: {  	_ = 	snop  }
0xec: {  	[sflag:s21] =	ssyncadd.s32 $0xFFFFC000  }
0xed: {  	[bflag:$0x0] =	sbarrier.arrive $0xFFFF  }
0xee: {  	s12 =	sor.u32 $0x1C02, s8  }
0xef: {  	s12 =	sor.u32 $0x1C02, s8;
	s13 =	rddreg [dreg:$0x8]  }
0xf0: {  	[hbm:s13], [sflag:s12] =	dma.local [spmem:s17], $0x2700  }
.Ltmp5:
0xf1: {  	_ = 	snop;
	(pc) =	sbr.rel @p1 .LBB2_9-.Ltmp5, $4  }
.Ltmp6:
0xf2: {  	_ = 	snop;
	(pc) =	sbr.rel @!p1 .LBB2_8-.Ltmp6, $4  }
0xf3: {  	_ =	swait.ge [sflag:s20], $0x2700  }
0xf4: {  	[sflag:s20] =	ssyncset.done $0x0  }
0xf5: {  	s13 =	rddreg [dreg:$0x5];
	[sflag:s20] =	ssyncadd.s32 $0xFFFFD900  }
0xf6: {  	_ = 	snop  }
.LBB2_6:
0xf7: {  	s13 =	rddreg [dreg:$0x7]  }
0xf8: {  	[hbm:s13], [sflag:s12] =	dma.local [spmem:s17], $0x2700  }
.Ltmp7:
0xf9: {  	_ = 	snop;
	(pc) =	sbr.rel @p2 .LBB2_8-.Ltmp7, $4  }
.Ltmp8:
0xfa: {  	_ = 	snop;
	(pc) =	sbr.rel @!p2 .LBB2_9-.Ltmp8, $4  }
0xfb: {  	_ =	swait.ge [sflag:s20], $0x2700  }
0xfc: {  	[sflag:s20] =	ssyncset.done $0x0  }
0xfd: {  	s13 =	rddreg [dreg:$0x4];
	[sflag:s20] =	ssyncadd.s32 $0xFFFFD900  }
0xfe: {  	_ = 	snop  }
.LBB2_10:
0xff: {  	_ =	sfence.sel $0x180000  }
0x100: {  	[bflag:$0x0] =	sbarrier.arrive $0xFFFF  }
0x101: {  	_ =	strace $0x90000047  }
0x102: {  	s0 =	stileid.u32;
	[bflag:$0x2] =	sbarrier.arrive $0xFFFF  }
0x103: {  	p0 =	sne.s32 s0, $0x0;
	s0 =	rddreg [dreg:$0x3]  }
0x104: {  	s0 =	sadd.s32 @!p0 $0x100000, s0  }
0x105: {  	[sflag:s0] =	ssyncadd.tile.s32 @!p0 $0x1;
	_ =	shalt  }
.Lfunc_end2:
_tile_overlayer_lowered:
.L_overlay_start_2:
0x106: {  	(tag) =	ssettag $0x2  }
0x107: {  	s0 =	rddreg [dreg:$0x0];
	s2 =	stileid.u32  }
0x108: {  	s1 =	rddreg [dreg:$0x1];
	p0 =	sne.s32 s2, $0x0  }
0x109: {  	s3 =	rddreg [dreg:$0x2];
	[bflag:$0x3] =	sbarrier.arrive $0xFFFF;
	s2 =	simm.s32 @!p0 $0x1C02  }
0x10a: {  	[timem:s3], [sflag:s2] =	dma.local @!p0 [hbm:s0], s1  }
0x10b: {  	s0 =	simm.s32 @!p0 $0x2  }
0x10c: {  	_ =	swait.ge @!p0 [sflag:s0], s1  }
0x10d: {  	s1 =	ssub.s32 @!p0 $0x0, s1;
	[sflag:s0] =	ssyncset.done @!p0 $0x0  }
0x10e: {  	[sflag:s0] =	ssyncadd.s32 @!p0 s1  }
0x10f: {  	[bflag:$0x3] =	sbarrier.arrive $0xFFFF  }
0x110: {  	_ =	shalt  }

// kernel: kernel.14.cloned.1.call-start
scs
__scs_entry_jumppad:
0x0: {  	(pc) =	sbr.rel $0x88, $3  }
0x1: {  	(tag) =	ssettag $0x0;
	lr =	simm.s32 $0x1  }
0x2: {  	[smem:$0x3F91] =	sst lr;
	_ =	strace $0xD0000000  }
0x3: {  	_ = 	snop  }
0x4: {  	_ = 	snop  }
0x5: {  	_ = 	snop  }
0x6: {  	_ = 	snop  }
0x7: {  	_ = 	snop  }
__scs_overlays_trampoline_lowered:
0x8: {  	[smem:$0x3FA0] =	sst s0  }
0x9: {  	[smem:$0x3FA1] =	sst s1  }
0xa: {  	[smem:$0x3FA2] =	sst s2  }
0xb: {  	[smem:$0x3FA3] =	sst s3  }
0xc: {  	[smem:$0x3FA4] =	sst s4  }
0xd: {  	[smem:$0x3FA5] =	sst s5  }
0xe: {  	[smem:$0x3FA6] =	sst s6  }
0xf: {  	[smem:$0x3FA7] =	sst s7  }
0x10: {  	[smem:$0x3FA8] =	sst s8  }
0x11: {  	[smem:$0x3FA9] =	sst s9;
	s0 =	simm.s32 @!p0 $0x0  }
0x12: {  	s1 =	sld [smem:$0x3F8F];
	s0 =	simm.s32 @p0 $0x1  }
0x13: {  	[smem:$0x3FAA] =	sst s0;
	s0 =	simm.s32 @!p1 $0x0  }
0x14: {  	s2 =	sld [smem:$0x3F8E];
	s0 =	simm.s32 @p1 $0x1  }
0x15: {  	[smem:$0x3FAB] =	sst s0;
	s0 =	simm.s32 @!p2 $0x0  }
0x16: {  	s3 =	sld [smem:$0x3FDB];
	s0 =	simm.s32 @p2 $0x1  }
0x17: {  	s4 =	simm.s32 $0x1BF5;
	[smem:$0x3FAD] =	sst s0  }
0x18: {  	s0 =	sld [smem:$0x3F90];
	_ =	swait.ge [sflag:s4], $0x0  }
0x19: {  	s7 =	sld [smem:$0x3F91]  }
0x1a: {  	s8 =	sadd.s32 $0xFFFFE003, lr  }
0x1b: {  	s9 =	sadd.s32 $0xFFFFFEF7, lr;
	s5 =	simm.s32 $0xFFFFFFFF;
	p2 =	slt.u32 s8, $0xFFFFF086  }
0x1c: {  	p1 =	slt.u32 s9, $0xF7A;
	s5 =	simm.s32 @!p2 $0x0  }
0x1d: {  	s5 =	simm.s32 @p1 $0x1;
	p0 =	seq.s32 s7, s2  }
0x1e: {  	s7 =	smul.u32 @!p0 $0xF7A, s2;
	p2 =	seq.s32 @!p0 s5, $0x0  }
0x1f: {  	s9 =	smul.u32 $0xF7A, s1;
	s8 =	simm.s32 @!p0 $0x1BF5;
	p2 =	por !p2, p0  }
0x20: {  	[sflag:s8] =	ssyncset.s32 @!p0 $0xFFFFF086;
	s6 =	sadd.s32 @!p0 s3, s7;
	s7 =	simm.s32 @!p0 $0x108  }
0x21: {  	s3 =	sadd.s32 s3, s9;
	s6 =	sadd.s32 @!p0 $0x88, s6;
	s7 =	simm.s32 @p2 $0x1082  }
0x22: {  	[simem:s7], [sflag:s8] =	dma.local @!p0 [hbm:s6], $0xF7A  }
0x23: {  	s9 =	sor.u32 $0xD0000000, s2;
	s6 =	simm.s32 $0x108;
	_ =	swait.ge @!p0 [sflag:s8], $0x0  }
0x24: {  	s3 =	sadd.s32 $0x88, s3;
	s6 =	simm.s32 @!p1 $0x1082;
	[sflag:s4] =	ssyncset.s32 $0xFFFFF086  }
0x25: {  	[simem:s6], [sflag:s4] =	dma.local [hbm:s3], $0xF7A  }
0x26: {  	[smem:$0x3F91] =	sst s1;
	(tag) =	ssettag s2;
	_ =	strace s9  }
0x27: {  	s1 =	sld [smem:$0x3FA1]  }
0x28: {  	s2 =	sld [smem:$0x3FA2]  }
0x29: {  	s4 =	sld [smem:$0x3FA4]  }
0x2a: {  	p0 =	seq.s32 s5, $0x0;
	s5 =	sld [smem:$0x3FA5]  }
0x2b: {  	s6 =	sld [smem:$0x3FA6]  }
0x2c: {  	s7 =	sld [smem:$0x3FA7]  }
0x2d: {  	s3 =	simm.s32 $0x108;
	s8 =	sld [smem:$0x3FA8]  }
0x2e: {  	s3 =	simm.s32 @!p0 $0x1082;
	s9 =	sld [smem:$0x3FA9]  }
0x2f: {  	lr =	sadd.s32 s0, s3;
	s0 =	sld [smem:$0x3FA0]  }
0x30: {  	s3 =	sld [smem:$0x3FA3]  }
0x31: {  	[smem:$0x3FAC] =	sst s10  }
0x32: {  	s10 =	sld [smem:$0x3FAA];
	_ =	sdelay $0x3  }
0x33: {  	p0 =	seq.s32 s10, $0x1;
	s10 =	sld [smem:$0x3FAC];
	_ =	sdelay $0x3  }
0x34: {  	[smem:$0x3FAC] =	sst s10  }
0x35: {  	s10 =	sld [smem:$0x3FAB];
	_ =	sdelay $0x3  }
0x36: {  	p1 =	seq.s32 s10, $0x1;
	s10 =	sld [smem:$0x3FAC];
	_ =	sdelay $0x3  }
0x37: {  	[smem:$0x3FAC] =	sst s10  }
0x38: {  	s10 =	sld [smem:$0x3FAD]  }
0x39: {  	_ = 	snop;
	(pc) =	sbr.ind lr, $3  }
0x3a: {  	_ = 	snop  }
0x3b: {  	_ = 	snop  }
0x3c: {  	p2 =	seq.s32 s10, $0x1;
	s10 =	sld [smem:$0x3FAC]  }
0x3d: {  	_ =	shalt  }
0x3e: {  	_ =	shalt  }
0x3f: {  	_ =	shalt  }
0x40: {  	_ =	shalt  }
0x41: {  	_ =	shalt  }
0x42: {  	_ =	shalt  }
0x43: {  	_ =	shalt  }
0x44: {  	_ =	shalt  }
0x45: {  	_ =	shalt  }
0x46: {  	_ =	shalt  }
0x47: {  	_ =	shalt  }
0x48: {  	_ =	shalt  }
0x49: {  	_ =	shalt  }
0x4a: {  	_ =	shalt  }
0x4b: {  	_ =	shalt  }
0x4c: {  	_ =	shalt  }
0x4d: {  	_ =	shalt  }
0x4e: {  	_ =	shalt  }
0x4f: {  	_ =	shalt  }
0x50: {  	_ =	shalt  }
0x51: {  	_ =	shalt  }
0x52: {  	_ =	shalt  }
0x53: {  	_ =	shalt  }
0x54: {  	_ =	shalt  }
0x55: {  	_ =	shalt  }
0x56: {  	_ =	shalt  }
0x57: {  	_ =	shalt  }
0x58: {  	_ =	shalt  }
0x59: {  	_ =	shalt  }
0x5a: {  	_ =	shalt  }
0x5b: {  	_ =	shalt  }
0x5c: {  	_ =	shalt  }
0x5d: {  	_ =	shalt  }
0x5e: {  	_ =	shalt  }
0x5f: {  	_ =	shalt  }
0x60: {  	_ =	shalt  }
0x61: {  	_ =	shalt  }
0x62: {  	_ =	shalt  }
0x63: {  	_ =	shalt  }
0x64: {  	_ =	shalt  }
0x65: {  	_ =	shalt  }
0x66: {  	_ =	shalt  }
0x67: {  	_ =	shalt  }
0x68: {  	_ =	shalt  }
0x69: {  	_ =	shalt  }
0x6a: {  	_ =	shalt  }
0x6b: {  	_ =	shalt  }
0x6c: {  	_ =	shalt  }
0x6d: {  	_ =	shalt  }
0x6e: {  	_ =	shalt  }
0x6f: {  	_ =	shalt  }
0x70: {  	_ =	shalt  }
0x71: {  	_ =	shalt  }
0x72: {  	_ =	shalt  }
0x73: {  	_ =	shalt  }
0x74: {  	_ =	shalt  }
0x75: {  	_ =	shalt  }
0x76: {  	_ =	shalt  }
0x77: {  	_ =	shalt  }
0x78: {  	_ =	shalt  }
0x79: {  	_ =	shalt  }
0x7a: {  	_ =	shalt  }
0x7b: {  	_ =	shalt  }
0x7c: {  	_ =	shalt  }
0x7d: {  	_ =	shalt  }
0x7e: {  	_ =	shalt  }
0x7f: {  	_ =	shalt  }
0x80: {  	_ =	shalt  }
0x81: {  	_ =	shalt  }
0x82: {  	_ =	shalt  }
0x83: {  	_ =	shalt  }
0x84: {  	_ =	shalt  }
0x85: {  	_ =	shalt  }
0x86: {  	_ =	shalt  }
0x87: {  	_ =	shalt  }
.Lfunc_end0:
.L_simem_size_0:
called_computation.1_lowered:
.L_overlay_start_0:
0x88: {  	s2 =	sld [smem:$0x3FD9]  }
0x89: {  	s3 =	sld [smem:$0x3FFE];
	_ =	sdelay $0x1  }
0x8a: {  	s1 =	srdreg.scid  }
0x8b: {  	s0 =	sand.u32 $0x1, s1  }
0x8c: {  	s16 =	sshll.u32 s0, $0xA;
	s2 =	sadd.s32 s3, s2  }
0x8d: {  	s2 =	sadd.s32 s2, s16  }
0x8e: {  	[smem:$0x3FB8] =	sst s2  }
0x8f: {  	_ = 	snop  }
0x90: {  	(tm) =	ssettm $0x1  }
0x91: {  	s17 =	sld [smem:$0x3FFB];
	_ =	sdelay $0x3  }
0x92: {  	_ =	strace s17  }
0x93: {  	s2 =	sld [smem:$0x3FFC];
	_ =	sdelay $0x3  }
0x94: {  	_ =	strace s2  }
0x95: {  	s2 =	sld [smem:$0x3FFD];
	_ =	sdelay $0x3  }
0x96: {  	_ =	strace s2  }
0x97: {  	_ =	strace $0x8FFFFFFF  }
0x98: {  	s18 =	sld [smem:$0x3FDB];
	_ =	sdelay $0x1  }
0x99: {  	s19 =	simm.s32 $_scs_section_size  }
0x9a: {  	s4 =	simm.s32 $_size__tile_overlayer_lowered;
	s5 =	simm.s32 $_tile_overlayer_lowered  }
0x9b: {  	s22 =	simm.s32 $0x1BFF;
	s21 =	sshll.u32 s5, $0x1;
	s2 =	sadd.s32 s19, s18  }
0x9c: {  	s6 =	simm.s32 $0x0;
	s20 =	sshll.u32 s4, $0x1;
	s4 =	sadd.s32 s21, s2  }
0x9d: {  	[timem:s6], [sflag:s22] =	dma.local [hbm:s4], s20  }
0x9e: {  	_ =	swait.ge [sflag:s22], s20  }
0x9f: {  	s3 =	ssub.s32 $0x0, s20;
	[sflag:s22] =	ssyncset.done $0x0  }
0xa0: {  	[sflag:s22] =	ssyncadd.s32 s3;
	_ =	sdelay $0x1  }
0xa1: {  	s23 =	simm.s32 $0x1B8B  }
0xa2: {  	_ =	swait.ge [sflag:s23], $0x1  }
0xa3: {  	[sflag:s23] =	ssyncset.done $0x0  }
0xa4: {  	s25 =	simm.s32 $0x1B8E;
	s24 =	sld [smem:$0x3FFE];
	[sflag:s23] =	ssyncadd.s32 $0xFFFFFFFF  }
0xa5: {  	s26 =	simm.s32 $execute0_lowered;
	[smem:$0x3FD2] =	sst s25  }
0xa6: {  	s4 =	sshll.u32 s26, $0x1;
	_ =	strace $0x80000049;
	[dreg:$0x1] =	wrdreg $0xFFFFFFFF  }
0xa7: {  	s28 =	simm.s32 $_size_execute0_lowered;
	s2 =	sadd.s32 s2, s4;
	[dreg:$0x0] =	wrdreg $0x0  }
0xa8: {  	s4 =	sshll.u32 s28, $0x1;
	[dreg:$0x2] =	wrdreg s2  }
0xa9: {  	[dreg:$0x3] =	wrdreg s4  }
0xaa: {  	[dreg:$0x4] =	wrdreg $0xC0  }
0xab: {  	_ =	task [dreg:s6], $0x5FFFF  }
0xac: {  	[dreg:$0x1] =	wrdreg $0xFFFFFFFF  }
0xad: {  	[dreg:$0x0] =	wrdreg $0x60  }
0xae: {  	[dreg:$0x2] =	wrdreg s24  }
0xaf: {  	[dreg:$0x3] =	wrdreg $0x0  }
0xb0: {  	[dreg:$0x4] =	wrdreg $0x9  }
0xb1: {  	_ =	task.clear_ibuf [dreg:s6], $0x5FFFF;
	_ =	strace $0x90000049  }
0xb2: {  	s29 =	simm.s32 $0x9;
	_ =	strace $0x8000004B  }
0xb3: {  	_ =	swait.ge [sflag:s29], $0x1  }
0xb4: {  	[sflag:s29] =	ssyncadd.s32 $0xFFFFFFFF  }
0xb5: {  	_ =	strace $0x9000004B  }
0xb6: {  	_ =	sfence  }
0xb7: {  	s30 =	sld [smem:$0x0];
	_ =	sdelay $0x2  }
0xb8: {  	s31 =	sshll.u32 s1, $0xD;
	s1 =	sshrl.u32 s1, $0x2  }
0xb9: {  	s3 =	sand.u32 $0x4000, s31;
	s1 =	sadd.s32 s1, s30  }
0xba: {  	s0 =	sor.u32 s3, s0;
	s1 =	sshll.u32 s1, $0x11  }
0xbb: {  	s0 =	sor.u32 s1, s0  }
0xbc: {  	s0 =	sadd.s32 $0x8F2B, s0  }
0xbd: {  	[sflag:s0] =	ssyncadd.remote.s32 $0x1  }
0xbe: {  	_ =	sfence.sel $0xFFFF  }
0xbf: {  	[dreg:$0x0] =	wrdreg $0xFFFFFFFF;
	(pc) =	sbr.abs _section_cstart, $3  }
0xc0: {  	[dreg:$0x1] =	wrdreg $0xFFFFFFFF  }
0xc1: {  	_ =	task.clear_ibuf [dreg:s6], $0x2FFFF;
	_ =	strace $0x9FFFFFFF  }
0xc2: {  	(tm) =	ssettm $0x7FFFFFFF  }
0xc3: {  	_ =	shalt  }
tec
execute0_lowered:
.L_overlay_start_1:
0x0: {  	(tag) =	ssettag $0x1  }
0x1: {  	s0 =	rddreg [dreg:$0x0]  }
0x2: {  	s2 =	rddreg [dreg:$0x1]  }
0x3: {  	s3 =	simm.s32 $0x0;
	s17 =	stileid.u32;
	s8 =	srdreg.scid  }
0x4: {  	s28 =	simm.s32 $0x2;
	s29 =	simm.s32 $0x1A100;
	s30 =	simm.s32 $0x3  }
0x5: {  	s31 =	simm.s32 $0x14C80;
	[smem:$0x7FF] =	sst s3;
	s1 =	smul.u32 $0x2700, s17  }
0x6: {  	s4 =	sadd.s32 $0x40E00, s0;
	s5 =	sadd.s32 $0xFC00, s0;
	s6 =	sadd.s32 $0x5C00, s0  }
0x7: {  	s20 =	sadd.s32 $0x8F200, s0;
	s16 =	sand.u32 $0x1, s8;
	s22 =	smul.u32 $0x4E000, s17  }
0x8: {  	s21 =	sadd.s32 $0xB6400, s0;
	s10 =	sshll.u32 s17, $0x1;
	p1 =	sne.s32 s17, $0xF  }
0x9: {  	p2 =	seq.s32 s17, $0xF;
	_ =	strace $0x8000004A;
	s9 =	ssub.s32 $0x2, s16  }
0xa: {  	s10 =	sor.u32 s16, s10;
	p0 =	seq.s32 s16, $0x1;
	[dreg:$0x3] =	wrdreg s20  }
0xb: {  	[dreg:$0x4] =	wrdreg s21;
	s7 =	sadd.s32 s1, s0;
	s23 =	smul.u32 $0x2800, s10  }
0xc: {  	s11 =	sshrl.u32 s9, $0x1;
	s8 =	sshrl.u32 s22, $0x2;
	s13 =	smul.u32 $0x500, s10  }
0xd: {  	s10 =	sadd.s32 $0x138000, s2;
	s25 =	sadd.s32 s20, s1;
	s26 =	sadd.s32 s21, s1  }
0xe: {  	s21 =	simm.s32 $0x1;
	s22 =	simm.s32 $0x13900;
	s1 =	simm.s32 $0x16080  }
0xf: {  	s18 =	ssub.s32 s9, s11;
	s19 =	sadd.s32 s8, s2;
	s7 =	sadd.s32 $0x19C00, s7  }
0x10: {  	s8 =	sshll.u32 s17, $0x6;
	s11 =	sadd.s32 $0x40C00, s0;
	[dreg:$0x5] =	wrdreg s25  }
0x11: {  	[dreg:$0x6] =	wrdreg s26;
	s20 =	sshrl.u32 @!p1 s10, $0x3;
	s25 =	simm.s32 $0x80  }
.Ltmp0:
0x12: {  	s26 =	simm.s32 $0x16100;
	s0 =	simm.s32 $0x16000;
	(pc) =	sbr.rel .LBB2_1-.Ltmp0, $4  }
0x13: {  	s9 =	sor.u32 $0x1C01, s8;
	s14 =	sshrl.u32 s23, $0x3;
	s12 =	sadd.s32 s5, s13  }
0x14: {  	s13 =	sadd.s32 s6, s13;
	s18 =	smax.u32 s18, $0x1;
	s24 =	sadd.s32 $0x280, s14  }
0x15: {  	s19 =	sshrl.u32 s19, $0x3;
	s23 =	simm.s32 $0x4;
	s14 =	sadd.s32 s5, s24  }
0x16: {  	s15 =	sadd.s32 s6, s24;
	s24 =	simm.s32 $0x14D00;
	s5 =	simm.s32 $0x0  }
.LBB2_8:
0x17: {  	s16 =	sadd.s32 $0x27000, s16;
	s17 =	sshrl.u32 s10, $0x3  }
0x18: {  	[hbm:s16], [sflag:s6] =	dma.local [spmem:s17], $0x100  }
0x19: {  	_ =	swait.ge [sflag:s23], $0x100  }
0x1a: {  	[sflag:s23] =	ssyncset.done $0x0  }
0x1b: {  	[sflag:s23] =	ssyncadd.s32 $0xFFFFFF00  }
.LBB2_9:
0x1c: {  	s5 =	sadd.s32 $0x1, s5  }
0x1d: {  	p3 =	sne.s32 s5, s18  }
.Ltmp1:
0x1e: {  	_ = 	snop;
	(pc) =	sbr.rel @!p3 .LBB2_10-.Ltmp1, $1  }
0x1f: {  	_ =	sdelay $0x3  }
.LBB2_1:
0x20: {  	[spmem:s19], [sflag:s9] =	dma.local [hbm:s7], $0x2700  }
0x21: {  	s6 =	simm.s32 @!p1 $0x1FC4  }
0x22: {  	[spmem:s20], [sflag:s6] =	dma.local @!p1 [hbm:s11], $0x200  }
0x23: {  	s6 =	simm.s32 @!p1 $0x4  }
0x24: {  	_ =	swait.ge @!p1 [sflag:s6], $0x200  }
0x25: {  	[sflag:s6] =	ssyncset.done @!p1 $0x0  }
0x26: {  	[sflag:s6] =	ssyncadd.s32 @!p1 $0xFFFFFE00  }
0x27: {  	_ =	swait.ge [sflag:s21], $0x2700  }
0x28: {  	[sflag:s21] =	ssyncset.done $0x0  }
0x29: {  	[sflag:s21] =	ssyncadd.s32 $0xFFFFD900  }
0x2a: {  	[bflag:$0x0] =	sbarrier.arrive $0xFFFF  }
0x2b: {  	[tilespmem:s22], [sflag:$0x4] =	stream.linear.gather [hbm4b:s12+s3], $0x1400, $0x38;
	[tilespmem:$0x1E100] =	vst v63  }
0x2c: {  	_ =	swait.ge [sflag:s23], $0x1400  }
0x2d: {  	[sflag:s23] =	ssyncset.done $0x0  }
0x2e: {  	[sflag:s23] =	ssyncadd.s32 $0xFFFFEC00  }
0x2f: {  	[tilespmem:s24], [sflag:$0x4] =	stream.linear.gather [hbm4b:s13+s3], $0x1400, $0x38;
	[tilespmem:$0x1E100] =	vst v63  }
0x30: {  	_ =	swait.ge [sflag:s23], $0x1400  }
0x31: {  	[sflag:s23] =	ssyncset.done $0x0  }
0x32: {  	[sflag:s23] =	ssyncadd.s32 $0xFFFFEC00  }
0x33: {  	[tilespmem:s26], [sflag:$0x2] =	stream.indirect.gather [hbm4b:s4+s25], $0x80, s22, s25, $0xb8;
	[tilespmem:$0x1E100] =	vst v63  }
0x34: {  	_ =	swait.ge [sflag:s28], $0x4000  }
0x35: {  	[sflag:s28] =	ssyncset.done $0x0  }
0x36: {  	s16 =	simm.s32 $0x13980;
	[sflag:s28] =	ssyncadd.s32 $0xFFFFC000  }
0x37: {  	[tilespmem:s29], [sflag:$0x3] =	stream.indirect.gather [hbm4b:s4+s25], $0x80, s16, s25, $0xb8;
	[tilespmem:$0x1E100] =	vst v63  }
0x38: {  	s17 =	simm.s32 $0x14D00  }
0x39: {  	[spmem:s2] =	stream.indirect.scatter.add.f32 [tilespmem:s26], [sflag:$0x4], $0x80, s17, s25, $0xb8;
	[tilespmem:$0x1E100] =	vst v63  }
0x3a: {  	_ =	swait.ge [sflag:s23], $0x4000  }
0x3b: {  	[sflag:s23] =	ssyncset.done $0x0  }
0x3c: {  	[sflag:s23] =	ssyncadd.s32 $0xFFFFC000  }
0x3d: {  	_ =	swait.ge [sflag:s30], $0x4000  }
0x3e: {  	[sflag:s30] =	ssyncset.done $0x0  }
0x3f: {  	s16 =	simm.s32 $0x13A00;
	[sflag:s30] =	ssyncadd.s32 $0xFFFFC000  }
0x40: {  	[tilespmem:s26], [sflag:$0x2] =	stream.indirect.gather [hbm4b:s4+s25], $0x80, s16, s25, $0xb8;
	[tilespmem:$0x1E100] =	vst v63  }
0x41: {  	s17 =	simm.s32 $0x14D80  }
0x42: {  	[spmem:s2] =	stream.indirect.scatter.add.f32 [tilespmem:s29], [sflag:$0x4], $0x80, s17, s25, $0xb8;
	[tilespmem:$0x1E100] =	vst v63  }
0x43: {  	_ =	swait.ge [sflag:s23], $0x4000  }
0x44: {  	s6 =	simm.s32 $0x400;
	[sflag:s23] =	ssyncset.done $0x0  }
.LBB2_2:
0x45: {  	p3 =	sne.s32 s6, $0x4800  }
0x46: {  	[sflag:s23] =	ssyncadd.s32 $0xFFFFC000;
	s16 =	smov.u32 s6;
	s6 =	sadd.s32 $0x400, s6  }
0x47: {  	_ = 	snop  }
0x48: {  	_ =	swait.ge [sflag:s28], $0x4000  }
0x49: {  	s16 =	sshra.s32 s16, $0x2;
	[sflag:s28] =	ssyncset.done $0x0  }
0x4a: {  	s17 =	sadd.s32 $0x13980, s16;
	[sflag:s28] =	ssyncadd.s32 $0xFFFFC000  }
0x4b: {  	[tilespmem:s29], [sflag:$0x3] =	stream.indirect.gather [hbm4b:s4+s25], $0x80, s17, s25, $0xb8;
	[tilespmem:$0x1E100] =	vst v63  }
0x4c: {  	s17 =	sadd.s32 $0x14D00, s16  }
0x4d: {  	[spmem:s2] =	stream.indirect.scatter.add.f32 [tilespmem:s26], [sflag:$0x4], $0x80, s17, s25, $0xb8;
	[tilespmem:$0x1E100] =	vst v63  }
0x4e: {  	_ =	swait.ge [sflag:s23], $0x4000  }
0x4f: {  	[sflag:s23] =	ssyncset.done $0x0  }
0x50: {  	[sflag:s23] =	ssyncadd.s32 $0xFFFFC000  }
0x51: {  	_ =	swait.ge [sflag:s30], $0x4000  }
0x52: {  	[sflag:s30] =	ssyncset.done $0x0  }
0x53: {  	s17 =	sadd.s32 $0x13A00, s16;
	[sflag:s30] =	ssyncadd.s32 $0xFFFFC000  }
0x54: {  	[tilespmem:s26], [sflag:$0x2] =	stream.indirect.gather [hbm4b:s4+s25], $0x80, s17, s25, $0xb8;
	[tilespmem:$0x1E100] =	vst v63  }
.Ltmp2:
0x55: {  	_ = 	snop;
	(pc) =	sbr.rel @p3 .LBB2_2-.Ltmp2, $4  }
0x56: {  	s16 =	sadd.s32 $0x14D80, s16  }
0x57: {  	[spmem:s2] =	stream.indirect.scatter.add.f32 [tilespmem:s29], [sflag:$0x4], $0x80, s16, s25, $0xb8;
	[tilespmem:$0x1E100] =	vst v63  }
0x58: {  	_ =	swait.ge [sflag:s23], $0x4000  }
0x59: {  	[sflag:s23] =	ssyncset.done $0x0  }
0x5a: {  	[sflag:s23] =	ssyncadd.s32 $0xFFFFC000  }
0x5b: {  	_ =	swait.ge [sflag:s28], $0x4000  }
0x5c: {  	[sflag:s28] =	ssyncset.done $0x0  }
0x5d: {  	[sflag:s28] =	ssyncadd.s32 $0xFFFFC000  }
0x5e: {  	[tilespmem:s29], [sflag:$0x3] =	stream.indirect.gather [hbm4b:s4+s25], $0x80, s31, s25, $0xb8;
	[tilespmem:$0x1E100] =	vst v63  }
0x5f: {  	_ = 	snop  }
0x60: {  	[spmem:s2] =	stream.indirect.scatter.add.f32 [tilespmem:s26], [sflag:$0x4], $0x80, s0, s25, $0xb8;
	[tilespmem:$0x1E100] =	vst v63  }
0x61: {  	_ =	swait.ge [sflag:s23], $0x4000  }
0x62: {  	[sflag:s23] =	ssyncset.done $0x0  }
0x63: {  	[sflag:s23] =	ssyncadd.s32 $0xFFFFC000  }
0x64: {  	_ =	swait.ge [sflag:s30], $0x4000  }
0x65: {  	[sflag:s30] =	ssyncset.done $0x0  }
0x66: {  	[sflag:s30] =	ssyncadd.s32 $0xFFFFC000  }
0x67: {  	[spmem:s2] =	stream.indirect.scatter.add.f32 [tilespmem:s29], [sflag:$0x4], $0x80, s1, s25, $0xb8;
	[tilespmem:$0x1E100] =	vst v63  }
0x68: {  	_ =	swait.ge [sflag:s23], $0x4000  }
0x69: {  	[sflag:s23] =	ssyncset.done $0x0  }
0x6a: {  	s6 =	simm.s32 $0x0;
	[sflag:s23] =	ssyncadd.s32 $0xFFFFC000  }
0x6b: {  	[tilespmem:s22], [sflag:$0x4] =	stream.linear.gather [hbm4b:s14+s6], $0x1400, $0x38;
	[tilespmem:$0x1E100] =	vst v63  }
0x6c: {  	_ =	swait.ge [sflag:s23], $0x1400  }
0x6d: {  	[sflag:s23] =	ssyncset.done $0x0  }
0x6e: {  	[sflag:s23] =	ssyncadd.s32 $0xFFFFEC00  }
0x6f: {  	[tilespmem:s24], [sflag:$0x4] =	stream.linear.gather [hbm4b:s15+s6], $0x1400, $0x38;
	[tilespmem:$0x1E100] =	vst v63  }
0x70: {  	_ =	swait.ge [sflag:s23], $0x1400  }
0x71: {  	[sflag:s23] =	ssyncset.done $0x0  }
0x72: {  	[sflag:s23] =	ssyncadd.s32 $0xFFFFEC00  }
0x73: {  	[tilespmem:s26], [sflag:$0x2] =	stream.indirect.gather [hbm4b:s4+s25], $0x80, s22, s25, $0xb8;
	[tilespmem:$0x1E100] =	vst v63  }
0x74: {  	_ =	swait.ge [sflag:s28], $0x4000  }
0x75: {  	[sflag:s28] =	ssyncset.done $0x0  }
0x76: {  	s16 =	simm.s32 $0x13980;
	[sflag:s28] =	ssyncadd.s32 $0xFFFFC000  }
0x77: {  	[tilespmem:s29], [sflag:$0x3] =	stream.indirect.gather [hbm4b:s4+s25], $0x80, s16, s25, $0xb8;
	[tilespmem:$0x1E100] =	vst v63  }
0x78: {  	s17 =	simm.s32 $0x14D00  }
0x79: {  	[spmem:s2] =	stream.indirect.scatter.add.f32 [tilespmem:s26], [sflag:$0x4], $0x80, s17, s25, $0xb8;
	[tilespmem:$0x1E100] =	vst v63  }
0x7a: {  	_ =	swait.ge [sflag:s23], $0x4000  }
0x7b: {  	[sflag:s23] =	ssyncset.done $0x0  }
0x7c: {  	[sflag:s23] =	ssyncadd.s32 $0xFFFFC000  }
0x7d: {  	_ =	swait.ge [sflag:s30], $0x4000  }
0x7e: {  	[sflag:s30] =	ssyncset.done $0x0  }
0x7f: {  	s16 =	simm.s32 $0x13A00;
	[sflag:s30] =	ssyncadd.s32 $0xFFFFC000  }
0x80: {  	[tilespmem:s26], [sflag:$0x2] =	stream.indirect.gather [hbm4b:s4+s25], $0x80, s16, s25, $0xb8;
	[tilespmem:$0x1E100] =	vst v63  }
0x81: {  	s17 =	simm.s32 $0x14D80  }
0x82: {  	[spmem:s2] =	stream.indirect.scatter.add.f32 [tilespmem:s29], [sflag:$0x4], $0x80, s17, s25, $0xb8;
	[tilespmem:$0x1E100] =	vst v63  }
0x83: {  	_ =	swait.ge [sflag:s23], $0x4000  }
0x84: {  	s6 =	simm.s32 $0x400;
	[sflag:s23] =	ssyncset.done $0x0  }
.LBB2_4:
0x85: {  	p3 =	sne.s32 s6, $0x4800  }
0x86: {  	[sflag:s23] =	ssyncadd.s32 $0xFFFFC000;
	s16 =	smov.u32 s6;
	s6 =	sadd.s32 $0x400, s6  }
0x87: {  	_ = 	snop  }
0x88: {  	_ =	swait.ge [sflag:s28], $0x4000  }
0x89: {  	s16 =	sshra.s32 s16, $0x2;
	[sflag:s28] =	ssyncset.done $0x0  }
0x8a: {  	s17 =	sadd.s32 $0x13980, s16;
	[sflag:s28] =	ssyncadd.s32 $0xFFFFC000  }
0x8b: {  	[tilespmem:s29], [sflag:$0x3] =	stream.indirect.gather [hbm4b:s4+s25], $0x80, s17, s25, $0xb8;
	[tilespmem:$0x1E100] =	vst v63  }
0x8c: {  	s17 =	sadd.s32 $0x14D00, s16  }
0x8d: {  	[spmem:s2] =	stream.indirect.scatter.add.f32 [tilespmem:s26], [sflag:$0x4], $0x80, s17, s25, $0xb8;
	[tilespmem:$0x1E100] =	vst v63  }
0x8e: {  	_ =	swait.ge [sflag:s23], $0x4000  }
0x8f: {  	[sflag:s23] =	ssyncset.done $0x0  }
0x90: {  	[sflag:s23] =	ssyncadd.s32 $0xFFFFC000  }
0x91: {  	_ =	swait.ge [sflag:s30], $0x4000  }
0x92: {  	[sflag:s30] =	ssyncset.done $0x0  }
0x93: {  	s17 =	sadd.s32 $0x13A00, s16;
	[sflag:s30] =	ssyncadd.s32 $0xFFFFC000  }
0x94: {  	[tilespmem:s26], [sflag:$0x2] =	stream.indirect.gather [hbm4b:s4+s25], $0x80, s17, s25, $0xb8;
	[tilespmem:$0x1E100] =	vst v63  }
.Ltmp3:
0x95: {  	_ = 	snop;
	(pc) =	sbr.rel @p3 .LBB2_4-.Ltmp3, $4  }
0x96: {  	s16 =	sadd.s32 $0x14D80, s16  }
0x97: {  	[spmem:s2] =	stream.indirect.scatter.add.f32 [tilespmem:s29], [sflag:$0x4], $0x80, s16, s25, $0xb8;
	[tilespmem:$0x1E100] =	vst v63  }
0x98: {  	_ =	swait.ge [sflag:s23], $0x4000  }
0x99: {  	[sflag:s23] =	ssyncset.done $0x0  }
0x9a: {  	[sflag:s23] =	ssyncadd.s32 $0xFFFFC000  }
0x9b: {  	_ =	swait.ge [sflag:s28], $0x4000  }
0x9c: {  	[sflag:s28] =	ssyncset.done $0x0  }
0x9d: {  	[sflag:s28] =	ssyncadd.s32 $0xFFFFC000  }
0x9e: {  	[tilespmem:s29], [sflag:$0x3] =	stream.indirect.gather [hbm4b:s4+s25], $0x80, s31, s25, $0xb8;
	[tilespmem:$0x1E100] =	vst v63  }
0x9f: {  	_ = 	snop  }
0xa0: {  	[spmem:s2] =	stream.indirect.scatter.add.f32 [tilespmem:s26], [sflag:$0x4], $0x80, s0, s25, $0xb8;
	[tilespmem:$0x1E100] =	vst v63  }
0xa1: {  	_ =	swait.ge [sflag:s23], $0x4000  }
0xa2: {  	[sflag:s23] =	ssyncset.done $0x0  }
0xa3: {  	[sflag:s23] =	ssyncadd.s32 $0xFFFFC000  }
0xa4: {  	_ =	swait.ge [sflag:s30], $0x4000  }
0xa5: {  	[sflag:s30] =	ssyncset.done $0x0  }
0xa6: {  	[sflag:s30] =	ssyncadd.s32 $0xFFFFC000  }
0xa7: {  	[spmem:s2] =	stream.indirect.scatter.add.f32 [tilespmem:s29], [sflag:$0x4], $0x80, s1, s25, $0xb8;
	[tilespmem:$0x1E100] =	vst v63  }
.Ltmp4:
0xa8: {  	_ =	swait.ge [sflag:s23], $0x4000;
	(pc) =	sbr.rel @!p0 .LBB2_6-.Ltmp4, $4  }
0xa9: {  	[sflag:s23] =	ssyncset.done $0x0  }
0xaa: {  	[sflag:s23] =	ssyncadd.s32 $0xFFFFC000  }
0xab: {  	[bflag:$0x0] =	sbarrier.arrive $0xFFFF  }
0xac: {  	s6 =	sor.u32 $0x1C04, s8  }
0xad: {  	s6 =	sor.u32 $0x1C04, s8;
	s16 =	rddreg [dreg:$0x6]  }
0xae: {  	[hbm:s16], [sflag:s6] =	dma.local [spmem:s19], $0x2700  }
.Ltmp5:
0xaf: {  	_ = 	snop;
	(pc) =	sbr.rel @p1 .LBB2_9-.Ltmp5, $4  }
.Ltmp6:
0xb0: {  	_ = 	snop;
	(pc) =	sbr.rel @!p1 .LBB2_8-.Ltmp6, $4  }
0xb1: {  	_ =	swait.ge [sflag:s23], $0x2700  }
0xb2: {  	[sflag:s23] =	ssyncset.done $0x0  }
0xb3: {  	s16 =	rddreg [dreg:$0x4];
	[sflag:s23] =	ssyncadd.s32 $0xFFFFD900  }
0xb4: {  	_ = 	snop  }
.LBB2_6:
0xb5: {  	s16 =	rddreg [dreg:$0x5]  }
0xb6: {  	[hbm:s16], [sflag:s6] =	dma.local [spmem:s19], $0x2700  }
.Ltmp7:
0xb7: {  	_ = 	snop;
	(pc) =	sbr.rel @p2 .LBB2_8-.Ltmp7, $4  }
.Ltmp8:
0xb8: {  	_ = 	snop;
	(pc) =	sbr.rel @!p2 .LBB2_9-.Ltmp8, $4  }
0xb9: {  	_ =	swait.ge [sflag:s23], $0x2700  }
0xba: {  	[sflag:s23] =	ssyncset.done $0x0  }
0xbb: {  	s16 =	rddreg [dreg:$0x3];
	[sflag:s23] =	ssyncadd.s32 $0xFFFFD900  }
0xbc: {  	_ = 	snop  }
.LBB2_10:
0xbd: {  	_ =	sfence.sel $0x180000  }
0xbe: {  	[bflag:$0x0] =	sbarrier.arrive $0xFFFF  }
0xbf: {  	_ =	strace $0x9000004A  }
0xc0: {  	s0 =	stileid.u32;
	[bflag:$0x2] =	sbarrier.arrive $0xFFFF  }
0xc1: {  	p0 =	sne.s32 s0, $0x0;
	s0 =	rddreg [dreg:$0x2]  }
0xc2: {  	s0 =	sadd.s32 @!p0 $0x100000, s0  }
0xc3: {  	[sflag:s0] =	ssyncadd.tile.s32 @!p0 $0x1;
	_ =	shalt  }
.Lfunc_end2:
_tile_overlayer_lowered:
.L_overlay_start_2:
0xc4: {  	(tag) =	ssettag $0x2  }
0xc5: {  	s0 =	rddreg [dreg:$0x0];
	s2 =	stileid.u32  }
0xc6: {  	s1 =	rddreg [dreg:$0x1];
	p0 =	sne.s32 s2, $0x0  }
0xc7: {  	s3 =	rddreg [dreg:$0x2];
	[bflag:$0x3] =	sbarrier.arrive $0xFFFF;
	s2 =	simm.s32 @!p0 $0x1C04  }
0xc8: {  	[timem:s3], [sflag:s2] =	dma.local @!p0 [hbm:s0], s1  }
0xc9: {  	s0 =	simm.s32 @!p0 $0x4  }
0xca: {  	_ =	swait.ge @!p0 [sflag:s0], s1  }
0xcb: {  	s1 =	ssub.s32 @!p0 $0x0, s1;
	[sflag:s0] =	ssyncset.done @!p0 $0x0  }
0xcc: {  	[sflag:s0] =	ssyncadd.s32 @!p0 s1  }
0xcd: {  	[bflag:$0x3] =	sbarrier.arrive $0xFFFF  }
0xce: {  	_ =	shalt  }

// kernel: kernel.17.cloned.1.call-start
scs
__scs_entry_jumppad:
0x0: {  	(pc) =	sbr.rel $0x88, $3  }
0x1: {  	(tag) =	ssettag $0x0;
	lr =	simm.s32 $0x1  }
0x2: {  	[smem:$0x3F91] =	sst lr;
	_ =	strace $0xD0000000  }
0x3: {  	_ = 	snop  }
0x4: {  	_ = 	snop  }
0x5: {  	_ = 	snop  }
0x6: {  	_ = 	snop  }
0x7: {  	_ = 	snop  }
__scs_overlays_trampoline_lowered:
0x8: {  	[smem:$0x3FA0] =	sst s0  }
0x9: {  	[smem:$0x3FA1] =	sst s1  }
0xa: {  	[smem:$0x3FA2] =	sst s2  }
0xb: {  	[smem:$0x3FA3] =	sst s3  }
0xc: {  	[smem:$0x3FA4] =	sst s4  }
0xd: {  	[smem:$0x3FA5] =	sst s5  }
0xe: {  	[smem:$0x3FA6] =	sst s6  }
0xf: {  	[smem:$0x3FA7] =	sst s7  }
0x10: {  	[smem:$0x3FA8] =	sst s8  }
0x11: {  	[smem:$0x3FA9] =	sst s9;
	s0 =	simm.s32 @!p0 $0x0  }
0x12: {  	s1 =	sld [smem:$0x3F8F];
	s0 =	simm.s32 @p0 $0x1  }
0x13: {  	[smem:$0x3FAA] =	sst s0;
	s0 =	simm.s32 @!p1 $0x0  }
0x14: {  	s2 =	sld [smem:$0x3F8E];
	s0 =	simm.s32 @p1 $0x1  }
0x15: {  	[smem:$0x3FAB] =	sst s0;
	s0 =	simm.s32 @!p2 $0x0  }
0x16: {  	s3 =	sld [smem:$0x3FDB];
	s0 =	simm.s32 @p2 $0x1  }
0x17: {  	s4 =	simm.s32 $0x1BF5;
	[smem:$0x3FAD] =	sst s0  }
0x18: {  	s0 =	sld [smem:$0x3F90];
	_ =	swait.ge [sflag:s4], $0x0  }
0x19: {  	s7 =	sld [smem:$0x3F91]  }
0x1a: {  	s8 =	sadd.s32 $0xFFFFE003, lr  }
0x1b: {  	s9 =	sadd.s32 $0xFFFFFEF7, lr;
	s5 =	simm.s32 $0xFFFFFFFF;
	p2 =	slt.u32 s8, $0xFFFFF086  }
0x1c: {  	p1 =	slt.u32 s9, $0xF7A;
	s5 =	simm.s32 @!p2 $0x0  }
0x1d: {  	s5 =	simm.s32 @p1 $0x1;
	p0 =	seq.s32 s7, s2  }
0x1e: {  	s7 =	smul.u32 @!p0 $0xF7A, s2;
	p2 =	seq.s32 @!p0 s5, $0x0  }
0x1f: {  	s9 =	smul.u32 $0xF7A, s1;
	s8 =	simm.s32 @!p0 $0x1BF5;
	p2 =	por !p2, p0  }
0x20: {  	[sflag:s8] =	ssyncset.s32 @!p0 $0xFFFFF086;
	s6 =	sadd.s32 @!p0 s3, s7;
	s7 =	simm.s32 @!p0 $0x108  }
0x21: {  	s3 =	sadd.s32 s3, s9;
	s6 =	sadd.s32 @!p0 $0x88, s6;
	s7 =	simm.s32 @p2 $0x1082  }
0x22: {  	[simem:s7], [sflag:s8] =	dma.local @!p0 [hbm:s6], $0xF7A  }
0x23: {  	s9 =	sor.u32 $0xD0000000, s2;
	s6 =	simm.s32 $0x108;
	_ =	swait.ge @!p0 [sflag:s8], $0x0  }
0x24: {  	s3 =	sadd.s32 $0x88, s3;
	s6 =	simm.s32 @!p1 $0x1082;
	[sflag:s4] =	ssyncset.s32 $0xFFFFF086  }
0x25: {  	[simem:s6], [sflag:s4] =	dma.local [hbm:s3], $0xF7A  }
0x26: {  	[smem:$0x3F91] =	sst s1;
	(tag) =	ssettag s2;
	_ =	strace s9  }
0x27: {  	s1 =	sld [smem:$0x3FA1]  }
0x28: {  	s2 =	sld [smem:$0x3FA2]  }
0x29: {  	s4 =	sld [smem:$0x3FA4]  }
0x2a: {  	p0 =	seq.s32 s5, $0x0;
	s5 =	sld [smem:$0x3FA5]  }
0x2b: {  	s6 =	sld [smem:$0x3FA6]  }
0x2c: {  	s7 =	sld [smem:$0x3FA7]  }
0x2d: {  	s3 =	simm.s32 $0x108;
	s8 =	sld [smem:$0x3FA8]  }
0x2e: {  	s3 =	simm.s32 @!p0 $0x1082;
	s9 =	sld [smem:$0x3FA9]  }
0x2f: {  	lr =	sadd.s32 s0, s3;
	s0 =	sld [smem:$0x3FA0]  }
0x30: {  	s3 =	sld [smem:$0x3FA3]  }
0x31: {  	[smem:$0x3FAC] =	sst s10  }
0x32: {  	s10 =	sld [smem:$0x3FAA];
	_ =	sdelay $0x3  }
0x33: {  	p0 =	seq.s32 s10, $0x1;
	s10 =	sld [smem:$0x3FAC];
	_ =	sdelay $0x3  }
0x34: {  	[smem:$0x3FAC] =	sst s10  }
0x35: {  	s10 =	sld [smem:$0x3FAB];
	_ =	sdelay $0x3  }
0x36: {  	p1 =	seq.s32 s10, $0x1;
	s10 =	sld [smem:$0x3FAC];
	_ =	sdelay $0x3  }
0x37: {  	[smem:$0x3FAC] =	sst s10  }
0x38: {  	s10 =	sld [smem:$0x3FAD]  }
0x39: {  	_ = 	snop;
	(pc) =	sbr.ind lr, $3  }
0x3a: {  	_ = 	snop  }
0x3b: {  	_ = 	snop  }
0x3c: {  	p2 =	seq.s32 s10, $0x1;
	s10 =	sld [smem:$0x3FAC]  }
0x3d: {  	_ =	shalt  }
0x3e: {  	_ =	shalt  }
0x3f: {  	_ =	shalt  }
0x40: {  	_ =	shalt  }
0x41: {  	_ =	shalt  }
0x42: {  	_ =	shalt  }
0x43: {  	_ =	shalt  }
0x44: {  	_ =	shalt  }
0x45: {  	_ =	shalt  }
0x46: {  	_ =	shalt  }
0x47: {  	_ =	shalt  }
0x48: {  	_ =	shalt  }
0x49: {  	_ =	shalt  }
0x4a: {  	_ =	shalt  }
0x4b: {  	_ =	shalt  }
0x4c: {  	_ =	shalt  }
0x4d: {  	_ =	shalt  }
0x4e: {  	_ =	shalt  }
0x4f: {  	_ =	shalt  }
0x50: {  	_ =	shalt  }
0x51: {  	_ =	shalt  }
0x52: {  	_ =	shalt  }
0x53: {  	_ =	shalt  }
0x54: {  	_ =	shalt  }
0x55: {  	_ =	shalt  }
0x56: {  	_ =	shalt  }
0x57: {  	_ =	shalt  }
0x58: {  	_ =	shalt  }
0x59: {  	_ =	shalt  }
0x5a: {  	_ =	shalt  }
0x5b: {  	_ =	shalt  }
0x5c: {  	_ =	shalt  }
0x5d: {  	_ =	shalt  }
0x5e: {  	_ =	shalt  }
0x5f: {  	_ =	shalt  }
0x60: {  	_ =	shalt  }
0x61: {  	_ =	shalt  }
0x62: {  	_ =	shalt  }
0x63: {  	_ =	shalt  }
0x64: {  	_ =	shalt  }
0x65: {  	_ =	shalt  }
0x66: {  	_ =	shalt  }
0x67: {  	_ =	shalt  }
0x68: {  	_ =	shalt  }
0x69: {  	_ =	shalt  }
0x6a: {  	_ =	shalt  }
0x6b: {  	_ =	shalt  }
0x6c: {  	_ =	shalt  }
0x6d: {  	_ =	shalt  }
0x6e: {  	_ =	shalt  }
0x6f: {  	_ =	shalt  }
0x70: {  	_ =	shalt  }
0x71: {  	_ =	shalt  }
0x72: {  	_ =	shalt  }
0x73: {  	_ =	shalt  }
0x74: {  	_ =	shalt  }
0x75: {  	_ =	shalt  }
0x76: {  	_ =	shalt  }
0x77: {  	_ =	shalt  }
0x78: {  	_ =	shalt  }
0x79: {  	_ =	shalt  }
0x7a: {  	_ =	shalt  }
0x7b: {  	_ =	shalt  }
0x7c: {  	_ =	shalt  }
0x7d: {  	_ =	shalt  }
0x7e: {  	_ =	shalt  }
0x7f: {  	_ =	shalt  }
0x80: {  	_ =	shalt  }
0x81: {  	_ =	shalt  }
0x82: {  	_ =	shalt  }
0x83: {  	_ =	shalt  }
0x84: {  	_ =	shalt  }
0x85: {  	_ =	shalt  }
0x86: {  	_ =	shalt  }
0x87: {  	_ =	shalt  }
.Lfunc_end0:
.L_simem_size_0:
called_computation.2_lowered:
.L_overlay_start_0:
0x88: {  	s2 =	sld [smem:$0x3FD9]  }
0x89: {  	s3 =	sld [smem:$0x3FFE];
	_ =	sdelay $0x1  }
0x8a: {  	s1 =	srdreg.scid  }
0x8b: {  	s0 =	sand.u32 $0x1, s1  }
0x8c: {  	s16 =	sshll.u32 s0, $0xA;
	s2 =	sadd.s32 s3, s2  }
0x8d: {  	s2 =	sadd.s32 s2, s16  }
0x8e: {  	[smem:$0x3FB8] =	sst s2  }
0x8f: {  	_ = 	snop  }
0x90: {  	(tm) =	ssettm $0x1  }
0x91: {  	s17 =	sld [smem:$0x3FFB];
	_ =	sdelay $0x3  }
0x92: {  	_ =	strace s17  }
0x93: {  	s2 =	sld [smem:$0x3FFC];
	_ =	sdelay $0x3  }
0x94: {  	_ =	strace s2  }
0x95: {  	s2 =	sld [smem:$0x3FFD];
	_ =	sdelay $0x3  }
0x96: {  	_ =	strace s2  }
0x97: {  	_ =	strace $0x8FFFFFFF  }
0x98: {  	s18 =	sld [smem:$0x3FDB];
	_ =	sdelay $0x1  }
0x99: {  	s19 =	simm.s32 $_scs_section_size  }
0x9a: {  	s4 =	simm.s32 $_size__tile_overlayer_lowered;
	s5 =	simm.s32 $_tile_overlayer_lowered  }
0x9b: {  	s22 =	simm.s32 $0x1BFF;
	s21 =	sshll.u32 s5, $0x1;
	s2 =	sadd.s32 s19, s18  }
0x9c: {  	s6 =	simm.s32 $0x0;
	s20 =	sshll.u32 s4, $0x1;
	s4 =	sadd.s32 s21, s2  }
0x9d: {  	[timem:s6], [sflag:s22] =	dma.local [hbm:s4], s20  }
0x9e: {  	_ =	swait.ge [sflag:s22], s20  }
0x9f: {  	s3 =	ssub.s32 $0x0, s20;
	[sflag:s22] =	ssyncset.done $0x0  }
0xa0: {  	[sflag:s22] =	ssyncadd.s32 s3;
	_ =	sdelay $0x1  }
0xa1: {  	s23 =	simm.s32 $0x1B8B  }
0xa2: {  	_ =	swait.ge [sflag:s23], $0x1  }
0xa3: {  	[sflag:s23] =	ssyncset.done $0x0  }
0xa4: {  	s25 =	simm.s32 $0x1B8E;
	s24 =	sld [smem:$0x3FFE];
	[sflag:s23] =	ssyncadd.s32 $0xFFFFFFFF  }
0xa5: {  	s26 =	simm.s32 $execute0_lowered;
	[smem:$0x3FD2] =	sst s25  }
0xa6: {  	s4 =	sshll.u32 s26, $0x1;
	_ =	strace $0x8000004C;
	[dreg:$0x1] =	wrdreg $0xFFFFFFFF  }
0xa7: {  	s28 =	simm.s32 $_size_execute0_lowered;
	s2 =	sadd.s32 s2, s4;
	[dreg:$0x0] =	wrdreg $0x0  }
0xa8: {  	s4 =	sshll.u32 s28, $0x1;
	[dreg:$0x2] =	wrdreg s2  }
0xa9: {  	[dreg:$0x3] =	wrdreg s4  }
0xaa: {  	[dreg:$0x4] =	wrdreg $0xC0  }
0xab: {  	_ =	task [dreg:s6], $0x5FFFF  }
0xac: {  	[dreg:$0x1] =	wrdreg $0xFFFFFFFF  }
0xad: {  	[dreg:$0x0] =	wrdreg $0x60  }
0xae: {  	[dreg:$0x2] =	wrdreg s24  }
0xaf: {  	[dreg:$0x3] =	wrdreg $0x0  }
0xb0: {  	[dreg:$0x4] =	wrdreg $0x9  }
0xb1: {  	_ =	task.clear_ibuf [dreg:s6], $0x5FFFF;
	_ =	strace $0x9000004C  }
0xb2: {  	s29 =	simm.s32 $0x9;
	_ =	strace $0x8000004E  }
0xb3: {  	_ =	swait.ge [sflag:s29], $0x1  }
0xb4: {  	[sflag:s29] =	ssyncadd.s32 $0xFFFFFFFF  }
0xb5: {  	_ =	strace $0x9000004E  }
0xb6: {  	_ =	sfence  }
0xb7: {  	s30 =	sld [smem:$0x0];
	_ =	sdelay $0x2  }
0xb8: {  	s31 =	sshll.u32 s1, $0xD;
	s1 =	sshrl.u32 s1, $0x2  }
0xb9: {  	s3 =	sand.u32 $0x4000, s31;
	s1 =	sadd.s32 s1, s30  }
0xba: {  	s0 =	sor.u32 s3, s0;
	s1 =	sshll.u32 s1, $0x11  }
0xbb: {  	s0 =	sor.u32 s1, s0  }
0xbc: {  	s0 =	sadd.s32 $0x8F2B, s0  }
0xbd: {  	[sflag:s0] =	ssyncadd.remote.s32 $0x1  }
0xbe: {  	_ =	sfence.sel $0xFFFF  }
0xbf: {  	[dreg:$0x0] =	wrdreg $0xFFFFFFFF;
	(pc) =	sbr.abs _section_cstart, $3  }
0xc0: {  	[dreg:$0x1] =	wrdreg $0xFFFFFFFF  }
0xc1: {  	_ =	task.clear_ibuf [dreg:s6], $0x2FFFF;
	_ =	strace $0x9FFFFFFF  }
0xc2: {  	(tm) =	ssettm $0x7FFFFFFF  }
0xc3: {  	_ =	shalt  }
tec
execute0_lowered:
.L_overlay_start_1:
0x0: {  	(tag) =	ssettag $0x1  }
0x1: {  	s0 =	rddreg [dreg:$0x0]  }
0x2: {  	s2 =	rddreg [dreg:$0x1]  }
0x3: {  	s3 =	simm.s32 $0x0;
	s17 =	stileid.u32;
	s8 =	srdreg.scid  }
0x4: {  	s28 =	simm.s32 $0x2;
	s29 =	simm.s32 $0x1A100;
	s30 =	simm.s32 $0x3  }
0x5: {  	s31 =	simm.s32 $0x14C80;
	[smem:$0x7FF] =	sst s3;
	s1 =	smul.u32 $0x2700, s17  }
0x6: {  	s4 =	sadd.s32 $0x40E00, s0;
	s5 =	sadd.s32 $0xFC00, s0;
	s6 =	sadd.s32 $0x5C00, s0  }
0x7: {  	s20 =	sadd.s32 $0x8F200, s0;
	s16 =	sand.u32 $0x1, s8;
	s22 =	smul.u32 $0x4E000, s17  }
0x8: {  	s21 =	sadd.s32 $0xB6400, s0;
	s10 =	sshll.u32 s17, $0x1;
	p1 =	sne.s32 s17, $0xF  }
0x9: {  	p2 =	seq.s32 s17, $0xF;
	_ =	strace $0x8000004D;
	s9 =	ssub.s32 $0x2, s16  }
0xa: {  	s10 =	sor.u32 s16, s10;
	p0 =	seq.s32 s16, $0x1;
	[dreg:$0x3] =	wrdreg s20  }
0xb: {  	[dreg:$0x4] =	wrdreg s21;
	s7 =	sadd.s32 s1, s0;
	s23 =	smul.u32 $0x2800, s10  }
0xc: {  	s11 =	sshrl.u32 s9, $0x1;
	s8 =	sshrl.u32 s22, $0x2;
	s13 =	smul.u32 $0x500, s10  }
0xd: {  	s10 =	sadd.s32 $0x138000, s2;
	s25 =	sadd.s32 s20, s1;
	s26 =	sadd.s32 s21, s1  }
0xe: {  	s21 =	simm.s32 $0x1;
	s22 =	simm.s32 $0x13900;
	s1 =	simm.s32 $0x16080  }
0xf: {  	s18 =	ssub.s32 s9, s11;
	s19 =	sadd.s32 s8, s2;
	s7 =	sadd.s32 $0x19C00, s7  }
0x10: {  	s8 =	sshll.u32 s17, $0x6;
	s11 =	sadd.s32 $0x40C00, s0;
	[dreg:$0x5] =	wrdreg s25  }
0x11: {  	[dreg:$0x6] =	wrdreg s26;
	s20 =	sshrl.u32 @!p1 s10, $0x3;
	s25 =	simm.s32 $0x80  }
.Ltmp0:
0x12: {  	s26 =	simm.s32 $0x16100;
	s0 =	simm.s32 $0x16000;
	(pc) =	sbr.rel .LBB2_1-.Ltmp0, $4  }
0x13: {  	s9 =	sor.u32 $0x1C01, s8;
	s14 =	sshrl.u32 s23, $0x3;
	s12 =	sadd.s32 s5, s13  }
0x14: {  	s13 =	sadd.s32 s6, s13;
	s18 =	smax.u32 s18, $0x1;
	s24 =	sadd.s32 $0x280, s14  }
0x15: {  	s19 =	sshrl.u32 s19, $0x3;
	s23 =	simm.s32 $0x4;
	s14 =	sadd.s32 s5, s24  }
0x16: {  	s15 =	sadd.s32 s6, s24;
	s24 =	simm.s32 $0x14D00;
	s5 =	simm.s32 $0x0  }
.LBB2_8:
0x17: {  	s16 =	sadd.s32 $0x27000, s16;
	s17 =	sshrl.u32 s10, $0x3  }
0x18: {  	[hbm:s16], [sflag:s6] =	dma.local [spmem:s17], $0x100  }
0x19: {  	_ =	swait.ge [sflag:s23], $0x100  }
0x1a: {  	[sflag:s23] =	ssyncset.done $0x0  }
0x1b: {  	[sflag:s23] =	ssyncadd.s32 $0xFFFFFF00  }
.LBB2_9:
0x1c: {  	s5 =	sadd.s32 $0x1, s5  }
0x1d: {  	p3 =	sne.s32 s5, s18  }
.Ltmp1:
0x1e: {  	_ = 	snop;
	(pc) =	sbr.rel @!p3 .LBB2_10-.Ltmp1, $1  }
0x1f: {  	_ =	sdelay $0x3  }
.LBB2_1:
0x20: {  	[spmem:s19], [sflag:s9] =	dma.local [hbm:s7], $0x2700  }
0x21: {  	s6 =	simm.s32 @!p1 $0x1FC4  }
0x22: {  	[spmem:s20], [sflag:s6] =	dma.local @!p1 [hbm:s11], $0x200  }
0x23: {  	s6 =	simm.s32 @!p1 $0x4  }
0x24: {  	_ =	swait.ge @!p1 [sflag:s6], $0x200  }
0x25: {  	[sflag:s6] =	ssyncset.done @!p1 $0x0  }
0x26: {  	[sflag:s6] =	ssyncadd.s32 @!p1 $0xFFFFFE00  }
0x27: {  	_ =	swait.ge [sflag:s21], $0x2700  }
0x28: {  	[sflag:s21] =	ssyncset.done $0x0  }
0x29: {  	[sflag:s21] =	ssyncadd.s32 $0xFFFFD900  }
0x2a: {  	[bflag:$0x0] =	sbarrier.arrive $0xFFFF  }
0x2b: {  	[tilespmem:s22], [sflag:$0x4] =	stream.linear.gather [hbm4b:s12+s3], $0x1400, $0x38;
	[tilespmem:$0x1E100] =	vst v63  }
0x2c: {  	_ =	swait.ge [sflag:s23], $0x1400  }
0x2d: {  	[sflag:s23] =	ssyncset.done $0x0  }
0x2e: {  	[sflag:s23] =	ssyncadd.s32 $0xFFFFEC00  }
0x2f: {  	[tilespmem:s24], [sflag:$0x4] =	stream.linear.gather [hbm4b:s13+s3], $0x1400, $0x38;
	[tilespmem:$0x1E100] =	vst v63  }
0x30: {  	_ =	swait.ge [sflag:s23], $0x1400  }
0x31: {  	[sflag:s23] =	ssyncset.done $0x0  }
0x32: {  	[sflag:s23] =	ssyncadd.s32 $0xFFFFEC00  }
0x33: {  	[tilespmem:s26], [sflag:$0x2] =	stream.indirect.gather [hbm4b:s4+s25], $0x80, s22, s25, $0xb8;
	[tilespmem:$0x1E100] =	vst v63  }
0x34: {  	_ =	swait.ge [sflag:s28], $0x4000  }
0x35: {  	[sflag:s28] =	ssyncset.done $0x0  }
0x36: {  	s16 =	simm.s32 $0x13980;
	[sflag:s28] =	ssyncadd.s32 $0xFFFFC000  }
0x37: {  	[tilespmem:s29], [sflag:$0x3] =	stream.indirect.gather [hbm4b:s4+s25], $0x80, s16, s25, $0xb8;
	[tilespmem:$0x1E100] =	vst v63  }
0x38: {  	s17 =	simm.s32 $0x14D00  }
0x39: {  	[spmem:s2] =	stream.indirect.scatter.add.f32 [tilespmem:s26], [sflag:$0x4], $0x80, s17, s25, $0xb8;
	[tilespmem:$0x1E100] =	vst v63  }
0x3a: {  	_ =	swait.ge [sflag:s23], $0x4000  }
0x3b: {  	[sflag:s23] =	ssyncset.done $0x0  }
0x3c: {  	[sflag:s23] =	ssyncadd.s32 $0xFFFFC000  }
0x3d: {  	_ =	swait.ge [sflag:s30], $0x4000  }
0x3e: {  	[sflag:s30] =	ssyncset.done $0x0  }
0x3f: {  	s16 =	simm.s32 $0x13A00;
	[sflag:s30] =	ssyncadd.s32 $0xFFFFC000  }
0x40: {  	[tilespmem:s26], [sflag:$0x2] =	stream.indirect.gather [hbm4b:s4+s25], $0x80, s16, s25, $0xb8;
	[tilespmem:$0x1E100] =	vst v63  }
0x41: {  	s17 =	simm.s32 $0x14D80  }
0x42: {  	[spmem:s2] =	stream.indirect.scatter.add.f32 [tilespmem:s29], [sflag:$0x4], $0x80, s17, s25, $0xb8;
	[tilespmem:$0x1E100] =	vst v63  }
0x43: {  	_ =	swait.ge [sflag:s23], $0x4000  }
0x44: {  	s6 =	simm.s32 $0x400;
	[sflag:s23] =	ssyncset.done $0x0  }
.LBB2_2:
0x45: {  	p3 =	sne.s32 s6, $0x4800  }
0x46: {  	[sflag:s23] =	ssyncadd.s32 $0xFFFFC000;
	s16 =	smov.u32 s6;
	s6 =	sadd.s32 $0x400, s6  }
0x47: {  	_ = 	snop  }
0x48: {  	_ =	swait.ge [sflag:s28], $0x4000  }
0x49: {  	s16 =	sshra.s32 s16, $0x2;
	[sflag:s28] =	ssyncset.done $0x0  }
0x4a: {  	s17 =	sadd.s32 $0x13980, s16;
	[sflag:s28] =	ssyncadd.s32 $0xFFFFC000  }
0x4b: {  	[tilespmem:s29], [sflag:$0x3] =	stream.indirect.gather [hbm4b:s4+s25], $0x80, s17, s25, $0xb8;
	[tilespmem:$0x1E100] =	vst v63  }
0x4c: {  	s17 =	sadd.s32 $0x14D00, s16  }
0x4d: {  	[spmem:s2] =	stream.indirect.scatter.add.f32 [tilespmem:s26], [sflag:$0x4], $0x80, s17, s25, $0xb8;
	[tilespmem:$0x1E100] =	vst v63  }
0x4e: {  	_ =	swait.ge [sflag:s23], $0x4000  }
0x4f: {  	[sflag:s23] =	ssyncset.done $0x0  }
0x50: {  	[sflag:s23] =	ssyncadd.s32 $0xFFFFC000  }
0x51: {  	_ =	swait.ge [sflag:s30], $0x4000  }
0x52: {  	[sflag:s30] =	ssyncset.done $0x0  }
0x53: {  	s17 =	sadd.s32 $0x13A00, s16;
	[sflag:s30] =	ssyncadd.s32 $0xFFFFC000  }
0x54: {  	[tilespmem:s26], [sflag:$0x2] =	stream.indirect.gather [hbm4b:s4+s25], $0x80, s17, s25, $0xb8;
	[tilespmem:$0x1E100] =	vst v63  }
.Ltmp2:
0x55: {  	_ = 	snop;
	(pc) =	sbr.rel @p3 .LBB2_2-.Ltmp2, $4  }
0x56: {  	s16 =	sadd.s32 $0x14D80, s16  }
0x57: {  	[spmem:s2] =	stream.indirect.scatter.add.f32 [tilespmem:s29], [sflag:$0x4], $0x80, s16, s25, $0xb8;
	[tilespmem:$0x1E100] =	vst v63  }
0x58: {  	_ =	swait.ge [sflag:s23], $0x4000  }
0x59: {  	[sflag:s23] =	ssyncset.done $0x0  }
0x5a: {  	[sflag:s23] =	ssyncadd.s32 $0xFFFFC000  }
0x5b: {  	_ =	swait.ge [sflag:s28], $0x4000  }
0x5c: {  	[sflag:s28] =	ssyncset.done $0x0  }
0x5d: {  	[sflag:s28] =	ssyncadd.s32 $0xFFFFC000  }
0x5e: {  	[tilespmem:s29], [sflag:$0x3] =	stream.indirect.gather [hbm4b:s4+s25], $0x80, s31, s25, $0xb8;
	[tilespmem:$0x1E100] =	vst v63  }
0x5f: {  	_ = 	snop  }
0x60: {  	[spmem:s2] =	stream.indirect.scatter.add.f32 [tilespmem:s26], [sflag:$0x4], $0x80, s0, s25, $0xb8;
	[tilespmem:$0x1E100] =	vst v63  }
0x61: {  	_ =	swait.ge [sflag:s23], $0x4000  }
0x62: {  	[sflag:s23] =	ssyncset.done $0x0  }
0x63: {  	[sflag:s23] =	ssyncadd.s32 $0xFFFFC000  }
0x64: {  	_ =	swait.ge [sflag:s30], $0x4000  }
0x65: {  	[sflag:s30] =	ssyncset.done $0x0  }
0x66: {  	[sflag:s30] =	ssyncadd.s32 $0xFFFFC000  }
0x67: {  	[spmem:s2] =	stream.indirect.scatter.add.f32 [tilespmem:s29], [sflag:$0x4], $0x80, s1, s25, $0xb8;
	[tilespmem:$0x1E100] =	vst v63  }
0x68: {  	_ =	swait.ge [sflag:s23], $0x4000  }
0x69: {  	[sflag:s23] =	ssyncset.done $0x0  }
0x6a: {  	s6 =	simm.s32 $0x0;
	[sflag:s23] =	ssyncadd.s32 $0xFFFFC000  }
0x6b: {  	[tilespmem:s22], [sflag:$0x4] =	stream.linear.gather [hbm4b:s14+s6], $0x1400, $0x38;
	[tilespmem:$0x1E100] =	vst v63  }
0x6c: {  	_ =	swait.ge [sflag:s23], $0x1400  }
0x6d: {  	[sflag:s23] =	ssyncset.done $0x0  }
0x6e: {  	[sflag:s23] =	ssyncadd.s32 $0xFFFFEC00  }
0x6f: {  	[tilespmem:s24], [sflag:$0x4] =	stream.linear.gather [hbm4b:s15+s6], $0x1400, $0x38;
	[tilespmem:$0x1E100] =	vst v63  }
0x70: {  	_ =	swait.ge [sflag:s23], $0x1400  }
0x71: {  	[sflag:s23] =	ssyncset.done $0x0  }
0x72: {  	[sflag:s23] =	ssyncadd.s32 $0xFFFFEC00  }
0x73: {  	[tilespmem:s26], [sflag:$0x2] =	stream.indirect.gather [hbm4b:s4+s25], $0x80, s22, s25, $0xb8;
	[tilespmem:$0x1E100] =	vst v63  }
0x74: {  	_ =	swait.ge [sflag:s28], $0x4000  }
0x75: {  	[sflag:s28] =	ssyncset.done $0x0  }
0x76: {  	s16 =	simm.s32 $0x13980;
	[sflag:s28] =	ssyncadd.s32 $0xFFFFC000  }
0x77: {  	[tilespmem:s29], [sflag:$0x3] =	stream.indirect.gather [hbm4b:s4+s25], $0x80, s16, s25, $0xb8;
	[tilespmem:$0x1E100] =	vst v63  }
0x78: {  	s17 =	simm.s32 $0x14D00  }
0x79: {  	[spmem:s2] =	stream.indirect.scatter.add.f32 [tilespmem:s26], [sflag:$0x4], $0x80, s17, s25, $0xb8;
	[tilespmem:$0x1E100] =	vst v63  }
0x7a: {  	_ =	swait.ge [sflag:s23], $0x4000  }
0x7b: {  	[sflag:s23] =	ssyncset.done $0x0  }
0x7c: {  	[sflag:s23] =	ssyncadd.s32 $0xFFFFC000  }
0x7d: {  	_ =	swait.ge [sflag:s30], $0x4000  }
0x7e: {  	[sflag:s30] =	ssyncset.done $0x0  }
0x7f: {  	s16 =	simm.s32 $0x13A00;
	[sflag:s30] =	ssyncadd.s32 $0xFFFFC000  }
0x80: {  	[tilespmem:s26], [sflag:$0x2] =	stream.indirect.gather [hbm4b:s4+s25], $0x80, s16, s25, $0xb8;
	[tilespmem:$0x1E100] =	vst v63  }
0x81: {  	s17 =	simm.s32 $0x14D80  }
0x82: {  	[spmem:s2] =	stream.indirect.scatter.add.f32 [tilespmem:s29], [sflag:$0x4], $0x80, s17, s25, $0xb8;
	[tilespmem:$0x1E100] =	vst v63  }
0x83: {  	_ =	swait.ge [sflag:s23], $0x4000  }
0x84: {  	s6 =	simm.s32 $0x400;
	[sflag:s23] =	ssyncset.done $0x0  }
.LBB2_4:
0x85: {  	p3 =	sne.s32 s6, $0x4800  }
0x86: {  	[sflag:s23] =	ssyncadd.s32 $0xFFFFC000;
	s16 =	smov.u32 s6;
	s6 =	sadd.s32 $0x400, s6  }
0x87: {  	_ = 	snop  }
0x88: {  	_ =	swait.ge [sflag:s28], $0x4000  }
0x89: {  	s16 =	sshra.s32 s16, $0x2;
	[sflag:s28] =	ssyncset.done $0x0  }
0x8a: {  	s17 =	sadd.s32 $0x13980, s16;
	[sflag:s28] =	ssyncadd.s32 $0xFFFFC000  }
0x8b: {  	[tilespmem:s29], [sflag:$0x3] =	stream.indirect.gather [hbm4b:s4+s25], $0x80, s17, s25, $0xb8;
	[tilespmem:$0x1E100] =	vst v63  }
0x8c: {  	s17 =	sadd.s32 $0x14D00, s16  }
0x8d: {  	[spmem:s2] =	stream.indirect.scatter.add.f32 [tilespmem:s26], [sflag:$0x4], $0x80, s17, s25, $0xb8;
	[tilespmem:$0x1E100] =	vst v63  }
0x8e: {  	_ =	swait.ge [sflag:s23], $0x4000  }
0x8f: {  	[sflag:s23] =	ssyncset.done $0x0  }
0x90: {  	[sflag:s23] =	ssyncadd.s32 $0xFFFFC000  }
0x91: {  	_ =	swait.ge [sflag:s30], $0x4000  }
0x92: {  	[sflag:s30] =	ssyncset.done $0x0  }
0x93: {  	s17 =	sadd.s32 $0x13A00, s16;
	[sflag:s30] =	ssyncadd.s32 $0xFFFFC000  }
0x94: {  	[tilespmem:s26], [sflag:$0x2] =	stream.indirect.gather [hbm4b:s4+s25], $0x80, s17, s25, $0xb8;
	[tilespmem:$0x1E100] =	vst v63  }
.Ltmp3:
0x95: {  	_ = 	snop;
	(pc) =	sbr.rel @p3 .LBB2_4-.Ltmp3, $4  }
0x96: {  	s16 =	sadd.s32 $0x14D80, s16  }
0x97: {  	[spmem:s2] =	stream.indirect.scatter.add.f32 [tilespmem:s29], [sflag:$0x4], $0x80, s16, s25, $0xb8;
	[tilespmem:$0x1E100] =	vst v63  }
0x98: {  	_ =	swait.ge [sflag:s23], $0x4000  }
0x99: {  	[sflag:s23] =	ssyncset.done $0x0  }
0x9a: {  	[sflag:s23] =	ssyncadd.s32 $0xFFFFC000  }
0x9b: {  	_ =	swait.ge [sflag:s28], $0x4000  }
0x9c: {  	[sflag:s28] =	ssyncset.done $0x0  }
0x9d: {  	[sflag:s28] =	ssyncadd.s32 $0xFFFFC000  }
0x9e: {  	[tilespmem:s29], [sflag:$0x3] =	stream.indirect.gather [hbm4b:s4+s25], $0x80, s31, s25, $0xb8;
	[tilespmem:$0x1E100] =	vst v63  }
0x9f: {  	_ = 	snop  }
0xa0: {  	[spmem:s2] =	stream.indirect.scatter.add.f32 [tilespmem:s26], [sflag:$0x4], $0x80, s0, s25, $0xb8;
	[tilespmem:$0x1E100] =	vst v63  }
0xa1: {  	_ =	swait.ge [sflag:s23], $0x4000  }
0xa2: {  	[sflag:s23] =	ssyncset.done $0x0  }
0xa3: {  	[sflag:s23] =	ssyncadd.s32 $0xFFFFC000  }
0xa4: {  	_ =	swait.ge [sflag:s30], $0x4000  }
0xa5: {  	[sflag:s30] =	ssyncset.done $0x0  }
0xa6: {  	[sflag:s30] =	ssyncadd.s32 $0xFFFFC000  }
0xa7: {  	[spmem:s2] =	stream.indirect.scatter.add.f32 [tilespmem:s29], [sflag:$0x4], $0x80, s1, s25, $0xb8;
	[tilespmem:$0x1E100] =	vst v63  }
.Ltmp4:
0xa8: {  	_ =	swait.ge [sflag:s23], $0x4000;
	(pc) =	sbr.rel @!p0 .LBB2_6-.Ltmp4, $4  }
0xa9: {  	[sflag:s23] =	ssyncset.done $0x0  }
0xaa: {  	[sflag:s23] =	ssyncadd.s32 $0xFFFFC000  }
0xab: {  	[bflag:$0x0] =	sbarrier.arrive $0xFFFF  }
0xac: {  	s6 =	sor.u32 $0x1C04, s8  }
0xad: {  	s6 =	sor.u32 $0x1C04, s8;
	s16 =	rddreg [dreg:$0x6]  }
0xae: {  	[hbm:s16], [sflag:s6] =	dma.local [spmem:s19], $0x2700  }
.Ltmp5:
0xaf: {  	_ = 	snop;
	(pc) =	sbr.rel @p1 .LBB2_9-.Ltmp5, $4  }
.Ltmp6:
0xb0: {  	_ = 	snop;
	(pc) =	sbr.rel @!p1 .LBB2_8-.Ltmp6, $4  }
0xb1: {  	_ =	swait.ge [sflag:s23], $0x2700  }
0xb2: {  	[sflag:s23] =	ssyncset.done $0x0  }
0xb3: {  	s16 =	rddreg [dreg:$0x4];
	[sflag:s23] =	ssyncadd.s32 $0xFFFFD900  }
0xb4: {  	_ = 	snop  }
.LBB2_6:
0xb5: {  	s16 =	rddreg [dreg:$0x5]  }
0xb6: {  	[hbm:s16], [sflag:s6] =	dma.local [spmem:s19], $0x2700  }
.Ltmp7:
0xb7: {  	_ = 	snop;
	(pc) =	sbr.rel @p2 .LBB2_8-.Ltmp7, $4  }
.Ltmp8:
0xb8: {  	_ = 	snop;
	(pc) =	sbr.rel @!p2 .LBB2_9-.Ltmp8, $4  }
0xb9: {  	_ =	swait.ge [sflag:s23], $0x2700  }
0xba: {  	[sflag:s23] =	ssyncset.done $0x0  }
0xbb: {  	s16 =	rddreg [dreg:$0x3];
	[sflag:s23] =	ssyncadd.s32 $0xFFFFD900  }
0xbc: {  	_ = 	snop  }
.LBB2_10:
0xbd: {  	_ =	sfence.sel $0x180000  }
0xbe: {  	[bflag:$0x0] =	sbarrier.arrive $0xFFFF  }
0xbf: {  	_ =	strace $0x9000004D  }
0xc0: {  	s0 =	stileid.u32;
	[bflag:$0x2] =	sbarrier.arrive $0xFFFF  }
0xc1: {  	p0 =	sne.s32 s0, $0x0;
	s0 =	rddreg [dreg:$0x2]  }
0xc2: {  	s0 =	sadd.s32 @!p0 $0x100000, s0  }
0xc3: {  	[sflag:s0] =	ssyncadd.tile.s32 @!p0 $0x1;
	_ =	shalt  }
.Lfunc_end2:
_tile_overlayer_lowered:
.L_overlay_start_2:
0xc4: {  	(tag) =	ssettag $0x2  }
0xc5: {  	s0 =	rddreg [dreg:$0x0];
	s2 =	stileid.u32  }
0xc6: {  	s1 =	rddreg [dreg:$0x1];
	p0 =	sne.s32 s2, $0x0  }
0xc7: {  	s3 =	rddreg [dreg:$0x2];
	[bflag:$0x3] =	sbarrier.arrive $0xFFFF;
	s2 =	simm.s32 @!p0 $0x1C04  }
0xc8: {  	[timem:s3], [sflag:s2] =	dma.local @!p0 [hbm:s0], s1  }
0xc9: {  	s0 =	simm.s32 @!p0 $0x4  }
0xca: {  	_ =	swait.ge @!p0 [sflag:s0], s1  }
0xcb: {  	s1 =	ssub.s32 @!p0 $0x0, s1;
	[sflag:s0] =	ssyncset.done @!p0 $0x0  }
0xcc: {  	[sflag:s0] =	ssyncadd.s32 @!p0 s1  }
0xcd: {  	[bflag:$0x3] =	sbarrier.arrive $0xFFFF  }
0xce: {  	_ =	shalt  }

// kernel: kernel.20.cloned.1.call-start
scs
__scs_entry_jumppad:
0x0: {  	(pc) =	sbr.rel $0x88, $3  }
0x1: {  	(tag) =	ssettag $0x0;
	lr =	simm.s32 $0x1  }
0x2: {  	[smem:$0x3F91] =	sst lr;
	_ =	strace $0xD0000000  }
0x3: {  	_ = 	snop  }
0x4: {  	_ = 	snop  }
0x5: {  	_ = 	snop  }
0x6: {  	_ = 	snop  }
0x7: {  	_ = 	snop  }
__scs_overlays_trampoline_lowered:
0x8: {  	[smem:$0x3FA0] =	sst s0  }
0x9: {  	[smem:$0x3FA1] =	sst s1  }
0xa: {  	[smem:$0x3FA2] =	sst s2  }
0xb: {  	[smem:$0x3FA3] =	sst s3  }
0xc: {  	[smem:$0x3FA4] =	sst s4  }
0xd: {  	[smem:$0x3FA5] =	sst s5  }
0xe: {  	[smem:$0x3FA6] =	sst s6  }
0xf: {  	[smem:$0x3FA7] =	sst s7  }
0x10: {  	[smem:$0x3FA8] =	sst s8  }
0x11: {  	[smem:$0x3FA9] =	sst s9;
	s0 =	simm.s32 @!p0 $0x0  }
0x12: {  	s1 =	sld [smem:$0x3F8F];
	s0 =	simm.s32 @p0 $0x1  }
0x13: {  	[smem:$0x3FAA] =	sst s0;
	s0 =	simm.s32 @!p1 $0x0  }
0x14: {  	s2 =	sld [smem:$0x3F8E];
	s0 =	simm.s32 @p1 $0x1  }
0x15: {  	[smem:$0x3FAB] =	sst s0;
	s0 =	simm.s32 @!p2 $0x0  }
0x16: {  	s3 =	sld [smem:$0x3FDB];
	s0 =	simm.s32 @p2 $0x1  }
0x17: {  	s4 =	simm.s32 $0x1BF5;
	[smem:$0x3FAD] =	sst s0  }
0x18: {  	s0 =	sld [smem:$0x3F90];
	_ =	swait.ge [sflag:s4], $0x0  }
0x19: {  	s7 =	sld [smem:$0x3F91]  }
0x1a: {  	s8 =	sadd.s32 $0xFFFFE003, lr  }
0x1b: {  	s9 =	sadd.s32 $0xFFFFFEF7, lr;
	s5 =	simm.s32 $0xFFFFFFFF;
	p2 =	slt.u32 s8, $0xFFFFF086  }
0x1c: {  	p1 =	slt.u32 s9, $0xF7A;
	s5 =	simm.s32 @!p2 $0x0  }
0x1d: {  	s5 =	simm.s32 @p1 $0x1;
	p0 =	seq.s32 s7, s2  }
0x1e: {  	s7 =	smul.u32 @!p0 $0xF7A, s2;
	p2 =	seq.s32 @!p0 s5, $0x0  }
0x1f: {  	s9 =	smul.u32 $0xF7A, s1;
	s8 =	simm.s32 @!p0 $0x1BF5;
	p2 =	por !p2, p0  }
0x20: {  	[sflag:s8] =	ssyncset.s32 @!p0 $0xFFFFF086;
	s6 =	sadd.s32 @!p0 s3, s7;
	s7 =	simm.s32 @!p0 $0x108  }
0x21: {  	s3 =	sadd.s32 s3, s9;
	s6 =	sadd.s32 @!p0 $0x88, s6;
	s7 =	simm.s32 @p2 $0x1082  }
0x22: {  	[simem:s7], [sflag:s8] =	dma.local @!p0 [hbm:s6], $0xF7A  }
0x23: {  	s9 =	sor.u32 $0xD0000000, s2;
	s6 =	simm.s32 $0x108;
	_ =	swait.ge @!p0 [sflag:s8], $0x0  }
0x24: {  	s3 =	sadd.s32 $0x88, s3;
	s6 =	simm.s32 @!p1 $0x1082;
	[sflag:s4] =	ssyncset.s32 $0xFFFFF086  }
0x25: {  	[simem:s6], [sflag:s4] =	dma.local [hbm:s3], $0xF7A  }
0x26: {  	[smem:$0x3F91] =	sst s1;
	(tag) =	ssettag s2;
	_ =	strace s9  }
0x27: {  	s1 =	sld [smem:$0x3FA1]  }
0x28: {  	s2 =	sld [smem:$0x3FA2]  }
0x29: {  	s4 =	sld [smem:$0x3FA4]  }
0x2a: {  	p0 =	seq.s32 s5, $0x0;
	s5 =	sld [smem:$0x3FA5]  }
0x2b: {  	s6 =	sld [smem:$0x3FA6]  }
0x2c: {  	s7 =	sld [smem:$0x3FA7]  }
0x2d: {  	s3 =	simm.s32 $0x108;
	s8 =	sld [smem:$0x3FA8]  }
0x2e: {  	s3 =	simm.s32 @!p0 $0x1082;
	s9 =	sld [smem:$0x3FA9]  }
0x2f: {  	lr =	sadd.s32 s0, s3;
	s0 =	sld [smem:$0x3FA0]  }
0x30: {  	s3 =	sld [smem:$0x3FA3]  }
0x31: {  	[smem:$0x3FAC] =	sst s10  }
0x32: {  	s10 =	sld [smem:$0x3FAA];
	_ =	sdelay $0x3  }
0x33: {  	p0 =	seq.s32 s10, $0x1;
	s10 =	sld [smem:$0x3FAC];
	_ =	sdelay $0x3  }
0x34: {  	[smem:$0x3FAC] =	sst s10  }
0x35: {  	s10 =	sld [smem:$0x3FAB];
	_ =	sdelay $0x3  }
0x36: {  	p1 =	seq.s32 s10, $0x1;
	s10 =	sld [smem:$0x3FAC];
	_ =	sdelay $0x3  }
0x37: {  	[smem:$0x3FAC] =	sst s10  }
0x38: {  	s10 =	sld [smem:$0x3FAD]  }
0x39: {  	_ = 	snop;
	(pc) =	sbr.ind lr, $3  }
0x3a: {  	_ = 	snop  }
0x3b: {  	_ = 	snop  }
0x3c: {  	p2 =	seq.s32 s10, $0x1;
	s10 =	sld [smem:$0x3FAC]  }
0x3d: {  	_ =	shalt  }
0x3e: {  	_ =	shalt  }
0x3f: {  	_ =	shalt  }
0x40: {  	_ =	shalt  }
0x41: {  	_ =	shalt  }
0x42: {  	_ =	shalt  }
0x43: {  	_ =	shalt  }
0x44: {  	_ =	shalt  }
0x45: {  	_ =	shalt  }
0x46: {  	_ =	shalt  }
0x47: {  	_ =	shalt  }
0x48: {  	_ =	shalt  }
0x49: {  	_ =	shalt  }
0x4a: {  	_ =	shalt  }
0x4b: {  	_ =	shalt  }
0x4c: {  	_ =	shalt  }
0x4d: {  	_ =	shalt  }
0x4e: {  	_ =	shalt  }
0x4f: {  	_ =	shalt  }
0x50: {  	_ =	shalt  }
0x51: {  	_ =	shalt  }
0x52: {  	_ =	shalt  }
0x53: {  	_ =	shalt  }
0x54: {  	_ =	shalt  }
0x55: {  	_ =	shalt  }
0x56: {  	_ =	shalt  }
0x57: {  	_ =	shalt  }
0x58: {  	_ =	shalt  }
0x59: {  	_ =	shalt  }
0x5a: {  	_ =	shalt  }
0x5b: {  	_ =	shalt  }
0x5c: {  	_ =	shalt  }
0x5d: {  	_ =	shalt  }
0x5e: {  	_ =	shalt  }
0x5f: {  	_ =	shalt  }
0x60: {  	_ =	shalt  }
0x61: {  	_ =	shalt  }
0x62: {  	_ =	shalt  }
0x63: {  	_ =	shalt  }
0x64: {  	_ =	shalt  }
0x65: {  	_ =	shalt  }
0x66: {  	_ =	shalt  }
0x67: {  	_ =	shalt  }
0x68: {  	_ =	shalt  }
0x69: {  	_ =	shalt  }
0x6a: {  	_ =	shalt  }
0x6b: {  	_ =	shalt  }
0x6c: {  	_ =	shalt  }
0x6d: {  	_ =	shalt  }
0x6e: {  	_ =	shalt  }
0x6f: {  	_ =	shalt  }
0x70: {  	_ =	shalt  }
0x71: {  	_ =	shalt  }
0x72: {  	_ =	shalt  }
0x73: {  	_ =	shalt  }
0x74: {  	_ =	shalt  }
0x75: {  	_ =	shalt  }
0x76: {  	_ =	shalt  }
0x77: {  	_ =	shalt  }
0x78: {  	_ =	shalt  }
0x79: {  	_ =	shalt  }
0x7a: {  	_ =	shalt  }
0x7b: {  	_ =	shalt  }
0x7c: {  	_ =	shalt  }
0x7d: {  	_ =	shalt  }
0x7e: {  	_ =	shalt  }
0x7f: {  	_ =	shalt  }
0x80: {  	_ =	shalt  }
0x81: {  	_ =	shalt  }
0x82: {  	_ =	shalt  }
0x83: {  	_ =	shalt  }
0x84: {  	_ =	shalt  }
0x85: {  	_ =	shalt  }
0x86: {  	_ =	shalt  }
0x87: {  	_ =	shalt  }
.Lfunc_end0:
.L_simem_size_0:
called_computation.3_lowered:
.L_overlay_start_0:
0x88: {  	s2 =	sld [smem:$0x3FD9]  }
0x89: {  	s3 =	sld [smem:$0x3FFE];
	_ =	sdelay $0x1  }
0x8a: {  	s1 =	srdreg.scid  }
0x8b: {  	s0 =	sand.u32 $0x1, s1  }
0x8c: {  	s17 =	sshll.u32 s0, $0xA;
	s2 =	sadd.s32 s3, s2  }
0x8d: {  	s2 =	sadd.s32 s2, s17  }
0x8e: {  	[smem:$0x3FB8] =	sst s2  }
0x8f: {  	_ = 	snop  }
0x90: {  	s2 =	sld [smem:$0x3FBB];
	(tm) =	ssettm $0x1  }
0x91: {  	s18 =	sld [smem:$0x3FFB];
	_ =	sdelay $0x3  }
0x92: {  	_ =	strace s18  }
0x93: {  	s3 =	sld [smem:$0x3FFC];
	_ =	sdelay $0x3  }
0x94: {  	_ =	strace s3  }
0x95: {  	s3 =	sld [smem:$0x3FFD];
	_ =	sdelay $0x3  }
0x96: {  	_ =	strace s3  }
0x97: {  	_ =	strace $0x8FFFFFFF  }
0x98: {  	s19 =	sld [smem:$0x3FDB];
	_ =	sdelay $0x1  }
0x99: {  	s4 =	simm.s32 $_scs_section_size  }
0x9a: {  	s5 =	simm.s32 $_size__tile_overlayer_lowered;
	s6 =	simm.s32 $_tile_overlayer_lowered  }
0x9b: {  	s22 =	simm.s32 $0x1BFF;
	s21 =	sshll.u32 s6, $0x1;
	s3 =	sadd.s32 s4, s19  }
0x9c: {  	s7 =	simm.s32 $0x0;
	s20 =	sshll.u32 s5, $0x1;
	s5 =	sadd.s32 s21, s3  }
0x9d: {  	[timem:s7], [sflag:s22] =	dma.local [hbm:s5], s20  }
0x9e: {  	_ =	swait.ge [sflag:s22], s20  }
0x9f: {  	s4 =	ssub.s32 $0x0, s20;
	[sflag:s22] =	ssyncset.done $0x0  }
0xa0: {  	[sflag:s22] =	ssyncadd.s32 s4;
	_ =	sdelay $0x1  }
0xa1: {  	s23 =	simm.s32 $0x1B8B  }
0xa2: {  	_ =	swait.ge [sflag:s23], $0x1  }
0xa3: {  	[sflag:s23] =	ssyncset.done $0x0  }
0xa4: {  	s25 =	simm.s32 $0x1B8E;
	s24 =	sld [smem:$0x3FFE];
	[sflag:s23] =	ssyncadd.s32 $0xFFFFFFFF  }
0xa5: {  	s26 =	simm.s32 $execute0_lowered;
	[smem:$0x3FD2] =	sst s25  }
0xa6: {  	s5 =	sshll.u32 s26, $0x1;
	_ =	strace $0x8000004F;
	[dreg:$0x1] =	wrdreg $0xFFFFFFFF  }
0xa7: {  	s28 =	simm.s32 $_size_execute0_lowered;
	s3 =	sadd.s32 s3, s5;
	[dreg:$0x0] =	wrdreg $0x0  }
0xa8: {  	s5 =	sshll.u32 s28, $0x1;
	[dreg:$0x2] =	wrdreg s3  }
0xa9: {  	[dreg:$0x3] =	wrdreg s5  }
0xaa: {  	[dreg:$0x4] =	wrdreg $0xC0  }
0xab: {  	_ =	task [dreg:s7], $0x5FFFF  }
0xac: {  	[dreg:$0x1] =	wrdreg $0xFFFFFFFF  }
0xad: {  	[dreg:$0x0] =	wrdreg $0x60  }
0xae: {  	[dreg:$0x2] =	wrdreg s24  }
0xaf: {  	[dreg:$0x3] =	wrdreg s2  }
0xb0: {  	[dreg:$0x4] =	wrdreg $0x9  }
0xb1: {  	_ =	task.clear_ibuf [dreg:s7], $0x5FFFF;
	_ =	strace $0x9000004F  }
0xb2: {  	s29 =	simm.s32 $0x9;
	_ =	strace $0x80000051  }
0xb3: {  	_ =	swait.ge [sflag:s29], $0x1  }
0xb4: {  	[sflag:s29] =	ssyncadd.s32 $0xFFFFFFFF  }
0xb5: {  	_ =	strace $0x90000051  }
0xb6: {  	_ =	sfence  }
0xb7: {  	s30 =	sld [smem:$0x0];
	_ =	sdelay $0x2  }
0xb8: {  	s31 =	sshll.u32 s1, $0xD;
	s1 =	sshrl.u32 s1, $0x2  }
0xb9: {  	s3 =	sand.u32 $0x4000, s31;
	s1 =	sadd.s32 s1, s30  }
0xba: {  	s0 =	sor.u32 s3, s0;
	s1 =	sshll.u32 s1, $0x11  }
0xbb: {  	s0 =	sor.u32 s1, s0  }
0xbc: {  	s0 =	sadd.s32 $0x8F2B, s0  }
0xbd: {  	[sflag:s0] =	ssyncadd.remote.s32 $0x1  }
0xbe: {  	_ =	sfence.sel $0xFFFF  }
0xbf: {  	[dreg:$0x0] =	wrdreg $0xFFFFFFFF;
	(pc) =	sbr.abs _section_cstart, $3  }
0xc0: {  	[dreg:$0x1] =	wrdreg $0xFFFFFFFF  }
0xc1: {  	_ =	task.clear_ibuf [dreg:s7], $0x2FFFF;
	_ =	strace $0x9FFFFFFF  }
0xc2: {  	(tm) =	ssettm $0x7FFFFFFF  }
0xc3: {  	_ =	shalt  }
tec
execute0_lowered:
.L_overlay_start_1:
0x0: {  	(tag) =	ssettag $0x1  }
0x1: {  	s0 =	rddreg [dreg:$0x0];
	s3 =	simm.s32 $0x0;
	s1 =	srdreg.scid  }
0x2: {  	s2 =	stileid.u32;
	s14 =	simm.s32 $0x13000;
	s15 =	simm.s32 $0x5  }
0x3: {  	s16 =	simm.s32 $0x1400;
	s17 =	simm.s32 $0x80;
	s18 =	simm.s32 $0x2800  }
0x4: {  	s19 =	simm.s32 $0x6800;
	s20 =	simm.s32 $0x1;
	s21 =	simm.s32 $0x2  }
0x5: {  	s22 =	simm.s32 $0xA800;
	s23 =	simm.s32 $0xE800;
	s24 =	simm.s32 $0x12800  }
0x6: {  	s25 =	simm.s32 $0x3;
	s26 =	simm.s32 $0x4;
	s28 =	simm.s32 $0x0  }
0x7: {  	[smem:$0x7FF] =	sst s3;
	s1 =	sand.u32 $0x1, s1;
	s4 =	sshll.u32 s2, $0x1  }
0x8: {  	s10 =	sadd.s32 $0xFC00, s0;
	s11 =	sadd.s32 $0x5C00, s0;
	s8 =	sor.u32 s1, s4  }
0x9: {  	s5 =	sadd.s32 $0x40E00, s0;
	s1 =	ssub.s32 $0x2, s1;
	s9 =	smul.u32 $0x50, s8  }
0xa: {  	_ =	strace $0x80000050;
	s6 =	sshrl.u32 s1, $0x1;
	s7 =	smul.u32 $0x500, s8  }
0xb: {  	s4 =	sadd.s32 $0x19C00, s0;
	s8 =	smul.u32 $0x5000, s8;
	s1 =	ssub.s32 s1, s6  }
0xc: {  	s6 =	sadd.s32 s10, s7;
	s7 =	sadd.s32 s11, s7;
	s12 =	sadd.s32 $0x28, s9  }
0xd: {  	s9 =	sadd.s32 $0x40F00, s0;
	s13 =	smax.u32 s1, $0x1;
	s31 =	sshll.u32 s12, $0x4  }
0xe: {  	s12 =	sshll.u32 s12, $0x8;
	s10 =	sadd.s32 s10, s31;
	s11 =	sadd.s32 s11, s31  }
.LBB2_1:
0xf: {  	s0 =	rddreg [dreg:$0x1]  }
0x10: {  	[tilespmem:s14], [sflag:$0x5] =	stream.linear.gather [hbm4b:s0+s3], $0x80, $0x38;
	[tilespmem:$0x13080] =	vst v63  }
0x11: {  	_ =	swait.ge [sflag:s15], $0x80  }
0x12: {  	[sflag:s15] =	ssyncset.done $0x0  }
0x13: {  	[sflag:s15] =	ssyncadd.s32 $0xFFFFFF80  }
0x14: {  	v0 =	vld [tilespmem:$0x13000]  }
0x15: {  	v1 =	vld [tilespmem:$0x13010]  }
0x16: {  	v2 =	vld [tilespmem:$0x13020]  }
0x17: {  	v3 =	vld [tilespmem:$0x13030];
	[tilespmem:s3], [sflag:$0x5] =	stream.linear.gather [hbm4b:s6+s3], $0x1400, $0x38  }
0x18: {  	_ =	swait.ge [sflag:s15], $0x1400  }
0x19: {  	[sflag:s15] =	ssyncset.done $0x0  }
0x1a: {  	[sflag:s15] =	ssyncadd.s32 $0xFFFFEC00  }
0x1b: {  	[tilespmem:s16], [sflag:$0x5] =	stream.linear.gather [hbm4b:s7+s3], $0x1400, $0x38;
	[tilespmem:$0x13080] =	vst v63  }
0x1c: {  	_ =	swait.ge [sflag:s15], $0x1400  }
0x1d: {  	[sflag:s15] =	ssyncset.done $0x0  }
0x1e: {  	[sflag:s15] =	ssyncadd.s32 $0xFFFFEC00  }
0x1f: {  	[tilespmem:s18], [sflag:$0x1] =	stream.indirect.gather [hbm4b:s4+s17], $0x80, s3, s17, $0xb8;
	[tilespmem:$0x13080] =	vst v63  }
0x20: {  	s29 =	simm.s32 $0x0  }
0x21: {  	[tilespmem:s19], [sflag:$0x2] =	stream.indirect.gather [hbm4b:s4+s17], $0x80, s16, s17, $0xb8;
	[tilespmem:$0x13080] =	vst v63  }
.LBB2_2:
0x22: {  	_ =	swait.ge [sflag:s20], $0x4000  }
0x23: {  	[sflag:s20] =	ssyncset.done $0x0  }
0x24: {  	[sflag:s20] =	ssyncadd.s32 $0xFFFFC000  }
0x25: {  	_ =	swait.ge [sflag:s21], $0x4000  }
0x26: {  	s30 =	sshll.u32 s29, $0x8;
	[sflag:s21] =	ssyncset.done $0x0  }
0x27: {  	s0 =	sor.u32 $0x80, s30;
	[sflag:s21] =	ssyncadd.s32 $0xFFFFC000  }
0x28: {  	[tilespmem:s22], [sflag:$0x3] =	stream.indirect.gather [hbm4b:s4+s17], $0x80, s0, s17, $0xb8;
	[tilespmem:$0x13080] =	vst v63  }
0x29: {  	s2 =	simm.s32 $0x0;
	s1 =	sadd.s32 $0x1480, s30  }
0x2a: {  	[tilespmem:s23], [sflag:$0x4] =	stream.indirect.gather [hbm4b:s4+s17], $0x80, s1, s17, $0xb8;
	[tilespmem:$0x13080] =	vst v63  }
0x2b: {  	v4 =	vld [tilespmem:s2+$0x6840]  }
0x2c: {  	v5 =	vld [tilespmem:s2+$0x2800]  }
0x2d: {  	v6 =	vld [tilespmem:s2+$0x2810]  }
0x2e: {  	v7 =	vld [tilespmem:s2+$0x6850]  }
0x2f: {  	v8 =	vld [tilespmem:s2+$0x2820]  }
0x30: {  	v9 =	vld [tilespmem:s2+$0x6860]  }
0x31: {  	v10 =	vld [tilespmem:s2+$0x6870];
	v4 =	vadd.f32 v4, v5  }
0x32: {  	v5 =	vld [tilespmem:s2+$0x2830]  }
0x33: {  	v6 =	vadd.f32 v7, v6;
	v4 =	vmax.f32 v4, $0.0e+00  }
0x34: {  	v4 =	vmul.f32 v4, v0  }
0x35: {  	v7 =	vadd.f32 v9, v8;
	v6 =	vmax.f32 v6, $0.0e+00  }
0x36: {  	v6 =	vmul.f32 v6, v1;
	v4 =	vadd.f32 $0.0e+00, v4  }
0x37: {  	v7 =	vmax.f32 v7, $0.0e+00;
	v5 =	vadd.f32 v10, v5  }
0x38: {  	v4 =	vadd.f32 v6, v4;
	v6 =	vmul.f32 v7, v2  }
0x39: {  	v5 =	vmax.f32 v5, $0.0e+00  }
0x3a: {  	v5 =	vmul.f32 v5, v3;
	v4 =	vadd.f32 v6, v4;
	_ =	sdelay $0x1  }
0x3b: {  	v4 =	vadd.f32 v5, v4  }
0x3c: {  	s31 =	simm.s32 $0x12800  }
0x3d: {  	s1 =	simm.s32 $0x80;
	[tilespmem:s31+$0x0] =	vst v4  }
0x3e: {  	s0 =	simm.s32 $0x400;
	v4 =	vld [tilespmem:s1+$0x6840]  }
.LBB2_3:
0x3f: {  	p0 =	sne.s32 s0, $0xFE00;
	v5 =	vld [tilespmem:s1+$0x2800]  }
0x40: {  	v6 =	vld [tilespmem:s1+$0x2810]  }
0x41: {  	v7 =	vld [tilespmem:s1+$0x6850]  }
0x42: {  	v8 =	vld [tilespmem:s1+$0x2820]  }
0x43: {  	v9 =	vld [tilespmem:s1+$0x6860]  }
0x44: {  	v4 =	vadd.f32 v4, v5;
	v5 =	vld [tilespmem:s1+$0x2830]  }
0x45: {  	v10 =	vld [tilespmem:s1+$0x6870]  }
0x46: {  	v4 =	vmax.f32 v4, $0.0e+00;
	v6 =	vadd.f32 v7, v6  }
0x47: {  	v4 =	vmul.f32 v4, v0  }
0x48: {  	v6 =	vmax.f32 v6, $0.0e+00;
	v7 =	vadd.f32 v9, v8  }
0x49: {  	v4 =	vadd.f32 $0.0e+00, v4;
	v6 =	vmul.f32 v6, v1  }
0x4a: {  	v7 =	vmax.f32 v7, $0.0e+00;
	v5 =	vadd.f32 v10, v5  }
0x4b: {  	v4 =	vadd.f32 v6, v4;
	v6 =	vmul.f32 v7, v2  }
0x4c: {  	v5 =	vmax.f32 v5, $0.0e+00  }
0x4d: {  	v4 =	vadd.f32 v6, v4;
	v5 =	vmul.f32 v5, v3  }
.Ltmp0:
0x4e: {  	(pc) =	sbr.rel @p0 .LBB2_3-.Ltmp0, $4  }
0x4f: {  	v4 =	vadd.f32 v5, v4  }
0x50: {  	s31 =	sadd.s32 $0x10, s31  }
0x51: {  	s1 =	sshra.s32 s0, $0x2;
	[tilespmem:s31+$0x0] =	vst v4  }
0x52: {  	s0 =	sadd.s32 $0x200, s0;
	v4 =	vld [tilespmem:s1+$0x6840]  }
0x53: {  	v5 =	vld [tilespmem:s1+$0x2800]  }
0x54: {  	v6 =	vld [tilespmem:s1+$0x2810]  }
0x55: {  	v7 =	vld [tilespmem:s1+$0x6850]  }
0x56: {  	v8 =	vld [tilespmem:s1+$0x2820]  }
0x57: {  	v9 =	vld [tilespmem:s1+$0x6860]  }
0x58: {  	v10 =	vld [tilespmem:s1+$0x6870];
	v4 =	vadd.f32 v4, v5  }
0x59: {  	v5 =	vld [tilespmem:s1+$0x2830]  }
0x5a: {  	v6 =	vadd.f32 v7, v6;
	v4 =	vmax.f32 v4, $0.0e+00  }
0x5b: {  	v4 =	vmul.f32 v4, v0  }
0x5c: {  	v7 =	vadd.f32 v9, v8;
	v6 =	vmax.f32 v6, $0.0e+00  }
0x5d: {  	v6 =	vmul.f32 v6, v1;
	v4 =	vadd.f32 $0.0e+00, v4  }
0x5e: {  	v7 =	vmax.f32 v7, $0.0e+00;
	v5 =	vadd.f32 v10, v5  }
0x5f: {  	v4 =	vadd.f32 v6, v4;
	v6 =	vmul.f32 v7, v2  }
0x60: {  	v5 =	vmax.f32 v5, $0.0e+00  }
0x61: {  	v5 =	vmul.f32 v5, v3;
	v4 =	vadd.f32 v6, v4;
	_ =	sdelay $0x1  }
0x62: {  	s0 =	sshll.u32 s29, $0x9;
	v4 =	vadd.f32 v5, v4  }
0x63: {  	s2 =	sadd.s32 $0x10, s31;
	s31 =	sadd.s32 s8, s0  }
0x64: {  	s0 =	sadd.s32 s5, s31;
	[tilespmem:s2+$0x0] =	vst v4  }
0x65: {  	[hbm4b:s0+s3] =	stream.linear.scatter [tilespmem:s24], [sflag:$0x5], $0x800, $0x38;
	[tilespmem:$0x13080] =	vst v63  }
0x66: {  	_ =	swait.ge [sflag:s15], $0x800  }
0x67: {  	[sflag:s15] =	ssyncset.done $0x0  }
0x68: {  	[sflag:s15] =	ssyncadd.s32 $0xFFFFF800  }
0x69: {  	_ =	swait.ge [sflag:s25], $0x4000  }
0x6a: {  	[sflag:s25] =	ssyncset.done $0x0  }
0x6b: {  	[sflag:s25] =	ssyncadd.s32 $0xFFFFC000  }
0x6c: {  	p0 =	seq.s32 s29, $0x13;
	_ =	swait.ge [sflag:s26], $0x4000  }
0x6d: {  	s1 =	simm.s32 @!p0 $0x80;
	[sflag:s26] =	ssyncset.done $0x0  }
0x6e: {  	s2 =	simm.s32 @!p0 $0x2800;
	s0 =	sadd.s32 @!p0 $0x100, s30;
	[sflag:s26] =	ssyncadd.s32 $0xFFFFC000  }
0x6f: {  	[tilespmem:s2], [sflag:$0x1] =	stream.indirect.gather @!p0 [hbm4b:s4+s1], $0x80, s0, s1, $0xb8;
	[tilespmem:$0x13080] =	vst v63  }
0x70: {  	s0 =	sadd.s32 @!p0 $0x1500, s30;
	s2 =	simm.s32 @!p0 $0x6800  }
0x71: {  	[tilespmem:s2], [sflag:$0x2] =	stream.indirect.gather @!p0 [hbm4b:s4+s1], $0x80, s0, s1, $0xb8;
	[tilespmem:$0x13080] =	vst v63  }
0x72: {  	s2 =	simm.s32 $0x0  }
0x73: {  	v4 =	vld [tilespmem:s2+$0xE840]  }
0x74: {  	v5 =	vld [tilespmem:s2+$0xA800]  }
0x75: {  	v6 =	vld [tilespmem:s2+$0xA810]  }
0x76: {  	v7 =	vld [tilespmem:s2+$0xE850]  }
0x77: {  	v61 =	vld [tilespmem:s2+$0xA820]  }
0x78: {  	v62 =	vld [tilespmem:s2+$0xE860]  }
0x79: {  	v63 =	vld [tilespmem:s2+$0xE870];
	v4 =	vadd.f32 v4, v5  }
0x7a: {  	v5 =	vld [tilespmem:s2+$0xA830]  }
0x7b: {  	v6 =	vadd.f32 v7, v6;
	v4 =	vmax.f32 v4, $0.0e+00  }
0x7c: {  	v4 =	vmul.f32 v4, v0  }
0x7d: {  	v7 =	vadd.f32 v62, v61;
	v6 =	vmax.f32 v6, $0.0e+00  }
0x7e: {  	v6 =	vmul.f32 v6, v1;
	v4 =	vadd.f32 $0.0e+00, v4  }
0x7f: {  	v7 =	vmax.f32 v7, $0.0e+00;
	v5 =	vadd.f32 v63, v5  }
0x80: {  	v4 =	vadd.f32 v6, v4;
	v6 =	vmul.f32 v7, v2  }
0x81: {  	v5 =	vmax.f32 v5, $0.0e+00  }
0x82: {  	v5 =	vmul.f32 v5, v3;
	v4 =	vadd.f32 v6, v4;
	_ =	sdelay $0x1  }
0x83: {  	v4 =	vadd.f32 v5, v4  }
0x84: {  	s30 =	simm.s32 $0x12800  }
0x85: {  	s1 =	simm.s32 $0x80;
	[tilespmem:s30+$0x0] =	vst v4  }
0x86: {  	s0 =	simm.s32 $0x400;
	v4 =	vld [tilespmem:s1+$0xE840]  }
.LBB2_5:
0x87: {  	p0 =	sne.s32 s0, $0xFE00;
	v5 =	vld [tilespmem:s1+$0xA800]  }
0x88: {  	v6 =	vld [tilespmem:s1+$0xA810]  }
0x89: {  	v7 =	vld [tilespmem:s1+$0xE850]  }
0x8a: {  	v8 =	vld [tilespmem:s1+$0xA820]  }
0x8b: {  	v9 =	vld [tilespmem:s1+$0xE860]  }
0x8c: {  	v4 =	vadd.f32 v4, v5;
	v5 =	vld [tilespmem:s1+$0xA830]  }
0x8d: {  	v10 =	vld [tilespmem:s1+$0xE870]  }
0x8e: {  	v4 =	vmax.f32 v4, $0.0e+00;
	v6 =	vadd.f32 v7, v6  }
0x8f: {  	v4 =	vmul.f32 v4, v0  }
0x90: {  	v6 =	vmax.f32 v6, $0.0e+00;
	v7 =	vadd.f32 v9, v8  }
0x91: {  	v4 =	vadd.f32 $0.0e+00, v4;
	v6 =	vmul.f32 v6, v1  }
0x92: {  	v7 =	vmax.f32 v7, $0.0e+00;
	v5 =	vadd.f32 v10, v5  }
0x93: {  	v4 =	vadd.f32 v6, v4;
	v6 =	vmul.f32 v7, v2  }
0x94: {  	v5 =	vmax.f32 v5, $0.0e+00  }
0x95: {  	v4 =	vadd.f32 v6, v4;
	v5 =	vmul.f32 v5, v3  }
.Ltmp1:
0x96: {  	(pc) =	sbr.rel @p0 .LBB2_5-.Ltmp1, $4  }
0x97: {  	v4 =	vadd.f32 v5, v4  }
0x98: {  	s30 =	sadd.s32 $0x10, s30  }
0x99: {  	s1 =	sshra.s32 s0, $0x2;
	[tilespmem:s30+$0x0] =	vst v4  }
0x9a: {  	s0 =	sadd.s32 $0x200, s0;
	v4 =	vld [tilespmem:s1+$0xE840]  }
0x9b: {  	v5 =	vld [tilespmem:s1+$0xA800]  }
0x9c: {  	v6 =	vld [tilespmem:s1+$0xA810]  }
0x9d: {  	v7 =	vld [tilespmem:s1+$0xE850]  }
0x9e: {  	v8 =	vld [tilespmem:s1+$0xA820]  }
0x9f: {  	v9 =	vld [tilespmem:s1+$0xE860]  }
0xa0: {  	v10 =	vld [tilespmem:s1+$0xE870];
	v4 =	vadd.f32 v4, v5  }
0xa1: {  	v5 =	vld [tilespmem:s1+$0xA830]  }
0xa2: {  	v6 =	vadd.f32 v7, v6;
	v4 =	vmax.f32 v4, $0.0e+00  }
0xa3: {  	v4 =	vmul.f32 v4, v0  }
0xa4: {  	v62 =	vadd.f32 v9, v8;
	v6 =	vmax.f32 v6, $0.0e+00  }
0xa5: {  	v6 =	vmul.f32 v6, v1;
	v4 =	vadd.f32 $0.0e+00, v4  }
0xa6: {  	v7 =	vmax.f32 v62, $0.0e+00;
	v5 =	vadd.f32 v10, v5  }
0xa7: {  	v63 =	vmul.f32 v7, v2;
	v4 =	vadd.f32 v6, v4  }
0xa8: {  	v5 =	vmax.f32 v5, $0.0e+00  }
0xa9: {  	v5 =	vmul.f32 v5, v3;
	v4 =	vadd.f32 v63, v4;
	_ =	sdelay $0x1  }
0xaa: {  	s29 =	sadd.s32 $0x1, s29;
	v4 =	vadd.f32 v5, v4  }
0xab: {  	s0 =	sadd.s32 $0x10, s30;
	p0 =	sne.s32 s29, $0x14  }
.Ltmp2:
0xac: {  	s31 =	sadd.s32 s31, s9;
	[tilespmem:s0+$0x0] =	vst v4;
	(pc) =	sbr.rel @p0 .LBB2_2-.Ltmp2, $4  }
0xad: {  	[hbm4b:s31+s3] =	stream.linear.scatter [tilespmem:s24], [sflag:$0x5], $0x800, $0x38;
	[tilespmem:$0x13080] =	vst v63  }
0xae: {  	_ =	swait.ge [sflag:s15], $0x800  }
0xaf: {  	[sflag:s15] =	ssyncset.done $0x0  }
0xb0: {  	[sflag:s15] =	ssyncadd.s32 $0xFFFFF800  }
0xb1: {  	s29 =	simm.s32 $0x0  }
0xb2: {  	[tilespmem:s29], [sflag:$0x5] =	stream.linear.gather [hbm4b:s10+s29], $0x1400, $0x38;
	[tilespmem:$0x13080] =	vst v63  }
0xb3: {  	_ =	swait.ge [sflag:s15], $0x1400  }
0xb4: {  	[sflag:s15] =	ssyncset.done $0x0  }
0xb5: {  	[sflag:s15] =	ssyncadd.s32 $0xFFFFEC00  }
0xb6: {  	[tilespmem:s16], [sflag:$0x5] =	stream.linear.gather [hbm4b:s11+s29], $0x1400, $0x38;
	[tilespmem:$0x13080] =	vst v63  }
0xb7: {  	_ =	swait.ge [sflag:s15], $0x1400  }
0xb8: {  	[sflag:s15] =	ssyncset.done $0x0  }
0xb9: {  	[sflag:s15] =	ssyncadd.s32 $0xFFFFEC00  }
0xba: {  	[tilespmem:s18], [sflag:$0x1] =	stream.indirect.gather [hbm4b:s4+s17], $0x80, s29, s17, $0xb8;
	[tilespmem:$0x13080] =	vst v63  }
0xbb: {  	_ = 	snop  }
0xbc: {  	[tilespmem:s19], [sflag:$0x2] =	stream.indirect.gather [hbm4b:s4+s17], $0x80, s16, s17, $0xb8;
	[tilespmem:$0x13080] =	vst v63  }
.LBB2_8:
0xbd: {  	_ =	swait.ge [sflag:s20], $0x4000  }
0xbe: {  	[sflag:s20] =	ssyncset.done $0x0  }
0xbf: {  	[sflag:s20] =	ssyncadd.s32 $0xFFFFC000  }
0xc0: {  	_ =	swait.ge [sflag:s21], $0x4000  }
0xc1: {  	s30 =	sshll.u32 s29, $0x8;
	[sflag:s21] =	ssyncset.done $0x0  }
0xc2: {  	s0 =	sor.u32 $0x80, s30;
	[sflag:s21] =	ssyncadd.s32 $0xFFFFC000  }
0xc3: {  	[tilespmem:s22], [sflag:$0x3] =	stream.indirect.gather [hbm4b:s4+s17], $0x80, s0, s17, $0xb8;
	[tilespmem:$0x13080] =	vst v63  }
0xc4: {  	s2 =	simm.s32 $0x0;
	s1 =	sadd.s32 $0x1480, s30  }
0xc5: {  	[tilespmem:s23], [sflag:$0x4] =	stream.indirect.gather [hbm4b:s4+s17], $0x80, s1, s17, $0xb8;
	[tilespmem:$0x13080] =	vst v63  }
0xc6: {  	v4 =	vld [tilespmem:s2+$0x6840]  }
0xc7: {  	v5 =	vld [tilespmem:s2+$0x2800]  }
0xc8: {  	v6 =	vld [tilespmem:s2+$0x2810]  }
0xc9: {  	v7 =	vld [tilespmem:s2+$0x6850]  }
0xca: {  	v8 =	vld [tilespmem:s2+$0x2820]  }
0xcb: {  	v9 =	vld [tilespmem:s2+$0x6860]  }
0xcc: {  	v10 =	vld [tilespmem:s2+$0x6870];
	v4 =	vadd.f32 v4, v5  }
0xcd: {  	v5 =	vld [tilespmem:s2+$0x2830]  }
0xce: {  	v6 =	vadd.f32 v7, v6;
	v4 =	vmax.f32 v4, $0.0e+00  }
0xcf: {  	v4 =	vmul.f32 v4, v0  }
0xd0: {  	v7 =	vadd.f32 v9, v8;
	v6 =	vmax.f32 v6, $0.0e+00  }
0xd1: {  	v6 =	vmul.f32 v6, v1;
	v4 =	vadd.f32 $0.0e+00, v4  }
0xd2: {  	v7 =	vmax.f32 v7, $0.0e+00;
	v5 =	vadd.f32 v10, v5  }
0xd3: {  	v4 =	vadd.f32 v6, v4;
	v6 =	vmul.f32 v7, v2  }
0xd4: {  	v5 =	vmax.f32 v5, $0.0e+00  }
0xd5: {  	v5 =	vmul.f32 v5, v3;
	v4 =	vadd.f32 v6, v4;
	_ =	sdelay $0x1  }
0xd6: {  	v4 =	vadd.f32 v5, v4  }
0xd7: {  	s31 =	simm.s32 $0x12800  }
0xd8: {  	s1 =	simm.s32 $0x80;
	[tilespmem:s31+$0x0] =	vst v4  }
0xd9: {  	s0 =	simm.s32 $0x400;
	v4 =	vld [tilespmem:s1+$0x6840]  }
.LBB2_9:
0xda: {  	p0 =	sne.s32 s0, $0xFE00;
	v5 =	vld [tilespmem:s1+$0x2800]  }
0xdb: {  	v6 =	vld [tilespmem:s1+$0x2810]  }
0xdc: {  	v7 =	vld [tilespmem:s1+$0x6850]  }
0xdd: {  	v8 =	vld [tilespmem:s1+$0x2820]  }
0xde: {  	v9 =	vld [tilespmem:s1+$0x6860]  }
0xdf: {  	v4 =	vadd.f32 v4, v5;
	v5 =	vld [tilespmem:s1+$0x2830]  }
0xe0: {  	v10 =	vld [tilespmem:s1+$0x6870]  }
0xe1: {  	v4 =	vmax.f32 v4, $0.0e+00;
	v6 =	vadd.f32 v7, v6  }
0xe2: {  	v4 =	vmul.f32 v4, v0  }
0xe3: {  	v6 =	vmax.f32 v6, $0.0e+00;
	v7 =	vadd.f32 v9, v8  }
0xe4: {  	v4 =	vadd.f32 $0.0e+00, v4;
	v6 =	vmul.f32 v6, v1  }
0xe5: {  	v7 =	vmax.f32 v7, $0.0e+00;
	v5 =	vadd.f32 v10, v5  }
0xe6: {  	v4 =	vadd.f32 v6, v4;
	v6 =	vmul.f32 v7, v2  }
0xe7: {  	v5 =	vmax.f32 v5, $0.0e+00  }
0xe8: {  	v4 =	vadd.f32 v6, v4;
	v5 =	vmul.f32 v5, v3  }
.Ltmp3:
0xe9: {  	(pc) =	sbr.rel @p0 .LBB2_9-.Ltmp3, $4  }
0xea: {  	v4 =	vadd.f32 v5, v4  }
0xeb: {  	s31 =	sadd.s32 $0x10, s31  }
0xec: {  	s1 =	sshra.s32 s0, $0x2;
	[tilespmem:s31+$0x0] =	vst v4  }
0xed: {  	s0 =	sadd.s32 $0x200, s0;
	v4 =	vld [tilespmem:s1+$0x6840]  }
0xee: {  	v5 =	vld [tilespmem:s1+$0x2800]  }
0xef: {  	v6 =	vld [tilespmem:s1+$0x2810]  }
0xf0: {  	v7 =	vld [tilespmem:s1+$0x6850]  }
0xf1: {  	v8 =	vld [tilespmem:s1+$0x2820]  }
0xf2: {  	v9 =	vld [tilespmem:s1+$0x6860]  }
0xf3: {  	v10 =	vld [tilespmem:s1+$0x6870];
	v4 =	vadd.f32 v4, v5  }
0xf4: {  	v5 =	vld [tilespmem:s1+$0x2830]  }
0xf5: {  	v6 =	vadd.f32 v7, v6;
	v4 =	vmax.f32 v4, $0.0e+00  }
0xf6: {  	v4 =	vmul.f32 v4, v0  }
0xf7: {  	v7 =	vadd.f32 v9, v8;
	v6 =	vmax.f32 v6, $0.0e+00  }
0xf8: {  	v6 =	vmul.f32 v6, v1;
	v4 =	vadd.f32 $0.0e+00, v4  }
0xf9: {  	v7 =	vmax.f32 v7, $0.0e+00;
	v5 =	vadd.f32 v10, v5  }
0xfa: {  	v4 =	vadd.f32 v6, v4;
	v6 =	vmul.f32 v7, v2  }
0xfb: {  	v5 =	vmax.f32 v5, $0.0e+00  }
0xfc: {  	v5 =	vmul.f32 v5, v3;
	v4 =	vadd.f32 v6, v4;
	_ =	sdelay $0x1  }
0xfd: {  	s0 =	sshll.u32 s29, $0x9;
	v4 =	vadd.f32 v5, v4  }
0xfe: {  	s2 =	sadd.s32 $0x10, s31;
	s31 =	sadd.s32 s12, s0  }
0xff: {  	s0 =	sadd.s32 s5, s31;
	[tilespmem:s2+$0x0] =	vst v4  }
0x100: {  	[hbm4b:s0+s3] =	stream.linear.scatter [tilespmem:s24], [sflag:$0x5], $0x800, $0x38;
	[tilespmem:$0x13080] =	vst v63  }
0x101: {  	_ =	swait.ge [sflag:s15], $0x800  }
0x102: {  	[sflag:s15] =	ssyncset.done $0x0  }
0x103: {  	[sflag:s15] =	ssyncadd.s32 $0xFFFFF800  }
0x104: {  	_ =	swait.ge [sflag:s25], $0x4000  }
0x105: {  	[sflag:s25] =	ssyncset.done $0x0  }
0x106: {  	[sflag:s25] =	ssyncadd.s32 $0xFFFFC000  }
0x107: {  	p0 =	seq.s32 s29, $0x13;
	_ =	swait.ge [sflag:s26], $0x4000  }
0x108: {  	s1 =	simm.s32 @!p0 $0x80;
	[sflag:s26] =	ssyncset.done $0x0  }
0x109: {  	s2 =	simm.s32 @!p0 $0x2800;
	s0 =	sadd.s32 @!p0 $0x100, s30;
	[sflag:s26] =	ssyncadd.s32 $0xFFFFC000  }
0x10a: {  	[tilespmem:s2], [sflag:$0x1] =	stream.indirect.gather @!p0 [hbm4b:s4+s1], $0x80, s0, s1, $0xb8;
	[tilespmem:$0x13080] =	vst v63  }
0x10b: {  	s0 =	sadd.s32 @!p0 $0x1500, s30;
	s2 =	simm.s32 @!p0 $0x6800  }
0x10c: {  	[tilespmem:s2], [sflag:$0x2] =	stream.indirect.gather @!p0 [hbm4b:s4+s1], $0x80, s0, s1, $0xb8;
	[tilespmem:$0x13080] =	vst v63  }
0x10d: {  	s2 =	simm.s32 $0x0  }
0x10e: {  	v4 =	vld [tilespmem:s2+$0xE840]  }
0x10f: {  	v5 =	vld [tilespmem:s2+$0xA800]  }
0x110: {  	v6 =	vld [tilespmem:s2+$0xA810]  }
0x111: {  	v7 =	vld [tilespmem:s2+$0xE850]  }
0x112: {  	v61 =	vld [tilespmem:s2+$0xA820]  }
0x113: {  	v62 =	vld [tilespmem:s2+$0xE860]  }
0x114: {  	v63 =	vld [tilespmem:s2+$0xE870];
	v4 =	vadd.f32 v4, v5  }
0x115: {  	v5 =	vld [tilespmem:s2+$0xA830]  }
0x116: {  	v6 =	vadd.f32 v7, v6;
	v4 =	vmax.f32 v4, $0.0e+00  }
0x117: {  	v4 =	vmul.f32 v4, v0  }
0x118: {  	v7 =	vadd.f32 v62, v61;
	v6 =	vmax.f32 v6, $0.0e+00  }
0x119: {  	v6 =	vmul.f32 v6, v1;
	v4 =	vadd.f32 $0.0e+00, v4  }
0x11a: {  	v7 =	vmax.f32 v7, $0.0e+00;
	v5 =	vadd.f32 v63, v5  }
0x11b: {  	v4 =	vadd.f32 v6, v4;
	v6 =	vmul.f32 v7, v2  }
0x11c: {  	v5 =	vmax.f32 v5, $0.0e+00  }
0x11d: {  	v5 =	vmul.f32 v5, v3;
	v4 =	vadd.f32 v6, v4;
	_ =	sdelay $0x1  }
0x11e: {  	v4 =	vadd.f32 v5, v4  }
0x11f: {  	s30 =	simm.s32 $0x12800  }
0x120: {  	s1 =	simm.s32 $0x80;
	[tilespmem:s30+$0x0] =	vst v4  }
0x121: {  	s0 =	simm.s32 $0x400;
	v4 =	vld [tilespmem:s1+$0xE840]  }
.LBB2_11:
0x122: {  	p0 =	sne.s32 s0, $0xFE00;
	v5 =	vld [tilespmem:s1+$0xA800]  }
0x123: {  	v6 =	vld [tilespmem:s1+$0xA810]  }
0x124: {  	v7 =	vld [tilespmem:s1+$0xE850]  }
0x125: {  	v8 =	vld [tilespmem:s1+$0xA820]  }
0x126: {  	v9 =	vld [tilespmem:s1+$0xE860]  }
0x127: {  	v4 =	vadd.f32 v4, v5;
	v5 =	vld [tilespmem:s1+$0xA830]  }
0x128: {  	v10 =	vld [tilespmem:s1+$0xE870]  }
0x129: {  	v4 =	vmax.f32 v4, $0.0e+00;
	v6 =	vadd.f32 v7, v6  }
0x12a: {  	v4 =	vmul.f32 v4, v0  }
0x12b: {  	v6 =	vmax.f32 v6, $0.0e+00;
	v7 =	vadd.f32 v9, v8  }
0x12c: {  	v4 =	vadd.f32 $0.0e+00, v4;
	v6 =	vmul.f32 v6, v1  }
0x12d: {  	v7 =	vmax.f32 v7, $0.0e+00;
	v5 =	vadd.f32 v10, v5  }
0x12e: {  	v4 =	vadd.f32 v6, v4;
	v6 =	vmul.f32 v7, v2  }
0x12f: {  	v5 =	vmax.f32 v5, $0.0e+00  }
0x130: {  	v4 =	vadd.f32 v6, v4;
	v5 =	vmul.f32 v5, v3  }
.Ltmp4:
0x131: {  	(pc) =	sbr.rel @p0 .LBB2_11-.Ltmp4, $4  }
0x132: {  	v4 =	vadd.f32 v5, v4  }
0x133: {  	s30 =	sadd.s32 $0x10, s30  }
0x134: {  	s1 =	sshra.s32 s0, $0x2;
	[tilespmem:s30+$0x0] =	vst v4  }
0x135: {  	s0 =	sadd.s32 $0x200, s0;
	v4 =	vld [tilespmem:s1+$0xE840]  }
0x136: {  	v5 =	vld [tilespmem:s1+$0xA800]  }
0x137: {  	v6 =	vld [tilespmem:s1+$0xA810]  }
0x138: {  	v7 =	vld [tilespmem:s1+$0xE850]  }
0x139: {  	v8 =	vld [tilespmem:s1+$0xA820]  }
0x13a: {  	v9 =	vld [tilespmem:s1+$0xE860]  }
0x13b: {  	v10 =	vld [tilespmem:s1+$0xE870];
	v4 =	vadd.f32 v4, v5  }
0x13c: {  	v5 =	vld [tilespmem:s1+$0xA830]  }
0x13d: {  	v6 =	vadd.f32 v7, v6;
	v4 =	vmax.f32 v4, $0.0e+00  }
0x13e: {  	v4 =	vmul.f32 v4, v0  }
0x13f: {  	v62 =	vadd.f32 v9, v8;
	v6 =	vmax.f32 v6, $0.0e+00  }
0x140: {  	v6 =	vmul.f32 v6, v1;
	v4 =	vadd.f32 $0.0e+00, v4  }
0x141: {  	v7 =	vmax.f32 v62, $0.0e+00;
	v5 =	vadd.f32 v10, v5  }
0x142: {  	v63 =	vmul.f32 v7, v2;
	v4 =	vadd.f32 v6, v4  }
0x143: {  	v5 =	vmax.f32 v5, $0.0e+00  }
0x144: {  	v5 =	vmul.f32 v5, v3;
	v4 =	vadd.f32 v63, v4;
	_ =	sdelay $0x1  }
0x145: {  	s29 =	sadd.s32 $0x1, s29;
	v4 =	vadd.f32 v5, v4  }
0x146: {  	s0 =	sadd.s32 $0x10, s30;
	p0 =	sne.s32 s29, $0x14  }
.Ltmp5:
0x147: {  	s31 =	sadd.s32 s31, s9;
	[tilespmem:s0+$0x0] =	vst v4;
	(pc) =	sbr.rel @p0 .LBB2_8-.Ltmp5, $4  }
0x148: {  	[hbm4b:s31+s3] =	stream.linear.scatter [tilespmem:s24], [sflag:$0x5], $0x800, $0x38;
	[tilespmem:$0x13080] =	vst v63  }
0x149: {  	_ =	swait.ge [sflag:s15], $0x800  }
0x14a: {  	[sflag:s15] =	ssyncset.done $0x0  }
0x14b: {  	[sflag:s15] =	ssyncadd.s32 $0xFFFFF800  }
0x14c: {  	s28 =	sadd.s32 $0x1, s28  }
0x14d: {  	p0 =	sne.s32 s28, s13  }
.Ltmp6:
0x14e: {  	_ = 	snop;
	(pc) =	sbr.rel @p0 .LBB2_1-.Ltmp6, $1  }
0x14f: {  	_ =	sdelay $0x3  }
0x150: {  	_ =	sfence.sel $0x180000  }
0x151: {  	[bflag:$0x0] =	sbarrier.arrive $0xFFFF  }
0x152: {  	_ =	strace $0x90000050  }
0x153: {  	s0 =	stileid.u32;
	[bflag:$0x2] =	sbarrier.arrive $0xFFFF  }
0x154: {  	p0 =	sne.s32 s0, $0x0;
	s0 =	rddreg [dreg:$0x2]  }
0x155: {  	s0 =	sadd.s32 @!p0 $0x100000, s0  }
0x156: {  	[sflag:s0] =	ssyncadd.tile.s32 @!p0 $0x1;
	_ =	shalt  }
.Lfunc_end2:
_tile_overlayer_lowered:
.L_overlay_start_2:
0x157: {  	(tag) =	ssettag $0x2  }
0x158: {  	s0 =	rddreg [dreg:$0x0];
	s2 =	stileid.u32  }
0x159: {  	s1 =	rddreg [dreg:$0x1];
	p0 =	sne.s32 s2, $0x0  }
0x15a: {  	s3 =	rddreg [dreg:$0x2];
	[bflag:$0x3] =	sbarrier.arrive $0xFFFF;
	s2 =	simm.s32 @!p0 $0x1C05  }
0x15b: {  	[timem:s3], [sflag:s2] =	dma.local @!p0 [hbm:s0], s1  }
0x15c: {  	s0 =	simm.s32 @!p0 $0x5  }
0x15d: {  	_ =	swait.ge @!p0 [sflag:s0], s1  }
0x15e: {  	s1 =	ssub.s32 @!p0 $0x0, s1;
	[sflag:s0] =	ssyncset.done @!p0 $0x0  }
0x15f: {  	[sflag:s0] =	ssyncadd.s32 @!p0 s1  }
0x160: {  	[bflag:$0x3] =	sbarrier.arrive $0xFFFF  }
0x161: {  	_ =	shalt  }

</sc_bundles>
